<compile_context>
chip_gen: v7x
topology: tpu7x:2x2x1
jax: 0.10.2.dev20260603
libtpu: 0.0.44.dev20260713+nightly
codegen_flags: <defaults>
</compile_context>

<pallas_src>
import functools

import jax
import jax.numpy as jnp
from jax import lax
from jax.experimental import pallas as pl
from jax.experimental.pallas import tpu as pltpu
from jax.experimental.pallas import tpu_sc as plsc

N_SEG, D = 50000, 512
B, L = 16, 2048
ROWS = B * L
NW = 32
C = 64
PCH = L // C
NCHUNK = B
VPR = D // 16


def _body(table_hbm, ids_hbm, len_hbm, out_hbm,
          idx_v, rows0, rows1, rows2, zbuf, len_v,
          gsem0, gsem1, gsem2, isem, wsem0, wsem1, wsem2):
    nc = 2
    wid = lax.axis_index("s") * nc + lax.axis_index("c")

    pltpu.sync_copy(len_hbm, len_v.at[pl.ds(0, 16)])

    starts = []
    for j in range(NCHUNK):
        p = jnp.bitwise_and(wid + 2 * j, PCH - 1)
        starts.append(j * L + p * C)

    for j in range(NCHUNK):
        p = jnp.bitwise_and(wid + 2 * j, PCH - 1)
        pltpu.async_copy(
            ids_hbm.at[j, pl.ds(p * C, C)], idx_v.at[pl.ds(j * C, C)], isem)
    pltpu.make_async_copy(
        ids_hbm.at[0, pl.ds(0, NCHUNK * C)], idx_v, isem).wait()

    lv = len_v[pl.ds(0, 16)]
    nvs = []
    for j in range(NCHUNK):
        nvs.append(jnp.clip(lv[j] - (starts[j] - j * L), 0, C))

    rows = (rows0, rows1, rows2)
    gsems = (gsem0, gsem1, gsem2)
    wsems = (wsem0, wsem1, wsem2)

    def issue_gather(i):
        @pl.when(nvs[i] > 0)
        def _():
            pltpu.async_copy(
                table_hbm.at[idx_v.at[pl.ds(i * C, C)]], rows[i % 3],
                gsems[i % 3])

    issue_gather(0)

    def _zrow(r, _):
        def _zcol(jj, _):
            zbuf[r, pl.ds(jj * 16, 16)] = jnp.zeros((16,), jnp.float32)
            return 0
        return lax.fori_loop(0, VPR, _zcol, 0)
    lax.fori_loop(0, C // 2, _zrow, 0)

    for i in range(1, NCHUNK + 1):
        if i < NCHUNK:
            if i >= 3:
                pltpu.make_async_copy(
                    rows[i % 3], out_hbm.at[pl.ds(0, C)], wsems[i % 3]).wait()
            issue_gather(i)

        j = i - 1
        buf = rows[j % 3]
        nv = nvs[j]

        @pl.when(nv > 0)
        def _gathered():
            pltpu.make_async_copy(
                table_hbm.at[idx_v.at[pl.ds(j * C, C)]], buf,
                gsems[j % 3]).wait()

            @pl.when(nv < C)
            def _tail():
                def _ztail(k, _):
                    r = lax.shift_right_logical(k, 5)
                    col = jnp.bitwise_and(k, VPR - 1) * 16
                    buf[r, pl.ds(col, 16)] = jnp.zeros((16,), jnp.float32)
                    return 0
                lax.fori_loop(nv * VPR, C * VPR, _ztail, 0)

            pltpu.async_copy(buf, out_hbm.at[pl.ds(starts[j], C)], wsems[j % 3])

        @pl.when(nv <= 0)
        def _empty():
            pltpu.async_copy(
                zbuf, out_hbm.at[pl.ds(starts[j], C // 2)], wsems[j % 3])
            pltpu.async_copy(
                zbuf, out_hbm.at[pl.ds(starts[j] + C // 2, C // 2)],
                wsems[j % 3])

    pltpu.make_async_copy(rows0, out_hbm.at[pl.ds(0, C)], wsem0).wait()
    pltpu.make_async_copy(rows1, out_hbm.at[pl.ds(0, C)], wsem1).wait()
    pltpu.make_async_copy(rows2, out_hbm.at[pl.ds(0, C)], wsem2).wait()


@jax.jit
def _sembed(table, ids, lengths):
    mesh = plsc.VectorSubcoreMesh(core_axis_name="c", subcore_axis_name="s")
    f = functools.partial(
        pl.kernel,
        out_type=jax.ShapeDtypeStruct((ROWS, D), jnp.float32),
        mesh=mesh,
        scratch_types=[
            pltpu.VMEM((NCHUNK * C,), jnp.int32),
            pltpu.VMEM((C, D), jnp.float32),
            pltpu.VMEM((C, D), jnp.float32),
            pltpu.VMEM((C, D), jnp.float32),
            pltpu.VMEM((C // 2, D), jnp.float32),
            pltpu.VMEM((32,), jnp.int32),
            pltpu.SemaphoreType.DMA,
            pltpu.SemaphoreType.DMA,
            pltpu.SemaphoreType.DMA,
            pltpu.SemaphoreType.DMA,
            pltpu.SemaphoreType.DMA,
            pltpu.SemaphoreType.DMA,
            pltpu.SemaphoreType.DMA,
        ],
    )(_body)
    return f(table, ids, lengths)


def kernel(seg_embeddings, edge_index, edge_weights, traj_ids, traj_lengths):
    del edge_index, edge_weights
    out = _sembed(seg_embeddings, traj_ids, traj_lengths)
    return out.reshape(B, L, D)

# --- scband reference (transcript-rebuilt; emitter-appended) ---
"""Pipeline reference for scband-sembedding-27144193311439 (READ-ONLY COPY).

The authoritative reference and input builder live on the scoring server;
editing this copy changes nothing except your own understanding.
"""

import jax, jax.numpy as jnp
import numpy as np

N_SEG, D = 50000, 512
B, L = 16, 2048
E = 800000

def setup_inputs(seed: int = 0) -> dict:
    key = jax.random.key(seed)
    k1, k2, k3, k4, k5 = jax.random.split(key, 5)
    seg_embeddings = jax.random.normal(k1, (N_SEG, D), dtype=jnp.float32)
    edge_index = jax.random.randint(k2, (2, E), 0, N_SEG, dtype=jnp.int32)
    edge_weights = jax.random.uniform(k3, (E,), dtype=jnp.float32)
    traj_ids = jax.random.randint(k4, (B, L), 0, N_SEG, dtype=jnp.int32)
    traj_lengths = jax.random.randint(k5, (B,), 1, L + 1, dtype=jnp.int32)
    return {"seg_embeddings": seg_embeddings, "edge_index": edge_index,
            "edge_weights": edge_weights, "traj_ids": traj_ids,
            "traj_lengths": traj_lengths}

def reference(seg_embeddings, edge_index, edge_weights, traj_ids, traj_lengths):
    # Case 3: load_segment_embedding=True, segment_finetune=False -> seg_embeddings used directly.
    # rs = [seg_embeddings, edge_index, edge_weights]; edge tensors are unused in this case.
    # The torch loop: for each trajectory, copy seg_embeddings.index_select(0, seq[:seqlen])
    # into a zero-initialized [B, max_len, embed_size] tensor. Padded positions stay zero.
    gathered = jnp.take(seg_embeddings, traj_ids, axis=0)  # [B, L, D]
    pos = jnp.arange(traj_ids.shape[1])
    mask = (pos[None, :] < traj_lengths[:, None]).astype(seg_embeddings.dtype)  # [B, L]
    embedded_seq_tensor = gathered * mask[:, :, None]
    return embedded_seq_tensor

if __name__ == "__main__":
    import jax
    _d = setup_inputs()
    print(jax.jit(kernel)(*tuple(_d.values())))

</pallas_src>

<mosaic_0001>
#map = affine_map<(d0, d1) -> (0, 0)>
#map1 = affine_map<(d0, d1) -> (0)>
module attributes {stable_mosaic.version = 14 : i64} {
  func.func @_body(%arg0: i32, %arg1: i32, %arg2: memref<50000x512xf32, #tpu.memory_space<hbm>>, %arg3: memref<16x2048xi32, #tpu.memory_space<hbm>>, %arg4: memref<16xi32, #tpu.memory_space<hbm>>, %arg5: memref<32768x512xf32, #tpu.memory_space<hbm>>, %arg6: memref<1024xi32, #tpu.memory_space<vmem>>, %arg7: memref<64x512xf32, #tpu.memory_space<vmem>>, %arg8: memref<64x512xf32, #tpu.memory_space<vmem>>, %arg9: memref<64x512xf32, #tpu.memory_space<vmem>>, %arg10: memref<32x512xf32, #tpu.memory_space<vmem>>, %arg11: memref<32xi32, #tpu.memory_space<vmem>>, %arg12: memref<!tpu.dma_semaphore, #tpu.memory_space<semaphore_mem>>, %arg13: memref<!tpu.dma_semaphore, #tpu.memory_space<semaphore_mem>>, %arg14: memref<!tpu.dma_semaphore, #tpu.memory_space<semaphore_mem>>, %arg15: memref<!tpu.dma_semaphore, #tpu.memory_space<semaphore_mem>>, %arg16: memref<!tpu.dma_semaphore, #tpu.memory_space<semaphore_mem>>, %arg17: memref<!tpu.dma_semaphore, #tpu.memory_space<semaphore_mem>>, %arg18: memref<!tpu.dma_semaphore, #tpu.memory_space<semaphore_mem>>) attributes {dimension_semantics = [#tpu.dimension_semantics<core_parallel>, #tpu.dimension_semantics<subcore_parallel>], iteration_bounds = array<i64: 2, 16>, scalar_prefetch = 0 : i64, scratch_operands = 13 : i64, tpu.core_type = #tpu.core_type<sc_vector_subcore>, window_params = [{transform_indices = #map}, {transform_indices = #map}, {transform_indices = #map1}, {transform_indices = #map}]} {
    %mul3A = arith.constant 2 : i32
    %mul3A_0 = arith.muli %arg1, %mul3A : i32
    %add3A = arith.addi %mul3A_0, %arg0 : i32
    "tpu.region"() ({
      %run_scoped3A = tpu.sem_alloc : memref<!tpu.dma_semaphore, #tpu.memory_space<semaphore_mem>>
      %dma_start3A_851 = arith.constant 0 : i32
      %dma_start3A_852 = tpu.memref_slice %arg11[%dma_start3A_851] : memref<32xi32, #tpu.memory_space<vmem>> -> memref<16xi32, #tpu.memory_space<vmem>>
      %dma_start3A_853 = arith.constant 0 : i32
      %dma_start3A_854 = tpu.memref_slice %arg11[%dma_start3A_853] : memref<32xi32, #tpu.memory_space<vmem>> -> memref<16xi32, #tpu.memory_space<vmem>>
      tpu.enqueue_dma source(%arg4 : memref<16xi32, #tpu.memory_space<hbm>>) target(%dma_start3A_854 : memref<16xi32, #tpu.memory_space<vmem>>) target_semaphore(%run_scoped3A : memref<!tpu.dma_semaphore, #tpu.memory_space<semaphore_mem>>)
      %dma_wait3A_855 = arith.constant 0 : i32
      %dma_wait3A_856 = tpu.memref_slice %arg11[%dma_wait3A_855] : memref<32xi32, #tpu.memory_space<vmem>> -> memref<16xi32, #tpu.memory_space<vmem>>
      %dma_wait3A_857 = arith.constant 0 : i32
      %dma_wait3A_858 = tpu.memref_slice %arg11[%dma_wait3A_857] : memref<32xi32, #tpu.memory_space<vmem>> -> memref<16xi32, #tpu.memory_space<vmem>>
      tpu.wait_dma2 semaphore(%run_scoped3A : memref<!tpu.dma_semaphore, #tpu.memory_space<semaphore_mem>>) src(%arg4 : memref<16xi32, #tpu.memory_space<hbm>>) dst(%dma_wait3A_858 : memref<16xi32, #tpu.memory_space<vmem>>)
      tpu.yield
    }) : () -> ()
    %add3A_1 = arith.constant 0 : i32
    %add3A_2 = arith.addi %add3A, %add3A_1 : i32
    %and3A = arith.constant 31 : i32
    %and3A_3 = arith.andi %add3A_2, %and3A : i32
    %mul3A_4 = arith.constant 64 : i32
    %mul3A_5 = arith.muli %and3A_3, %mul3A_4 : i32
    %add3A_6 = arith.constant 0 : i32
    %add3A_7 = arith.addi %add3A_6, %mul3A_5 : i32
    %add3A_8 = arith.constant 2 : i32
    %add3A_9 = arith.addi %add3A, %add3A_8 : i32
    %and3A_10 = arith.constant 31 : i32
    %and3A_11 = arith.andi %add3A_9, %and3A_10 : i32
    %mul3A_12 = arith.constant 64 : i32
    %mul3A_13 = arith.muli %and3A_11, %mul3A_12 : i32
    %add3A_14 = arith.constant 2048 : i32
    %add3A_15 = arith.addi %add3A_14, %mul3A_13 : i32
    %add3A_16 = arith.constant 4 : i32
    %add3A_17 = arith.addi %add3A, %add3A_16 : i32
    %and3A_18 = arith.constant 31 : i32
    %and3A_19 = arith.andi %add3A_17, %and3A_18 : i32
    %mul3A_20 = arith.constant 64 : i32
    %mul3A_21 = arith.muli %and3A_19, %mul3A_20 : i32
    %add3A_22 = arith.constant 4096 : i32
    %add3A_23 = arith.addi %add3A_22, %mul3A_21 : i32
    %add3A_24 = arith.constant 6 : i32
    %add3A_25 = arith.addi %add3A, %add3A_24 : i32
    %and3A_26 = arith.constant 31 : i32
    %and3A_27 = arith.andi %add3A_25, %and3A_26 : i32
    %mul3A_28 = arith.constant 64 : i32
    %mul3A_29 = arith.muli %and3A_27, %mul3A_28 : i32
    %add3A_30 = arith.constant 6144 : i32
    %add3A_31 = arith.addi %add3A_30, %mul3A_29 : i32
    %add3A_32 = arith.constant 8 : i32
    %add3A_33 = arith.addi %add3A, %add3A_32 : i32
    %and3A_34 = arith.constant 31 : i32
    %and3A_35 = arith.andi %add3A_33, %and3A_34 : i32
    %mul3A_36 = arith.constant 64 : i32
    %mul3A_37 = arith.muli %and3A_35, %mul3A_36 : i32
    %add3A_38 = arith.constant 8192 : i32
    %add3A_39 = arith.addi %add3A_38, %mul3A_37 : i32
    %add3A_40 = arith.constant 10 : i32
    %add3A_41 = arith.addi %add3A, %add3A_40 : i32
    %and3A_42 = arith.constant 31 : i32
    %and3A_43 = arith.andi %add3A_41, %and3A_42 : i32
    %mul3A_44 = arith.constant 64 : i32
    %mul3A_45 = arith.muli %and3A_43, %mul3A_44 : i32
    %add3A_46 = arith.constant 10240 : i32
    %add3A_47 = arith.addi %add3A_46, %mul3A_45 : i32
    %add3A_48 = arith.constant 12 : i32
    %add3A_49 = arith.addi %add3A, %add3A_48 : i32
    %and3A_50 = arith.constant 31 : i32
    %and3A_51 = arith.andi %add3A_49, %and3A_50 : i32
    %mul3A_52 = arith.constant 64 : i32
    %mul3A_53 = arith.muli %and3A_51, %mul3A_52 : i32
    %add3A_54 = arith.constant 12288 : i32
    %add3A_55 = arith.addi %add3A_54, %mul3A_53 : i32
    %add3A_56 = arith.constant 14 : i32
    %add3A_57 = arith.addi %add3A, %add3A_56 : i32
    %and3A_58 = arith.constant 31 : i32
    %and3A_59 = arith.andi %add3A_57, %and3A_58 : i32
    %mul3A_60 = arith.constant 64 : i32
    %mul3A_61 = arith.muli %and3A_59, %mul3A_60 : i32
    %add3A_62 = arith.constant 14336 : i32
    %add3A_63 = arith.addi %add3A_62, %mul3A_61 : i32
    %add3A_64 = arith.constant 16 : i32
    %add3A_65 = arith.addi %add3A, %add3A_64 : i32
    %and3A_66 = arith.constant 31 : i32
    %and3A_67 = arith.andi %add3A_65, %and3A_66 : i32
    %mul3A_68 = arith.constant 64 : i32
    %mul3A_69 = arith.muli %and3A_67, %mul3A_68 : i32
    %add3A_70 = arith.constant 16384 : i32
    %add3A_71 = arith.addi %add3A_70, %mul3A_69 : i32
    %add3A_72 = arith.constant 18 : i32
    %add3A_73 = arith.addi %add3A, %add3A_72 : i32
    %and3A_74 = arith.constant 31 : i32
    %and3A_75 = arith.andi %add3A_73, %and3A_74 : i32
    %mul3A_76 = arith.constant 64 : i32
    %mul3A_77 = arith.muli %and3A_75, %mul3A_76 : i32
    %add3A_78 = arith.constant 18432 : i32
    %add3A_79 = arith.addi %add3A_78, %mul3A_77 : i32
    %add3A_80 = arith.constant 20 : i32
    %add3A_81 = arith.addi %add3A, %add3A_80 : i32
    %and3A_82 = arith.constant 31 : i32
    %and3A_83 = arith.andi %add3A_81, %and3A_82 : i32
    %mul3A_84 = arith.constant 64 : i32
    %mul3A_85 = arith.muli %and3A_83, %mul3A_84 : i32
    %add3A_86 = arith.constant 20480 : i32
    %add3A_87 = arith.addi %add3A_86, %mul3A_85 : i32
    %add3A_88 = arith.constant 22 : i32
    %add3A_89 = arith.addi %add3A, %add3A_88 : i32
    %and3A_90 = arith.constant 31 : i32
    %and3A_91 = arith.andi %add3A_89, %and3A_90 : i32
    %mul3A_92 = arith.constant 64 : i32
    %mul3A_93 = arith.muli %and3A_91, %mul3A_92 : i32
    %add3A_94 = arith.constant 22528 : i32
    %add3A_95 = arith.addi %add3A_94, %mul3A_93 : i32
    %add3A_96 = arith.constant 24 : i32
    %add3A_97 = arith.addi %add3A, %add3A_96 : i32
    %and3A_98 = arith.constant 31 : i32
    %and3A_99 = arith.andi %add3A_97, %and3A_98 : i32
    %mul3A_100 = arith.constant 64 : i32
    %mul3A_101 = arith.muli %and3A_99, %mul3A_100 : i32
    %add3A_102 = arith.constant 24576 : i32
    %add3A_103 = arith.addi %add3A_102, %mul3A_101 : i32
    %add3A_104 = arith.constant 26 : i32
    %add3A_105 = arith.addi %add3A, %add3A_104 : i32
    %and3A_106 = arith.constant 31 : i32
    %and3A_107 = arith.andi %add3A_105, %and3A_106 : i32
    %mul3A_108 = arith.constant 64 : i32
    %mul3A_109 = arith.muli %and3A_107, %mul3A_108 : i32
    %add3A_110 = arith.constant 26624 : i32
    %add3A_111 = arith.addi %add3A_110, %mul3A_109 : i32
    %add3A_112 = arith.constant 28 : i32
    %add3A_113 = arith.addi %add3A, %add3A_112 : i32
    %and3A_114 = arith.constant 31 : i32
    %and3A_115 = arith.andi %add3A_113, %and3A_114 : i32
    %mul3A_116 = arith.constant 64 : i32
    %mul3A_117 = arith.muli %and3A_115, %mul3A_116 : i32
    %add3A_118 = arith.constant 28672 : i32
    %add3A_119 = arith.addi %add3A_118, %mul3A_117 : i32
    %add3A_120 = arith.constant 30 : i32
    %add3A_121 = arith.addi %add3A, %add3A_120 : i32
    %and3A_122 = arith.constant 31 : i32
    %and3A_123 = arith.andi %add3A_121, %and3A_122 : i32
    %mul3A_124 = arith.constant 64 : i32
    %mul3A_125 = arith.muli %and3A_123, %mul3A_124 : i32
    %add3A_126 = arith.constant 30720 : i32
    %add3A_127 = arith.addi %add3A_126, %mul3A_125 : i32
    %add3A_128 = arith.constant 0 : i32
    %add3A_129 = arith.addi %add3A, %add3A_128 : i32
    %and3A_130 = arith.constant 31 : i32
    %and3A_131 = arith.andi %add3A_129, %and3A_130 : i32
    %mul3A_132 = arith.constant 64 : i32
    %mul3A_133 = arith.muli %and3A_131, %mul3A_132 : i32
    %dma_start3A = arith.constant 0 : i32
    %dma_start3A_134 = arith.constant 0 : i32
    %dma_start3A_135 = tpu.memref_slice %arg6[%dma_start3A_134] : memref<1024xi32, #tpu.memory_space<vmem>> -> memref<64xi32, #tpu.memory_space<vmem>>
    %dma_start3A_136 = tpu.memref_slice %arg3[%dma_start3A, %mul3A_133] : memref<16x2048xi32, #tpu.memory_space<hbm>> -> memref<1x64xi32, #tpu.memory_space<hbm>>
    %dma_start3A_137 = tpu.memref_squeeze %dma_start3A_136 : memref<1x64xi32, #tpu.memory_space<hbm>> -> memref<64xi32, #tpu.memory_space<hbm>>
    %dma_start3A_138 = arith.constant 0 : i32
    %dma_start3A_139 = tpu.memref_slice %arg6[%dma_start3A_138] : memref<1024xi32, #tpu.memory_space<vmem>> -> memref<64xi32, #tpu.memory_space<vmem>>
    %dma_start3A_140 = tpu.memref_slice %arg3[%dma_start3A, %mul3A_133] : memref<16x2048xi32, #tpu.memory_space<hbm>> -> memref<1x64xi32, #tpu.memory_space<hbm>>
    %dma_start3A_141 = tpu.memref_squeeze %dma_start3A_140 : memref<1x64xi32, #tpu.memory_space<hbm>> -> memref<64xi32, #tpu.memory_space<hbm>>
    tpu.enqueue_dma source(%dma_start3A_141 : memref<64xi32, #tpu.memory_space<hbm>>) target(%dma_start3A_139 : memref<64xi32, #tpu.memory_space<vmem>>) target_semaphore(%arg15 : memref<!tpu.dma_semaphore, #tpu.memory_space<semaphore_mem>>)
    %add3A_142 = arith.constant 2 : i32
    %add3A_143 = arith.addi %add3A, %add3A_142 : i32
    %and3A_144 = arith.constant 31 : i32
    %and3A_145 = arith.andi %add3A_143, %and3A_144 : i32
    %mul3A_146 = arith.constant 64 : i32
    %mul3A_147 = arith.muli %and3A_145, %mul3A_146 : i32
    %dma_start3A_148 = arith.constant 1 : i32
    %dma_start3A_149 = arith.constant 64 : i32
    %dma_start3A_150 = tpu.memref_slice %arg6[%dma_start3A_149] : memref<1024xi32, #tpu.memory_space<vmem>> -> memref<64xi32, #tpu.memory_space<vmem>>
    %dma_start3A_151 = tpu.memref_slice %arg3[%dma_start3A_148, %mul3A_147] : memref<16x2048xi32, #tpu.memory_space<hbm>> -> memref<1x64xi32, #tpu.memory_space<hbm>>
    %dma_start3A_152 = tpu.memref_squeeze %dma_start3A_151 : memref<1x64xi32, #tpu.memory_space<hbm>> -> memref<64xi32, #tpu.memory_space<hbm>>
    %dma_start3A_153 = arith.constant 64 : i32
    %dma_start3A_154 = tpu.memref_slice %arg6[%dma_start3A_153] : memref<1024xi32, #tpu.memory_space<vmem>> -> memref<64xi32, #tpu.memory_space<vmem>>
    %dma_start3A_155 = tpu.memref_slice %arg3[%dma_start3A_148, %mul3A_147] : memref<16x2048xi32, #tpu.memory_space<hbm>> -> memref<1x64xi32, #tpu.memory_space<hbm>>
    %dma_start3A_156 = tpu.memref_squeeze %dma_start3A_155 : memref<1x64xi32, #tpu.memory_space<hbm>> -> memref<64xi32, #tpu.memory_space<hbm>>
    tpu.enqueue_dma source(%dma_start3A_156 : memref<64xi32, #tpu.memory_space<hbm>>) target(%dma_start3A_154 : memref<64xi32, #tpu.memory_space<vmem>>) target_semaphore(%arg15 : memref<!tpu.dma_semaphore, #tpu.memory_space<semaphore_mem>>)
    %add3A_157 = arith.constant 4 : i32
    %add3A_158 = arith.addi %add3A, %add3A_157 : i32
    %and3A_159 = arith.constant 31 : i32
    %and3A_160 = arith.andi %add3A_158, %and3A_159 : i32
    %mul3A_161 = arith.constant 64 : i32
    %mul3A_162 = arith.muli %and3A_160, %mul3A_161 : i32
    %dma_start3A_163 = arith.constant 2 : i32
    %dma_start3A_164 = arith.constant 128 : i32
    %dma_start3A_165 = tpu.memref_slice %arg6[%dma_start3A_164] : memref<1024xi32, #tpu.memory_space<vmem>> -> memref<64xi32, #tpu.memory_space<vmem>>
    %dma_start3A_166 = tpu.memref_slice %arg3[%dma_start3A_163, %mul3A_162] : memref<16x2048xi32, #tpu.memory_space<hbm>> -> memref<1x64xi32, #tpu.memory_space<hbm>>
    %dma_start3A_167 = tpu.memref_squeeze %dma_start3A_166 : memref<1x64xi32, #tpu.memory_space<hbm>> -> memref<64xi32, #tpu.memory_space<hbm>>
    %dma_start3A_168 = arith.constant 128 : i32
    %dma_start3A_169 = tpu.memref_slice %arg6[%dma_start3A_168] : memref<1024xi32, #tpu.memory_space<vmem>> -> memref<64xi32, #tpu.memory_space<vmem>>
    %dma_start3A_170 = tpu.memref_slice %arg3[%dma_start3A_163, %mul3A_162] : memref<16x2048xi32, #tpu.memory_space<hbm>> -> memref<1x64xi32, #tpu.memory_space<hbm>>
    %dma_start3A_171 = tpu.memref_squeeze %dma_start3A_170 : memref<1x64xi32, #tpu.memory_space<hbm>> -> memref<64xi32, #tpu.memory_space<hbm>>
    tpu.enqueue_dma source(%dma_start3A_171 : memref<64xi32, #tpu.memory_space<hbm>>) target(%dma_start3A_169 : memref<64xi32, #tpu.memory_space<vmem>>) target_semaphore(%arg15 : memref<!tpu.dma_semaphore, #tpu.memory_space<semaphore_mem>>)
    %add3A_172 = arith.constant 6 : i32
    %add3A_173 = arith.addi %add3A, %add3A_172 : i32
    %and3A_174 = arith.constant 31 : i32
    %and3A_175 = arith.andi %add3A_173, %and3A_174 : i32
    %mul3A_176 = arith.constant 64 : i32
    %mul3A_177 = arith.muli %and3A_175, %mul3A_176 : i32
    %dma_start3A_178 = arith.constant 3 : i32
    %dma_start3A_179 = arith.constant 192 : i32
    %dma_start3A_180 = tpu.memref_slice %arg6[%dma_start3A_179] : memref<1024xi32, #tpu.memory_space<vmem>> -> memref<64xi32, #tpu.memory_space<vmem>>
    %dma_start3A_181 = tpu.memref_slice %arg3[%dma_start3A_178, %mul3A_177] : memref<16x2048xi32, #tpu.memory_space<hbm>> -> memref<1x64xi32, #tpu.memory_space<hbm>>
    %dma_start3A_182 = tpu.memref_squeeze %dma_start3A_181 : memref<1x64xi32, #tpu.memory_space<hbm>> -> memref<64xi32, #tpu.memory_space<hbm>>
    %dma_start3A_183 = arith.constant 192 : i32
    %dma_start3A_184 = tpu.memref_slice %arg6[%dma_start3A_183] : memref<1024xi32, #tpu.memory_space<vmem>> -> memref<64xi32, #tpu.memory_space<vmem>>
    %dma_start3A_185 = tpu.memref_slice %arg3[%dma_start3A_178, %mul3A_177] : memref<16x2048xi32, #tpu.memory_space<hbm>> -> memref<1x64xi32, #tpu.memory_space<hbm>>
    %dma_start3A_186 = tpu.memref_squeeze %dma_start3A_185 : memref<1x64xi32, #tpu.memory_space<hbm>> -> memref<64xi32, #tpu.memory_space<hbm>>
    tpu.enqueue_dma source(%dma_start3A_186 : memref<64xi32, #tpu.memory_space<hbm>>) target(%dma_start3A_184 : memref<64xi32, #tpu.memory_space<vmem>>) target_semaphore(%arg15 : memref<!tpu.dma_semaphore, #tpu.memory_space<semaphore_mem>>)
    %add3A_187 = arith.constant 8 : i32
    %add3A_188 = arith.addi %add3A, %add3A_187 : i32
    %and3A_189 = arith.constant 31 : i32
    %and3A_190 = arith.andi %add3A_188, %and3A_189 : i32
    %mul3A_191 = arith.constant 64 : i32
    %mul3A_192 = arith.muli %and3A_190, %mul3A_191 : i32
    %dma_start3A_193 = arith.constant 4 : i32
    %dma_start3A_194 = arith.constant 256 : i32
    %dma_start3A_195 = tpu.memref_slice %arg6[%dma_start3A_194] : memref<1024xi32, #tpu.memory_space<vmem>> -> memref<64xi32, #tpu.memory_space<vmem>>
    %dma_start3A_196 = tpu.memref_slice %arg3[%dma_start3A_193, %mul3A_192] : memref<16x2048xi32, #tpu.memory_space<hbm>> -> memref<1x64xi32, #tpu.memory_space<hbm>>
    %dma_start3A_197 = tpu.memref_squeeze %dma_start3A_196 : memref<1x64xi32, #tpu.memory_space<hbm>> -> memref<64xi32, #tpu.memory_space<hbm>>
    %dma_start3A_198 = arith.constant 256 : i32
    %dma_start3A_199 = tpu.memref_slice %arg6[%dma_start3A_198] : memref<1024xi32, #tpu.memory_space<vmem>> -> memref<64xi32, #tpu.memory_space<vmem>>
    %dma_start3A_200 = tpu.memref_slice %arg3[%dma_start3A_193, %mul3A_192] : memref<16x2048xi32, #tpu.memory_space<hbm>> -> memref<1x64xi32, #tpu.memory_space<hbm>>
    %dma_start3A_201 = tpu.memref_squeeze %dma_start3A_200 : memref<1x64xi32, #tpu.memory_space<hbm>> -> memref<64xi32, #tpu.memory_space<hbm>>
    tpu.enqueue_dma source(%dma_start3A_201 : memref<64xi32, #tpu.memory_space<hbm>>) target(%dma_start3A_199 : memref<64xi32, #tpu.memory_space<vmem>>) target_semaphore(%arg15 : memref<!tpu.dma_semaphore, #tpu.memory_space<semaphore_mem>>)
    %add3A_202 = arith.constant 10 : i32
    %add3A_203 = arith.addi %add3A, %add3A_202 : i32
    %and3A_204 = arith.constant 31 : i32
    %and3A_205 = arith.andi %add3A_203, %and3A_204 : i32
    %mul3A_206 = arith.constant 64 : i32
    %mul3A_207 = arith.muli %and3A_205, %mul3A_206 : i32
    %dma_start3A_208 = arith.constant 5 : i32
    %dma_start3A_209 = arith.constant 320 : i32
    %dma_start3A_210 = tpu.memref_slice %arg6[%dma_start3A_209] : memref<1024xi32, #tpu.memory_space<vmem>> -> memref<64xi32, #tpu.memory_space<vmem>>
    %dma_start3A_211 = tpu.memref_slice %arg3[%dma_start3A_208, %mul3A_207] : memref<16x2048xi32, #tpu.memory_space<hbm>> -> memref<1x64xi32, #tpu.memory_space<hbm>>
    %dma_start3A_212 = tpu.memref_squeeze %dma_start3A_211 : memref<1x64xi32, #tpu.memory_space<hbm>> -> memref<64xi32, #tpu.memory_space<hbm>>
    %dma_start3A_213 = arith.constant 320 : i32
    %dma_start3A_214 = tpu.memref_slice %arg6[%dma_start3A_213] : memref<1024xi32, #tpu.memory_space<vmem>> -> memref<64xi32, #tpu.memory_space<vmem>>
    %dma_start3A_215 = tpu.memref_slice %arg3[%dma_start3A_208, %mul3A_207] : memref<16x2048xi32, #tpu.memory_space<hbm>> -> memref<1x64xi32, #tpu.memory_space<hbm>>
    %dma_start3A_216 = tpu.memref_squeeze %dma_start3A_215 : memref<1x64xi32, #tpu.memory_space<hbm>> -> memref<64xi32, #tpu.memory_space<hbm>>
    tpu.enqueue_dma source(%dma_start3A_216 : memref<64xi32, #tpu.memory_space<hbm>>) target(%dma_start3A_214 : memref<64xi32, #tpu.memory_space<vmem>>) target_semaphore(%arg15 : memref<!tpu.dma_semaphore, #tpu.memory_space<semaphore_mem>>)
    %add3A_217 = arith.constant 12 : i32
    %add3A_218 = arith.addi %add3A, %add3A_217 : i32
    %and3A_219 = arith.constant 31 : i32
    %and3A_220 = arith.andi %add3A_218, %and3A_219 : i32
    %mul3A_221 = arith.constant 64 : i32
    %mul3A_222 = arith.muli %and3A_220, %mul3A_221 : i32
    %dma_start3A_223 = arith.constant 6 : i32
    %dma_start3A_224 = arith.constant 384 : i32
    %dma_start3A_225 = tpu.memref_slice %arg6[%dma_start3A_224] : memref<1024xi32, #tpu.memory_space<vmem>> -> memref<64xi32, #tpu.memory_space<vmem>>
    %dma_start3A_226 = tpu.memref_slice %arg3[%dma_start3A_223, %mul3A_222] : memref<16x2048xi32, #tpu.memory_space<hbm>> -> memref<1x64xi32, #tpu.memory_space<hbm>>
    %dma_start3A_227 = tpu.memref_squeeze %dma_start3A_226 : memref<1x64xi32, #tpu.memory_space<hbm>> -> memref<64xi32, #tpu.memory_space<hbm>>
    %dma_start3A_228 = arith.constant 384 : i32
    %dma_start3A_229 = tpu.memref_slice %arg6[%dma_start3A_228] : memref<1024xi32, #tpu.memory_space<vmem>> -> memref<64xi32, #tpu.memory_space<vmem>>
    %dma_start3A_230 = tpu.memref_slice %arg3[%dma_start3A_223, %mul3A_222] : memref<16x2048xi32, #tpu.memory_space<hbm>> -> memref<1x64xi32, #tpu.memory_space<hbm>>
    %dma_start3A_231 = tpu.memref_squeeze %dma_start3A_230 : memref<1x64xi32, #tpu.memory_space<hbm>> -> memref<64xi32, #tpu.memory_space<hbm>>
    tpu.enqueue_dma source(%dma_start3A_231 : memref<64xi32, #tpu.memory_space<hbm>>) target(%dma_start3A_229 : memref<64xi32, #tpu.memory_space<vmem>>) target_semaphore(%arg15 : memref<!tpu.dma_semaphore, #tpu.memory_space<semaphore_mem>>)
    %add3A_232 = arith.constant 14 : i32
    %add3A_233 = arith.addi %add3A, %add3A_232 : i32
    %and3A_234 = arith.constant 31 : i32
    %and3A_235 = arith.andi %add3A_233, %and3A_234 : i32
    %mul3A_236 = arith.constant 64 : i32
    %mul3A_237 = arith.muli %and3A_235, %mul3A_236 : i32
    %dma_start3A_238 = arith.constant 7 : i32
    %dma_start3A_239 = arith.constant 448 : i32
    %dma_start3A_240 = tpu.memref_slice %arg6[%dma_start3A_239] : memref<1024xi32, #tpu.memory_space<vmem>> -> memref<64xi32, #tpu.memory_space<vmem>>
    %dma_start3A_241 = tpu.memref_slice %arg3[%dma_start3A_238, %mul3A_237] : memref<16x2048xi32, #tpu.memory_space<hbm>> -> memref<1x64xi32, #tpu.memory_space<hbm>>
    %dma_start3A_242 = tpu.memref_squeeze %dma_start3A_241 : memref<1x64xi32, #tpu.memory_space<hbm>> -> memref<64xi32, #tpu.memory_space<hbm>>
    %dma_start3A_243 = arith.constant 448 : i32
    %dma_start3A_244 = tpu.memref_slice %arg6[%dma_start3A_243] : memref<1024xi32, #tpu.memory_space<vmem>> -> memref<64xi32, #tpu.memory_space<vmem>>
    %dma_start3A_245 = tpu.memref_slice %arg3[%dma_start3A_238, %mul3A_237] : memref<16x2048xi32, #tpu.memory_space<hbm>> -> memref<1x64xi32, #tpu.memory_space<hbm>>
    %dma_start3A_246 = tpu.memref_squeeze %dma_start3A_245 : memref<1x64xi32, #tpu.memory_space<hbm>> -> memref<64xi32, #tpu.memory_space<hbm>>
    tpu.enqueue_dma source(%dma_start3A_246 : memref<64xi32, #tpu.memory_space<hbm>>) target(%dma_start3A_244 : memref<64xi32, #tpu.memory_space<vmem>>) target_semaphore(%arg15 : memref<!tpu.dma_semaphore, #tpu.memory_space<semaphore_mem>>)
    %add3A_247 = arith.constant 16 : i32
    %add3A_248 = arith.addi %add3A, %add3A_247 : i32
    %and3A_249 = arith.constant 31 : i32
    %and3A_250 = arith.andi %add3A_248, %and3A_249 : i32
    %mul3A_251 = arith.constant 64 : i32
    %mul3A_252 = arith.muli %and3A_250, %mul3A_251 : i32
    %dma_start3A_253 = arith.constant 8 : i32
    %dma_start3A_254 = arith.constant 512 : i32
    %dma_start3A_255 = tpu.memref_slice %arg6[%dma_start3A_254] : memref<1024xi32, #tpu.memory_space<vmem>> -> memref<64xi32, #tpu.memory_space<vmem>>
    %dma_start3A_256 = tpu.memref_slice %arg3[%dma_start3A_253, %mul3A_252] : memref<16x2048xi32, #tpu.memory_space<hbm>> -> memref<1x64xi32, #tpu.memory_space<hbm>>
    %dma_start3A_257 = tpu.memref_squeeze %dma_start3A_256 : memref<1x64xi32, #tpu.memory_space<hbm>> -> memref<64xi32, #tpu.memory_space<hbm>>
    %dma_start3A_258 = arith.constant 512 : i32
    %dma_start3A_259 = tpu.memref_slice %arg6[%dma_start3A_258] : memref<1024xi32, #tpu.memory_space<vmem>> -> memref<64xi32, #tpu.memory_space<vmem>>
    %dma_start3A_260 = tpu.memref_slice %arg3[%dma_start3A_253, %mul3A_252] : memref<16x2048xi32, #tpu.memory_space<hbm>> -> memref<1x64xi32, #tpu.memory_space<hbm>>
    %dma_start3A_261 = tpu.memref_squeeze %dma_start3A_260 : memref<1x64xi32, #tpu.memory_space<hbm>> -> memref<64xi32, #tpu.memory_space<hbm>>
    tpu.enqueue_dma source(%dma_start3A_261 : memref<64xi32, #tpu.memory_space<hbm>>) target(%dma_start3A_259 : memref<64xi32, #tpu.memory_space<vmem>>) target_semaphore(%arg15 : memref<!tpu.dma_semaphore, #tpu.memory_space<semaphore_mem>>)
    %add3A_262 = arith.constant 18 : i32
    %add3A_263 = arith.addi %add3A, %add3A_262 : i32
    %and3A_264 = arith.constant 31 : i32
    %and3A_265 = arith.andi %add3A_263, %and3A_264 : i32
    %mul3A_266 = arith.constant 64 : i32
    %mul3A_267 = arith.muli %and3A_265, %mul3A_266 : i32
    %dma_start3A_268 = arith.constant 9 : i32
    %dma_start3A_269 = arith.constant 576 : i32
    %dma_start3A_270 = tpu.memref_slice %arg6[%dma_start3A_269] : memref<1024xi32, #tpu.memory_space<vmem>> -> memref<64xi32, #tpu.memory_space<vmem>>
    %dma_start3A_271 = tpu.memref_slice %arg3[%dma_start3A_268, %mul3A_267] : memref<16x2048xi32, #tpu.memory_space<hbm>> -> memref<1x64xi32, #tpu.memory_space<hbm>>
    %dma_start3A_272 = tpu.memref_squeeze %dma_start3A_271 : memref<1x64xi32, #tpu.memory_space<hbm>> -> memref<64xi32, #tpu.memory_space<hbm>>
    %dma_start3A_273 = arith.constant 576 : i32
    %dma_start3A_274 = tpu.memref_slice %arg6[%dma_start3A_273] : memref<1024xi32, #tpu.memory_space<vmem>> -> memref<64xi32, #tpu.memory_space<vmem>>
    %dma_start3A_275 = tpu.memref_slice %arg3[%dma_start3A_268, %mul3A_267] : memref<16x2048xi32, #tpu.memory_space<hbm>> -> memref<1x64xi32, #tpu.memory_space<hbm>>
    %dma_start3A_276 = tpu.memref_squeeze %dma_start3A_275 : memref<1x64xi32, #tpu.memory_space<hbm>> -> memref<64xi32, #tpu.memory_space<hbm>>
    tpu.enqueue_dma source(%dma_start3A_276 : memref<64xi32, #tpu.memory_space<hbm>>) target(%dma_start3A_274 : memref<64xi32, #tpu.memory_space<vmem>>) target_semaphore(%arg15 : memref<!tpu.dma_semaphore, #tpu.memory_space<semaphore_mem>>)
    %add3A_277 = arith.constant 20 : i32
    %add3A_278 = arith.addi %add3A, %add3A_277 : i32
    %and3A_279 = arith.constant 31 : i32
    %and3A_280 = arith.andi %add3A_278, %and3A_279 : i32
    %mul3A_281 = arith.constant 64 : i32
    %mul3A_282 = arith.muli %and3A_280, %mul3A_281 : i32
    %dma_start3A_283 = arith.constant 10 : i32
    %dma_start3A_284 = arith.constant 640 : i32
    %dma_start3A_285 = tpu.memref_slice %arg6[%dma_start3A_284] : memref<1024xi32, #tpu.memory_space<vmem>> -> memref<64xi32, #tpu.memory_space<vmem>>
    %dma_start3A_286 = tpu.memref_slice %arg3[%dma_start3A_283, %mul3A_282] : memref<16x2048xi32, #tpu.memory_space<hbm>> -> memref<1x64xi32, #tpu.memory_space<hbm>>
    %dma_start3A_287 = tpu.memref_squeeze %dma_start3A_286 : memref<1x64xi32, #tpu.memory_space<hbm>> -> memref<64xi32, #tpu.memory_space<hbm>>
    %dma_start3A_288 = arith.constant 640 : i32
    %dma_start3A_289 = tpu.memref_slice %arg6[%dma_start3A_288] : memref<1024xi32, #tpu.memory_space<vmem>> -> memref<64xi32, #tpu.memory_space<vmem>>
    %dma_start3A_290 = tpu.memref_slice %arg3[%dma_start3A_283, %mul3A_282] : memref<16x2048xi32, #tpu.memory_space<hbm>> -> memref<1x64xi32, #tpu.memory_space<hbm>>
    %dma_start3A_291 = tpu.memref_squeeze %dma_start3A_290 : memref<1x64xi32, #tpu.memory_space<hbm>> -> memref<64xi32, #tpu.memory_space<hbm>>
    tpu.enqueue_dma source(%dma_start3A_291 : memref<64xi32, #tpu.memory_space<hbm>>) target(%dma_start3A_289 : memref<64xi32, #tpu.memory_space<vmem>>) target_semaphore(%arg15 : memref<!tpu.dma_semaphore, #tpu.memory_space<semaphore_mem>>)
    %add3A_292 = arith.constant 22 : i32
    %add3A_293 = arith.addi %add3A, %add3A_292 : i32
    %and3A_294 = arith.constant 31 : i32
    %and3A_295 = arith.andi %add3A_293, %and3A_294 : i32
    %mul3A_296 = arith.constant 64 : i32
    %mul3A_297 = arith.muli %and3A_295, %mul3A_296 : i32
    %dma_start3A_298 = arith.constant 11 : i32
    %dma_start3A_299 = arith.constant 704 : i32
    %dma_start3A_300 = tpu.memref_slice %arg6[%dma_start3A_299] : memref<1024xi32, #tpu.memory_space<vmem>> -> memref<64xi32, #tpu.memory_space<vmem>>
    %dma_start3A_301 = tpu.memref_slice %arg3[%dma_start3A_298, %mul3A_297] : memref<16x2048xi32, #tpu.memory_space<hbm>> -> memref<1x64xi32, #tpu.memory_space<hbm>>
    %dma_start3A_302 = tpu.memref_squeeze %dma_start3A_301 : memref<1x64xi32, #tpu.memory_space<hbm>> -> memref<64xi32, #tpu.memory_space<hbm>>
    %dma_start3A_303 = arith.constant 704 : i32
    %dma_start3A_304 = tpu.memref_slice %arg6[%dma_start3A_303] : memref<1024xi32, #tpu.memory_space<vmem>> -> memref<64xi32, #tpu.memory_space<vmem>>
    %dma_start3A_305 = tpu.memref_slice %arg3[%dma_start3A_298, %mul3A_297] : memref<16x2048xi32, #tpu.memory_space<hbm>> -> memref<1x64xi32, #tpu.memory_space<hbm>>
    %dma_start3A_306 = tpu.memref_squeeze %dma_start3A_305 : memref<1x64xi32, #tpu.memory_space<hbm>> -> memref<64xi32, #tpu.memory_space<hbm>>
    tpu.enqueue_dma source(%dma_start3A_306 : memref<64xi32, #tpu.memory_space<hbm>>) target(%dma_start3A_304 : memref<64xi32, #tpu.memory_space<vmem>>) target_semaphore(%arg15 : memref<!tpu.dma_semaphore, #tpu.memory_space<semaphore_mem>>)
    %add3A_307 = arith.constant 24 : i32
    %add3A_308 = arith.addi %add3A, %add3A_307 : i32
    %and3A_309 = arith.constant 31 : i32
    %and3A_310 = arith.andi %add3A_308, %and3A_309 : i32
    %mul3A_311 = arith.constant 64 : i32
    %mul3A_312 = arith.muli %and3A_310, %mul3A_311 : i32
    %dma_start3A_313 = arith.constant 12 : i32
    %dma_start3A_314 = arith.constant 768 : i32
    %dma_start3A_315 = tpu.memref_slice %arg6[%dma_start3A_314] : memref<1024xi32, #tpu.memory_space<vmem>> -> memref<64xi32, #tpu.memory_space<vmem>>
    %dma_start3A_316 = tpu.memref_slice %arg3[%dma_start3A_313, %mul3A_312] : memref<16x2048xi32, #tpu.memory_space<hbm>> -> memref<1x64xi32, #tpu.memory_space<hbm>>
    %dma_start3A_317 = tpu.memref_squeeze %dma_start3A_316 : memref<1x64xi32, #tpu.memory_space<hbm>> -> memref<64xi32, #tpu.memory_space<hbm>>
    %dma_start3A_318 = arith.constant 768 : i32
    %dma_start3A_319 = tpu.memref_slice %arg6[%dma_start3A_318] : memref<1024xi32, #tpu.memory_space<vmem>> -> memref<64xi32, #tpu.memory_space<vmem>>
    %dma_start3A_320 = tpu.memref_slice %arg3[%dma_start3A_313, %mul3A_312] : memref<16x2048xi32, #tpu.memory_space<hbm>> -> memref<1x64xi32, #tpu.memory_space<hbm>>
    %dma_start3A_321 = tpu.memref_squeeze %dma_start3A_320 : memref<1x64xi32, #tpu.memory_space<hbm>> -> memref<64xi32, #tpu.memory_space<hbm>>
    tpu.enqueue_dma source(%dma_start3A_321 : memref<64xi32, #tpu.memory_space<hbm>>) target(%dma_start3A_319 : memref<64xi32, #tpu.memory_space<vmem>>) target_semaphore(%arg15 : memref<!tpu.dma_semaphore, #tpu.memory_space<semaphore_mem>>)
    %add3A_322 = arith.constant 26 : i32
    %add3A_323 = arith.addi %add3A, %add3A_322 : i32
    %and3A_324 = arith.constant 31 : i32
    %and3A_325 = arith.andi %add3A_323, %and3A_324 : i32
    %mul3A_326 = arith.constant 64 : i32
    %mul3A_327 = arith.muli %and3A_325, %mul3A_326 : i32
    %dma_start3A_328 = arith.constant 13 : i32
    %dma_start3A_329 = arith.constant 832 : i32
    %dma_start3A_330 = tpu.memref_slice %arg6[%dma_start3A_329] : memref<1024xi32, #tpu.memory_space<vmem>> -> memref<64xi32, #tpu.memory_space<vmem>>
    %dma_start3A_331 = tpu.memref_slice %arg3[%dma_start3A_328, %mul3A_327] : memref<16x2048xi32, #tpu.memory_space<hbm>> -> memref<1x64xi32, #tpu.memory_space<hbm>>
    %dma_start3A_332 = tpu.memref_squeeze %dma_start3A_331 : memref<1x64xi32, #tpu.memory_space<hbm>> -> memref<64xi32, #tpu.memory_space<hbm>>
    %dma_start3A_333 = arith.constant 832 : i32
    %dma_start3A_334 = tpu.memref_slice %arg6[%dma_start3A_333] : memref<1024xi32, #tpu.memory_space<vmem>> -> memref<64xi32, #tpu.memory_space<vmem>>
    %dma_start3A_335 = tpu.memref_slice %arg3[%dma_start3A_328, %mul3A_327] : memref<16x2048xi32, #tpu.memory_space<hbm>> -> memref<1x64xi32, #tpu.memory_space<hbm>>
    %dma_start3A_336 = tpu.memref_squeeze %dma_start3A_335 : memref<1x64xi32, #tpu.memory_space<hbm>> -> memref<64xi32, #tpu.memory_space<hbm>>
    tpu.enqueue_dma source(%dma_start3A_336 : memref<64xi32, #tpu.memory_space<hbm>>) target(%dma_start3A_334 : memref<64xi32, #tpu.memory_space<vmem>>) target_semaphore(%arg15 : memref<!tpu.dma_semaphore, #tpu.memory_space<semaphore_mem>>)
    %add3A_337 = arith.constant 28 : i32
    %add3A_338 = arith.addi %add3A, %add3A_337 : i32
    %and3A_339 = arith.constant 31 : i32
    %and3A_340 = arith.andi %add3A_338, %and3A_339 : i32
    %mul3A_341 = arith.constant 64 : i32
    %mul3A_342 = arith.muli %and3A_340, %mul3A_341 : i32
    %dma_start3A_343 = arith.constant 14 : i32
    %dma_start3A_344 = arith.constant 896 : i32
    %dma_start3A_345 = tpu.memref_slice %arg6[%dma_start3A_344] : memref<1024xi32, #tpu.memory_space<vmem>> -> memref<64xi32, #tpu.memory_space<vmem>>
    %dma_start3A_346 = tpu.memref_slice %arg3[%dma_start3A_343, %mul3A_342] : memref<16x2048xi32, #tpu.memory_space<hbm>> -> memref<1x64xi32, #tpu.memory_space<hbm>>
    %dma_start3A_347 = tpu.memref_squeeze %dma_start3A_346 : memref<1x64xi32, #tpu.memory_space<hbm>> -> memref<64xi32, #tpu.memory_space<hbm>>
    %dma_start3A_348 = arith.constant 896 : i32
    %dma_start3A_349 = tpu.memref_slice %arg6[%dma_start3A_348] : memref<1024xi32, #tpu.memory_space<vmem>> -> memref<64xi32, #tpu.memory_space<vmem>>
    %dma_start3A_350 = tpu.memref_slice %arg3[%dma_start3A_343, %mul3A_342] : memref<16x2048xi32, #tpu.memory_space<hbm>> -> memref<1x64xi32, #tpu.memory_space<hbm>>
    %dma_start3A_351 = tpu.memref_squeeze %dma_start3A_350 : memref<1x64xi32, #tpu.memory_space<hbm>> -> memref<64xi32, #tpu.memory_space<hbm>>
    tpu.enqueue_dma source(%dma_start3A_351 : memref<64xi32, #tpu.memory_space<hbm>>) target(%dma_start3A_349 : memref<64xi32, #tpu.memory_space<vmem>>) target_semaphore(%arg15 : memref<!tpu.dma_semaphore, #tpu.memory_space<semaphore_mem>>)
    %add3A_352 = arith.constant 30 : i32
    %add3A_353 = arith.addi %add3A, %add3A_352 : i32
    %and3A_354 = arith.constant 31 : i32
    %and3A_355 = arith.andi %add3A_353, %and3A_354 : i32
    %mul3A_356 = arith.constant 64 : i32
    %mul3A_357 = arith.muli %and3A_355, %mul3A_356 : i32
    %dma_start3A_358 = arith.constant 15 : i32
    %dma_start3A_359 = arith.constant 960 : i32
    %dma_start3A_360 = tpu.memref_slice %arg6[%dma_start3A_359] : memref<1024xi32, #tpu.memory_space<vmem>> -> memref<64xi32, #tpu.memory_space<vmem>>
    %dma_start3A_361 = tpu.memref_slice %arg3[%dma_start3A_358, %mul3A_357] : memref<16x2048xi32, #tpu.memory_space<hbm>> -> memref<1x64xi32, #tpu.memory_space<hbm>>
    %dma_start3A_362 = tpu.memref_squeeze %dma_start3A_361 : memref<1x64xi32, #tpu.memory_space<hbm>> -> memref<64xi32, #tpu.memory_space<hbm>>
    %dma_start3A_363 = arith.constant 960 : i32
    %dma_start3A_364 = tpu.memref_slice %arg6[%dma_start3A_363] : memref<1024xi32, #tpu.memory_space<vmem>> -> memref<64xi32, #tpu.memory_space<vmem>>
    %dma_start3A_365 = tpu.memref_slice %arg3[%dma_start3A_358, %mul3A_357] : memref<16x2048xi32, #tpu.memory_space<hbm>> -> memref<1x64xi32, #tpu.memory_space<hbm>>
    %dma_start3A_366 = tpu.memref_squeeze %dma_start3A_365 : memref<1x64xi32, #tpu.memory_space<hbm>> -> memref<64xi32, #tpu.memory_space<hbm>>
    tpu.enqueue_dma source(%dma_start3A_366 : memref<64xi32, #tpu.memory_space<hbm>>) target(%dma_start3A_364 : memref<64xi32, #tpu.memory_space<vmem>>) target_semaphore(%arg15 : memref<!tpu.dma_semaphore, #tpu.memory_space<semaphore_mem>>)
    %dma_wait3A = arith.constant 0 : i32
    %dma_wait3A_367 = arith.constant 0 : i32
    %dma_wait3A_368 = tpu.memref_slice %arg3[%dma_wait3A, %dma_wait3A_367] : memref<16x2048xi32, #tpu.memory_space<hbm>> -> memref<1x1024xi32, #tpu.memory_space<hbm>>
    %dma_wait3A_369 = tpu.memref_squeeze %dma_wait3A_368 : memref<1x1024xi32, #tpu.memory_space<hbm>> -> memref<1024xi32, #tpu.memory_space<hbm>>
    %dma_wait3A_370 = arith.constant 0 : i32
    %dma_wait3A_371 = tpu.memref_slice %arg3[%dma_wait3A, %dma_wait3A_370] : memref<16x2048xi32, #tpu.memory_space<hbm>> -> memref<1x1024xi32, #tpu.memory_space<hbm>>
    %dma_wait3A_372 = tpu.memref_squeeze %dma_wait3A_371 : memref<1x1024xi32, #tpu.memory_space<hbm>> -> memref<1024xi32, #tpu.memory_space<hbm>>
    tpu.wait_dma2 semaphore(%arg15 : memref<!tpu.dma_semaphore, #tpu.memory_space<semaphore_mem>>) src(%dma_wait3A_372 : memref<1024xi32, #tpu.memory_space<hbm>>) dst(%arg6 : memref<1024xi32, #tpu.memory_space<vmem>>)
    %get3A = arith.constant 0 : index
    %get3A_373 = tpu.vector_load %arg11[%get3A] {strides = array<i32>} : memref<32xi32, #tpu.memory_space<vmem>>, vector<16xi32>,
    %get3A_374 = vector.shape_cast %get3A_373 : vector<16xi32> to vector<16xi32>
    %slice3A = vector.extract_strided_slice %get3A_374 {offsets = [0], sizes = [1], strides = [1]} : vector<16xi32> to vector<1xi32>
    %squeeze3A = vector.extract %slice3A[0] : i32 from vector<1xi32>
    %sub3A = arith.constant 0 : i32
    %sub3A_375 = arith.subi %add3A_7, %sub3A : i32
    %sub3A_376 = arith.subi %squeeze3A, %sub3A_375 : i32
    %jit3A = arith.constant 0 : i32
    %jit3A_377 = arith.constant 64 : i32
    %max3A = arith.maxsi %jit3A, %sub3A_376 : i32
    %min3A = arith.minsi %jit3A_377, %max3A : i32
    %slice3A_378 = vector.extract_strided_slice %get3A_374 {offsets = [1], sizes = [1], strides = [1]} : vector<16xi32> to vector<1xi32>
    %squeeze3A_379 = vector.extract %slice3A_378[0] : i32 from vector<1xi32>
    %sub3A_380 = arith.constant 2048 : i32
    %sub3A_381 = arith.subi %add3A_15, %sub3A_380 : i32
    %sub3A_382 = arith.subi %squeeze3A_379, %sub3A_381 : i32
    %jit3A_383 = arith.constant 0 : i32
    %jit3A_384 = arith.constant 64 : i32
    %max3A_385 = arith.maxsi %jit3A_383, %sub3A_382 : i32
    %min3A_386 = arith.minsi %jit3A_384, %max3A_385 : i32
    %slice3A_387 = vector.extract_strided_slice %get3A_374 {offsets = [2], sizes = [1], strides = [1]} : vector<16xi32> to vector<1xi32>
    %squeeze3A_388 = vector.extract %slice3A_387[0] : i32 from vector<1xi32>
    %sub3A_389 = arith.constant 4096 : i32
    %sub3A_390 = arith.subi %add3A_23, %sub3A_389 : i32
    %sub3A_391 = arith.subi %squeeze3A_388, %sub3A_390 : i32
    %jit3A_392 = arith.constant 0 : i32
    %jit3A_393 = arith.constant 64 : i32
    %max3A_394 = arith.maxsi %jit3A_392, %sub3A_391 : i32
    %min3A_395 = arith.minsi %jit3A_393, %max3A_394 : i32
    %slice3A_396 = vector.extract_strided_slice %get3A_374 {offsets = [3], sizes = [1], strides = [1]} : vector<16xi32> to vector<1xi32>
    %squeeze3A_397 = vector.extract %slice3A_396[0] : i32 from vector<1xi32>
    %sub3A_398 = arith.constant 6144 : i32
    %sub3A_399 = arith.subi %add3A_31, %sub3A_398 : i32
    %sub3A_400 = arith.subi %squeeze3A_397, %sub3A_399 : i32
    %jit3A_401 = arith.constant 0 : i32
    %jit3A_402 = arith.constant 64 : i32
    %max3A_403 = arith.maxsi %jit3A_401, %sub3A_400 : i32
    %min3A_404 = arith.minsi %jit3A_402, %max3A_403 : i32
    %slice3A_405 = vector.extract_strided_slice %get3A_374 {offsets = [4], sizes = [1], strides = [1]} : vector<16xi32> to vector<1xi32>
    %squeeze3A_406 = vector.extract %slice3A_405[0] : i32 from vector<1xi32>
    %sub3A_407 = arith.constant 8192 : i32
    %sub3A_408 = arith.subi %add3A_39, %sub3A_407 : i32
    %sub3A_409 = arith.subi %squeeze3A_406, %sub3A_408 : i32
    %jit3A_410 = arith.constant 0 : i32
    %jit3A_411 = arith.constant 64 : i32
    %max3A_412 = arith.maxsi %jit3A_410, %sub3A_409 : i32
    %min3A_413 = arith.minsi %jit3A_411, %max3A_412 : i32
    %slice3A_414 = vector.extract_strided_slice %get3A_374 {offsets = [5], sizes = [1], strides = [1]} : vector<16xi32> to vector<1xi32>
    %squeeze3A_415 = vector.extract %slice3A_414[0] : i32 from vector<1xi32>
    %sub3A_416 = arith.constant 10240 : i32
    %sub3A_417 = arith.subi %add3A_47, %sub3A_416 : i32
    %sub3A_418 = arith.subi %squeeze3A_415, %sub3A_417 : i32
    %jit3A_419 = arith.constant 0 : i32
    %jit3A_420 = arith.constant 64 : i32
    %max3A_421 = arith.maxsi %jit3A_419, %sub3A_418 : i32
    %min3A_422 = arith.minsi %jit3A_420, %max3A_421 : i32
    %slice3A_423 = vector.extract_strided_slice %get3A_374 {offsets = [6], sizes = [1], strides = [1]} : vector<16xi32> to vector<1xi32>
    %squeeze3A_424 = vector.extract %slice3A_423[0] : i32 from vector<1xi32>
    %sub3A_425 = arith.constant 12288 : i32
    %sub3A_426 = arith.subi %add3A_55, %sub3A_425 : i32
    %sub3A_427 = arith.subi %squeeze3A_424, %sub3A_426 : i32
    %jit3A_428 = arith.constant 0 : i32
    %jit3A_429 = arith.constant 64 : i32
    %max3A_430 = arith.maxsi %jit3A_428, %sub3A_427 : i32
    %min3A_431 = arith.minsi %jit3A_429, %max3A_430 : i32
    %slice3A_432 = vector.extract_strided_slice %get3A_374 {offsets = [7], sizes = [1], strides = [1]} : vector<16xi32> to vector<1xi32>
    %squeeze3A_433 = vector.extract %slice3A_432[0] : i32 from vector<1xi32>
    %sub3A_434 = arith.constant 14336 : i32
    %sub3A_435 = arith.subi %add3A_63, %sub3A_434 : i32
    %sub3A_436 = arith.subi %squeeze3A_433, %sub3A_435 : i32
    %jit3A_437 = arith.constant 0 : i32
    %jit3A_438 = arith.constant 64 : i32
    %max3A_439 = arith.maxsi %jit3A_437, %sub3A_436 : i32
    %min3A_440 = arith.minsi %jit3A_438, %max3A_439 : i32
    %slice3A_441 = vector.extract_strided_slice %get3A_374 {offsets = [8], sizes = [1], strides = [1]} : vector<16xi32> to vector<1xi32>
    %squeeze3A_442 = vector.extract %slice3A_441[0] : i32 from vector<1xi32>
    %sub3A_443 = arith.constant 16384 : i32
    %sub3A_444 = arith.subi %add3A_71, %sub3A_443 : i32
    %sub3A_445 = arith.subi %squeeze3A_442, %sub3A_444 : i32
    %jit3A_446 = arith.constant 0 : i32
    %jit3A_447 = arith.constant 64 : i32
    %max3A_448 = arith.maxsi %jit3A_446, %sub3A_445 : i32
    %min3A_449 = arith.minsi %jit3A_447, %max3A_448 : i32
    %slice3A_450 = vector.extract_strided_slice %get3A_374 {offsets = [9], sizes = [1], strides = [1]} : vector<16xi32> to vector<1xi32>
    %squeeze3A_451 = vector.extract %slice3A_450[0] : i32 from vector<1xi32>
    %sub3A_452 = arith.constant 18432 : i32
    %sub3A_453 = arith.subi %add3A_79, %sub3A_452 : i32
    %sub3A_454 = arith.subi %squeeze3A_451, %sub3A_453 : i32
    %jit3A_455 = arith.constant 0 : i32
    %jit3A_456 = arith.constant 64 : i32
    %max3A_457 = arith.maxsi %jit3A_455, %sub3A_454 : i32
    %min3A_458 = arith.minsi %jit3A_456, %max3A_457 : i32
    %slice3A_459 = vector.extract_strided_slice %get3A_374 {offsets = [10], sizes = [1], strides = [1]} : vector<16xi32> to vector<1xi32>
    %squeeze3A_460 = vector.extract %slice3A_459[0] : i32 from vector<1xi32>
    %sub3A_461 = arith.constant 20480 : i32
    %sub3A_462 = arith.subi %add3A_87, %sub3A_461 : i32
    %sub3A_463 = arith.subi %squeeze3A_460, %sub3A_462 : i32
    %jit3A_464 = arith.constant 0 : i32
    %jit3A_465 = arith.constant 64 : i32
    %max3A_466 = arith.maxsi %jit3A_464, %sub3A_463 : i32
    %min3A_467 = arith.minsi %jit3A_465, %max3A_466 : i32
    %slice3A_468 = vector.extract_strided_slice %get3A_374 {offsets = [11], sizes = [1], strides = [1]} : vector<16xi32> to vector<1xi32>
    %squeeze3A_469 = vector.extract %slice3A_468[0] : i32 from vector<1xi32>
    %sub3A_470 = arith.constant 22528 : i32
    %sub3A_471 = arith.subi %add3A_95, %sub3A_470 : i32
    %sub3A_472 = arith.subi %squeeze3A_469, %sub3A_471 : i32
    %jit3A_473 = arith.constant 0 : i32
    %jit3A_474 = arith.constant 64 : i32
    %max3A_475 = arith.maxsi %jit3A_473, %sub3A_472 : i32
    %min3A_476 = arith.minsi %jit3A_474, %max3A_475 : i32
    %slice3A_477 = vector.extract_strided_slice %get3A_374 {offsets = [12], sizes = [1], strides = [1]} : vector<16xi32> to vector<1xi32>
    %squeeze3A_478 = vector.extract %slice3A_477[0] : i32 from vector<1xi32>
    %sub3A_479 = arith.constant 24576 : i32
    %sub3A_480 = arith.subi %add3A_103, %sub3A_479 : i32
    %sub3A_481 = arith.subi %squeeze3A_478, %sub3A_480 : i32
    %jit3A_482 = arith.constant 0 : i32
    %jit3A_483 = arith.constant 64 : i32
    %max3A_484 = arith.maxsi %jit3A_482, %sub3A_481 : i32
    %min3A_485 = arith.minsi %jit3A_483, %max3A_484 : i32
    %slice3A_486 = vector.extract_strided_slice %get3A_374 {offsets = [13], sizes = [1], strides = [1]} : vector<16xi32> to vector<1xi32>
    %squeeze3A_487 = vector.extract %slice3A_486[0] : i32 from vector<1xi32>
    %sub3A_488 = arith.constant 26624 : i32
    %sub3A_489 = arith.subi %add3A_111, %sub3A_488 : i32
    %sub3A_490 = arith.subi %squeeze3A_487, %sub3A_489 : i32
    %jit3A_491 = arith.constant 0 : i32
    %jit3A_492 = arith.constant 64 : i32
    %max3A_493 = arith.maxsi %jit3A_491, %sub3A_490 : i32
    %min3A_494 = arith.minsi %jit3A_492, %max3A_493 : i32
    %slice3A_495 = vector.extract_strided_slice %get3A_374 {offsets = [14], sizes = [1], strides = [1]} : vector<16xi32> to vector<1xi32>
    %squeeze3A_496 = vector.extract %slice3A_495[0] : i32 from vector<1xi32>
    %sub3A_497 = arith.constant 28672 : i32
    %sub3A_498 = arith.subi %add3A_119, %sub3A_497 : i32
    %sub3A_499 = arith.subi %squeeze3A_496, %sub3A_498 : i32
    %jit3A_500 = arith.constant 0 : i32
    %jit3A_501 = arith.constant 64 : i32
    %max3A_502 = arith.maxsi %jit3A_500, %sub3A_499 : i32
    %min3A_503 = arith.minsi %jit3A_501, %max3A_502 : i32
    %slice3A_504 = vector.extract_strided_slice %get3A_374 {offsets = [15], sizes = [1], strides = [1]} : vector<16xi32> to vector<1xi32>
    %squeeze3A_505 = vector.extract %slice3A_504[0] : i32 from vector<1xi32>
    %sub3A_506 = arith.constant 30720 : i32
    %sub3A_507 = arith.subi %add3A_127, %sub3A_506 : i32
    %sub3A_508 = arith.subi %squeeze3A_505, %sub3A_507 : i32
    %jit3A_509 = arith.constant 0 : i32
    %jit3A_510 = arith.constant 64 : i32
    %max3A_511 = arith.maxsi %jit3A_509, %sub3A_508 : i32
    %min3A_512 = arith.minsi %jit3A_510, %max3A_511 : i32
    %gt3A = arith.constant 0 : i32
    %gt3A_513 = arith.cmpi sgt, %min3A, %gt3A : i32
    %convert_element_type3A = arith.extui %gt3A_513 : i1 to i32
    %cond3A = arith.constant 0 : i32
    %cond3A_514 = arith.cmpi ne, %convert_element_type3A, %cond3A : i32
    scf.if %cond3A_514 {
      %dma_start3A_851 = arith.constant 0 : i32
      %dma_start3A_852 = tpu.memref_slice %arg6[%dma_start3A_851] : memref<1024xi32, #tpu.memory_space<vmem>> -> memref<64xi32, #tpu.memory_space<vmem>>
      %dma_start3A_853 = arith.constant 0 : i32
      %dma_start3A_854 = arith.constant 0 : i32
      %dma_start3A_855 = tpu.memref_slice %arg2[%dma_start3A_853, %dma_start3A_854] : memref<50000x512xf32, #tpu.memory_space<hbm>> -> memref<50000x512xf32, #tpu.memory_space<hbm>>
      tpu.enqueue_indirect_dma source(%dma_start3A_855 : memref<50000x512xf32, #tpu.memory_space<hbm>>) target(%arg7 : memref<64x512xf32, #tpu.memory_space<vmem>>) offsets(%dma_start3A_852 : memref<64xi32, #tpu.memory_space<vmem>>) semaphore(%arg12 : memref<!tpu.dma_semaphore, #tpu.memory_space<semaphore_mem>>)
    } else {
    }
    %scan3A = arith.constant 0 : i32
    %scan3A_515 = arith.constant 0 : i32
    %scan3A_516 = arith.constant 32 : i32
    %scan3A_517 = arith.addi %scan3A_515, %scan3A_516 : i32
    %scan3A_518 = arith.constant 1 : i32
    %scan3A_519 = scf.for %scan3A_851 = %scan3A_515 to %scan3A_517 step %scan3A_518 iter_args(%scan3A_852 = %scan3A) -> (i32)  : i32 {
      %scan3A_853 = arith.constant 0 : i32
      %scan3A_854 = arith.constant 0 : i32
      %scan3A_855 = arith.constant 32 : i32
      %scan3A_856 = arith.addi %scan3A_854, %scan3A_855 : i32
      %scan3A_857 = arith.constant 1 : i32
      %scan3A_858 = scf.for %scan3A_860 = %scan3A_854 to %scan3A_856 step %scan3A_857 iter_args(%scan3A_861 = %scan3A_853) -> (i32)  : i32 {
        %broadcast_in_dim3A = arith.constant 0.000000e+00 : f32
        %broadcast_in_dim3A_862 = vector.broadcast %broadcast_in_dim3A : f32 to vector<16xf32>
        %mul3A_863 = arith.constant 16 : i32
        %mul3A_864 = arith.muli %scan3A_860, %mul3A_863 : i32
        %swap3A = arith.index_cast %scan3A_851 : i32 to index
        %swap3A_865 = arith.index_cast %mul3A_864 : i32 to index
        %swap3A_866 = tpu.vector_load %arg10[%swap3A, %swap3A_865] {strides = array<i32>} : memref<32x512xf32, #tpu.memory_space<vmem>>, vector<1x16xf32>,
        %swap3A_867 = vector.shape_cast %swap3A_866 : vector<1x16xf32> to vector<16xf32>
        %swap3A_868 = vector.shape_cast %broadcast_in_dim3A_862 : vector<16xf32> to vector<1x16xf32>
        tpu.vector_store %arg10[%swap3A, %swap3A_865], %swap3A_868 {strides = array<i32>} : memref<32x512xf32, #tpu.memory_space<vmem>>, vector<1x16xf32>,
        %scan3A_869 = arith.constant 0 : i32
        scf.yield %scan3A_869 : i32
      }
      %scan3A_859 = arith.constant 32 : i32
      scf.yield %scan3A_858 : i32
    }
    %scan3A_520 = arith.constant 32 : i32
    %gt3A_521 = arith.constant 0 : i32
    %gt3A_522 = arith.cmpi sgt, %min3A_386, %gt3A_521 : i32
    %convert_element_type3A_523 = arith.extui %gt3A_522 : i1 to i32
    %cond3A_524 = arith.constant 0 : i32
    %cond3A_525 = arith.cmpi ne, %convert_element_type3A_523, %cond3A_524 : i32
    scf.if %cond3A_525 {
      %dma_start3A_851 = arith.constant 64 : i32
      %dma_start3A_852 = tpu.memref_slice %arg6[%dma_start3A_851] : memref<1024xi32, #tpu.memory_space<vmem>> -> memref<64xi32, #tpu.memory_space<vmem>>
      %dma_start3A_853 = arith.constant 0 : i32
      %dma_start3A_854 = arith.constant 0 : i32
      %dma_start3A_855 = tpu.memref_slice %arg2[%dma_start3A_853, %dma_start3A_854] : memref<50000x512xf32, #tpu.memory_space<hbm>> -> memref<50000x512xf32, #tpu.memory_space<hbm>>
      tpu.enqueue_indirect_dma source(%dma_start3A_855 : memref<50000x512xf32, #tpu.memory_space<hbm>>) target(%arg8 : memref<64x512xf32, #tpu.memory_space<vmem>>) offsets(%dma_start3A_852 : memref<64xi32, #tpu.memory_space<vmem>>) semaphore(%arg13 : memref<!tpu.dma_semaphore, #tpu.memory_space<semaphore_mem>>)
    } else {
    }
    %gt3A_526 = arith.constant 0 : i32
    %gt3A_527 = arith.cmpi sgt, %min3A, %gt3A_526 : i32
    %convert_element_type3A_528 = arith.extui %gt3A_527 : i1 to i32
    %cond3A_529 = arith.constant 0 : i32
    %cond3A_530 = arith.cmpi ne, %convert_element_type3A_528, %cond3A_529 : i32
    scf.if %cond3A_530 {
      %dma_wait3A_851 = arith.constant 0 : i32
      %dma_wait3A_852 = tpu.memref_slice %arg6[%dma_wait3A_851] : memref<1024xi32, #tpu.memory_space<vmem>> -> memref<64xi32, #tpu.memory_space<vmem>>
      %dma_wait3A_853 = arith.constant 0 : i32
      %dma_wait3A_854 = arith.constant 0 : i32
      %dma_wait3A_855 = tpu.memref_slice %arg2[%dma_wait3A_853, %dma_wait3A_854] : memref<50000x512xf32, #tpu.memory_space<hbm>> -> memref<50000x512xf32, #tpu.memory_space<hbm>>
      tpu.wait_indirect_dma semaphore(%arg12 : memref<!tpu.dma_semaphore, #tpu.memory_space<semaphore_mem>>) src(%dma_wait3A_855 : memref<50000x512xf32, #tpu.memory_space<hbm>>) dst(%arg7 : memref<64x512xf32, #tpu.memory_space<vmem>>)
      %lt3A = arith.constant 64 : i32
      %lt3A_856 = arith.cmpi slt, %min3A, %lt3A : i32
      %convert_element_type3A_857 = arith.extui %lt3A_856 : i1 to i32
      %cond3A_858 = arith.constant 0 : i32
      %cond3A_859 = arith.cmpi ne, %convert_element_type3A_857, %cond3A_858 : i32
      scf.if %cond3A_859 {
        %mul3A_864 = arith.constant 32 : i32
        %mul3A_865 = arith.muli %min3A, %mul3A_864 : i32
        %while3A = arith.constant 2048 : i32
        %while3A_866 = arith.constant 0 : i32
        %while3A_867 = arith.subi %while3A, %mul3A_865 : i32
        %while3A_868 = arith.addi %mul3A_865, %while3A_867 : i32
        %while3A_869 = arith.constant 1 : i32
        %while3A_870 = arith.divsi %while3A_867, %while3A_869 : i32
        %while3A_871 = arith.muli %while3A_870, %while3A_869 : i32
        %while3A_872 = arith.addi %mul3A_865, %while3A_871 : i32
        %while3A_873 = arith.constant 1 : i32
        %while3A_874 = scf.for %while3A_877 = %mul3A_865 to %while3A_872 step %while3A_873 iter_args(%while3A_878 = %while3A_866) -> (i32)  : i32 {
          %shift_right_logical3A = arith.constant 5 : i32
          %shift_right_logical3A_879 = arith.shrui %while3A_877, %shift_right_logical3A : i32
          %and3A_880 = arith.constant 31 : i32
          %and3A_881 = arith.andi %while3A_877, %and3A_880 : i32
          %mul3A_882 = arith.constant 16 : i32
          %mul3A_883 = arith.muli %and3A_881, %mul3A_882 : i32
          %broadcast_in_dim3A = arith.constant 0.000000e+00 : f32
          %broadcast_in_dim3A_884 = vector.broadcast %broadcast_in_dim3A : f32 to vector<16xf32>
          %swap3A = arith.index_cast %shift_right_logical3A_879 : i32 to index
          %swap3A_885 = arith.index_cast %mul3A_883 : i32 to index
          %swap3A_886 = tpu.vector_load %arg7[%swap3A, %swap3A_885] {strides = array<i32>} : memref<64x512xf32, #tpu.memory_space<vmem>>, vector<1x16xf32>,
          %swap3A_887 = vector.shape_cast %swap3A_886 : vector<1x16xf32> to vector<16xf32>
          %swap3A_888 = vector.shape_cast %broadcast_in_dim3A_884 : vector<16xf32> to vector<1x16xf32>
          tpu.vector_store %arg7[%swap3A, %swap3A_885], %swap3A_888 {strides = array<i32>} : memref<64x512xf32, #tpu.memory_space<vmem>>, vector<1x16xf32>,
          %while3A_889 = arith.constant 0 : i32
          scf.yield %while3A_889 : i32
        }
        %while3A_875 = arith.constant 1 : i32
        %while3A_876 = scf.for %while3A_877 = %while3A_872 to %while3A_868 step %while3A_875 iter_args(%while3A_878 = %while3A_874) -> (i32)  : i32 {
          %shift_right_logical3A = arith.constant 5 : i32
          %shift_right_logical3A_879 = arith.shrui %while3A_877, %shift_right_logical3A : i32
          %and3A_880 = arith.constant 31 : i32
          %and3A_881 = arith.andi %while3A_877, %and3A_880 : i32
          %mul3A_882 = arith.constant 16 : i32
          %mul3A_883 = arith.muli %and3A_881, %mul3A_882 : i32
          %broadcast_in_dim3A = arith.constant 0.000000e+00 : f32
          %broadcast_in_dim3A_884 = vector.broadcast %broadcast_in_dim3A : f32 to vector<16xf32>
          %swap3A = arith.index_cast %shift_right_logical3A_879 : i32 to index
          %swap3A_885 = arith.index_cast %mul3A_883 : i32 to index
          %swap3A_886 = tpu.vector_load %arg7[%swap3A, %swap3A_885] {strides = array<i32>} : memref<64x512xf32, #tpu.memory_space<vmem>>, vector<1x16xf32>,
          %swap3A_887 = vector.shape_cast %swap3A_886 : vector<1x16xf32> to vector<16xf32>
          %swap3A_888 = vector.shape_cast %broadcast_in_dim3A_884 : vector<16xf32> to vector<1x16xf32>
          tpu.vector_store %arg7[%swap3A, %swap3A_885], %swap3A_888 {strides = array<i32>} : memref<64x512xf32, #tpu.memory_space<vmem>>, vector<1x16xf32>,
          %while3A_889 = arith.constant 0 : i32
          scf.yield %while3A_889 : i32
        }
      } else {
      }
      %dma_start3A_860 = arith.constant 0 : i32
      %dma_start3A_861 = tpu.memref_slice %arg5[%add3A_7, %dma_start3A_860] : memref<32768x512xf32, #tpu.memory_space<hbm>> -> memref<64x512xf32, #tpu.memory_space<hbm>>
      %dma_start3A_862 = arith.constant 0 : i32
      %dma_start3A_863 = tpu.memref_slice %arg5[%add3A_7, %dma_start3A_862] : memref<32768x512xf32, #tpu.memory_space<hbm>> -> memref<64x512xf32, #tpu.memory_space<hbm>>
      tpu.enqueue_dma source(%arg7 : memref<64x512xf32, #tpu.memory_space<vmem>>) target(%dma_start3A_863 : memref<64x512xf32, #tpu.memory_space<hbm>>) target_semaphore(%arg16 : memref<!tpu.dma_semaphore, #tpu.memory_space<semaphore_mem>>)
    } else {
    }
    %le3A = arith.constant 0 : i32
    %le3A_531 = arith.cmpi sle, %min3A, %le3A : i32
    %convert_element_type3A_532 = arith.extui %le3A_531 : i1 to i32
    %cond3A_533 = arith.constant 0 : i32
    %cond3A_534 = arith.cmpi ne, %convert_element_type3A_532, %cond3A_533 : i32
    scf.if %cond3A_534 {
      %dma_start3A_851 = arith.constant 0 : i32
      %dma_start3A_852 = tpu.memref_slice %arg5[%add3A_7, %dma_start3A_851] : memref<32768x512xf32, #tpu.memory_space<hbm>> -> memref<32x512xf32, #tpu.memory_space<hbm>>
      %dma_start3A_853 = arith.constant 0 : i32
      %dma_start3A_854 = tpu.memref_slice %arg5[%add3A_7, %dma_start3A_853] : memref<32768x512xf32, #tpu.memory_space<hbm>> -> memref<32x512xf32, #tpu.memory_space<hbm>>
      tpu.enqueue_dma source(%arg10 : memref<32x512xf32, #tpu.memory_space<vmem>>) target(%dma_start3A_854 : memref<32x512xf32, #tpu.memory_space<hbm>>) target_semaphore(%arg16 : memref<!tpu.dma_semaphore, #tpu.memory_space<semaphore_mem>>)
      %add3A_855 = arith.constant 32 : i32
      %add3A_856 = arith.addi %add3A_7, %add3A_855 : i32
      %dma_start3A_857 = arith.constant 0 : i32
      %dma_start3A_858 = tpu.memref_slice %arg5[%add3A_856, %dma_start3A_857] : memref<32768x512xf32, #tpu.memory_space<hbm>> -> memref<32x512xf32, #tpu.memory_space<hbm>>
      %dma_start3A_859 = arith.constant 0 : i32
      %dma_start3A_860 = tpu.memref_slice %arg5[%add3A_856, %dma_start3A_859] : memref<32768x512xf32, #tpu.memory_space<hbm>> -> memref<32x512xf32, #tpu.memory_space<hbm>>
      tpu.enqueue_dma source(%arg10 : memref<32x512xf32, #tpu.memory_space<vmem>>) target(%dma_start3A_860 : memref<32x512xf32, #tpu.memory_space<hbm>>) target_semaphore(%arg16 : memref<!tpu.dma_semaphore, #tpu.memory_space<semaphore_mem>>)
    } else {
    }
    %gt3A_535 = arith.constant 0 : i32
    %gt3A_536 = arith.cmpi sgt, %min3A_395, %gt3A_535 : i32
    %convert_element_type3A_537 = arith.extui %gt3A_536 : i1 to i32
    %cond3A_538 = arith.constant 0 : i32
    %cond3A_539 = arith.cmpi ne, %convert_element_type3A_537, %cond3A_538 : i32
    scf.if %cond3A_539 {
      %dma_start3A_851 = arith.constant 128 : i32
      %dma_start3A_852 = tpu.memref_slice %arg6[%dma_start3A_851] : memref<1024xi32, #tpu.memory_space<vmem>> -> memref<64xi32, #tpu.memory_space<vmem>>
      %dma_start3A_853 = arith.constant 0 : i32
      %dma_start3A_854 = arith.constant 0 : i32
      %dma_start3A_855 = tpu.memref_slice %arg2[%dma_start3A_853, %dma_start3A_854] : memref<50000x512xf32, #tpu.memory_space<hbm>> -> memref<50000x512xf32, #tpu.memory_space<hbm>>
      tpu.enqueue_indirect_dma source(%dma_start3A_855 : memref<50000x512xf32, #tpu.memory_space<hbm>>) target(%arg9 : memref<64x512xf32, #tpu.memory_space<vmem>>) offsets(%dma_start3A_852 : memref<64xi32, #tpu.memory_space<vmem>>) semaphore(%arg14 : memref<!tpu.dma_semaphore, #tpu.memory_space<semaphore_mem>>)
    } else {
    }
    %gt3A_540 = arith.constant 0 : i32
    %gt3A_541 = arith.cmpi sgt, %min3A_386, %gt3A_540 : i32
    %convert_element_type3A_542 = arith.extui %gt3A_541 : i1 to i32
    %cond3A_543 = arith.constant 0 : i32
    %cond3A_544 = arith.cmpi ne, %convert_element_type3A_542, %cond3A_543 : i32
    scf.if %cond3A_544 {
      %dma_wait3A_851 = arith.constant 64 : i32
      %dma_wait3A_852 = tpu.memref_slice %arg6[%dma_wait3A_851] : memref<1024xi32, #tpu.memory_space<vmem>> -> memref<64xi32, #tpu.memory_space<vmem>>
      %dma_wait3A_853 = arith.constant 0 : i32
      %dma_wait3A_854 = arith.constant 0 : i32
      %dma_wait3A_855 = tpu.memref_slice %arg2[%dma_wait3A_853, %dma_wait3A_854] : memref<50000x512xf32, #tpu.memory_space<hbm>> -> memref<50000x512xf32, #tpu.memory_space<hbm>>
      tpu.wait_indirect_dma semaphore(%arg13 : memref<!tpu.dma_semaphore, #tpu.memory_space<semaphore_mem>>) src(%dma_wait3A_855 : memref<50000x512xf32, #tpu.memory_space<hbm>>) dst(%arg8 : memref<64x512xf32, #tpu.memory_space<vmem>>)
      %lt3A = arith.constant 64 : i32
      %lt3A_856 = arith.cmpi slt, %min3A_386, %lt3A : i32
      %convert_element_type3A_857 = arith.extui %lt3A_856 : i1 to i32
      %cond3A_858 = arith.constant 0 : i32
      %cond3A_859 = arith.cmpi ne, %convert_element_type3A_857, %cond3A_858 : i32
      scf.if %cond3A_859 {
        %mul3A_864 = arith.constant 32 : i32
        %mul3A_865 = arith.muli %min3A_386, %mul3A_864 : i32
        %while3A = arith.constant 2048 : i32
        %while3A_866 = arith.constant 0 : i32
        %while3A_867 = arith.subi %while3A, %mul3A_865 : i32
        %while3A_868 = arith.addi %mul3A_865, %while3A_867 : i32
        %while3A_869 = arith.constant 1 : i32
        %while3A_870 = arith.divsi %while3A_867, %while3A_869 : i32
        %while3A_871 = arith.muli %while3A_870, %while3A_869 : i32
        %while3A_872 = arith.addi %mul3A_865, %while3A_871 : i32
        %while3A_873 = arith.constant 1 : i32
        %while3A_874 = scf.for %while3A_877 = %mul3A_865 to %while3A_872 step %while3A_873 iter_args(%while3A_878 = %while3A_866) -> (i32)  : i32 {
          %shift_right_logical3A = arith.constant 5 : i32
          %shift_right_logical3A_879 = arith.shrui %while3A_877, %shift_right_logical3A : i32
          %and3A_880 = arith.constant 31 : i32
          %and3A_881 = arith.andi %while3A_877, %and3A_880 : i32
          %mul3A_882 = arith.constant 16 : i32
          %mul3A_883 = arith.muli %and3A_881, %mul3A_882 : i32
          %broadcast_in_dim3A = arith.constant 0.000000e+00 : f32
          %broadcast_in_dim3A_884 = vector.broadcast %broadcast_in_dim3A : f32 to vector<16xf32>
          %swap3A = arith.index_cast %shift_right_logical3A_879 : i32 to index
          %swap3A_885 = arith.index_cast %mul3A_883 : i32 to index
          %swap3A_886 = tpu.vector_load %arg8[%swap3A, %swap3A_885] {strides = array<i32>} : memref<64x512xf32, #tpu.memory_space<vmem>>, vector<1x16xf32>,
          %swap3A_887 = vector.shape_cast %swap3A_886 : vector<1x16xf32> to vector<16xf32>
          %swap3A_888 = vector.shape_cast %broadcast_in_dim3A_884 : vector<16xf32> to vector<1x16xf32>
          tpu.vector_store %arg8[%swap3A, %swap3A_885], %swap3A_888 {strides = array<i32>} : memref<64x512xf32, #tpu.memory_space<vmem>>, vector<1x16xf32>,
          %while3A_889 = arith.constant 0 : i32
          scf.yield %while3A_889 : i32
        }
        %while3A_875 = arith.constant 1 : i32
        %while3A_876 = scf.for %while3A_877 = %while3A_872 to %while3A_868 step %while3A_875 iter_args(%while3A_878 = %while3A_874) -> (i32)  : i32 {
          %shift_right_logical3A = arith.constant 5 : i32
          %shift_right_logical3A_879 = arith.shrui %while3A_877, %shift_right_logical3A : i32
          %and3A_880 = arith.constant 31 : i32
          %and3A_881 = arith.andi %while3A_877, %and3A_880 : i32
          %mul3A_882 = arith.constant 16 : i32
          %mul3A_883 = arith.muli %and3A_881, %mul3A_882 : i32
          %broadcast_in_dim3A = arith.constant 0.000000e+00 : f32
          %broadcast_in_dim3A_884 = vector.broadcast %broadcast_in_dim3A : f32 to vector<16xf32>
          %swap3A = arith.index_cast %shift_right_logical3A_879 : i32 to index
          %swap3A_885 = arith.index_cast %mul3A_883 : i32 to index
          %swap3A_886 = tpu.vector_load %arg8[%swap3A, %swap3A_885] {strides = array<i32>} : memref<64x512xf32, #tpu.memory_space<vmem>>, vector<1x16xf32>,
          %swap3A_887 = vector.shape_cast %swap3A_886 : vector<1x16xf32> to vector<16xf32>
          %swap3A_888 = vector.shape_cast %broadcast_in_dim3A_884 : vector<16xf32> to vector<1x16xf32>
          tpu.vector_store %arg8[%swap3A, %swap3A_885], %swap3A_888 {strides = array<i32>} : memref<64x512xf32, #tpu.memory_space<vmem>>, vector<1x16xf32>,
          %while3A_889 = arith.constant 0 : i32
          scf.yield %while3A_889 : i32
        }
      } else {
      }
      %dma_start3A_860 = arith.constant 0 : i32
      %dma_start3A_861 = tpu.memref_slice %arg5[%add3A_15, %dma_start3A_860] : memref<32768x512xf32, #tpu.memory_space<hbm>> -> memref<64x512xf32, #tpu.memory_space<hbm>>
      %dma_start3A_862 = arith.constant 0 : i32
      %dma_start3A_863 = tpu.memref_slice %arg5[%add3A_15, %dma_start3A_862] : memref<32768x512xf32, #tpu.memory_space<hbm>> -> memref<64x512xf32, #tpu.memory_space<hbm>>
      tpu.enqueue_dma source(%arg8 : memref<64x512xf32, #tpu.memory_space<vmem>>) target(%dma_start3A_863 : memref<64x512xf32, #tpu.memory_space<hbm>>) target_semaphore(%arg17 : memref<!tpu.dma_semaphore, #tpu.memory_space<semaphore_mem>>)
    } else {
    }
    %le3A_545 = arith.constant 0 : i32
    %le3A_546 = arith.cmpi sle, %min3A_386, %le3A_545 : i32
    %convert_element_type3A_547 = arith.extui %le3A_546 : i1 to i32
    %cond3A_548 = arith.constant 0 : i32
    %cond3A_549 = arith.cmpi ne, %convert_element_type3A_547, %cond3A_548 : i32
    scf.if %cond3A_549 {
      %dma_start3A_851 = arith.constant 0 : i32
      %dma_start3A_852 = tpu.memref_slice %arg5[%add3A_15, %dma_start3A_851] : memref<32768x512xf32, #tpu.memory_space<hbm>> -> memref<32x512xf32, #tpu.memory_space<hbm>>
      %dma_start3A_853 = arith.constant 0 : i32
      %dma_start3A_854 = tpu.memref_slice %arg5[%add3A_15, %dma_start3A_853] : memref<32768x512xf32, #tpu.memory_space<hbm>> -> memref<32x512xf32, #tpu.memory_space<hbm>>
      tpu.enqueue_dma source(%arg10 : memref<32x512xf32, #tpu.memory_space<vmem>>) target(%dma_start3A_854 : memref<32x512xf32, #tpu.memory_space<hbm>>) target_semaphore(%arg17 : memref<!tpu.dma_semaphore, #tpu.memory_space<semaphore_mem>>)
      %add3A_855 = arith.constant 32 : i32
      %add3A_856 = arith.addi %add3A_15, %add3A_855 : i32
      %dma_start3A_857 = arith.constant 0 : i32
      %dma_start3A_858 = tpu.memref_slice %arg5[%add3A_856, %dma_start3A_857] : memref<32768x512xf32, #tpu.memory_space<hbm>> -> memref<32x512xf32, #tpu.memory_space<hbm>>
      %dma_start3A_859 = arith.constant 0 : i32
      %dma_start3A_860 = tpu.memref_slice %arg5[%add3A_856, %dma_start3A_859] : memref<32768x512xf32, #tpu.memory_space<hbm>> -> memref<32x512xf32, #tpu.memory_space<hbm>>
      tpu.enqueue_dma source(%arg10 : memref<32x512xf32, #tpu.memory_space<vmem>>) target(%dma_start3A_860 : memref<32x512xf32, #tpu.memory_space<hbm>>) target_semaphore(%arg17 : memref<!tpu.dma_semaphore, #tpu.memory_space<semaphore_mem>>)
    } else {
    }
    %dma_wait3A_550 = arith.constant 0 : i32
    %dma_wait3A_551 = arith.constant 0 : i32
    %dma_wait3A_552 = tpu.memref_slice %arg5[%dma_wait3A_550, %dma_wait3A_551] : memref<32768x512xf32, #tpu.memory_space<hbm>> -> memref<64x512xf32, #tpu.memory_space<hbm>>
    %dma_wait3A_553 = arith.constant 0 : i32
    %dma_wait3A_554 = arith.constant 0 : i32
    %dma_wait3A_555 = tpu.memref_slice %arg5[%dma_wait3A_553, %dma_wait3A_554] : memref<32768x512xf32, #tpu.memory_space<hbm>> -> memref<64x512xf32, #tpu.memory_space<hbm>>
    tpu.wait_dma2 semaphore(%arg16 : memref<!tpu.dma_semaphore, #tpu.memory_space<semaphore_mem>>) src(%arg7 : memref<64x512xf32, #tpu.memory_space<vmem>>) dst(%dma_wait3A_555 : memref<64x512xf32, #tpu.memory_space<hbm>>)
    %gt3A_556 = arith.constant 0 : i32
    %gt3A_557 = arith.cmpi sgt, %min3A_404, %gt3A_556 : i32
    %convert_element_type3A_558 = arith.extui %gt3A_557 : i1 to i32
    %cond3A_559 = arith.constant 0 : i32
    %cond3A_560 = arith.cmpi ne, %convert_element_type3A_558, %cond3A_559 : i32
    scf.if %cond3A_560 {
      %dma_start3A_851 = arith.constant 192 : i32
      %dma_start3A_852 = tpu.memref_slice %arg6[%dma_start3A_851] : memref<1024xi32, #tpu.memory_space<vmem>> -> memref<64xi32, #tpu.memory_space<vmem>>
      %dma_start3A_853 = arith.constant 0 : i32
      %dma_start3A_854 = arith.constant 0 : i32
      %dma_start3A_855 = tpu.memref_slice %arg2[%dma_start3A_853, %dma_start3A_854] : memref<50000x512xf32, #tpu.memory_space<hbm>> -> memref<50000x512xf32, #tpu.memory_space<hbm>>
      tpu.enqueue_indirect_dma source(%dma_start3A_855 : memref<50000x512xf32, #tpu.memory_space<hbm>>) target(%arg7 : memref<64x512xf32, #tpu.memory_space<vmem>>) offsets(%dma_start3A_852 : memref<64xi32, #tpu.memory_space<vmem>>) semaphore(%arg12 : memref<!tpu.dma_semaphore, #tpu.memory_space<semaphore_mem>>)
    } else {
    }
    %gt3A_561 = arith.constant 0 : i32
    %gt3A_562 = arith.cmpi sgt, %min3A_395, %gt3A_561 : i32
    %convert_element_type3A_563 = arith.extui %gt3A_562 : i1 to i32
    %cond3A_564 = arith.constant 0 : i32
    %cond3A_565 = arith.cmpi ne, %convert_element_type3A_563, %cond3A_564 : i32
    scf.if %cond3A_565 {
      %dma_wait3A_851 = arith.constant 128 : i32
      %dma_wait3A_852 = tpu.memref_slice %arg6[%dma_wait3A_851] : memref<1024xi32, #tpu.memory_space<vmem>> -> memref<64xi32, #tpu.memory_space<vmem>>
      %dma_wait3A_853 = arith.constant 0 : i32
      %dma_wait3A_854 = arith.constant 0 : i32
      %dma_wait3A_855 = tpu.memref_slice %arg2[%dma_wait3A_853, %dma_wait3A_854] : memref<50000x512xf32, #tpu.memory_space<hbm>> -> memref<50000x512xf32, #tpu.memory_space<hbm>>
      tpu.wait_indirect_dma semaphore(%arg14 : memref<!tpu.dma_semaphore, #tpu.memory_space<semaphore_mem>>) src(%dma_wait3A_855 : memref<50000x512xf32, #tpu.memory_space<hbm>>) dst(%arg9 : memref<64x512xf32, #tpu.memory_space<vmem>>)
      %lt3A = arith.constant 64 : i32
      %lt3A_856 = arith.cmpi slt, %min3A_395, %lt3A : i32
      %convert_element_type3A_857 = arith.extui %lt3A_856 : i1 to i32
      %cond3A_858 = arith.constant 0 : i32
      %cond3A_859 = arith.cmpi ne, %convert_element_type3A_857, %cond3A_858 : i32
      scf.if %cond3A_859 {
        %mul3A_864 = arith.constant 32 : i32
        %mul3A_865 = arith.muli %min3A_395, %mul3A_864 : i32
        %while3A = arith.constant 2048 : i32
        %while3A_866 = arith.constant 0 : i32
        %while3A_867 = arith.subi %while3A, %mul3A_865 : i32
        %while3A_868 = arith.addi %mul3A_865, %while3A_867 : i32
        %while3A_869 = arith.constant 1 : i32
        %while3A_870 = arith.divsi %while3A_867, %while3A_869 : i32
        %while3A_871 = arith.muli %while3A_870, %while3A_869 : i32
        %while3A_872 = arith.addi %mul3A_865, %while3A_871 : i32
        %while3A_873 = arith.constant 1 : i32
        %while3A_874 = scf.for %while3A_877 = %mul3A_865 to %while3A_872 step %while3A_873 iter_args(%while3A_878 = %while3A_866) -> (i32)  : i32 {
          %shift_right_logical3A = arith.constant 5 : i32
          %shift_right_logical3A_879 = arith.shrui %while3A_877, %shift_right_logical3A : i32
          %and3A_880 = arith.constant 31 : i32
          %and3A_881 = arith.andi %while3A_877, %and3A_880 : i32
          %mul3A_882 = arith.constant 16 : i32
          %mul3A_883 = arith.muli %and3A_881, %mul3A_882 : i32
          %broadcast_in_dim3A = arith.constant 0.000000e+00 : f32
          %broadcast_in_dim3A_884 = vector.broadcast %broadcast_in_dim3A : f32 to vector<16xf32>
          %swap3A = arith.index_cast %shift_right_logical3A_879 : i32 to index
          %swap3A_885 = arith.index_cast %mul3A_883 : i32 to index
          %swap3A_886 = tpu.vector_load %arg9[%swap3A, %swap3A_885] {strides = array<i32>} : memref<64x512xf32, #tpu.memory_space<vmem>>, vector<1x16xf32>,
          %swap3A_887 = vector.shape_cast %swap3A_886 : vector<1x16xf32> to vector<16xf32>
          %swap3A_888 = vector.shape_cast %broadcast_in_dim3A_884 : vector<16xf32> to vector<1x16xf32>
          tpu.vector_store %arg9[%swap3A, %swap3A_885], %swap3A_888 {strides = array<i32>} : memref<64x512xf32, #tpu.memory_space<vmem>>, vector<1x16xf32>,
          %while3A_889 = arith.constant 0 : i32
          scf.yield %while3A_889 : i32
        }
        %while3A_875 = arith.constant 1 : i32
        %while3A_876 = scf.for %while3A_877 = %while3A_872 to %while3A_868 step %while3A_875 iter_args(%while3A_878 = %while3A_874) -> (i32)  : i32 {
          %shift_right_logical3A = arith.constant 5 : i32
          %shift_right_logical3A_879 = arith.shrui %while3A_877, %shift_right_logical3A : i32
          %and3A_880 = arith.constant 31 : i32
          %and3A_881 = arith.andi %while3A_877, %and3A_880 : i32
          %mul3A_882 = arith.constant 16 : i32
          %mul3A_883 = arith.muli %and3A_881, %mul3A_882 : i32
          %broadcast_in_dim3A = arith.constant 0.000000e+00 : f32
          %broadcast_in_dim3A_884 = vector.broadcast %broadcast_in_dim3A : f32 to vector<16xf32>
          %swap3A = arith.index_cast %shift_right_logical3A_879 : i32 to index
          %swap3A_885 = arith.index_cast %mul3A_883 : i32 to index
          %swap3A_886 = tpu.vector_load %arg9[%swap3A, %swap3A_885] {strides = array<i32>} : memref<64x512xf32, #tpu.memory_space<vmem>>, vector<1x16xf32>,
          %swap3A_887 = vector.shape_cast %swap3A_886 : vector<1x16xf32> to vector<16xf32>
          %swap3A_888 = vector.shape_cast %broadcast_in_dim3A_884 : vector<16xf32> to vector<1x16xf32>
          tpu.vector_store %arg9[%swap3A, %swap3A_885], %swap3A_888 {strides = array<i32>} : memref<64x512xf32, #tpu.memory_space<vmem>>, vector<1x16xf32>,
          %while3A_889 = arith.constant 0 : i32
          scf.yield %while3A_889 : i32
        }
      } else {
      }
      %dma_start3A_860 = arith.constant 0 : i32
      %dma_start3A_861 = tpu.memref_slice %arg5[%add3A_23, %dma_start3A_860] : memref<32768x512xf32, #tpu.memory_space<hbm>> -> memref<64x512xf32, #tpu.memory_space<hbm>>
      %dma_start3A_862 = arith.constant 0 : i32
      %dma_start3A_863 = tpu.memref_slice %arg5[%add3A_23, %dma_start3A_862] : memref<32768x512xf32, #tpu.memory_space<hbm>> -> memref<64x512xf32, #tpu.memory_space<hbm>>
      tpu.enqueue_dma source(%arg9 : memref<64x512xf32, #tpu.memory_space<vmem>>) target(%dma_start3A_863 : memref<64x512xf32, #tpu.memory_space<hbm>>) target_semaphore(%arg18 : memref<!tpu.dma_semaphore, #tpu.memory_space<semaphore_mem>>)
    } else {
    }
    %le3A_566 = arith.constant 0 : i32
    %le3A_567 = arith.cmpi sle, %min3A_395, %le3A_566 : i32
    %convert_element_type3A_568 = arith.extui %le3A_567 : i1 to i32
    %cond3A_569 = arith.constant 0 : i32
    %cond3A_570 = arith.cmpi ne, %convert_element_type3A_568, %cond3A_569 : i32
    scf.if %cond3A_570 {
      %dma_start3A_851 = arith.constant 0 : i32
      %dma_start3A_852 = tpu.memref_slice %arg5[%add3A_23, %dma_start3A_851] : memref<32768x512xf32, #tpu.memory_space<hbm>> -> memref<32x512xf32, #tpu.memory_space<hbm>>
      %dma_start3A_853 = arith.constant 0 : i32
      %dma_start3A_854 = tpu.memref_slice %arg5[%add3A_23, %dma_start3A_853] : memref<32768x512xf32, #tpu.memory_space<hbm>> -> memref<32x512xf32, #tpu.memory_space<hbm>>
      tpu.enqueue_dma source(%arg10 : memref<32x512xf32, #tpu.memory_space<vmem>>) target(%dma_start3A_854 : memref<32x512xf32, #tpu.memory_space<hbm>>) target_semaphore(%arg18 : memref<!tpu.dma_semaphore, #tpu.memory_space<semaphore_mem>>)
      %add3A_855 = arith.constant 32 : i32
      %add3A_856 = arith.addi %add3A_23, %add3A_855 : i32
      %dma_start3A_857 = arith.constant 0 : i32
      %dma_start3A_858 = tpu.memref_slice %arg5[%add3A_856, %dma_start3A_857] : memref<32768x512xf32, #tpu.memory_space<hbm>> -> memref<32x512xf32, #tpu.memory_space<hbm>>
      %dma_start3A_859 = arith.constant 0 : i32
      %dma_start3A_860 = tpu.memref_slice %arg5[%add3A_856, %dma_start3A_859] : memref<32768x512xf32, #tpu.memory_space<hbm>> -> memref<32x512xf32, #tpu.memory_space<hbm>>
      tpu.enqueue_dma source(%arg10 : memref<32x512xf32, #tpu.memory_space<vmem>>) target(%dma_start3A_860 : memref<32x512xf32, #tpu.memory_space<hbm>>) target_semaphore(%arg18 : memref<!tpu.dma_semaphore, #tpu.memory_space<semaphore_mem>>)
    } else {
    }
    %dma_wait3A_571 = arith.constant 0 : i32
    %dma_wait3A_572 = arith.constant 0 : i32
    %dma_wait3A_573 = tpu.memref_slice %arg5[%dma_wait3A_571, %dma_wait3A_572] : memref<32768x512xf32, #tpu.memory_space<hbm>> -> memref<64x512xf32, #tpu.memory_space<hbm>>
    %dma_wait3A_574 = arith.constant 0 : i32
    %dma_wait3A_575 = arith.constant 0 : i32
    %dma_wait3A_576 = tpu.memref_slice %arg5[%dma_wait3A_574, %dma_wait3A_575] : memref<32768x512xf32, #tpu.memory_space<hbm>> -> memref<64x512xf32, #tpu.memory_space<hbm>>
    tpu.wait_dma2 semaphore(%arg17 : memref<!tpu.dma_semaphore, #tpu.memory_space<semaphore_mem>>) src(%arg8 : memref<64x512xf32, #tpu.memory_space<vmem>>) dst(%dma_wait3A_576 : memref<64x512xf32, #tpu.memory_space<hbm>>)
    %gt3A_577 = arith.constant 0 : i32
    %gt3A_578 = arith.cmpi sgt, %min3A_413, %gt3A_577 : i32
    %convert_element_type3A_579 = arith.extui %gt3A_578 : i1 to i32
    %cond3A_580 = arith.constant 0 : i32
    %cond3A_581 = arith.cmpi ne, %convert_element_type3A_579, %cond3A_580 : i32
    scf.if %cond3A_581 {
      %dma_start3A_851 = arith.constant 256 : i32
      %dma_start3A_852 = tpu.memref_slice %arg6[%dma_start3A_851] : memref<1024xi32, #tpu.memory_space<vmem>> -> memref<64xi32, #tpu.memory_space<vmem>>
      %dma_start3A_853 = arith.constant 0 : i32
      %dma_start3A_854 = arith.constant 0 : i32
      %dma_start3A_855 = tpu.memref_slice %arg2[%dma_start3A_853, %dma_start3A_854] : memref<50000x512xf32, #tpu.memory_space<hbm>> -> memref<50000x512xf32, #tpu.memory_space<hbm>>
      tpu.enqueue_indirect_dma source(%dma_start3A_855 : memref<50000x512xf32, #tpu.memory_space<hbm>>) target(%arg8 : memref<64x512xf32, #tpu.memory_space<vmem>>) offsets(%dma_start3A_852 : memref<64xi32, #tpu.memory_space<vmem>>) semaphore(%arg13 : memref<!tpu.dma_semaphore, #tpu.memory_space<semaphore_mem>>)
    } else {
    }
    %gt3A_582 = arith.constant 0 : i32
    %gt3A_583 = arith.cmpi sgt, %min3A_404, %gt3A_582 : i32
    %convert_element_type3A_584 = arith.extui %gt3A_583 : i1 to i32
    %cond3A_585 = arith.constant 0 : i32
    %cond3A_586 = arith.cmpi ne, %convert_element_type3A_584, %cond3A_585 : i32
    scf.if %cond3A_586 {
      %dma_wait3A_851 = arith.constant 192 : i32
      %dma_wait3A_852 = tpu.memref_slice %arg6[%dma_wait3A_851] : memref<1024xi32, #tpu.memory_space<vmem>> -> memref<64xi32, #tpu.memory_space<vmem>>
      %dma_wait3A_853 = arith.constant 0 : i32
      %dma_wait3A_854 = arith.constant 0 : i32
      %dma_wait3A_855 = tpu.memref_slice %arg2[%dma_wait3A_853, %dma_wait3A_854] : memref<50000x512xf32, #tpu.memory_space<hbm>> -> memref<50000x512xf32, #tpu.memory_space<hbm>>
      tpu.wait_indirect_dma semaphore(%arg12 : memref<!tpu.dma_semaphore, #tpu.memory_space<semaphore_mem>>) src(%dma_wait3A_855 : memref<50000x512xf32, #tpu.memory_space<hbm>>) dst(%arg7 : memref<64x512xf32, #tpu.memory_space<vmem>>)
      %lt3A = arith.constant 64 : i32
      %lt3A_856 = arith.cmpi slt, %min3A_404, %lt3A : i32
      %convert_element_type3A_857 = arith.extui %lt3A_856 : i1 to i32
      %cond3A_858 = arith.constant 0 : i32
      %cond3A_859 = arith.cmpi ne, %convert_element_type3A_857, %cond3A_858 : i32
      scf.if %cond3A_859 {
        %mul3A_864 = arith.constant 32 : i32
        %mul3A_865 = arith.muli %min3A_404, %mul3A_864 : i32
        %while3A = arith.constant 2048 : i32
        %while3A_866 = arith.constant 0 : i32
        %while3A_867 = arith.subi %while3A, %mul3A_865 : i32
        %while3A_868 = arith.addi %mul3A_865, %while3A_867 : i32
        %while3A_869 = arith.constant 1 : i32
        %while3A_870 = arith.divsi %while3A_867, %while3A_869 : i32
        %while3A_871 = arith.muli %while3A_870, %while3A_869 : i32
        %while3A_872 = arith.addi %mul3A_865, %while3A_871 : i32
        %while3A_873 = arith.constant 1 : i32
        %while3A_874 = scf.for %while3A_877 = %mul3A_865 to %while3A_872 step %while3A_873 iter_args(%while3A_878 = %while3A_866) -> (i32)  : i32 {
          %shift_right_logical3A = arith.constant 5 : i32
          %shift_right_logical3A_879 = arith.shrui %while3A_877, %shift_right_logical3A : i32
          %and3A_880 = arith.constant 31 : i32
          %and3A_881 = arith.andi %while3A_877, %and3A_880 : i32
          %mul3A_882 = arith.constant 16 : i32
          %mul3A_883 = arith.muli %and3A_881, %mul3A_882 : i32
          %broadcast_in_dim3A = arith.constant 0.000000e+00 : f32
          %broadcast_in_dim3A_884 = vector.broadcast %broadcast_in_dim3A : f32 to vector<16xf32>
          %swap3A = arith.index_cast %shift_right_logical3A_879 : i32 to index
          %swap3A_885 = arith.index_cast %mul3A_883 : i32 to index
          %swap3A_886 = tpu.vector_load %arg7[%swap3A, %swap3A_885] {strides = array<i32>} : memref<64x512xf32, #tpu.memory_space<vmem>>, vector<1x16xf32>,
          %swap3A_887 = vector.shape_cast %swap3A_886 : vector<1x16xf32> to vector<16xf32>
          %swap3A_888 = vector.shape_cast %broadcast_in_dim3A_884 : vector<16xf32> to vector<1x16xf32>
          tpu.vector_store %arg7[%swap3A, %swap3A_885], %swap3A_888 {strides = array<i32>} : memref<64x512xf32, #tpu.memory_space<vmem>>, vector<1x16xf32>,
          %while3A_889 = arith.constant 0 : i32
          scf.yield %while3A_889 : i32
        }
        %while3A_875 = arith.constant 1 : i32
        %while3A_876 = scf.for %while3A_877 = %while3A_872 to %while3A_868 step %while3A_875 iter_args(%while3A_878 = %while3A_874) -> (i32)  : i32 {
          %shift_right_logical3A = arith.constant 5 : i32
          %shift_right_logical3A_879 = arith.shrui %while3A_877, %shift_right_logical3A : i32
          %and3A_880 = arith.constant 31 : i32
          %and3A_881 = arith.andi %while3A_877, %and3A_880 : i32
          %mul3A_882 = arith.constant 16 : i32
          %mul3A_883 = arith.muli %and3A_881, %mul3A_882 : i32
          %broadcast_in_dim3A = arith.constant 0.000000e+00 : f32
          %broadcast_in_dim3A_884 = vector.broadcast %broadcast_in_dim3A : f32 to vector<16xf32>
          %swap3A = arith.index_cast %shift_right_logical3A_879 : i32 to index
          %swap3A_885 = arith.index_cast %mul3A_883 : i32 to index
          %swap3A_886 = tpu.vector_load %arg7[%swap3A, %swap3A_885] {strides = array<i32>} : memref<64x512xf32, #tpu.memory_space<vmem>>, vector<1x16xf32>,
          %swap3A_887 = vector.shape_cast %swap3A_886 : vector<1x16xf32> to vector<16xf32>
          %swap3A_888 = vector.shape_cast %broadcast_in_dim3A_884 : vector<16xf32> to vector<1x16xf32>
          tpu.vector_store %arg7[%swap3A, %swap3A_885], %swap3A_888 {strides = array<i32>} : memref<64x512xf32, #tpu.memory_space<vmem>>, vector<1x16xf32>,
          %while3A_889 = arith.constant 0 : i32
          scf.yield %while3A_889 : i32
        }
      } else {
      }
      %dma_start3A_860 = arith.constant 0 : i32
      %dma_start3A_861 = tpu.memref_slice %arg5[%add3A_31, %dma_start3A_860] : memref<32768x512xf32, #tpu.memory_space<hbm>> -> memref<64x512xf32, #tpu.memory_space<hbm>>
      %dma_start3A_862 = arith.constant 0 : i32
      %dma_start3A_863 = tpu.memref_slice %arg5[%add3A_31, %dma_start3A_862] : memref<32768x512xf32, #tpu.memory_space<hbm>> -> memref<64x512xf32, #tpu.memory_space<hbm>>
      tpu.enqueue_dma source(%arg7 : memref<64x512xf32, #tpu.memory_space<vmem>>) target(%dma_start3A_863 : memref<64x512xf32, #tpu.memory_space<hbm>>) target_semaphore(%arg16 : memref<!tpu.dma_semaphore, #tpu.memory_space<semaphore_mem>>)
    } else {
    }
    %le3A_587 = arith.constant 0 : i32
    %le3A_588 = arith.cmpi sle, %min3A_404, %le3A_587 : i32
    %convert_element_type3A_589 = arith.extui %le3A_588 : i1 to i32
    %cond3A_590 = arith.constant 0 : i32
    %cond3A_591 = arith.cmpi ne, %convert_element_type3A_589, %cond3A_590 : i32
    scf.if %cond3A_591 {
      %dma_start3A_851 = arith.constant 0 : i32
      %dma_start3A_852 = tpu.memref_slice %arg5[%add3A_31, %dma_start3A_851] : memref<32768x512xf32, #tpu.memory_space<hbm>> -> memref<32x512xf32, #tpu.memory_space<hbm>>
      %dma_start3A_853 = arith.constant 0 : i32
      %dma_start3A_854 = tpu.memref_slice %arg5[%add3A_31, %dma_start3A_853] : memref<32768x512xf32, #tpu.memory_space<hbm>> -> memref<32x512xf32, #tpu.memory_space<hbm>>
      tpu.enqueue_dma source(%arg10 : memref<32x512xf32, #tpu.memory_space<vmem>>) target(%dma_start3A_854 : memref<32x512xf32, #tpu.memory_space<hbm>>) target_semaphore(%arg16 : memref<!tpu.dma_semaphore, #tpu.memory_space<semaphore_mem>>)
      %add3A_855 = arith.constant 32 : i32
      %add3A_856 = arith.addi %add3A_31, %add3A_855 : i32
      %dma_start3A_857 = arith.constant 0 : i32
      %dma_start3A_858 = tpu.memref_slice %arg5[%add3A_856, %dma_start3A_857] : memref<32768x512xf32, #tpu.memory_space<hbm>> -> memref<32x512xf32, #tpu.memory_space<hbm>>
      %dma_start3A_859 = arith.constant 0 : i32
      %dma_start3A_860 = tpu.memref_slice %arg5[%add3A_856, %dma_start3A_859] : memref<32768x512xf32, #tpu.memory_space<hbm>> -> memref<32x512xf32, #tpu.memory_space<hbm>>
      tpu.enqueue_dma source(%arg10 : memref<32x512xf32, #tpu.memory_space<vmem>>) target(%dma_start3A_860 : memref<32x512xf32, #tpu.memory_space<hbm>>) target_semaphore(%arg16 : memref<!tpu.dma_semaphore, #tpu.memory_space<semaphore_mem>>)
    } else {
    }
    %dma_wait3A_592 = arith.constant 0 : i32
    %dma_wait3A_593 = arith.constant 0 : i32
    %dma_wait3A_594 = tpu.memref_slice %arg5[%dma_wait3A_592, %dma_wait3A_593] : memref<32768x512xf32, #tpu.memory_space<hbm>> -> memref<64x512xf32, #tpu.memory_space<hbm>>
    %dma_wait3A_595 = arith.constant 0 : i32
    %dma_wait3A_596 = arith.constant 0 : i32
    %dma_wait3A_597 = tpu.memref_slice %arg5[%dma_wait3A_595, %dma_wait3A_596] : memref<32768x512xf32, #tpu.memory_space<hbm>> -> memref<64x512xf32, #tpu.memory_space<hbm>>
    tpu.wait_dma2 semaphore(%arg18 : memref<!tpu.dma_semaphore, #tpu.memory_space<semaphore_mem>>) src(%arg9 : memref<64x512xf32, #tpu.memory_space<vmem>>) dst(%dma_wait3A_597 : memref<64x512xf32, #tpu.memory_space<hbm>>)
    %gt3A_598 = arith.constant 0 : i32
    %gt3A_599 = arith.cmpi sgt, %min3A_422, %gt3A_598 : i32
    %convert_element_type3A_600 = arith.extui %gt3A_599 : i1 to i32
    %cond3A_601 = arith.constant 0 : i32
    %cond3A_602 = arith.cmpi ne, %convert_element_type3A_600, %cond3A_601 : i32
    scf.if %cond3A_602 {
      %dma_start3A_851 = arith.constant 320 : i32
      %dma_start3A_852 = tpu.memref_slice %arg6[%dma_start3A_851] : memref<1024xi32, #tpu.memory_space<vmem>> -> memref<64xi32, #tpu.memory_space<vmem>>
      %dma_start3A_853 = arith.constant 0 : i32
      %dma_start3A_854 = arith.constant 0 : i32
      %dma_start3A_855 = tpu.memref_slice %arg2[%dma_start3A_853, %dma_start3A_854] : memref<50000x512xf32, #tpu.memory_space<hbm>> -> memref<50000x512xf32, #tpu.memory_space<hbm>>
      tpu.enqueue_indirect_dma source(%dma_start3A_855 : memref<50000x512xf32, #tpu.memory_space<hbm>>) target(%arg9 : memref<64x512xf32, #tpu.memory_space<vmem>>) offsets(%dma_start3A_852 : memref<64xi32, #tpu.memory_space<vmem>>) semaphore(%arg14 : memref<!tpu.dma_semaphore, #tpu.memory_space<semaphore_mem>>)
    } else {
    }
    %gt3A_603 = arith.constant 0 : i32
    %gt3A_604 = arith.cmpi sgt, %min3A_413, %gt3A_603 : i32
    %convert_element_type3A_605 = arith.extui %gt3A_604 : i1 to i32
    %cond3A_606 = arith.constant 0 : i32
    %cond3A_607 = arith.cmpi ne, %convert_element_type3A_605, %cond3A_606 : i32
    scf.if %cond3A_607 {
      %dma_wait3A_851 = arith.constant 256 : i32
      %dma_wait3A_852 = tpu.memref_slice %arg6[%dma_wait3A_851] : memref<1024xi32, #tpu.memory_space<vmem>> -> memref<64xi32, #tpu.memory_space<vmem>>
      %dma_wait3A_853 = arith.constant 0 : i32
      %dma_wait3A_854 = arith.constant 0 : i32
      %dma_wait3A_855 = tpu.memref_slice %arg2[%dma_wait3A_853, %dma_wait3A_854] : memref<50000x512xf32, #tpu.memory_space<hbm>> -> memref<50000x512xf32, #tpu.memory_space<hbm>>
      tpu.wait_indirect_dma semaphore(%arg13 : memref<!tpu.dma_semaphore, #tpu.memory_space<semaphore_mem>>) src(%dma_wait3A_855 : memref<50000x512xf32, #tpu.memory_space<hbm>>) dst(%arg8 : memref<64x512xf32, #tpu.memory_space<vmem>>)
      %lt3A = arith.constant 64 : i32
      %lt3A_856 = arith.cmpi slt, %min3A_413, %lt3A : i32
      %convert_element_type3A_857 = arith.extui %lt3A_856 : i1 to i32
      %cond3A_858 = arith.constant 0 : i32
      %cond3A_859 = arith.cmpi ne, %convert_element_type3A_857, %cond3A_858 : i32
      scf.if %cond3A_859 {
        %mul3A_864 = arith.constant 32 : i32
        %mul3A_865 = arith.muli %min3A_413, %mul3A_864 : i32
        %while3A = arith.constant 2048 : i32
        %while3A_866 = arith.constant 0 : i32
        %while3A_867 = arith.subi %while3A, %mul3A_865 : i32
        %while3A_868 = arith.addi %mul3A_865, %while3A_867 : i32
        %while3A_869 = arith.constant 1 : i32
        %while3A_870 = arith.divsi %while3A_867, %while3A_869 : i32
        %while3A_871 = arith.muli %while3A_870, %while3A_869 : i32
        %while3A_872 = arith.addi %mul3A_865, %while3A_871 : i32
        %while3A_873 = arith.constant 1 : i32
        %while3A_874 = scf.for %while3A_877 = %mul3A_865 to %while3A_872 step %while3A_873 iter_args(%while3A_878 = %while3A_866) -> (i32)  : i32 {
          %shift_right_logical3A = arith.constant 5 : i32
          %shift_right_logical3A_879 = arith.shrui %while3A_877, %shift_right_logical3A : i32
          %and3A_880 = arith.constant 31 : i32
          %and3A_881 = arith.andi %while3A_877, %and3A_880 : i32
          %mul3A_882 = arith.constant 16 : i32
          %mul3A_883 = arith.muli %and3A_881, %mul3A_882 : i32
          %broadcast_in_dim3A = arith.constant 0.000000e+00 : f32
          %broadcast_in_dim3A_884 = vector.broadcast %broadcast_in_dim3A : f32 to vector<16xf32>
          %swap3A = arith.index_cast %shift_right_logical3A_879 : i32 to index
          %swap3A_885 = arith.index_cast %mul3A_883 : i32 to index
          %swap3A_886 = tpu.vector_load %arg8[%swap3A, %swap3A_885] {strides = array<i32>} : memref<64x512xf32, #tpu.memory_space<vmem>>, vector<1x16xf32>,
          %swap3A_887 = vector.shape_cast %swap3A_886 : vector<1x16xf32> to vector<16xf32>
          %swap3A_888 = vector.shape_cast %broadcast_in_dim3A_884 : vector<16xf32> to vector<1x16xf32>
          tpu.vector_store %arg8[%swap3A, %swap3A_885], %swap3A_888 {strides = array<i32>} : memref<64x512xf32, #tpu.memory_space<vmem>>, vector<1x16xf32>,
          %while3A_889 = arith.constant 0 : i32
          scf.yield %while3A_889 : i32
        }
        %while3A_875 = arith.constant 1 : i32
        %while3A_876 = scf.for %while3A_877 = %while3A_872 to %while3A_868 step %while3A_875 iter_args(%while3A_878 = %while3A_874) -> (i32)  : i32 {
          %shift_right_logical3A = arith.constant 5 : i32
          %shift_right_logical3A_879 = arith.shrui %while3A_877, %shift_right_logical3A : i32
          %and3A_880 = arith.constant 31 : i32
          %and3A_881 = arith.andi %while3A_877, %and3A_880 : i32
          %mul3A_882 = arith.constant 16 : i32
          %mul3A_883 = arith.muli %and3A_881, %mul3A_882 : i32
          %broadcast_in_dim3A = arith.constant 0.000000e+00 : f32
          %broadcast_in_dim3A_884 = vector.broadcast %broadcast_in_dim3A : f32 to vector<16xf32>
          %swap3A = arith.index_cast %shift_right_logical3A_879 : i32 to index
          %swap3A_885 = arith.index_cast %mul3A_883 : i32 to index
          %swap3A_886 = tpu.vector_load %arg8[%swap3A, %swap3A_885] {strides = array<i32>} : memref<64x512xf32, #tpu.memory_space<vmem>>, vector<1x16xf32>,
          %swap3A_887 = vector.shape_cast %swap3A_886 : vector<1x16xf32> to vector<16xf32>
          %swap3A_888 = vector.shape_cast %broadcast_in_dim3A_884 : vector<16xf32> to vector<1x16xf32>
          tpu.vector_store %arg8[%swap3A, %swap3A_885], %swap3A_888 {strides = array<i32>} : memref<64x512xf32, #tpu.memory_space<vmem>>, vector<1x16xf32>,
          %while3A_889 = arith.constant 0 : i32
          scf.yield %while3A_889 : i32
        }
      } else {
      }
      %dma_start3A_860 = arith.constant 0 : i32
      %dma_start3A_861 = tpu.memref_slice %arg5[%add3A_39, %dma_start3A_860] : memref<32768x512xf32, #tpu.memory_space<hbm>> -> memref<64x512xf32, #tpu.memory_space<hbm>>
      %dma_start3A_862 = arith.constant 0 : i32
      %dma_start3A_863 = tpu.memref_slice %arg5[%add3A_39, %dma_start3A_862] : memref<32768x512xf32, #tpu.memory_space<hbm>> -> memref<64x512xf32, #tpu.memory_space<hbm>>
      tpu.enqueue_dma source(%arg8 : memref<64x512xf32, #tpu.memory_space<vmem>>) target(%dma_start3A_863 : memref<64x512xf32, #tpu.memory_space<hbm>>) target_semaphore(%arg17 : memref<!tpu.dma_semaphore, #tpu.memory_space<semaphore_mem>>)
    } else {
    }
    %le3A_608 = arith.constant 0 : i32
    %le3A_609 = arith.cmpi sle, %min3A_413, %le3A_608 : i32
    %convert_element_type3A_610 = arith.extui %le3A_609 : i1 to i32
    %cond3A_611 = arith.constant 0 : i32
    %cond3A_612 = arith.cmpi ne, %convert_element_type3A_610, %cond3A_611 : i32
    scf.if %cond3A_612 {
      %dma_start3A_851 = arith.constant 0 : i32
      %dma_start3A_852 = tpu.memref_slice %arg5[%add3A_39, %dma_start3A_851] : memref<32768x512xf32, #tpu.memory_space<hbm>> -> memref<32x512xf32, #tpu.memory_space<hbm>>
      %dma_start3A_853 = arith.constant 0 : i32
      %dma_start3A_854 = tpu.memref_slice %arg5[%add3A_39, %dma_start3A_853] : memref<32768x512xf32, #tpu.memory_space<hbm>> -> memref<32x512xf32, #tpu.memory_space<hbm>>
      tpu.enqueue_dma source(%arg10 : memref<32x512xf32, #tpu.memory_space<vmem>>) target(%dma_start3A_854 : memref<32x512xf32, #tpu.memory_space<hbm>>) target_semaphore(%arg17 : memref<!tpu.dma_semaphore, #tpu.memory_space<semaphore_mem>>)
      %add3A_855 = arith.constant 32 : i32
      %add3A_856 = arith.addi %add3A_39, %add3A_855 : i32
      %dma_start3A_857 = arith.constant 0 : i32
      %dma_start3A_858 = tpu.memref_slice %arg5[%add3A_856, %dma_start3A_857] : memref<32768x512xf32, #tpu.memory_space<hbm>> -> memref<32x512xf32, #tpu.memory_space<hbm>>
      %dma_start3A_859 = arith.constant 0 : i32
      %dma_start3A_860 = tpu.memref_slice %arg5[%add3A_856, %dma_start3A_859] : memref<32768x512xf32, #tpu.memory_space<hbm>> -> memref<32x512xf32, #tpu.memory_space<hbm>>
      tpu.enqueue_dma source(%arg10 : memref<32x512xf32, #tpu.memory_space<vmem>>) target(%dma_start3A_860 : memref<32x512xf32, #tpu.memory_space<hbm>>) target_semaphore(%arg17 : memref<!tpu.dma_semaphore, #tpu.memory_space<semaphore_mem>>)
    } else {
    }
    %dma_wait3A_613 = arith.constant 0 : i32
    %dma_wait3A_614 = arith.constant 0 : i32
    %dma_wait3A_615 = tpu.memref_slice %arg5[%dma_wait3A_613, %dma_wait3A_614] : memref<32768x512xf32, #tpu.memory_space<hbm>> -> memref<64x512xf32, #tpu.memory_space<hbm>>
    %dma_wait3A_616 = arith.constant 0 : i32
    %dma_wait3A_617 = arith.constant 0 : i32
    %dma_wait3A_618 = tpu.memref_slice %arg5[%dma_wait3A_616, %dma_wait3A_617] : memref<32768x512xf32, #tpu.memory_space<hbm>> -> memref<64x512xf32, #tpu.memory_space<hbm>>
    tpu.wait_dma2 semaphore(%arg16 : memref<!tpu.dma_semaphore, #tpu.memory_space<semaphore_mem>>) src(%arg7 : memref<64x512xf32, #tpu.memory_space<vmem>>) dst(%dma_wait3A_618 : memref<64x512xf32, #tpu.memory_space<hbm>>)
    %gt3A_619 = arith.constant 0 : i32
    %gt3A_620 = arith.cmpi sgt, %min3A_431, %gt3A_619 : i32
    %convert_element_type3A_621 = arith.extui %gt3A_620 : i1 to i32
    %cond3A_622 = arith.constant 0 : i32
    %cond3A_623 = arith.cmpi ne, %convert_element_type3A_621, %cond3A_622 : i32
    scf.if %cond3A_623 {
      %dma_start3A_851 = arith.constant 384 : i32
      %dma_start3A_852 = tpu.memref_slice %arg6[%dma_start3A_851] : memref<1024xi32, #tpu.memory_space<vmem>> -> memref<64xi32, #tpu.memory_space<vmem>>
      %dma_start3A_853 = arith.constant 0 : i32
      %dma_start3A_854 = arith.constant 0 : i32
      %dma_start3A_855 = tpu.memref_slice %arg2[%dma_start3A_853, %dma_start3A_854] : memref<50000x512xf32, #tpu.memory_space<hbm>> -> memref<50000x512xf32, #tpu.memory_space<hbm>>
      tpu.enqueue_indirect_dma source(%dma_start3A_855 : memref<50000x512xf32, #tpu.memory_space<hbm>>) target(%arg7 : memref<64x512xf32, #tpu.memory_space<vmem>>) offsets(%dma_start3A_852 : memref<64xi32, #tpu.memory_space<vmem>>) semaphore(%arg12 : memref<!tpu.dma_semaphore, #tpu.memory_space<semaphore_mem>>)
    } else {
    }
    %gt3A_624 = arith.constant 0 : i32
    %gt3A_625 = arith.cmpi sgt, %min3A_422, %gt3A_624 : i32
    %convert_element_type3A_626 = arith.extui %gt3A_625 : i1 to i32
    %cond3A_627 = arith.constant 0 : i32
    %cond3A_628 = arith.cmpi ne, %convert_element_type3A_626, %cond3A_627 : i32
    scf.if %cond3A_628 {
      %dma_wait3A_851 = arith.constant 320 : i32
      %dma_wait3A_852 = tpu.memref_slice %arg6[%dma_wait3A_851] : memref<1024xi32, #tpu.memory_space<vmem>> -> memref<64xi32, #tpu.memory_space<vmem>>
      %dma_wait3A_853 = arith.constant 0 : i32
      %dma_wait3A_854 = arith.constant 0 : i32
      %dma_wait3A_855 = tpu.memref_slice %arg2[%dma_wait3A_853, %dma_wait3A_854] : memref<50000x512xf32, #tpu.memory_space<hbm>> -> memref<50000x512xf32, #tpu.memory_space<hbm>>
      tpu.wait_indirect_dma semaphore(%arg14 : memref<!tpu.dma_semaphore, #tpu.memory_space<semaphore_mem>>) src(%dma_wait3A_855 : memref<50000x512xf32, #tpu.memory_space<hbm>>) dst(%arg9 : memref<64x512xf32, #tpu.memory_space<vmem>>)
      %lt3A = arith.constant 64 : i32
      %lt3A_856 = arith.cmpi slt, %min3A_422, %lt3A : i32
      %convert_element_type3A_857 = arith.extui %lt3A_856 : i1 to i32
      %cond3A_858 = arith.constant 0 : i32
      %cond3A_859 = arith.cmpi ne, %convert_element_type3A_857, %cond3A_858 : i32
      scf.if %cond3A_859 {
        %mul3A_864 = arith.constant 32 : i32
        %mul3A_865 = arith.muli %min3A_422, %mul3A_864 : i32
        %while3A = arith.constant 2048 : i32
        %while3A_866 = arith.constant 0 : i32
        %while3A_867 = arith.subi %while3A, %mul3A_865 : i32
        %while3A_868 = arith.addi %mul3A_865, %while3A_867 : i32
        %while3A_869 = arith.constant 1 : i32
        %while3A_870 = arith.divsi %while3A_867, %while3A_869 : i32
        %while3A_871 = arith.muli %while3A_870, %while3A_869 : i32
        %while3A_872 = arith.addi %mul3A_865, %while3A_871 : i32
        %while3A_873 = arith.constant 1 : i32
        %while3A_874 = scf.for %while3A_877 = %mul3A_865 to %while3A_872 step %while3A_873 iter_args(%while3A_878 = %while3A_866) -> (i32)  : i32 {
          %shift_right_logical3A = arith.constant 5 : i32
          %shift_right_logical3A_879 = arith.shrui %while3A_877, %shift_right_logical3A : i32
          %and3A_880 = arith.constant 31 : i32
          %and3A_881 = arith.andi %while3A_877, %and3A_880 : i32
          %mul3A_882 = arith.constant 16 : i32
          %mul3A_883 = arith.muli %and3A_881, %mul3A_882 : i32
          %broadcast_in_dim3A = arith.constant 0.000000e+00 : f32
          %broadcast_in_dim3A_884 = vector.broadcast %broadcast_in_dim3A : f32 to vector<16xf32>
          %swap3A = arith.index_cast %shift_right_logical3A_879 : i32 to index
          %swap3A_885 = arith.index_cast %mul3A_883 : i32 to index
          %swap3A_886 = tpu.vector_load %arg9[%swap3A, %swap3A_885] {strides = array<i32>} : memref<64x512xf32, #tpu.memory_space<vmem>>, vector<1x16xf32>,
          %swap3A_887 = vector.shape_cast %swap3A_886 : vector<1x16xf32> to vector<16xf32>
          %swap3A_888 = vector.shape_cast %broadcast_in_dim3A_884 : vector<16xf32> to vector<1x16xf32>
          tpu.vector_store %arg9[%swap3A, %swap3A_885], %swap3A_888 {strides = array<i32>} : memref<64x512xf32, #tpu.memory_space<vmem>>, vector<1x16xf32>,
          %while3A_889 = arith.constant 0 : i32
          scf.yield %while3A_889 : i32
        }
        %while3A_875 = arith.constant 1 : i32
        %while3A_876 = scf.for %while3A_877 = %while3A_872 to %while3A_868 step %while3A_875 iter_args(%while3A_878 = %while3A_874) -> (i32)  : i32 {
          %shift_right_logical3A = arith.constant 5 : i32
          %shift_right_logical3A_879 = arith.shrui %while3A_877, %shift_right_logical3A : i32
          %and3A_880 = arith.constant 31 : i32
          %and3A_881 = arith.andi %while3A_877, %and3A_880 : i32
          %mul3A_882 = arith.constant 16 : i32
          %mul3A_883 = arith.muli %and3A_881, %mul3A_882 : i32
          %broadcast_in_dim3A = arith.constant 0.000000e+00 : f32
          %broadcast_in_dim3A_884 = vector.broadcast %broadcast_in_dim3A : f32 to vector<16xf32>
          %swap3A = arith.index_cast %shift_right_logical3A_879 : i32 to index
          %swap3A_885 = arith.index_cast %mul3A_883 : i32 to index
          %swap3A_886 = tpu.vector_load %arg9[%swap3A, %swap3A_885] {strides = array<i32>} : memref<64x512xf32, #tpu.memory_space<vmem>>, vector<1x16xf32>,
          %swap3A_887 = vector.shape_cast %swap3A_886 : vector<1x16xf32> to vector<16xf32>
          %swap3A_888 = vector.shape_cast %broadcast_in_dim3A_884 : vector<16xf32> to vector<1x16xf32>
          tpu.vector_store %arg9[%swap3A, %swap3A_885], %swap3A_888 {strides = array<i32>} : memref<64x512xf32, #tpu.memory_space<vmem>>, vector<1x16xf32>,
          %while3A_889 = arith.constant 0 : i32
          scf.yield %while3A_889 : i32
        }
      } else {
      }
      %dma_start3A_860 = arith.constant 0 : i32
      %dma_start3A_861 = tpu.memref_slice %arg5[%add3A_47, %dma_start3A_860] : memref<32768x512xf32, #tpu.memory_space<hbm>> -> memref<64x512xf32, #tpu.memory_space<hbm>>
      %dma_start3A_862 = arith.constant 0 : i32
      %dma_start3A_863 = tpu.memref_slice %arg5[%add3A_47, %dma_start3A_862] : memref<32768x512xf32, #tpu.memory_space<hbm>> -> memref<64x512xf32, #tpu.memory_space<hbm>>
      tpu.enqueue_dma source(%arg9 : memref<64x512xf32, #tpu.memory_space<vmem>>) target(%dma_start3A_863 : memref<64x512xf32, #tpu.memory_space<hbm>>) target_semaphore(%arg18 : memref<!tpu.dma_semaphore, #tpu.memory_space<semaphore_mem>>)
    } else {
    }
    %le3A_629 = arith.constant 0 : i32
    %le3A_630 = arith.cmpi sle, %min3A_422, %le3A_629 : i32
    %convert_element_type3A_631 = arith.extui %le3A_630 : i1 to i32
    %cond3A_632 = arith.constant 0 : i32
    %cond3A_633 = arith.cmpi ne, %convert_element_type3A_631, %cond3A_632 : i32
    scf.if %cond3A_633 {
      %dma_start3A_851 = arith.constant 0 : i32
      %dma_start3A_852 = tpu.memref_slice %arg5[%add3A_47, %dma_start3A_851] : memref<32768x512xf32, #tpu.memory_space<hbm>> -> memref<32x512xf32, #tpu.memory_space<hbm>>
      %dma_start3A_853 = arith.constant 0 : i32
      %dma_start3A_854 = tpu.memref_slice %arg5[%add3A_47, %dma_start3A_853] : memref<32768x512xf32, #tpu.memory_space<hbm>> -> memref<32x512xf32, #tpu.memory_space<hbm>>
      tpu.enqueue_dma source(%arg10 : memref<32x512xf32, #tpu.memory_space<vmem>>) target(%dma_start3A_854 : memref<32x512xf32, #tpu.memory_space<hbm>>) target_semaphore(%arg18 : memref<!tpu.dma_semaphore, #tpu.memory_space<semaphore_mem>>)
      %add3A_855 = arith.constant 32 : i32
      %add3A_856 = arith.addi %add3A_47, %add3A_855 : i32
      %dma_start3A_857 = arith.constant 0 : i32
      %dma_start3A_858 = tpu.memref_slice %arg5[%add3A_856, %dma_start3A_857] : memref<32768x512xf32, #tpu.memory_space<hbm>> -> memref<32x512xf32, #tpu.memory_space<hbm>>
      %dma_start3A_859 = arith.constant 0 : i32
      %dma_start3A_860 = tpu.memref_slice %arg5[%add3A_856, %dma_start3A_859] : memref<32768x512xf32, #tpu.memory_space<hbm>> -> memref<32x512xf32, #tpu.memory_space<hbm>>
      tpu.enqueue_dma source(%arg10 : memref<32x512xf32, #tpu.memory_space<vmem>>) target(%dma_start3A_860 : memref<32x512xf32, #tpu.memory_space<hbm>>) target_semaphore(%arg18 : memref<!tpu.dma_semaphore, #tpu.memory_space<semaphore_mem>>)
    } else {
    }
    %dma_wait3A_634 = arith.constant 0 : i32
    %dma_wait3A_635 = arith.constant 0 : i32
    %dma_wait3A_636 = tpu.memref_slice %arg5[%dma_wait3A_634, %dma_wait3A_635] : memref<32768x512xf32, #tpu.memory_space<hbm>> -> memref<64x512xf32, #tpu.memory_space<hbm>>
    %dma_wait3A_637 = arith.constant 0 : i32
    %dma_wait3A_638 = arith.constant 0 : i32
    %dma_wait3A_639 = tpu.memref_slice %arg5[%dma_wait3A_637, %dma_wait3A_638] : memref<32768x512xf32, #tpu.memory_space<hbm>> -> memref<64x512xf32, #tpu.memory_space<hbm>>
    tpu.wait_dma2 semaphore(%arg17 : memref<!tpu.dma_semaphore, #tpu.memory_space<semaphore_mem>>) src(%arg8 : memref<64x512xf32, #tpu.memory_space<vmem>>) dst(%dma_wait3A_639 : memref<64x512xf32, #tpu.memory_space<hbm>>)
    %gt3A_640 = arith.constant 0 : i32
    %gt3A_641 = arith.cmpi sgt, %min3A_440, %gt3A_640 : i32
    %convert_element_type3A_642 = arith.extui %gt3A_641 : i1 to i32
    %cond3A_643 = arith.constant 0 : i32
    %cond3A_644 = arith.cmpi ne, %convert_element_type3A_642, %cond3A_643 : i32
    scf.if %cond3A_644 {
      %dma_start3A_851 = arith.constant 448 : i32
      %dma_start3A_852 = tpu.memref_slice %arg6[%dma_start3A_851] : memref<1024xi32, #tpu.memory_space<vmem>> -> memref<64xi32, #tpu.memory_space<vmem>>
      %dma_start3A_853 = arith.constant 0 : i32
      %dma_start3A_854 = arith.constant 0 : i32
      %dma_start3A_855 = tpu.memref_slice %arg2[%dma_start3A_853, %dma_start3A_854] : memref<50000x512xf32, #tpu.memory_space<hbm>> -> memref<50000x512xf32, #tpu.memory_space<hbm>>
      tpu.enqueue_indirect_dma source(%dma_start3A_855 : memref<50000x512xf32, #tpu.memory_space<hbm>>) target(%arg8 : memref<64x512xf32, #tpu.memory_space<vmem>>) offsets(%dma_start3A_852 : memref<64xi32, #tpu.memory_space<vmem>>) semaphore(%arg13 : memref<!tpu.dma_semaphore, #tpu.memory_space<semaphore_mem>>)
    } else {
    }
    %gt3A_645 = arith.constant 0 : i32
    %gt3A_646 = arith.cmpi sgt, %min3A_431, %gt3A_645 : i32
    %convert_element_type3A_647 = arith.extui %gt3A_646 : i1 to i32
    %cond3A_648 = arith.constant 0 : i32
    %cond3A_649 = arith.cmpi ne, %convert_element_type3A_647, %cond3A_648 : i32
    scf.if %cond3A_649 {
      %dma_wait3A_851 = arith.constant 384 : i32
      %dma_wait3A_852 = tpu.memref_slice %arg6[%dma_wait3A_851] : memref<1024xi32, #tpu.memory_space<vmem>> -> memref<64xi32, #tpu.memory_space<vmem>>
      %dma_wait3A_853 = arith.constant 0 : i32
      %dma_wait3A_854 = arith.constant 0 : i32
      %dma_wait3A_855 = tpu.memref_slice %arg2[%dma_wait3A_853, %dma_wait3A_854] : memref<50000x512xf32, #tpu.memory_space<hbm>> -> memref<50000x512xf32, #tpu.memory_space<hbm>>
      tpu.wait_indirect_dma semaphore(%arg12 : memref<!tpu.dma_semaphore, #tpu.memory_space<semaphore_mem>>) src(%dma_wait3A_855 : memref<50000x512xf32, #tpu.memory_space<hbm>>) dst(%arg7 : memref<64x512xf32, #tpu.memory_space<vmem>>)
      %lt3A = arith.constant 64 : i32
      %lt3A_856 = arith.cmpi slt, %min3A_431, %lt3A : i32
      %convert_element_type3A_857 = arith.extui %lt3A_856 : i1 to i32
      %cond3A_858 = arith.constant 0 : i32
      %cond3A_859 = arith.cmpi ne, %convert_element_type3A_857, %cond3A_858 : i32
      scf.if %cond3A_859 {
        %mul3A_864 = arith.constant 32 : i32
        %mul3A_865 = arith.muli %min3A_431, %mul3A_864 : i32
        %while3A = arith.constant 2048 : i32
        %while3A_866 = arith.constant 0 : i32
        %while3A_867 = arith.subi %while3A, %mul3A_865 : i32
        %while3A_868 = arith.addi %mul3A_865, %while3A_867 : i32
        %while3A_869 = arith.constant 1 : i32
        %while3A_870 = arith.divsi %while3A_867, %while3A_869 : i32
        %while3A_871 = arith.muli %while3A_870, %while3A_869 : i32
        %while3A_872 = arith.addi %mul3A_865, %while3A_871 : i32
        %while3A_873 = arith.constant 1 : i32
        %while3A_874 = scf.for %while3A_877 = %mul3A_865 to %while3A_872 step %while3A_873 iter_args(%while3A_878 = %while3A_866) -> (i32)  : i32 {
          %shift_right_logical3A = arith.constant 5 : i32
          %shift_right_logical3A_879 = arith.shrui %while3A_877, %shift_right_logical3A : i32
          %and3A_880 = arith.constant 31 : i32
          %and3A_881 = arith.andi %while3A_877, %and3A_880 : i32
          %mul3A_882 = arith.constant 16 : i32
          %mul3A_883 = arith.muli %and3A_881, %mul3A_882 : i32
          %broadcast_in_dim3A = arith.constant 0.000000e+00 : f32
          %broadcast_in_dim3A_884 = vector.broadcast %broadcast_in_dim3A : f32 to vector<16xf32>
          %swap3A = arith.index_cast %shift_right_logical3A_879 : i32 to index
          %swap3A_885 = arith.index_cast %mul3A_883 : i32 to index
          %swap3A_886 = tpu.vector_load %arg7[%swap3A, %swap3A_885] {strides = array<i32>} : memref<64x512xf32, #tpu.memory_space<vmem>>, vector<1x16xf32>,
          %swap3A_887 = vector.shape_cast %swap3A_886 : vector<1x16xf32> to vector<16xf32>
          %swap3A_888 = vector.shape_cast %broadcast_in_dim3A_884 : vector<16xf32> to vector<1x16xf32>
          tpu.vector_store %arg7[%swap3A, %swap3A_885], %swap3A_888 {strides = array<i32>} : memref<64x512xf32, #tpu.memory_space<vmem>>, vector<1x16xf32>,
          %while3A_889 = arith.constant 0 : i32
          scf.yield %while3A_889 : i32
        }
        %while3A_875 = arith.constant 1 : i32
        %while3A_876 = scf.for %while3A_877 = %while3A_872 to %while3A_868 step %while3A_875 iter_args(%while3A_878 = %while3A_874) -> (i32)  : i32 {
          %shift_right_logical3A = arith.constant 5 : i32
          %shift_right_logical3A_879 = arith.shrui %while3A_877, %shift_right_logical3A : i32
          %and3A_880 = arith.constant 31 : i32
          %and3A_881 = arith.andi %while3A_877, %and3A_880 : i32
          %mul3A_882 = arith.constant 16 : i32
          %mul3A_883 = arith.muli %and3A_881, %mul3A_882 : i32
          %broadcast_in_dim3A = arith.constant 0.000000e+00 : f32
          %broadcast_in_dim3A_884 = vector.broadcast %broadcast_in_dim3A : f32 to vector<16xf32>
          %swap3A = arith.index_cast %shift_right_logical3A_879 : i32 to index
          %swap3A_885 = arith.index_cast %mul3A_883 : i32 to index
          %swap3A_886 = tpu.vector_load %arg7[%swap3A, %swap3A_885] {strides = array<i32>} : memref<64x512xf32, #tpu.memory_space<vmem>>, vector<1x16xf32>,
          %swap3A_887 = vector.shape_cast %swap3A_886 : vector<1x16xf32> to vector<16xf32>
          %swap3A_888 = vector.shape_cast %broadcast_in_dim3A_884 : vector<16xf32> to vector<1x16xf32>
          tpu.vector_store %arg7[%swap3A, %swap3A_885], %swap3A_888 {strides = array<i32>} : memref<64x512xf32, #tpu.memory_space<vmem>>, vector<1x16xf32>,
          %while3A_889 = arith.constant 0 : i32
          scf.yield %while3A_889 : i32
        }
      } else {
      }
      %dma_start3A_860 = arith.constant 0 : i32
      %dma_start3A_861 = tpu.memref_slice %arg5[%add3A_55, %dma_start3A_860] : memref<32768x512xf32, #tpu.memory_space<hbm>> -> memref<64x512xf32, #tpu.memory_space<hbm>>
      %dma_start3A_862 = arith.constant 0 : i32
      %dma_start3A_863 = tpu.memref_slice %arg5[%add3A_55, %dma_start3A_862] : memref<32768x512xf32, #tpu.memory_space<hbm>> -> memref<64x512xf32, #tpu.memory_space<hbm>>
      tpu.enqueue_dma source(%arg7 : memref<64x512xf32, #tpu.memory_space<vmem>>) target(%dma_start3A_863 : memref<64x512xf32, #tpu.memory_space<hbm>>) target_semaphore(%arg16 : memref<!tpu.dma_semaphore, #tpu.memory_space<semaphore_mem>>)
    } else {
    }
    %le3A_650 = arith.constant 0 : i32
    %le3A_651 = arith.cmpi sle, %min3A_431, %le3A_650 : i32
    %convert_element_type3A_652 = arith.extui %le3A_651 : i1 to i32
    %cond3A_653 = arith.constant 0 : i32
    %cond3A_654 = arith.cmpi ne, %convert_element_type3A_652, %cond3A_653 : i32
    scf.if %cond3A_654 {
      %dma_start3A_851 = arith.constant 0 : i32
      %dma_start3A_852 = tpu.memref_slice %arg5[%add3A_55, %dma_start3A_851] : memref<32768x512xf32, #tpu.memory_space<hbm>> -> memref<32x512xf32, #tpu.memory_space<hbm>>
      %dma_start3A_853 = arith.constant 0 : i32
      %dma_start3A_854 = tpu.memref_slice %arg5[%add3A_55, %dma_start3A_853] : memref<32768x512xf32, #tpu.memory_space<hbm>> -> memref<32x512xf32, #tpu.memory_space<hbm>>
      tpu.enqueue_dma source(%arg10 : memref<32x512xf32, #tpu.memory_space<vmem>>) target(%dma_start3A_854 : memref<32x512xf32, #tpu.memory_space<hbm>>) target_semaphore(%arg16 : memref<!tpu.dma_semaphore, #tpu.memory_space<semaphore_mem>>)
      %add3A_855 = arith.constant 32 : i32
      %add3A_856 = arith.addi %add3A_55, %add3A_855 : i32
      %dma_start3A_857 = arith.constant 0 : i32
      %dma_start3A_858 = tpu.memref_slice %arg5[%add3A_856, %dma_start3A_857] : memref<32768x512xf32, #tpu.memory_space<hbm>> -> memref<32x512xf32, #tpu.memory_space<hbm>>
      %dma_start3A_859 = arith.constant 0 : i32
      %dma_start3A_860 = tpu.memref_slice %arg5[%add3A_856, %dma_start3A_859] : memref<32768x512xf32, #tpu.memory_space<hbm>> -> memref<32x512xf32, #tpu.memory_space<hbm>>
      tpu.enqueue_dma source(%arg10 : memref<32x512xf32, #tpu.memory_space<vmem>>) target(%dma_start3A_860 : memref<32x512xf32, #tpu.memory_space<hbm>>) target_semaphore(%arg16 : memref<!tpu.dma_semaphore, #tpu.memory_space<semaphore_mem>>)
    } else {
    }
    %dma_wait3A_655 = arith.constant 0 : i32
    %dma_wait3A_656 = arith.constant 0 : i32
    %dma_wait3A_657 = tpu.memref_slice %arg5[%dma_wait3A_655, %dma_wait3A_656] : memref<32768x512xf32, #tpu.memory_space<hbm>> -> memref<64x512xf32, #tpu.memory_space<hbm>>
    %dma_wait3A_658 = arith.constant 0 : i32
    %dma_wait3A_659 = arith.constant 0 : i32
    %dma_wait3A_660 = tpu.memref_slice %arg5[%dma_wait3A_658, %dma_wait3A_659] : memref<32768x512xf32, #tpu.memory_space<hbm>> -> memref<64x512xf32, #tpu.memory_space<hbm>>
    tpu.wait_dma2 semaphore(%arg18 : memref<!tpu.dma_semaphore, #tpu.memory_space<semaphore_mem>>) src(%arg9 : memref<64x512xf32, #tpu.memory_space<vmem>>) dst(%dma_wait3A_660 : memref<64x512xf32, #tpu.memory_space<hbm>>)
    %gt3A_661 = arith.constant 0 : i32
    %gt3A_662 = arith.cmpi sgt, %min3A_449, %gt3A_661 : i32
    %convert_element_type3A_663 = arith.extui %gt3A_662 : i1 to i32
    %cond3A_664 = arith.constant 0 : i32
    %cond3A_665 = arith.cmpi ne, %convert_element_type3A_663, %cond3A_664 : i32
    scf.if %cond3A_665 {
      %dma_start3A_851 = arith.constant 512 : i32
      %dma_start3A_852 = tpu.memref_slice %arg6[%dma_start3A_851] : memref<1024xi32, #tpu.memory_space<vmem>> -> memref<64xi32, #tpu.memory_space<vmem>>
      %dma_start3A_853 = arith.constant 0 : i32
      %dma_start3A_854 = arith.constant 0 : i32
      %dma_start3A_855 = tpu.memref_slice %arg2[%dma_start3A_853, %dma_start3A_854] : memref<50000x512xf32, #tpu.memory_space<hbm>> -> memref<50000x512xf32, #tpu.memory_space<hbm>>
      tpu.enqueue_indirect_dma source(%dma_start3A_855 : memref<50000x512xf32, #tpu.memory_space<hbm>>) target(%arg9 : memref<64x512xf32, #tpu.memory_space<vmem>>) offsets(%dma_start3A_852 : memref<64xi32, #tpu.memory_space<vmem>>) semaphore(%arg14 : memref<!tpu.dma_semaphore, #tpu.memory_space<semaphore_mem>>)
    } else {
    }
    %gt3A_666 = arith.constant 0 : i32
    %gt3A_667 = arith.cmpi sgt, %min3A_440, %gt3A_666 : i32
    %convert_element_type3A_668 = arith.extui %gt3A_667 : i1 to i32
    %cond3A_669 = arith.constant 0 : i32
    %cond3A_670 = arith.cmpi ne, %convert_element_type3A_668, %cond3A_669 : i32
    scf.if %cond3A_670 {
      %dma_wait3A_851 = arith.constant 448 : i32
      %dma_wait3A_852 = tpu.memref_slice %arg6[%dma_wait3A_851] : memref<1024xi32, #tpu.memory_space<vmem>> -> memref<64xi32, #tpu.memory_space<vmem>>
      %dma_wait3A_853 = arith.constant 0 : i32
      %dma_wait3A_854 = arith.constant 0 : i32
      %dma_wait3A_855 = tpu.memref_slice %arg2[%dma_wait3A_853, %dma_wait3A_854] : memref<50000x512xf32, #tpu.memory_space<hbm>> -> memref<50000x512xf32, #tpu.memory_space<hbm>>
      tpu.wait_indirect_dma semaphore(%arg13 : memref<!tpu.dma_semaphore, #tpu.memory_space<semaphore_mem>>) src(%dma_wait3A_855 : memref<50000x512xf32, #tpu.memory_space<hbm>>) dst(%arg8 : memref<64x512xf32, #tpu.memory_space<vmem>>)
      %lt3A = arith.constant 64 : i32
      %lt3A_856 = arith.cmpi slt, %min3A_440, %lt3A : i32
      %convert_element_type3A_857 = arith.extui %lt3A_856 : i1 to i32
      %cond3A_858 = arith.constant 0 : i32
      %cond3A_859 = arith.cmpi ne, %convert_element_type3A_857, %cond3A_858 : i32
      scf.if %cond3A_859 {
        %mul3A_864 = arith.constant 32 : i32
        %mul3A_865 = arith.muli %min3A_440, %mul3A_864 : i32
        %while3A = arith.constant 2048 : i32
        %while3A_866 = arith.constant 0 : i32
        %while3A_867 = arith.subi %while3A, %mul3A_865 : i32
        %while3A_868 = arith.addi %mul3A_865, %while3A_867 : i32
        %while3A_869 = arith.constant 1 : i32
        %while3A_870 = arith.divsi %while3A_867, %while3A_869 : i32
        %while3A_871 = arith.muli %while3A_870, %while3A_869 : i32
        %while3A_872 = arith.addi %mul3A_865, %while3A_871 : i32
        %while3A_873 = arith.constant 1 : i32
        %while3A_874 = scf.for %while3A_877 = %mul3A_865 to %while3A_872 step %while3A_873 iter_args(%while3A_878 = %while3A_866) -> (i32)  : i32 {
          %shift_right_logical3A = arith.constant 5 : i32
          %shift_right_logical3A_879 = arith.shrui %while3A_877, %shift_right_logical3A : i32
          %and3A_880 = arith.constant 31 : i32
          %and3A_881 = arith.andi %while3A_877, %and3A_880 : i32
          %mul3A_882 = arith.constant 16 : i32
          %mul3A_883 = arith.muli %and3A_881, %mul3A_882 : i32
          %broadcast_in_dim3A = arith.constant 0.000000e+00 : f32
          %broadcast_in_dim3A_884 = vector.broadcast %broadcast_in_dim3A : f32 to vector<16xf32>
          %swap3A = arith.index_cast %shift_right_logical3A_879 : i32 to index
          %swap3A_885 = arith.index_cast %mul3A_883 : i32 to index
          %swap3A_886 = tpu.vector_load %arg8[%swap3A, %swap3A_885] {strides = array<i32>} : memref<64x512xf32, #tpu.memory_space<vmem>>, vector<1x16xf32>,
          %swap3A_887 = vector.shape_cast %swap3A_886 : vector<1x16xf32> to vector<16xf32>
          %swap3A_888 = vector.shape_cast %broadcast_in_dim3A_884 : vector<16xf32> to vector<1x16xf32>
          tpu.vector_store %arg8[%swap3A, %swap3A_885], %swap3A_888 {strides = array<i32>} : memref<64x512xf32, #tpu.memory_space<vmem>>, vector<1x16xf32>,
          %while3A_889 = arith.constant 0 : i32
          scf.yield %while3A_889 : i32
        }
        %while3A_875 = arith.constant 1 : i32
        %while3A_876 = scf.for %while3A_877 = %while3A_872 to %while3A_868 step %while3A_875 iter_args(%while3A_878 = %while3A_874) -> (i32)  : i32 {
          %shift_right_logical3A = arith.constant 5 : i32
          %shift_right_logical3A_879 = arith.shrui %while3A_877, %shift_right_logical3A : i32
          %and3A_880 = arith.constant 31 : i32
          %and3A_881 = arith.andi %while3A_877, %and3A_880 : i32
          %mul3A_882 = arith.constant 16 : i32
          %mul3A_883 = arith.muli %and3A_881, %mul3A_882 : i32
          %broadcast_in_dim3A = arith.constant 0.000000e+00 : f32
          %broadcast_in_dim3A_884 = vector.broadcast %broadcast_in_dim3A : f32 to vector<16xf32>
          %swap3A = arith.index_cast %shift_right_logical3A_879 : i32 to index
          %swap3A_885 = arith.index_cast %mul3A_883 : i32 to index
          %swap3A_886 = tpu.vector_load %arg8[%swap3A, %swap3A_885] {strides = array<i32>} : memref<64x512xf32, #tpu.memory_space<vmem>>, vector<1x16xf32>,
          %swap3A_887 = vector.shape_cast %swap3A_886 : vector<1x16xf32> to vector<16xf32>
          %swap3A_888 = vector.shape_cast %broadcast_in_dim3A_884 : vector<16xf32> to vector<1x16xf32>
          tpu.vector_store %arg8[%swap3A, %swap3A_885], %swap3A_888 {strides = array<i32>} : memref<64x512xf32, #tpu.memory_space<vmem>>, vector<1x16xf32>,
          %while3A_889 = arith.constant 0 : i32
          scf.yield %while3A_889 : i32
        }
      } else {
      }
      %dma_start3A_860 = arith.constant 0 : i32
      %dma_start3A_861 = tpu.memref_slice %arg5[%add3A_63, %dma_start3A_860] : memref<32768x512xf32, #tpu.memory_space<hbm>> -> memref<64x512xf32, #tpu.memory_space<hbm>>
      %dma_start3A_862 = arith.constant 0 : i32
      %dma_start3A_863 = tpu.memref_slice %arg5[%add3A_63, %dma_start3A_862] : memref<32768x512xf32, #tpu.memory_space<hbm>> -> memref<64x512xf32, #tpu.memory_space<hbm>>
      tpu.enqueue_dma source(%arg8 : memref<64x512xf32, #tpu.memory_space<vmem>>) target(%dma_start3A_863 : memref<64x512xf32, #tpu.memory_space<hbm>>) target_semaphore(%arg17 : memref<!tpu.dma_semaphore, #tpu.memory_space<semaphore_mem>>)
    } else {
    }
    %le3A_671 = arith.constant 0 : i32
    %le3A_672 = arith.cmpi sle, %min3A_440, %le3A_671 : i32
    %convert_element_type3A_673 = arith.extui %le3A_672 : i1 to i32
    %cond3A_674 = arith.constant 0 : i32
    %cond3A_675 = arith.cmpi ne, %convert_element_type3A_673, %cond3A_674 : i32
    scf.if %cond3A_675 {
      %dma_start3A_851 = arith.constant 0 : i32
      %dma_start3A_852 = tpu.memref_slice %arg5[%add3A_63, %dma_start3A_851] : memref<32768x512xf32, #tpu.memory_space<hbm>> -> memref<32x512xf32, #tpu.memory_space<hbm>>
      %dma_start3A_853 = arith.constant 0 : i32
      %dma_start3A_854 = tpu.memref_slice %arg5[%add3A_63, %dma_start3A_853] : memref<32768x512xf32, #tpu.memory_space<hbm>> -> memref<32x512xf32, #tpu.memory_space<hbm>>
      tpu.enqueue_dma source(%arg10 : memref<32x512xf32, #tpu.memory_space<vmem>>) target(%dma_start3A_854 : memref<32x512xf32, #tpu.memory_space<hbm>>) target_semaphore(%arg17 : memref<!tpu.dma_semaphore, #tpu.memory_space<semaphore_mem>>)
      %add3A_855 = arith.constant 32 : i32
      %add3A_856 = arith.addi %add3A_63, %add3A_855 : i32
      %dma_start3A_857 = arith.constant 0 : i32
      %dma_start3A_858 = tpu.memref_slice %arg5[%add3A_856, %dma_start3A_857] : memref<32768x512xf32, #tpu.memory_space<hbm>> -> memref<32x512xf32, #tpu.memory_space<hbm>>
      %dma_start3A_859 = arith.constant 0 : i32
      %dma_start3A_860 = tpu.memref_slice %arg5[%add3A_856, %dma_start3A_859] : memref<32768x512xf32, #tpu.memory_space<hbm>> -> memref<32x512xf32, #tpu.memory_space<hbm>>
      tpu.enqueue_dma source(%arg10 : memref<32x512xf32, #tpu.memory_space<vmem>>) target(%dma_start3A_860 : memref<32x512xf32, #tpu.memory_space<hbm>>) target_semaphore(%arg17 : memref<!tpu.dma_semaphore, #tpu.memory_space<semaphore_mem>>)
    } else {
    }
    %dma_wait3A_676 = arith.constant 0 : i32
    %dma_wait3A_677 = arith.constant 0 : i32
    %dma_wait3A_678 = tpu.memref_slice %arg5[%dma_wait3A_676, %dma_wait3A_677] : memref<32768x512xf32, #tpu.memory_space<hbm>> -> memref<64x512xf32, #tpu.memory_space<hbm>>
    %dma_wait3A_679 = arith.constant 0 : i32
    %dma_wait3A_680 = arith.constant 0 : i32
    %dma_wait3A_681 = tpu.memref_slice %arg5[%dma_wait3A_679, %dma_wait3A_680] : memref<32768x512xf32, #tpu.memory_space<hbm>> -> memref<64x512xf32, #tpu.memory_space<hbm>>
    tpu.wait_dma2 semaphore(%arg16 : memref<!tpu.dma_semaphore, #tpu.memory_space<semaphore_mem>>) src(%arg7 : memref<64x512xf32, #tpu.memory_space<vmem>>) dst(%dma_wait3A_681 : memref<64x512xf32, #tpu.memory_space<hbm>>)
    %gt3A_682 = arith.constant 0 : i32
    %gt3A_683 = arith.cmpi sgt, %min3A_458, %gt3A_682 : i32
    %convert_element_type3A_684 = arith.extui %gt3A_683 : i1 to i32
    %cond3A_685 = arith.constant 0 : i32
    %cond3A_686 = arith.cmpi ne, %convert_element_type3A_684, %cond3A_685 : i32
    scf.if %cond3A_686 {
      %dma_start3A_851 = arith.constant 576 : i32
      %dma_start3A_852 = tpu.memref_slice %arg6[%dma_start3A_851] : memref<1024xi32, #tpu.memory_space<vmem>> -> memref<64xi32, #tpu.memory_space<vmem>>
      %dma_start3A_853 = arith.constant 0 : i32
      %dma_start3A_854 = arith.constant 0 : i32
      %dma_start3A_855 = tpu.memref_slice %arg2[%dma_start3A_853, %dma_start3A_854] : memref<50000x512xf32, #tpu.memory_space<hbm>> -> memref<50000x512xf32, #tpu.memory_space<hbm>>
      tpu.enqueue_indirect_dma source(%dma_start3A_855 : memref<50000x512xf32, #tpu.memory_space<hbm>>) target(%arg7 : memref<64x512xf32, #tpu.memory_space<vmem>>) offsets(%dma_start3A_852 : memref<64xi32, #tpu.memory_space<vmem>>) semaphore(%arg12 : memref<!tpu.dma_semaphore, #tpu.memory_space<semaphore_mem>>)
    } else {
    }
    %gt3A_687 = arith.constant 0 : i32
    %gt3A_688 = arith.cmpi sgt, %min3A_449, %gt3A_687 : i32
    %convert_element_type3A_689 = arith.extui %gt3A_688 : i1 to i32
    %cond3A_690 = arith.constant 0 : i32
    %cond3A_691 = arith.cmpi ne, %convert_element_type3A_689, %cond3A_690 : i32
    scf.if %cond3A_691 {
      %dma_wait3A_851 = arith.constant 512 : i32
      %dma_wait3A_852 = tpu.memref_slice %arg6[%dma_wait3A_851] : memref<1024xi32, #tpu.memory_space<vmem>> -> memref<64xi32, #tpu.memory_space<vmem>>
      %dma_wait3A_853 = arith.constant 0 : i32
      %dma_wait3A_854 = arith.constant 0 : i32
      %dma_wait3A_855 = tpu.memref_slice %arg2[%dma_wait3A_853, %dma_wait3A_854] : memref<50000x512xf32, #tpu.memory_space<hbm>> -> memref<50000x512xf32, #tpu.memory_space<hbm>>
      tpu.wait_indirect_dma semaphore(%arg14 : memref<!tpu.dma_semaphore, #tpu.memory_space<semaphore_mem>>) src(%dma_wait3A_855 : memref<50000x512xf32, #tpu.memory_space<hbm>>) dst(%arg9 : memref<64x512xf32, #tpu.memory_space<vmem>>)
      %lt3A = arith.constant 64 : i32
      %lt3A_856 = arith.cmpi slt, %min3A_449, %lt3A : i32
      %convert_element_type3A_857 = arith.extui %lt3A_856 : i1 to i32
      %cond3A_858 = arith.constant 0 : i32
      %cond3A_859 = arith.cmpi ne, %convert_element_type3A_857, %cond3A_858 : i32
      scf.if %cond3A_859 {
        %mul3A_864 = arith.constant 32 : i32
        %mul3A_865 = arith.muli %min3A_449, %mul3A_864 : i32
        %while3A = arith.constant 2048 : i32
        %while3A_866 = arith.constant 0 : i32
        %while3A_867 = arith.subi %while3A, %mul3A_865 : i32
        %while3A_868 = arith.addi %mul3A_865, %while3A_867 : i32
        %while3A_869 = arith.constant 1 : i32
        %while3A_870 = arith.divsi %while3A_867, %while3A_869 : i32
        %while3A_871 = arith.muli %while3A_870, %while3A_869 : i32
        %while3A_872 = arith.addi %mul3A_865, %while3A_871 : i32
        %while3A_873 = arith.constant 1 : i32
        %while3A_874 = scf.for %while3A_877 = %mul3A_865 to %while3A_872 step %while3A_873 iter_args(%while3A_878 = %while3A_866) -> (i32)  : i32 {
          %shift_right_logical3A = arith.constant 5 : i32
          %shift_right_logical3A_879 = arith.shrui %while3A_877, %shift_right_logical3A : i32
          %and3A_880 = arith.constant 31 : i32
          %and3A_881 = arith.andi %while3A_877, %and3A_880 : i32
          %mul3A_882 = arith.constant 16 : i32
          %mul3A_883 = arith.muli %and3A_881, %mul3A_882 : i32
          %broadcast_in_dim3A = arith.constant 0.000000e+00 : f32
          %broadcast_in_dim3A_884 = vector.broadcast %broadcast_in_dim3A : f32 to vector<16xf32>
          %swap3A = arith.index_cast %shift_right_logical3A_879 : i32 to index
          %swap3A_885 = arith.index_cast %mul3A_883 : i32 to index
          %swap3A_886 = tpu.vector_load %arg9[%swap3A, %swap3A_885] {strides = array<i32>} : memref<64x512xf32, #tpu.memory_space<vmem>>, vector<1x16xf32>,
          %swap3A_887 = vector.shape_cast %swap3A_886 : vector<1x16xf32> to vector<16xf32>
          %swap3A_888 = vector.shape_cast %broadcast_in_dim3A_884 : vector<16xf32> to vector<1x16xf32>
          tpu.vector_store %arg9[%swap3A, %swap3A_885], %swap3A_888 {strides = array<i32>} : memref<64x512xf32, #tpu.memory_space<vmem>>, vector<1x16xf32>,
          %while3A_889 = arith.constant 0 : i32
          scf.yield %while3A_889 : i32
        }
        %while3A_875 = arith.constant 1 : i32
        %while3A_876 = scf.for %while3A_877 = %while3A_872 to %while3A_868 step %while3A_875 iter_args(%while3A_878 = %while3A_874) -> (i32)  : i32 {
          %shift_right_logical3A = arith.constant 5 : i32
          %shift_right_logical3A_879 = arith.shrui %while3A_877, %shift_right_logical3A : i32
          %and3A_880 = arith.constant 31 : i32
          %and3A_881 = arith.andi %while3A_877, %and3A_880 : i32
          %mul3A_882 = arith.constant 16 : i32
          %mul3A_883 = arith.muli %and3A_881, %mul3A_882 : i32
          %broadcast_in_dim3A = arith.constant 0.000000e+00 : f32
          %broadcast_in_dim3A_884 = vector.broadcast %broadcast_in_dim3A : f32 to vector<16xf32>
          %swap3A = arith.index_cast %shift_right_logical3A_879 : i32 to index
          %swap3A_885 = arith.index_cast %mul3A_883 : i32 to index
          %swap3A_886 = tpu.vector_load %arg9[%swap3A, %swap3A_885] {strides = array<i32>} : memref<64x512xf32, #tpu.memory_space<vmem>>, vector<1x16xf32>,
          %swap3A_887 = vector.shape_cast %swap3A_886 : vector<1x16xf32> to vector<16xf32>
          %swap3A_888 = vector.shape_cast %broadcast_in_dim3A_884 : vector<16xf32> to vector<1x16xf32>
          tpu.vector_store %arg9[%swap3A, %swap3A_885], %swap3A_888 {strides = array<i32>} : memref<64x512xf32, #tpu.memory_space<vmem>>, vector<1x16xf32>,
          %while3A_889 = arith.constant 0 : i32
          scf.yield %while3A_889 : i32
        }
      } else {
      }
      %dma_start3A_860 = arith.constant 0 : i32
      %dma_start3A_861 = tpu.memref_slice %arg5[%add3A_71, %dma_start3A_860] : memref<32768x512xf32, #tpu.memory_space<hbm>> -> memref<64x512xf32, #tpu.memory_space<hbm>>
      %dma_start3A_862 = arith.constant 0 : i32
      %dma_start3A_863 = tpu.memref_slice %arg5[%add3A_71, %dma_start3A_862] : memref<32768x512xf32, #tpu.memory_space<hbm>> -> memref<64x512xf32, #tpu.memory_space<hbm>>
      tpu.enqueue_dma source(%arg9 : memref<64x512xf32, #tpu.memory_space<vmem>>) target(%dma_start3A_863 : memref<64x512xf32, #tpu.memory_space<hbm>>) target_semaphore(%arg18 : memref<!tpu.dma_semaphore, #tpu.memory_space<semaphore_mem>>)
    } else {
    }
    %le3A_692 = arith.constant 0 : i32
    %le3A_693 = arith.cmpi sle, %min3A_449, %le3A_692 : i32
    %convert_element_type3A_694 = arith.extui %le3A_693 : i1 to i32
    %cond3A_695 = arith.constant 0 : i32
    %cond3A_696 = arith.cmpi ne, %convert_element_type3A_694, %cond3A_695 : i32
    scf.if %cond3A_696 {
      %dma_start3A_851 = arith.constant 0 : i32
      %dma_start3A_852 = tpu.memref_slice %arg5[%add3A_71, %dma_start3A_851] : memref<32768x512xf32, #tpu.memory_space<hbm>> -> memref<32x512xf32, #tpu.memory_space<hbm>>
      %dma_start3A_853 = arith.constant 0 : i32
      %dma_start3A_854 = tpu.memref_slice %arg5[%add3A_71, %dma_start3A_853] : memref<32768x512xf32, #tpu.memory_space<hbm>> -> memref<32x512xf32, #tpu.memory_space<hbm>>
      tpu.enqueue_dma source(%arg10 : memref<32x512xf32, #tpu.memory_space<vmem>>) target(%dma_start3A_854 : memref<32x512xf32, #tpu.memory_space<hbm>>) target_semaphore(%arg18 : memref<!tpu.dma_semaphore, #tpu.memory_space<semaphore_mem>>)
      %add3A_855 = arith.constant 32 : i32
      %add3A_856 = arith.addi %add3A_71, %add3A_855 : i32
      %dma_start3A_857 = arith.constant 0 : i32
      %dma_start3A_858 = tpu.memref_slice %arg5[%add3A_856, %dma_start3A_857] : memref<32768x512xf32, #tpu.memory_space<hbm>> -> memref<32x512xf32, #tpu.memory_space<hbm>>
      %dma_start3A_859 = arith.constant 0 : i32
      %dma_start3A_860 = tpu.memref_slice %arg5[%add3A_856, %dma_start3A_859] : memref<32768x512xf32, #tpu.memory_space<hbm>> -> memref<32x512xf32, #tpu.memory_space<hbm>>
      tpu.enqueue_dma source(%arg10 : memref<32x512xf32, #tpu.memory_space<vmem>>) target(%dma_start3A_860 : memref<32x512xf32, #tpu.memory_space<hbm>>) target_semaphore(%arg18 : memref<!tpu.dma_semaphore, #tpu.memory_space<semaphore_mem>>)
    } else {
    }
    %dma_wait3A_697 = arith.constant 0 : i32
    %dma_wait3A_698 = arith.constant 0 : i32
    %dma_wait3A_699 = tpu.memref_slice %arg5[%dma_wait3A_697, %dma_wait3A_698] : memref<32768x512xf32, #tpu.memory_space<hbm>> -> memref<64x512xf32, #tpu.memory_space<hbm>>
    %dma_wait3A_700 = arith.constant 0 : i32
    %dma_wait3A_701 = arith.constant 0 : i32
    %dma_wait3A_702 = tpu.memref_slice %arg5[%dma_wait3A_700, %dma_wait3A_701] : memref<32768x512xf32, #tpu.memory_space<hbm>> -> memref<64x512xf32, #tpu.memory_space<hbm>>
    tpu.wait_dma2 semaphore(%arg17 : memref<!tpu.dma_semaphore, #tpu.memory_space<semaphore_mem>>) src(%arg8 : memref<64x512xf32, #tpu.memory_space<vmem>>) dst(%dma_wait3A_702 : memref<64x512xf32, #tpu.memory_space<hbm>>)
    %gt3A_703 = arith.constant 0 : i32
    %gt3A_704 = arith.cmpi sgt, %min3A_467, %gt3A_703 : i32
    %convert_element_type3A_705 = arith.extui %gt3A_704 : i1 to i32
    %cond3A_706 = arith.constant 0 : i32
    %cond3A_707 = arith.cmpi ne, %convert_element_type3A_705, %cond3A_706 : i32
    scf.if %cond3A_707 {
      %dma_start3A_851 = arith.constant 640 : i32
      %dma_start3A_852 = tpu.memref_slice %arg6[%dma_start3A_851] : memref<1024xi32, #tpu.memory_space<vmem>> -> memref<64xi32, #tpu.memory_space<vmem>>
      %dma_start3A_853 = arith.constant 0 : i32
      %dma_start3A_854 = arith.constant 0 : i32
      %dma_start3A_855 = tpu.memref_slice %arg2[%dma_start3A_853, %dma_start3A_854] : memref<50000x512xf32, #tpu.memory_space<hbm>> -> memref<50000x512xf32, #tpu.memory_space<hbm>>
      tpu.enqueue_indirect_dma source(%dma_start3A_855 : memref<50000x512xf32, #tpu.memory_space<hbm>>) target(%arg8 : memref<64x512xf32, #tpu.memory_space<vmem>>) offsets(%dma_start3A_852 : memref<64xi32, #tpu.memory_space<vmem>>) semaphore(%arg13 : memref<!tpu.dma_semaphore, #tpu.memory_space<semaphore_mem>>)
    } else {
    }
    %gt3A_708 = arith.constant 0 : i32
    %gt3A_709 = arith.cmpi sgt, %min3A_458, %gt3A_708 : i32
    %convert_element_type3A_710 = arith.extui %gt3A_709 : i1 to i32
    %cond3A_711 = arith.constant 0 : i32
    %cond3A_712 = arith.cmpi ne, %convert_element_type3A_710, %cond3A_711 : i32
    scf.if %cond3A_712 {
      %dma_wait3A_851 = arith.constant 576 : i32
      %dma_wait3A_852 = tpu.memref_slice %arg6[%dma_wait3A_851] : memref<1024xi32, #tpu.memory_space<vmem>> -> memref<64xi32, #tpu.memory_space<vmem>>
      %dma_wait3A_853 = arith.constant 0 : i32
      %dma_wait3A_854 = arith.constant 0 : i32
      %dma_wait3A_855 = tpu.memref_slice %arg2[%dma_wait3A_853, %dma_wait3A_854] : memref<50000x512xf32, #tpu.memory_space<hbm>> -> memref<50000x512xf32, #tpu.memory_space<hbm>>
      tpu.wait_indirect_dma semaphore(%arg12 : memref<!tpu.dma_semaphore, #tpu.memory_space<semaphore_mem>>) src(%dma_wait3A_855 : memref<50000x512xf32, #tpu.memory_space<hbm>>) dst(%arg7 : memref<64x512xf32, #tpu.memory_space<vmem>>)
      %lt3A = arith.constant 64 : i32
      %lt3A_856 = arith.cmpi slt, %min3A_458, %lt3A : i32
      %convert_element_type3A_857 = arith.extui %lt3A_856 : i1 to i32
      %cond3A_858 = arith.constant 0 : i32
      %cond3A_859 = arith.cmpi ne, %convert_element_type3A_857, %cond3A_858 : i32
      scf.if %cond3A_859 {
        %mul3A_864 = arith.constant 32 : i32
        %mul3A_865 = arith.muli %min3A_458, %mul3A_864 : i32
        %while3A = arith.constant 2048 : i32
        %while3A_866 = arith.constant 0 : i32
        %while3A_867 = arith.subi %while3A, %mul3A_865 : i32
        %while3A_868 = arith.addi %mul3A_865, %while3A_867 : i32
        %while3A_869 = arith.constant 1 : i32
        %while3A_870 = arith.divsi %while3A_867, %while3A_869 : i32
        %while3A_871 = arith.muli %while3A_870, %while3A_869 : i32
        %while3A_872 = arith.addi %mul3A_865, %while3A_871 : i32
        %while3A_873 = arith.constant 1 : i32
        %while3A_874 = scf.for %while3A_877 = %mul3A_865 to %while3A_872 step %while3A_873 iter_args(%while3A_878 = %while3A_866) -> (i32)  : i32 {
          %shift_right_logical3A = arith.constant 5 : i32
          %shift_right_logical3A_879 = arith.shrui %while3A_877, %shift_right_logical3A : i32
          %and3A_880 = arith.constant 31 : i32
          %and3A_881 = arith.andi %while3A_877, %and3A_880 : i32
          %mul3A_882 = arith.constant 16 : i32
          %mul3A_883 = arith.muli %and3A_881, %mul3A_882 : i32
          %broadcast_in_dim3A = arith.constant 0.000000e+00 : f32
          %broadcast_in_dim3A_884 = vector.broadcast %broadcast_in_dim3A : f32 to vector<16xf32>
          %swap3A = arith.index_cast %shift_right_logical3A_879 : i32 to index
          %swap3A_885 = arith.index_cast %mul3A_883 : i32 to index
          %swap3A_886 = tpu.vector_load %arg7[%swap3A, %swap3A_885] {strides = array<i32>} : memref<64x512xf32, #tpu.memory_space<vmem>>, vector<1x16xf32>,
          %swap3A_887 = vector.shape_cast %swap3A_886 : vector<1x16xf32> to vector<16xf32>
          %swap3A_888 = vector.shape_cast %broadcast_in_dim3A_884 : vector<16xf32> to vector<1x16xf32>
          tpu.vector_store %arg7[%swap3A, %swap3A_885], %swap3A_888 {strides = array<i32>} : memref<64x512xf32, #tpu.memory_space<vmem>>, vector<1x16xf32>,
          %while3A_889 = arith.constant 0 : i32
          scf.yield %while3A_889 : i32
        }
        %while3A_875 = arith.constant 1 : i32
        %while3A_876 = scf.for %while3A_877 = %while3A_872 to %while3A_868 step %while3A_875 iter_args(%while3A_878 = %while3A_874) -> (i32)  : i32 {
          %shift_right_logical3A = arith.constant 5 : i32
          %shift_right_logical3A_879 = arith.shrui %while3A_877, %shift_right_logical3A : i32
          %and3A_880 = arith.constant 31 : i32
          %and3A_881 = arith.andi %while3A_877, %and3A_880 : i32
          %mul3A_882 = arith.constant 16 : i32
          %mul3A_883 = arith.muli %and3A_881, %mul3A_882 : i32
          %broadcast_in_dim3A = arith.constant 0.000000e+00 : f32
          %broadcast_in_dim3A_884 = vector.broadcast %broadcast_in_dim3A : f32 to vector<16xf32>
          %swap3A = arith.index_cast %shift_right_logical3A_879 : i32 to index
          %swap3A_885 = arith.index_cast %mul3A_883 : i32 to index
          %swap3A_886 = tpu.vector_load %arg7[%swap3A, %swap3A_885] {strides = array<i32>} : memref<64x512xf32, #tpu.memory_space<vmem>>, vector<1x16xf32>,
          %swap3A_887 = vector.shape_cast %swap3A_886 : vector<1x16xf32> to vector<16xf32>
          %swap3A_888 = vector.shape_cast %broadcast_in_dim3A_884 : vector<16xf32> to vector<1x16xf32>
          tpu.vector_store %arg7[%swap3A, %swap3A_885], %swap3A_888 {strides = array<i32>} : memref<64x512xf32, #tpu.memory_space<vmem>>, vector<1x16xf32>,
          %while3A_889 = arith.constant 0 : i32
          scf.yield %while3A_889 : i32
        }
      } else {
      }
      %dma_start3A_860 = arith.constant 0 : i32
      %dma_start3A_861 = tpu.memref_slice %arg5[%add3A_79, %dma_start3A_860] : memref<32768x512xf32, #tpu.memory_space<hbm>> -> memref<64x512xf32, #tpu.memory_space<hbm>>
      %dma_start3A_862 = arith.constant 0 : i32
      %dma_start3A_863 = tpu.memref_slice %arg5[%add3A_79, %dma_start3A_862] : memref<32768x512xf32, #tpu.memory_space<hbm>> -> memref<64x512xf32, #tpu.memory_space<hbm>>
      tpu.enqueue_dma source(%arg7 : memref<64x512xf32, #tpu.memory_space<vmem>>) target(%dma_start3A_863 : memref<64x512xf32, #tpu.memory_space<hbm>>) target_semaphore(%arg16 : memref<!tpu.dma_semaphore, #tpu.memory_space<semaphore_mem>>)
    } else {
    }
    %le3A_713 = arith.constant 0 : i32
    %le3A_714 = arith.cmpi sle, %min3A_458, %le3A_713 : i32
    %convert_element_type3A_715 = arith.extui %le3A_714 : i1 to i32
    %cond3A_716 = arith.constant 0 : i32
    %cond3A_717 = arith.cmpi ne, %convert_element_type3A_715, %cond3A_716 : i32
    scf.if %cond3A_717 {
      %dma_start3A_851 = arith.constant 0 : i32
      %dma_start3A_852 = tpu.memref_slice %arg5[%add3A_79, %dma_start3A_851] : memref<32768x512xf32, #tpu.memory_space<hbm>> -> memref<32x512xf32, #tpu.memory_space<hbm>>
      %dma_start3A_853 = arith.constant 0 : i32
      %dma_start3A_854 = tpu.memref_slice %arg5[%add3A_79, %dma_start3A_853] : memref<32768x512xf32, #tpu.memory_space<hbm>> -> memref<32x512xf32, #tpu.memory_space<hbm>>
      tpu.enqueue_dma source(%arg10 : memref<32x512xf32, #tpu.memory_space<vmem>>) target(%dma_start3A_854 : memref<32x512xf32, #tpu.memory_space<hbm>>) target_semaphore(%arg16 : memref<!tpu.dma_semaphore, #tpu.memory_space<semaphore_mem>>)
      %add3A_855 = arith.constant 32 : i32
      %add3A_856 = arith.addi %add3A_79, %add3A_855 : i32
      %dma_start3A_857 = arith.constant 0 : i32
      %dma_start3A_858 = tpu.memref_slice %arg5[%add3A_856, %dma_start3A_857] : memref<32768x512xf32, #tpu.memory_space<hbm>> -> memref<32x512xf32, #tpu.memory_space<hbm>>
      %dma_start3A_859 = arith.constant 0 : i32
      %dma_start3A_860 = tpu.memref_slice %arg5[%add3A_856, %dma_start3A_859] : memref<32768x512xf32, #tpu.memory_space<hbm>> -> memref<32x512xf32, #tpu.memory_space<hbm>>
      tpu.enqueue_dma source(%arg10 : memref<32x512xf32, #tpu.memory_space<vmem>>) target(%dma_start3A_860 : memref<32x512xf32, #tpu.memory_space<hbm>>) target_semaphore(%arg16 : memref<!tpu.dma_semaphore, #tpu.memory_space<semaphore_mem>>)
    } else {
    }
    %dma_wait3A_718 = arith.constant 0 : i32
    %dma_wait3A_719 = arith.constant 0 : i32
    %dma_wait3A_720 = tpu.memref_slice %arg5[%dma_wait3A_718, %dma_wait3A_719] : memref<32768x512xf32, #tpu.memory_space<hbm>> -> memref<64x512xf32, #tpu.memory_space<hbm>>
    %dma_wait3A_721 = arith.constant 0 : i32
    %dma_wait3A_722 = arith.constant 0 : i32
    %dma_wait3A_723 = tpu.memref_slice %arg5[%dma_wait3A_721, %dma_wait3A_722] : memref<32768x512xf32, #tpu.memory_space<hbm>> -> memref<64x512xf32, #tpu.memory_space<hbm>>
    tpu.wait_dma2 semaphore(%arg18 : memref<!tpu.dma_semaphore, #tpu.memory_space<semaphore_mem>>) src(%arg9 : memref<64x512xf32, #tpu.memory_space<vmem>>) dst(%dma_wait3A_723 : memref<64x512xf32, #tpu.memory_space<hbm>>)
    %gt3A_724 = arith.constant 0 : i32
    %gt3A_725 = arith.cmpi sgt, %min3A_476, %gt3A_724 : i32
    %convert_element_type3A_726 = arith.extui %gt3A_725 : i1 to i32
    %cond3A_727 = arith.constant 0 : i32
    %cond3A_728 = arith.cmpi ne, %convert_element_type3A_726, %cond3A_727 : i32
    scf.if %cond3A_728 {
      %dma_start3A_851 = arith.constant 704 : i32
      %dma_start3A_852 = tpu.memref_slice %arg6[%dma_start3A_851] : memref<1024xi32, #tpu.memory_space<vmem>> -> memref<64xi32, #tpu.memory_space<vmem>>
      %dma_start3A_853 = arith.constant 0 : i32
      %dma_start3A_854 = arith.constant 0 : i32
      %dma_start3A_855 = tpu.memref_slice %arg2[%dma_start3A_853, %dma_start3A_854] : memref<50000x512xf32, #tpu.memory_space<hbm>> -> memref<50000x512xf32, #tpu.memory_space<hbm>>
      tpu.enqueue_indirect_dma source(%dma_start3A_855 : memref<50000x512xf32, #tpu.memory_space<hbm>>) target(%arg9 : memref<64x512xf32, #tpu.memory_space<vmem>>) offsets(%dma_start3A_852 : memref<64xi32, #tpu.memory_space<vmem>>) semaphore(%arg14 : memref<!tpu.dma_semaphore, #tpu.memory_space<semaphore_mem>>)
    } else {
    }
    %gt3A_729 = arith.constant 0 : i32
    %gt3A_730 = arith.cmpi sgt, %min3A_467, %gt3A_729 : i32
    %convert_element_type3A_731 = arith.extui %gt3A_730 : i1 to i32
    %cond3A_732 = arith.constant 0 : i32
    %cond3A_733 = arith.cmpi ne, %convert_element_type3A_731, %cond3A_732 : i32
    scf.if %cond3A_733 {
      %dma_wait3A_851 = arith.constant 640 : i32
      %dma_wait3A_852 = tpu.memref_slice %arg6[%dma_wait3A_851] : memref<1024xi32, #tpu.memory_space<vmem>> -> memref<64xi32, #tpu.memory_space<vmem>>
      %dma_wait3A_853 = arith.constant 0 : i32
      %dma_wait3A_854 = arith.constant 0 : i32
      %dma_wait3A_855 = tpu.memref_slice %arg2[%dma_wait3A_853, %dma_wait3A_854] : memref<50000x512xf32, #tpu.memory_space<hbm>> -> memref<50000x512xf32, #tpu.memory_space<hbm>>
      tpu.wait_indirect_dma semaphore(%arg13 : memref<!tpu.dma_semaphore, #tpu.memory_space<semaphore_mem>>) src(%dma_wait3A_855 : memref<50000x512xf32, #tpu.memory_space<hbm>>) dst(%arg8 : memref<64x512xf32, #tpu.memory_space<vmem>>)
      %lt3A = arith.constant 64 : i32
      %lt3A_856 = arith.cmpi slt, %min3A_467, %lt3A : i32
      %convert_element_type3A_857 = arith.extui %lt3A_856 : i1 to i32
      %cond3A_858 = arith.constant 0 : i32
      %cond3A_859 = arith.cmpi ne, %convert_element_type3A_857, %cond3A_858 : i32
      scf.if %cond3A_859 {
        %mul3A_864 = arith.constant 32 : i32
        %mul3A_865 = arith.muli %min3A_467, %mul3A_864 : i32
        %while3A = arith.constant 2048 : i32
        %while3A_866 = arith.constant 0 : i32
        %while3A_867 = arith.subi %while3A, %mul3A_865 : i32
        %while3A_868 = arith.addi %mul3A_865, %while3A_867 : i32
        %while3A_869 = arith.constant 1 : i32
        %while3A_870 = arith.divsi %while3A_867, %while3A_869 : i32
        %while3A_871 = arith.muli %while3A_870, %while3A_869 : i32
        %while3A_872 = arith.addi %mul3A_865, %while3A_871 : i32
        %while3A_873 = arith.constant 1 : i32
        %while3A_874 = scf.for %while3A_877 = %mul3A_865 to %while3A_872 step %while3A_873 iter_args(%while3A_878 = %while3A_866) -> (i32)  : i32 {
          %shift_right_logical3A = arith.constant 5 : i32
          %shift_right_logical3A_879 = arith.shrui %while3A_877, %shift_right_logical3A : i32
          %and3A_880 = arith.constant 31 : i32
          %and3A_881 = arith.andi %while3A_877, %and3A_880 : i32
          %mul3A_882 = arith.constant 16 : i32
          %mul3A_883 = arith.muli %and3A_881, %mul3A_882 : i32
          %broadcast_in_dim3A = arith.constant 0.000000e+00 : f32
          %broadcast_in_dim3A_884 = vector.broadcast %broadcast_in_dim3A : f32 to vector<16xf32>
          %swap3A = arith.index_cast %shift_right_logical3A_879 : i32 to index
          %swap3A_885 = arith.index_cast %mul3A_883 : i32 to index
          %swap3A_886 = tpu.vector_load %arg8[%swap3A, %swap3A_885] {strides = array<i32>} : memref<64x512xf32, #tpu.memory_space<vmem>>, vector<1x16xf32>,
          %swap3A_887 = vector.shape_cast %swap3A_886 : vector<1x16xf32> to vector<16xf32>
          %swap3A_888 = vector.shape_cast %broadcast_in_dim3A_884 : vector<16xf32> to vector<1x16xf32>
          tpu.vector_store %arg8[%swap3A, %swap3A_885], %swap3A_888 {strides = array<i32>} : memref<64x512xf32, #tpu.memory_space<vmem>>, vector<1x16xf32>,
          %while3A_889 = arith.constant 0 : i32
          scf.yield %while3A_889 : i32
        }
        %while3A_875 = arith.constant 1 : i32
        %while3A_876 = scf.for %while3A_877 = %while3A_872 to %while3A_868 step %while3A_875 iter_args(%while3A_878 = %while3A_874) -> (i32)  : i32 {
          %shift_right_logical3A = arith.constant 5 : i32
          %shift_right_logical3A_879 = arith.shrui %while3A_877, %shift_right_logical3A : i32
          %and3A_880 = arith.constant 31 : i32
          %and3A_881 = arith.andi %while3A_877, %and3A_880 : i32
          %mul3A_882 = arith.constant 16 : i32
          %mul3A_883 = arith.muli %and3A_881, %mul3A_882 : i32
          %broadcast_in_dim3A = arith.constant 0.000000e+00 : f32
          %broadcast_in_dim3A_884 = vector.broadcast %broadcast_in_dim3A : f32 to vector<16xf32>
          %swap3A = arith.index_cast %shift_right_logical3A_879 : i32 to index
          %swap3A_885 = arith.index_cast %mul3A_883 : i32 to index
          %swap3A_886 = tpu.vector_load %arg8[%swap3A, %swap3A_885] {strides = array<i32>} : memref<64x512xf32, #tpu.memory_space<vmem>>, vector<1x16xf32>,
          %swap3A_887 = vector.shape_cast %swap3A_886 : vector<1x16xf32> to vector<16xf32>
          %swap3A_888 = vector.shape_cast %broadcast_in_dim3A_884 : vector<16xf32> to vector<1x16xf32>
          tpu.vector_store %arg8[%swap3A, %swap3A_885], %swap3A_888 {strides = array<i32>} : memref<64x512xf32, #tpu.memory_space<vmem>>, vector<1x16xf32>,
          %while3A_889 = arith.constant 0 : i32
          scf.yield %while3A_889 : i32
        }
      } else {
      }
      %dma_start3A_860 = arith.constant 0 : i32
      %dma_start3A_861 = tpu.memref_slice %arg5[%add3A_87, %dma_start3A_860] : memref<32768x512xf32, #tpu.memory_space<hbm>> -> memref<64x512xf32, #tpu.memory_space<hbm>>
      %dma_start3A_862 = arith.constant 0 : i32
      %dma_start3A_863 = tpu.memref_slice %arg5[%add3A_87, %dma_start3A_862] : memref<32768x512xf32, #tpu.memory_space<hbm>> -> memref<64x512xf32, #tpu.memory_space<hbm>>
      tpu.enqueue_dma source(%arg8 : memref<64x512xf32, #tpu.memory_space<vmem>>) target(%dma_start3A_863 : memref<64x512xf32, #tpu.memory_space<hbm>>) target_semaphore(%arg17 : memref<!tpu.dma_semaphore, #tpu.memory_space<semaphore_mem>>)
    } else {
    }
    %le3A_734 = arith.constant 0 : i32
    %le3A_735 = arith.cmpi sle, %min3A_467, %le3A_734 : i32
    %convert_element_type3A_736 = arith.extui %le3A_735 : i1 to i32
    %cond3A_737 = arith.constant 0 : i32
    %cond3A_738 = arith.cmpi ne, %convert_element_type3A_736, %cond3A_737 : i32
    scf.if %cond3A_738 {
      %dma_start3A_851 = arith.constant 0 : i32
      %dma_start3A_852 = tpu.memref_slice %arg5[%add3A_87, %dma_start3A_851] : memref<32768x512xf32, #tpu.memory_space<hbm>> -> memref<32x512xf32, #tpu.memory_space<hbm>>
      %dma_start3A_853 = arith.constant 0 : i32
      %dma_start3A_854 = tpu.memref_slice %arg5[%add3A_87, %dma_start3A_853] : memref<32768x512xf32, #tpu.memory_space<hbm>> -> memref<32x512xf32, #tpu.memory_space<hbm>>
      tpu.enqueue_dma source(%arg10 : memref<32x512xf32, #tpu.memory_space<vmem>>) target(%dma_start3A_854 : memref<32x512xf32, #tpu.memory_space<hbm>>) target_semaphore(%arg17 : memref<!tpu.dma_semaphore, #tpu.memory_space<semaphore_mem>>)
      %add3A_855 = arith.constant 32 : i32
      %add3A_856 = arith.addi %add3A_87, %add3A_855 : i32
      %dma_start3A_857 = arith.constant 0 : i32
      %dma_start3A_858 = tpu.memref_slice %arg5[%add3A_856, %dma_start3A_857] : memref<32768x512xf32, #tpu.memory_space<hbm>> -> memref<32x512xf32, #tpu.memory_space<hbm>>
      %dma_start3A_859 = arith.constant 0 : i32
      %dma_start3A_860 = tpu.memref_slice %arg5[%add3A_856, %dma_start3A_859] : memref<32768x512xf32, #tpu.memory_space<hbm>> -> memref<32x512xf32, #tpu.memory_space<hbm>>
      tpu.enqueue_dma source(%arg10 : memref<32x512xf32, #tpu.memory_space<vmem>>) target(%dma_start3A_860 : memref<32x512xf32, #tpu.memory_space<hbm>>) target_semaphore(%arg17 : memref<!tpu.dma_semaphore, #tpu.memory_space<semaphore_mem>>)
    } else {
    }
    %dma_wait3A_739 = arith.constant 0 : i32
    %dma_wait3A_740 = arith.constant 0 : i32
    %dma_wait3A_741 = tpu.memref_slice %arg5[%dma_wait3A_739, %dma_wait3A_740] : memref<32768x512xf32, #tpu.memory_space<hbm>> -> memref<64x512xf32, #tpu.memory_space<hbm>>
    %dma_wait3A_742 = arith.constant 0 : i32
    %dma_wait3A_743 = arith.constant 0 : i32
    %dma_wait3A_744 = tpu.memref_slice %arg5[%dma_wait3A_742, %dma_wait3A_743] : memref<32768x512xf32, #tpu.memory_space<hbm>> -> memref<64x512xf32, #tpu.memory_space<hbm>>
    tpu.wait_dma2 semaphore(%arg16 : memref<!tpu.dma_semaphore, #tpu.memory_space<semaphore_mem>>) src(%arg7 : memref<64x512xf32, #tpu.memory_space<vmem>>) dst(%dma_wait3A_744 : memref<64x512xf32, #tpu.memory_space<hbm>>)
    %gt3A_745 = arith.constant 0 : i32
    %gt3A_746 = arith.cmpi sgt, %min3A_485, %gt3A_745 : i32
    %convert_element_type3A_747 = arith.extui %gt3A_746 : i1 to i32
    %cond3A_748 = arith.constant 0 : i32
    %cond3A_749 = arith.cmpi ne, %convert_element_type3A_747, %cond3A_748 : i32
    scf.if %cond3A_749 {
      %dma_start3A_851 = arith.constant 768 : i32
      %dma_start3A_852 = tpu.memref_slice %arg6[%dma_start3A_851] : memref<1024xi32, #tpu.memory_space<vmem>> -> memref<64xi32, #tpu.memory_space<vmem>>
      %dma_start3A_853 = arith.constant 0 : i32
      %dma_start3A_854 = arith.constant 0 : i32
      %dma_start3A_855 = tpu.memref_slice %arg2[%dma_start3A_853, %dma_start3A_854] : memref<50000x512xf32, #tpu.memory_space<hbm>> -> memref<50000x512xf32, #tpu.memory_space<hbm>>
      tpu.enqueue_indirect_dma source(%dma_start3A_855 : memref<50000x512xf32, #tpu.memory_space<hbm>>) target(%arg7 : memref<64x512xf32, #tpu.memory_space<vmem>>) offsets(%dma_start3A_852 : memref<64xi32, #tpu.memory_space<vmem>>) semaphore(%arg12 : memref<!tpu.dma_semaphore, #tpu.memory_space<semaphore_mem>>)
    } else {
    }
    %gt3A_750 = arith.constant 0 : i32
    %gt3A_751 = arith.cmpi sgt, %min3A_476, %gt3A_750 : i32
    %convert_element_type3A_752 = arith.extui %gt3A_751 : i1 to i32
    %cond3A_753 = arith.constant 0 : i32
    %cond3A_754 = arith.cmpi ne, %convert_element_type3A_752, %cond3A_753 : i32
    scf.if %cond3A_754 {
      %dma_wait3A_851 = arith.constant 704 : i32
      %dma_wait3A_852 = tpu.memref_slice %arg6[%dma_wait3A_851] : memref<1024xi32, #tpu.memory_space<vmem>> -> memref<64xi32, #tpu.memory_space<vmem>>
      %dma_wait3A_853 = arith.constant 0 : i32
      %dma_wait3A_854 = arith.constant 0 : i32
      %dma_wait3A_855 = tpu.memref_slice %arg2[%dma_wait3A_853, %dma_wait3A_854] : memref<50000x512xf32, #tpu.memory_space<hbm>> -> memref<50000x512xf32, #tpu.memory_space<hbm>>
      tpu.wait_indirect_dma semaphore(%arg14 : memref<!tpu.dma_semaphore, #tpu.memory_space<semaphore_mem>>) src(%dma_wait3A_855 : memref<50000x512xf32, #tpu.memory_space<hbm>>) dst(%arg9 : memref<64x512xf32, #tpu.memory_space<vmem>>)
      %lt3A = arith.constant 64 : i32
      %lt3A_856 = arith.cmpi slt, %min3A_476, %lt3A : i32
      %convert_element_type3A_857 = arith.extui %lt3A_856 : i1 to i32
      %cond3A_858 = arith.constant 0 : i32
      %cond3A_859 = arith.cmpi ne, %convert_element_type3A_857, %cond3A_858 : i32
      scf.if %cond3A_859 {
        %mul3A_864 = arith.constant 32 : i32
        %mul3A_865 = arith.muli %min3A_476, %mul3A_864 : i32
        %while3A = arith.constant 2048 : i32
        %while3A_866 = arith.constant 0 : i32
        %while3A_867 = arith.subi %while3A, %mul3A_865 : i32
        %while3A_868 = arith.addi %mul3A_865, %while3A_867 : i32
        %while3A_869 = arith.constant 1 : i32
        %while3A_870 = arith.divsi %while3A_867, %while3A_869 : i32
        %while3A_871 = arith.muli %while3A_870, %while3A_869 : i32
        %while3A_872 = arith.addi %mul3A_865, %while3A_871 : i32
        %while3A_873 = arith.constant 1 : i32
        %while3A_874 = scf.for %while3A_877 = %mul3A_865 to %while3A_872 step %while3A_873 iter_args(%while3A_878 = %while3A_866) -> (i32)  : i32 {
          %shift_right_logical3A = arith.constant 5 : i32
          %shift_right_logical3A_879 = arith.shrui %while3A_877, %shift_right_logical3A : i32
          %and3A_880 = arith.constant 31 : i32
          %and3A_881 = arith.andi %while3A_877, %and3A_880 : i32
          %mul3A_882 = arith.constant 16 : i32
          %mul3A_883 = arith.muli %and3A_881, %mul3A_882 : i32
          %broadcast_in_dim3A = arith.constant 0.000000e+00 : f32
          %broadcast_in_dim3A_884 = vector.broadcast %broadcast_in_dim3A : f32 to vector<16xf32>
          %swap3A = arith.index_cast %shift_right_logical3A_879 : i32 to index
          %swap3A_885 = arith.index_cast %mul3A_883 : i32 to index
          %swap3A_886 = tpu.vector_load %arg9[%swap3A, %swap3A_885] {strides = array<i32>} : memref<64x512xf32, #tpu.memory_space<vmem>>, vector<1x16xf32>,
          %swap3A_887 = vector.shape_cast %swap3A_886 : vector<1x16xf32> to vector<16xf32>
          %swap3A_888 = vector.shape_cast %broadcast_in_dim3A_884 : vector<16xf32> to vector<1x16xf32>
          tpu.vector_store %arg9[%swap3A, %swap3A_885], %swap3A_888 {strides = array<i32>} : memref<64x512xf32, #tpu.memory_space<vmem>>, vector<1x16xf32>,
          %while3A_889 = arith.constant 0 : i32
          scf.yield %while3A_889 : i32
        }
        %while3A_875 = arith.constant 1 : i32
        %while3A_876 = scf.for %while3A_877 = %while3A_872 to %while3A_868 step %while3A_875 iter_args(%while3A_878 = %while3A_874) -> (i32)  : i32 {
          %shift_right_logical3A = arith.constant 5 : i32
          %shift_right_logical3A_879 = arith.shrui %while3A_877, %shift_right_logical3A : i32
          %and3A_880 = arith.constant 31 : i32
          %and3A_881 = arith.andi %while3A_877, %and3A_880 : i32
          %mul3A_882 = arith.constant 16 : i32
          %mul3A_883 = arith.muli %and3A_881, %mul3A_882 : i32
          %broadcast_in_dim3A = arith.constant 0.000000e+00 : f32
          %broadcast_in_dim3A_884 = vector.broadcast %broadcast_in_dim3A : f32 to vector<16xf32>
          %swap3A = arith.index_cast %shift_right_logical3A_879 : i32 to index
          %swap3A_885 = arith.index_cast %mul3A_883 : i32 to index
          %swap3A_886 = tpu.vector_load %arg9[%swap3A, %swap3A_885] {strides = array<i32>} : memref<64x512xf32, #tpu.memory_space<vmem>>, vector<1x16xf32>,
          %swap3A_887 = vector.shape_cast %swap3A_886 : vector<1x16xf32> to vector<16xf32>
          %swap3A_888 = vector.shape_cast %broadcast_in_dim3A_884 : vector<16xf32> to vector<1x16xf32>
          tpu.vector_store %arg9[%swap3A, %swap3A_885], %swap3A_888 {strides = array<i32>} : memref<64x512xf32, #tpu.memory_space<vmem>>, vector<1x16xf32>,
          %while3A_889 = arith.constant 0 : i32
          scf.yield %while3A_889 : i32
        }
      } else {
      }
      %dma_start3A_860 = arith.constant 0 : i32
      %dma_start3A_861 = tpu.memref_slice %arg5[%add3A_95, %dma_start3A_860] : memref<32768x512xf32, #tpu.memory_space<hbm>> -> memref<64x512xf32, #tpu.memory_space<hbm>>
      %dma_start3A_862 = arith.constant 0 : i32
      %dma_start3A_863 = tpu.memref_slice %arg5[%add3A_95, %dma_start3A_862] : memref<32768x512xf32, #tpu.memory_space<hbm>> -> memref<64x512xf32, #tpu.memory_space<hbm>>
      tpu.enqueue_dma source(%arg9 : memref<64x512xf32, #tpu.memory_space<vmem>>) target(%dma_start3A_863 : memref<64x512xf32, #tpu.memory_space<hbm>>) target_semaphore(%arg18 : memref<!tpu.dma_semaphore, #tpu.memory_space<semaphore_mem>>)
    } else {
    }
    %le3A_755 = arith.constant 0 : i32
    %le3A_756 = arith.cmpi sle, %min3A_476, %le3A_755 : i32
    %convert_element_type3A_757 = arith.extui %le3A_756 : i1 to i32
    %cond3A_758 = arith.constant 0 : i32
    %cond3A_759 = arith.cmpi ne, %convert_element_type3A_757, %cond3A_758 : i32
    scf.if %cond3A_759 {
      %dma_start3A_851 = arith.constant 0 : i32
      %dma_start3A_852 = tpu.memref_slice %arg5[%add3A_95, %dma_start3A_851] : memref<32768x512xf32, #tpu.memory_space<hbm>> -> memref<32x512xf32, #tpu.memory_space<hbm>>
      %dma_start3A_853 = arith.constant 0 : i32
      %dma_start3A_854 = tpu.memref_slice %arg5[%add3A_95, %dma_start3A_853] : memref<32768x512xf32, #tpu.memory_space<hbm>> -> memref<32x512xf32, #tpu.memory_space<hbm>>
      tpu.enqueue_dma source(%arg10 : memref<32x512xf32, #tpu.memory_space<vmem>>) target(%dma_start3A_854 : memref<32x512xf32, #tpu.memory_space<hbm>>) target_semaphore(%arg18 : memref<!tpu.dma_semaphore, #tpu.memory_space<semaphore_mem>>)
      %add3A_855 = arith.constant 32 : i32
      %add3A_856 = arith.addi %add3A_95, %add3A_855 : i32
      %dma_start3A_857 = arith.constant 0 : i32
      %dma_start3A_858 = tpu.memref_slice %arg5[%add3A_856, %dma_start3A_857] : memref<32768x512xf32, #tpu.memory_space<hbm>> -> memref<32x512xf32, #tpu.memory_space<hbm>>
      %dma_start3A_859 = arith.constant 0 : i32
      %dma_start3A_860 = tpu.memref_slice %arg5[%add3A_856, %dma_start3A_859] : memref<32768x512xf32, #tpu.memory_space<hbm>> -> memref<32x512xf32, #tpu.memory_space<hbm>>
      tpu.enqueue_dma source(%arg10 : memref<32x512xf32, #tpu.memory_space<vmem>>) target(%dma_start3A_860 : memref<32x512xf32, #tpu.memory_space<hbm>>) target_semaphore(%arg18 : memref<!tpu.dma_semaphore, #tpu.memory_space<semaphore_mem>>)
    } else {
    }
    %dma_wait3A_760 = arith.constant 0 : i32
    %dma_wait3A_761 = arith.constant 0 : i32
    %dma_wait3A_762 = tpu.memref_slice %arg5[%dma_wait3A_760, %dma_wait3A_761] : memref<32768x512xf32, #tpu.memory_space<hbm>> -> memref<64x512xf32, #tpu.memory_space<hbm>>
    %dma_wait3A_763 = arith.constant 0 : i32
    %dma_wait3A_764 = arith.constant 0 : i32
    %dma_wait3A_765 = tpu.memref_slice %arg5[%dma_wait3A_763, %dma_wait3A_764] : memref<32768x512xf32, #tpu.memory_space<hbm>> -> memref<64x512xf32, #tpu.memory_space<hbm>>
    tpu.wait_dma2 semaphore(%arg17 : memref<!tpu.dma_semaphore, #tpu.memory_space<semaphore_mem>>) src(%arg8 : memref<64x512xf32, #tpu.memory_space<vmem>>) dst(%dma_wait3A_765 : memref<64x512xf32, #tpu.memory_space<hbm>>)
    %gt3A_766 = arith.constant 0 : i32
    %gt3A_767 = arith.cmpi sgt, %min3A_494, %gt3A_766 : i32
    %convert_element_type3A_768 = arith.extui %gt3A_767 : i1 to i32
    %cond3A_769 = arith.constant 0 : i32
    %cond3A_770 = arith.cmpi ne, %convert_element_type3A_768, %cond3A_769 : i32
    scf.if %cond3A_770 {
      %dma_start3A_851 = arith.constant 832 : i32
      %dma_start3A_852 = tpu.memref_slice %arg6[%dma_start3A_851] : memref<1024xi32, #tpu.memory_space<vmem>> -> memref<64xi32, #tpu.memory_space<vmem>>
      %dma_start3A_853 = arith.constant 0 : i32
      %dma_start3A_854 = arith.constant 0 : i32
      %dma_start3A_855 = tpu.memref_slice %arg2[%dma_start3A_853, %dma_start3A_854] : memref<50000x512xf32, #tpu.memory_space<hbm>> -> memref<50000x512xf32, #tpu.memory_space<hbm>>
      tpu.enqueue_indirect_dma source(%dma_start3A_855 : memref<50000x512xf32, #tpu.memory_space<hbm>>) target(%arg8 : memref<64x512xf32, #tpu.memory_space<vmem>>) offsets(%dma_start3A_852 : memref<64xi32, #tpu.memory_space<vmem>>) semaphore(%arg13 : memref<!tpu.dma_semaphore, #tpu.memory_space<semaphore_mem>>)
    } else {
    }
    %gt3A_771 = arith.constant 0 : i32
    %gt3A_772 = arith.cmpi sgt, %min3A_485, %gt3A_771 : i32
    %convert_element_type3A_773 = arith.extui %gt3A_772 : i1 to i32
    %cond3A_774 = arith.constant 0 : i32
    %cond3A_775 = arith.cmpi ne, %convert_element_type3A_773, %cond3A_774 : i32
    scf.if %cond3A_775 {
      %dma_wait3A_851 = arith.constant 768 : i32
      %dma_wait3A_852 = tpu.memref_slice %arg6[%dma_wait3A_851] : memref<1024xi32, #tpu.memory_space<vmem>> -> memref<64xi32, #tpu.memory_space<vmem>>
      %dma_wait3A_853 = arith.constant 0 : i32
      %dma_wait3A_854 = arith.constant 0 : i32
      %dma_wait3A_855 = tpu.memref_slice %arg2[%dma_wait3A_853, %dma_wait3A_854] : memref<50000x512xf32, #tpu.memory_space<hbm>> -> memref<50000x512xf32, #tpu.memory_space<hbm>>
      tpu.wait_indirect_dma semaphore(%arg12 : memref<!tpu.dma_semaphore, #tpu.memory_space<semaphore_mem>>) src(%dma_wait3A_855 : memref<50000x512xf32, #tpu.memory_space<hbm>>) dst(%arg7 : memref<64x512xf32, #tpu.memory_space<vmem>>)
      %lt3A = arith.constant 64 : i32
      %lt3A_856 = arith.cmpi slt, %min3A_485, %lt3A : i32
      %convert_element_type3A_857 = arith.extui %lt3A_856 : i1 to i32
      %cond3A_858 = arith.constant 0 : i32
      %cond3A_859 = arith.cmpi ne, %convert_element_type3A_857, %cond3A_858 : i32
      scf.if %cond3A_859 {
        %mul3A_864 = arith.constant 32 : i32
        %mul3A_865 = arith.muli %min3A_485, %mul3A_864 : i32
        %while3A = arith.constant 2048 : i32
        %while3A_866 = arith.constant 0 : i32
        %while3A_867 = arith.subi %while3A, %mul3A_865 : i32
        %while3A_868 = arith.addi %mul3A_865, %while3A_867 : i32
        %while3A_869 = arith.constant 1 : i32
        %while3A_870 = arith.divsi %while3A_867, %while3A_869 : i32
        %while3A_871 = arith.muli %while3A_870, %while3A_869 : i32
        %while3A_872 = arith.addi %mul3A_865, %while3A_871 : i32
        %while3A_873 = arith.constant 1 : i32
        %while3A_874 = scf.for %while3A_877 = %mul3A_865 to %while3A_872 step %while3A_873 iter_args(%while3A_878 = %while3A_866) -> (i32)  : i32 {
          %shift_right_logical3A = arith.constant 5 : i32
          %shift_right_logical3A_879 = arith.shrui %while3A_877, %shift_right_logical3A : i32
          %and3A_880 = arith.constant 31 : i32
          %and3A_881 = arith.andi %while3A_877, %and3A_880 : i32
          %mul3A_882 = arith.constant 16 : i32
          %mul3A_883 = arith.muli %and3A_881, %mul3A_882 : i32
          %broadcast_in_dim3A = arith.constant 0.000000e+00 : f32
          %broadcast_in_dim3A_884 = vector.broadcast %broadcast_in_dim3A : f32 to vector<16xf32>
          %swap3A = arith.index_cast %shift_right_logical3A_879 : i32 to index
          %swap3A_885 = arith.index_cast %mul3A_883 : i32 to index
          %swap3A_886 = tpu.vector_load %arg7[%swap3A, %swap3A_885] {strides = array<i32>} : memref<64x512xf32, #tpu.memory_space<vmem>>, vector<1x16xf32>,
          %swap3A_887 = vector.shape_cast %swap3A_886 : vector<1x16xf32> to vector<16xf32>
          %swap3A_888 = vector.shape_cast %broadcast_in_dim3A_884 : vector<16xf32> to vector<1x16xf32>
          tpu.vector_store %arg7[%swap3A, %swap3A_885], %swap3A_888 {strides = array<i32>} : memref<64x512xf32, #tpu.memory_space<vmem>>, vector<1x16xf32>,
          %while3A_889 = arith.constant 0 : i32
          scf.yield %while3A_889 : i32
        }
        %while3A_875 = arith.constant 1 : i32
        %while3A_876 = scf.for %while3A_877 = %while3A_872 to %while3A_868 step %while3A_875 iter_args(%while3A_878 = %while3A_874) -> (i32)  : i32 {
          %shift_right_logical3A = arith.constant 5 : i32
          %shift_right_logical3A_879 = arith.shrui %while3A_877, %shift_right_logical3A : i32
          %and3A_880 = arith.constant 31 : i32
          %and3A_881 = arith.andi %while3A_877, %and3A_880 : i32
          %mul3A_882 = arith.constant 16 : i32
          %mul3A_883 = arith.muli %and3A_881, %mul3A_882 : i32
          %broadcast_in_dim3A = arith.constant 0.000000e+00 : f32
          %broadcast_in_dim3A_884 = vector.broadcast %broadcast_in_dim3A : f32 to vector<16xf32>
          %swap3A = arith.index_cast %shift_right_logical3A_879 : i32 to index
          %swap3A_885 = arith.index_cast %mul3A_883 : i32 to index
          %swap3A_886 = tpu.vector_load %arg7[%swap3A, %swap3A_885] {strides = array<i32>} : memref<64x512xf32, #tpu.memory_space<vmem>>, vector<1x16xf32>,
          %swap3A_887 = vector.shape_cast %swap3A_886 : vector<1x16xf32> to vector<16xf32>
          %swap3A_888 = vector.shape_cast %broadcast_in_dim3A_884 : vector<16xf32> to vector<1x16xf32>
          tpu.vector_store %arg7[%swap3A, %swap3A_885], %swap3A_888 {strides = array<i32>} : memref<64x512xf32, #tpu.memory_space<vmem>>, vector<1x16xf32>,
          %while3A_889 = arith.constant 0 : i32
          scf.yield %while3A_889 : i32
        }
      } else {
      }
      %dma_start3A_860 = arith.constant 0 : i32
      %dma_start3A_861 = tpu.memref_slice %arg5[%add3A_103, %dma_start3A_860] : memref<32768x512xf32, #tpu.memory_space<hbm>> -> memref<64x512xf32, #tpu.memory_space<hbm>>
      %dma_start3A_862 = arith.constant 0 : i32
      %dma_start3A_863 = tpu.memref_slice %arg5[%add3A_103, %dma_start3A_862] : memref<32768x512xf32, #tpu.memory_space<hbm>> -> memref<64x512xf32, #tpu.memory_space<hbm>>
      tpu.enqueue_dma source(%arg7 : memref<64x512xf32, #tpu.memory_space<vmem>>) target(%dma_start3A_863 : memref<64x512xf32, #tpu.memory_space<hbm>>) target_semaphore(%arg16 : memref<!tpu.dma_semaphore, #tpu.memory_space<semaphore_mem>>)
    } else {
    }
    %le3A_776 = arith.constant 0 : i32
    %le3A_777 = arith.cmpi sle, %min3A_485, %le3A_776 : i32
    %convert_element_type3A_778 = arith.extui %le3A_777 : i1 to i32
    %cond3A_779 = arith.constant 0 : i32
    %cond3A_780 = arith.cmpi ne, %convert_element_type3A_778, %cond3A_779 : i32
    scf.if %cond3A_780 {
      %dma_start3A_851 = arith.constant 0 : i32
      %dma_start3A_852 = tpu.memref_slice %arg5[%add3A_103, %dma_start3A_851] : memref<32768x512xf32, #tpu.memory_space<hbm>> -> memref<32x512xf32, #tpu.memory_space<hbm>>
      %dma_start3A_853 = arith.constant 0 : i32
      %dma_start3A_854 = tpu.memref_slice %arg5[%add3A_103, %dma_start3A_853] : memref<32768x512xf32, #tpu.memory_space<hbm>> -> memref<32x512xf32, #tpu.memory_space<hbm>>
      tpu.enqueue_dma source(%arg10 : memref<32x512xf32, #tpu.memory_space<vmem>>) target(%dma_start3A_854 : memref<32x512xf32, #tpu.memory_space<hbm>>) target_semaphore(%arg16 : memref<!tpu.dma_semaphore, #tpu.memory_space<semaphore_mem>>)
      %add3A_855 = arith.constant 32 : i32
      %add3A_856 = arith.addi %add3A_103, %add3A_855 : i32
      %dma_start3A_857 = arith.constant 0 : i32
      %dma_start3A_858 = tpu.memref_slice %arg5[%add3A_856, %dma_start3A_857] : memref<32768x512xf32, #tpu.memory_space<hbm>> -> memref<32x512xf32, #tpu.memory_space<hbm>>
      %dma_start3A_859 = arith.constant 0 : i32
      %dma_start3A_860 = tpu.memref_slice %arg5[%add3A_856, %dma_start3A_859] : memref<32768x512xf32, #tpu.memory_space<hbm>> -> memref<32x512xf32, #tpu.memory_space<hbm>>
      tpu.enqueue_dma source(%arg10 : memref<32x512xf32, #tpu.memory_space<vmem>>) target(%dma_start3A_860 : memref<32x512xf32, #tpu.memory_space<hbm>>) target_semaphore(%arg16 : memref<!tpu.dma_semaphore, #tpu.memory_space<semaphore_mem>>)
    } else {
    }
    %dma_wait3A_781 = arith.constant 0 : i32
    %dma_wait3A_782 = arith.constant 0 : i32
    %dma_wait3A_783 = tpu.memref_slice %arg5[%dma_wait3A_781, %dma_wait3A_782] : memref<32768x512xf32, #tpu.memory_space<hbm>> -> memref<64x512xf32, #tpu.memory_space<hbm>>
    %dma_wait3A_784 = arith.constant 0 : i32
    %dma_wait3A_785 = arith.constant 0 : i32
    %dma_wait3A_786 = tpu.memref_slice %arg5[%dma_wait3A_784, %dma_wait3A_785] : memref<32768x512xf32, #tpu.memory_space<hbm>> -> memref<64x512xf32, #tpu.memory_space<hbm>>
    tpu.wait_dma2 semaphore(%arg18 : memref<!tpu.dma_semaphore, #tpu.memory_space<semaphore_mem>>) src(%arg9 : memref<64x512xf32, #tpu.memory_space<vmem>>) dst(%dma_wait3A_786 : memref<64x512xf32, #tpu.memory_space<hbm>>)
    %gt3A_787 = arith.constant 0 : i32
    %gt3A_788 = arith.cmpi sgt, %min3A_503, %gt3A_787 : i32
    %convert_element_type3A_789 = arith.extui %gt3A_788 : i1 to i32
    %cond3A_790 = arith.constant 0 : i32
    %cond3A_791 = arith.cmpi ne, %convert_element_type3A_789, %cond3A_790 : i32
    scf.if %cond3A_791 {
      %dma_start3A_851 = arith.constant 896 : i32
      %dma_start3A_852 = tpu.memref_slice %arg6[%dma_start3A_851] : memref<1024xi32, #tpu.memory_space<vmem>> -> memref<64xi32, #tpu.memory_space<vmem>>
      %dma_start3A_853 = arith.constant 0 : i32
      %dma_start3A_854 = arith.constant 0 : i32
      %dma_start3A_855 = tpu.memref_slice %arg2[%dma_start3A_853, %dma_start3A_854] : memref<50000x512xf32, #tpu.memory_space<hbm>> -> memref<50000x512xf32, #tpu.memory_space<hbm>>
      tpu.enqueue_indirect_dma source(%dma_start3A_855 : memref<50000x512xf32, #tpu.memory_space<hbm>>) target(%arg9 : memref<64x512xf32, #tpu.memory_space<vmem>>) offsets(%dma_start3A_852 : memref<64xi32, #tpu.memory_space<vmem>>) semaphore(%arg14 : memref<!tpu.dma_semaphore, #tpu.memory_space<semaphore_mem>>)
    } else {
    }
    %gt3A_792 = arith.constant 0 : i32
    %gt3A_793 = arith.cmpi sgt, %min3A_494, %gt3A_792 : i32
    %convert_element_type3A_794 = arith.extui %gt3A_793 : i1 to i32
    %cond3A_795 = arith.constant 0 : i32
    %cond3A_796 = arith.cmpi ne, %convert_element_type3A_794, %cond3A_795 : i32
    scf.if %cond3A_796 {
      %dma_wait3A_851 = arith.constant 832 : i32
      %dma_wait3A_852 = tpu.memref_slice %arg6[%dma_wait3A_851] : memref<1024xi32, #tpu.memory_space<vmem>> -> memref<64xi32, #tpu.memory_space<vmem>>
      %dma_wait3A_853 = arith.constant 0 : i32
      %dma_wait3A_854 = arith.constant 0 : i32
      %dma_wait3A_855 = tpu.memref_slice %arg2[%dma_wait3A_853, %dma_wait3A_854] : memref<50000x512xf32, #tpu.memory_space<hbm>> -> memref<50000x512xf32, #tpu.memory_space<hbm>>
      tpu.wait_indirect_dma semaphore(%arg13 : memref<!tpu.dma_semaphore, #tpu.memory_space<semaphore_mem>>) src(%dma_wait3A_855 : memref<50000x512xf32, #tpu.memory_space<hbm>>) dst(%arg8 : memref<64x512xf32, #tpu.memory_space<vmem>>)
      %lt3A = arith.constant 64 : i32
      %lt3A_856 = arith.cmpi slt, %min3A_494, %lt3A : i32
      %convert_element_type3A_857 = arith.extui %lt3A_856 : i1 to i32
      %cond3A_858 = arith.constant 0 : i32
      %cond3A_859 = arith.cmpi ne, %convert_element_type3A_857, %cond3A_858 : i32
      scf.if %cond3A_859 {
        %mul3A_864 = arith.constant 32 : i32
        %mul3A_865 = arith.muli %min3A_494, %mul3A_864 : i32
        %while3A = arith.constant 2048 : i32
        %while3A_866 = arith.constant 0 : i32
        %while3A_867 = arith.subi %while3A, %mul3A_865 : i32
        %while3A_868 = arith.addi %mul3A_865, %while3A_867 : i32
        %while3A_869 = arith.constant 1 : i32
        %while3A_870 = arith.divsi %while3A_867, %while3A_869 : i32
        %while3A_871 = arith.muli %while3A_870, %while3A_869 : i32
        %while3A_872 = arith.addi %mul3A_865, %while3A_871 : i32
        %while3A_873 = arith.constant 1 : i32
        %while3A_874 = scf.for %while3A_877 = %mul3A_865 to %while3A_872 step %while3A_873 iter_args(%while3A_878 = %while3A_866) -> (i32)  : i32 {
          %shift_right_logical3A = arith.constant 5 : i32
          %shift_right_logical3A_879 = arith.shrui %while3A_877, %shift_right_logical3A : i32
          %and3A_880 = arith.constant 31 : i32
          %and3A_881 = arith.andi %while3A_877, %and3A_880 : i32
          %mul3A_882 = arith.constant 16 : i32
          %mul3A_883 = arith.muli %and3A_881, %mul3A_882 : i32
          %broadcast_in_dim3A = arith.constant 0.000000e+00 : f32
          %broadcast_in_dim3A_884 = vector.broadcast %broadcast_in_dim3A : f32 to vector<16xf32>
          %swap3A = arith.index_cast %shift_right_logical3A_879 : i32 to index
          %swap3A_885 = arith.index_cast %mul3A_883 : i32 to index
          %swap3A_886 = tpu.vector_load %arg8[%swap3A, %swap3A_885] {strides = array<i32>} : memref<64x512xf32, #tpu.memory_space<vmem>>, vector<1x16xf32>,
          %swap3A_887 = vector.shape_cast %swap3A_886 : vector<1x16xf32> to vector<16xf32>
          %swap3A_888 = vector.shape_cast %broadcast_in_dim3A_884 : vector<16xf32> to vector<1x16xf32>
          tpu.vector_store %arg8[%swap3A, %swap3A_885], %swap3A_888 {strides = array<i32>} : memref<64x512xf32, #tpu.memory_space<vmem>>, vector<1x16xf32>,
          %while3A_889 = arith.constant 0 : i32
          scf.yield %while3A_889 : i32
        }
        %while3A_875 = arith.constant 1 : i32
        %while3A_876 = scf.for %while3A_877 = %while3A_872 to %while3A_868 step %while3A_875 iter_args(%while3A_878 = %while3A_874) -> (i32)  : i32 {
          %shift_right_logical3A = arith.constant 5 : i32
          %shift_right_logical3A_879 = arith.shrui %while3A_877, %shift_right_logical3A : i32
          %and3A_880 = arith.constant 31 : i32
          %and3A_881 = arith.andi %while3A_877, %and3A_880 : i32
          %mul3A_882 = arith.constant 16 : i32
          %mul3A_883 = arith.muli %and3A_881, %mul3A_882 : i32
          %broadcast_in_dim3A = arith.constant 0.000000e+00 : f32
          %broadcast_in_dim3A_884 = vector.broadcast %broadcast_in_dim3A : f32 to vector<16xf32>
          %swap3A = arith.index_cast %shift_right_logical3A_879 : i32 to index
          %swap3A_885 = arith.index_cast %mul3A_883 : i32 to index
          %swap3A_886 = tpu.vector_load %arg8[%swap3A, %swap3A_885] {strides = array<i32>} : memref<64x512xf32, #tpu.memory_space<vmem>>, vector<1x16xf32>,
          %swap3A_887 = vector.shape_cast %swap3A_886 : vector<1x16xf32> to vector<16xf32>
          %swap3A_888 = vector.shape_cast %broadcast_in_dim3A_884 : vector<16xf32> to vector<1x16xf32>
          tpu.vector_store %arg8[%swap3A, %swap3A_885], %swap3A_888 {strides = array<i32>} : memref<64x512xf32, #tpu.memory_space<vmem>>, vector<1x16xf32>,
          %while3A_889 = arith.constant 0 : i32
          scf.yield %while3A_889 : i32
        }
      } else {
      }
      %dma_start3A_860 = arith.constant 0 : i32
      %dma_start3A_861 = tpu.memref_slice %arg5[%add3A_111, %dma_start3A_860] : memref<32768x512xf32, #tpu.memory_space<hbm>> -> memref<64x512xf32, #tpu.memory_space<hbm>>
      %dma_start3A_862 = arith.constant 0 : i32
      %dma_start3A_863 = tpu.memref_slice %arg5[%add3A_111, %dma_start3A_862] : memref<32768x512xf32, #tpu.memory_space<hbm>> -> memref<64x512xf32, #tpu.memory_space<hbm>>
      tpu.enqueue_dma source(%arg8 : memref<64x512xf32, #tpu.memory_space<vmem>>) target(%dma_start3A_863 : memref<64x512xf32, #tpu.memory_space<hbm>>) target_semaphore(%arg17 : memref<!tpu.dma_semaphore, #tpu.memory_space<semaphore_mem>>)
    } else {
    }
    %le3A_797 = arith.constant 0 : i32
    %le3A_798 = arith.cmpi sle, %min3A_494, %le3A_797 : i32
    %convert_element_type3A_799 = arith.extui %le3A_798 : i1 to i32
    %cond3A_800 = arith.constant 0 : i32
    %cond3A_801 = arith.cmpi ne, %convert_element_type3A_799, %cond3A_800 : i32
    scf.if %cond3A_801 {
      %dma_start3A_851 = arith.constant 0 : i32
      %dma_start3A_852 = tpu.memref_slice %arg5[%add3A_111, %dma_start3A_851] : memref<32768x512xf32, #tpu.memory_space<hbm>> -> memref<32x512xf32, #tpu.memory_space<hbm>>
      %dma_start3A_853 = arith.constant 0 : i32
      %dma_start3A_854 = tpu.memref_slice %arg5[%add3A_111, %dma_start3A_853] : memref<32768x512xf32, #tpu.memory_space<hbm>> -> memref<32x512xf32, #tpu.memory_space<hbm>>
      tpu.enqueue_dma source(%arg10 : memref<32x512xf32, #tpu.memory_space<vmem>>) target(%dma_start3A_854 : memref<32x512xf32, #tpu.memory_space<hbm>>) target_semaphore(%arg17 : memref<!tpu.dma_semaphore, #tpu.memory_space<semaphore_mem>>)
      %add3A_855 = arith.constant 32 : i32
      %add3A_856 = arith.addi %add3A_111, %add3A_855 : i32
      %dma_start3A_857 = arith.constant 0 : i32
      %dma_start3A_858 = tpu.memref_slice %arg5[%add3A_856, %dma_start3A_857] : memref<32768x512xf32, #tpu.memory_space<hbm>> -> memref<32x512xf32, #tpu.memory_space<hbm>>
      %dma_start3A_859 = arith.constant 0 : i32
      %dma_start3A_860 = tpu.memref_slice %arg5[%add3A_856, %dma_start3A_859] : memref<32768x512xf32, #tpu.memory_space<hbm>> -> memref<32x512xf32, #tpu.memory_space<hbm>>
      tpu.enqueue_dma source(%arg10 : memref<32x512xf32, #tpu.memory_space<vmem>>) target(%dma_start3A_860 : memref<32x512xf32, #tpu.memory_space<hbm>>) target_semaphore(%arg17 : memref<!tpu.dma_semaphore, #tpu.memory_space<semaphore_mem>>)
    } else {
    }
    %dma_wait3A_802 = arith.constant 0 : i32
    %dma_wait3A_803 = arith.constant 0 : i32
    %dma_wait3A_804 = tpu.memref_slice %arg5[%dma_wait3A_802, %dma_wait3A_803] : memref<32768x512xf32, #tpu.memory_space<hbm>> -> memref<64x512xf32, #tpu.memory_space<hbm>>
    %dma_wait3A_805 = arith.constant 0 : i32
    %dma_wait3A_806 = arith.constant 0 : i32
    %dma_wait3A_807 = tpu.memref_slice %arg5[%dma_wait3A_805, %dma_wait3A_806] : memref<32768x512xf32, #tpu.memory_space<hbm>> -> memref<64x512xf32, #tpu.memory_space<hbm>>
    tpu.wait_dma2 semaphore(%arg16 : memref<!tpu.dma_semaphore, #tpu.memory_space<semaphore_mem>>) src(%arg7 : memref<64x512xf32, #tpu.memory_space<vmem>>) dst(%dma_wait3A_807 : memref<64x512xf32, #tpu.memory_space<hbm>>)
    %gt3A_808 = arith.constant 0 : i32
    %gt3A_809 = arith.cmpi sgt, %min3A_512, %gt3A_808 : i32
    %convert_element_type3A_810 = arith.extui %gt3A_809 : i1 to i32
    %cond3A_811 = arith.constant 0 : i32
    %cond3A_812 = arith.cmpi ne, %convert_element_type3A_810, %cond3A_811 : i32
    scf.if %cond3A_812 {
      %dma_start3A_851 = arith.constant 960 : i32
      %dma_start3A_852 = tpu.memref_slice %arg6[%dma_start3A_851] : memref<1024xi32, #tpu.memory_space<vmem>> -> memref<64xi32, #tpu.memory_space<vmem>>
      %dma_start3A_853 = arith.constant 0 : i32
      %dma_start3A_854 = arith.constant 0 : i32
      %dma_start3A_855 = tpu.memref_slice %arg2[%dma_start3A_853, %dma_start3A_854] : memref<50000x512xf32, #tpu.memory_space<hbm>> -> memref<50000x512xf32, #tpu.memory_space<hbm>>
      tpu.enqueue_indirect_dma source(%dma_start3A_855 : memref<50000x512xf32, #tpu.memory_space<hbm>>) target(%arg7 : memref<64x512xf32, #tpu.memory_space<vmem>>) offsets(%dma_start3A_852 : memref<64xi32, #tpu.memory_space<vmem>>) semaphore(%arg12 : memref<!tpu.dma_semaphore, #tpu.memory_space<semaphore_mem>>)
    } else {
    }
    %gt3A_813 = arith.constant 0 : i32
    %gt3A_814 = arith.cmpi sgt, %min3A_503, %gt3A_813 : i32
    %convert_element_type3A_815 = arith.extui %gt3A_814 : i1 to i32
    %cond3A_816 = arith.constant 0 : i32
    %cond3A_817 = arith.cmpi ne, %convert_element_type3A_815, %cond3A_816 : i32
    scf.if %cond3A_817 {
      %dma_wait3A_851 = arith.constant 896 : i32
      %dma_wait3A_852 = tpu.memref_slice %arg6[%dma_wait3A_851] : memref<1024xi32, #tpu.memory_space<vmem>> -> memref<64xi32, #tpu.memory_space<vmem>>
      %dma_wait3A_853 = arith.constant 0 : i32
      %dma_wait3A_854 = arith.constant 0 : i32
      %dma_wait3A_855 = tpu.memref_slice %arg2[%dma_wait3A_853, %dma_wait3A_854] : memref<50000x512xf32, #tpu.memory_space<hbm>> -> memref<50000x512xf32, #tpu.memory_space<hbm>>
      tpu.wait_indirect_dma semaphore(%arg14 : memref<!tpu.dma_semaphore, #tpu.memory_space<semaphore_mem>>) src(%dma_wait3A_855 : memref<50000x512xf32, #tpu.memory_space<hbm>>) dst(%arg9 : memref<64x512xf32, #tpu.memory_space<vmem>>)
      %lt3A = arith.constant 64 : i32
      %lt3A_856 = arith.cmpi slt, %min3A_503, %lt3A : i32
      %convert_element_type3A_857 = arith.extui %lt3A_856 : i1 to i32
      %cond3A_858 = arith.constant 0 : i32
      %cond3A_859 = arith.cmpi ne, %convert_element_type3A_857, %cond3A_858 : i32
      scf.if %cond3A_859 {
        %mul3A_864 = arith.constant 32 : i32
        %mul3A_865 = arith.muli %min3A_503, %mul3A_864 : i32
        %while3A = arith.constant 2048 : i32
        %while3A_866 = arith.constant 0 : i32
        %while3A_867 = arith.subi %while3A, %mul3A_865 : i32
        %while3A_868 = arith.addi %mul3A_865, %while3A_867 : i32
        %while3A_869 = arith.constant 1 : i32
        %while3A_870 = arith.divsi %while3A_867, %while3A_869 : i32
        %while3A_871 = arith.muli %while3A_870, %while3A_869 : i32
        %while3A_872 = arith.addi %mul3A_865, %while3A_871 : i32
        %while3A_873 = arith.constant 1 : i32
        %while3A_874 = scf.for %while3A_877 = %mul3A_865 to %while3A_872 step %while3A_873 iter_args(%while3A_878 = %while3A_866) -> (i32)  : i32 {
          %shift_right_logical3A = arith.constant 5 : i32
          %shift_right_logical3A_879 = arith.shrui %while3A_877, %shift_right_logical3A : i32
          %and3A_880 = arith.constant 31 : i32
          %and3A_881 = arith.andi %while3A_877, %and3A_880 : i32
          %mul3A_882 = arith.constant 16 : i32
          %mul3A_883 = arith.muli %and3A_881, %mul3A_882 : i32
          %broadcast_in_dim3A = arith.constant 0.000000e+00 : f32
          %broadcast_in_dim3A_884 = vector.broadcast %broadcast_in_dim3A : f32 to vector<16xf32>
          %swap3A = arith.index_cast %shift_right_logical3A_879 : i32 to index
          %swap3A_885 = arith.index_cast %mul3A_883 : i32 to index
          %swap3A_886 = tpu.vector_load %arg9[%swap3A, %swap3A_885] {strides = array<i32>} : memref<64x512xf32, #tpu.memory_space<vmem>>, vector<1x16xf32>,
          %swap3A_887 = vector.shape_cast %swap3A_886 : vector<1x16xf32> to vector<16xf32>
          %swap3A_888 = vector.shape_cast %broadcast_in_dim3A_884 : vector<16xf32> to vector<1x16xf32>
          tpu.vector_store %arg9[%swap3A, %swap3A_885], %swap3A_888 {strides = array<i32>} : memref<64x512xf32, #tpu.memory_space<vmem>>, vector<1x16xf32>,
          %while3A_889 = arith.constant 0 : i32
          scf.yield %while3A_889 : i32
        }
        %while3A_875 = arith.constant 1 : i32
        %while3A_876 = scf.for %while3A_877 = %while3A_872 to %while3A_868 step %while3A_875 iter_args(%while3A_878 = %while3A_874) -> (i32)  : i32 {
          %shift_right_logical3A = arith.constant 5 : i32
          %shift_right_logical3A_879 = arith.shrui %while3A_877, %shift_right_logical3A : i32
          %and3A_880 = arith.constant 31 : i32
          %and3A_881 = arith.andi %while3A_877, %and3A_880 : i32
          %mul3A_882 = arith.constant 16 : i32
          %mul3A_883 = arith.muli %and3A_881, %mul3A_882 : i32
          %broadcast_in_dim3A = arith.constant 0.000000e+00 : f32
          %broadcast_in_dim3A_884 = vector.broadcast %broadcast_in_dim3A : f32 to vector<16xf32>
          %swap3A = arith.index_cast %shift_right_logical3A_879 : i32 to index
          %swap3A_885 = arith.index_cast %mul3A_883 : i32 to index
          %swap3A_886 = tpu.vector_load %arg9[%swap3A, %swap3A_885] {strides = array<i32>} : memref<64x512xf32, #tpu.memory_space<vmem>>, vector<1x16xf32>,
          %swap3A_887 = vector.shape_cast %swap3A_886 : vector<1x16xf32> to vector<16xf32>
          %swap3A_888 = vector.shape_cast %broadcast_in_dim3A_884 : vector<16xf32> to vector<1x16xf32>
          tpu.vector_store %arg9[%swap3A, %swap3A_885], %swap3A_888 {strides = array<i32>} : memref<64x512xf32, #tpu.memory_space<vmem>>, vector<1x16xf32>,
          %while3A_889 = arith.constant 0 : i32
          scf.yield %while3A_889 : i32
        }
      } else {
      }
      %dma_start3A_860 = arith.constant 0 : i32
      %dma_start3A_861 = tpu.memref_slice %arg5[%add3A_119, %dma_start3A_860] : memref<32768x512xf32, #tpu.memory_space<hbm>> -> memref<64x512xf32, #tpu.memory_space<hbm>>
      %dma_start3A_862 = arith.constant 0 : i32
      %dma_start3A_863 = tpu.memref_slice %arg5[%add3A_119, %dma_start3A_862] : memref<32768x512xf32, #tpu.memory_space<hbm>> -> memref<64x512xf32, #tpu.memory_space<hbm>>
      tpu.enqueue_dma source(%arg9 : memref<64x512xf32, #tpu.memory_space<vmem>>) target(%dma_start3A_863 : memref<64x512xf32, #tpu.memory_space<hbm>>) target_semaphore(%arg18 : memref<!tpu.dma_semaphore, #tpu.memory_space<semaphore_mem>>)
    } else {
    }
    %le3A_818 = arith.constant 0 : i32
    %le3A_819 = arith.cmpi sle, %min3A_503, %le3A_818 : i32
    %convert_element_type3A_820 = arith.extui %le3A_819 : i1 to i32
    %cond3A_821 = arith.constant 0 : i32
    %cond3A_822 = arith.cmpi ne, %convert_element_type3A_820, %cond3A_821 : i32
    scf.if %cond3A_822 {
      %dma_start3A_851 = arith.constant 0 : i32
      %dma_start3A_852 = tpu.memref_slice %arg5[%add3A_119, %dma_start3A_851] : memref<32768x512xf32, #tpu.memory_space<hbm>> -> memref<32x512xf32, #tpu.memory_space<hbm>>
      %dma_start3A_853 = arith.constant 0 : i32
      %dma_start3A_854 = tpu.memref_slice %arg5[%add3A_119, %dma_start3A_853] : memref<32768x512xf32, #tpu.memory_space<hbm>> -> memref<32x512xf32, #tpu.memory_space<hbm>>
      tpu.enqueue_dma source(%arg10 : memref<32x512xf32, #tpu.memory_space<vmem>>) target(%dma_start3A_854 : memref<32x512xf32, #tpu.memory_space<hbm>>) target_semaphore(%arg18 : memref<!tpu.dma_semaphore, #tpu.memory_space<semaphore_mem>>)
      %add3A_855 = arith.constant 32 : i32
      %add3A_856 = arith.addi %add3A_119, %add3A_855 : i32
      %dma_start3A_857 = arith.constant 0 : i32
      %dma_start3A_858 = tpu.memref_slice %arg5[%add3A_856, %dma_start3A_857] : memref<32768x512xf32, #tpu.memory_space<hbm>> -> memref<32x512xf32, #tpu.memory_space<hbm>>
      %dma_start3A_859 = arith.constant 0 : i32
      %dma_start3A_860 = tpu.memref_slice %arg5[%add3A_856, %dma_start3A_859] : memref<32768x512xf32, #tpu.memory_space<hbm>> -> memref<32x512xf32, #tpu.memory_space<hbm>>
      tpu.enqueue_dma source(%arg10 : memref<32x512xf32, #tpu.memory_space<vmem>>) target(%dma_start3A_860 : memref<32x512xf32, #tpu.memory_space<hbm>>) target_semaphore(%arg18 : memref<!tpu.dma_semaphore, #tpu.memory_space<semaphore_mem>>)
    } else {
    }
    %gt3A_823 = arith.constant 0 : i32
    %gt3A_824 = arith.cmpi sgt, %min3A_512, %gt3A_823 : i32
    %convert_element_type3A_825 = arith.extui %gt3A_824 : i1 to i32
    %cond3A_826 = arith.constant 0 : i32
    %cond3A_827 = arith.cmpi ne, %convert_element_type3A_825, %cond3A_826 : i32
    scf.if %cond3A_827 {
      %dma_wait3A_851 = arith.constant 960 : i32
      %dma_wait3A_852 = tpu.memref_slice %arg6[%dma_wait3A_851] : memref<1024xi32, #tpu.memory_space<vmem>> -> memref<64xi32, #tpu.memory_space<vmem>>
      %dma_wait3A_853 = arith.constant 0 : i32
      %dma_wait3A_854 = arith.constant 0 : i32
      %dma_wait3A_855 = tpu.memref_slice %arg2[%dma_wait3A_853, %dma_wait3A_854] : memref<50000x512xf32, #tpu.memory_space<hbm>> -> memref<50000x512xf32, #tpu.memory_space<hbm>>
      tpu.wait_indirect_dma semaphore(%arg12 : memref<!tpu.dma_semaphore, #tpu.memory_space<semaphore_mem>>) src(%dma_wait3A_855 : memref<50000x512xf32, #tpu.memory_space<hbm>>) dst(%arg7 : memref<64x512xf32, #tpu.memory_space<vmem>>)
      %lt3A = arith.constant 64 : i32
      %lt3A_856 = arith.cmpi slt, %min3A_512, %lt3A : i32
      %convert_element_type3A_857 = arith.extui %lt3A_856 : i1 to i32
      %cond3A_858 = arith.constant 0 : i32
      %cond3A_859 = arith.cmpi ne, %convert_element_type3A_857, %cond3A_858 : i32
      scf.if %cond3A_859 {
        %mul3A_864 = arith.constant 32 : i32
        %mul3A_865 = arith.muli %min3A_512, %mul3A_864 : i32
        %while3A = arith.constant 2048 : i32
        %while3A_866 = arith.constant 0 : i32
        %while3A_867 = arith.subi %while3A, %mul3A_865 : i32
        %while3A_868 = arith.addi %mul3A_865, %while3A_867 : i32
        %while3A_869 = arith.constant 1 : i32
        %while3A_870 = arith.divsi %while3A_867, %while3A_869 : i32
        %while3A_871 = arith.muli %while3A_870, %while3A_869 : i32
        %while3A_872 = arith.addi %mul3A_865, %while3A_871 : i32
        %while3A_873 = arith.constant 1 : i32
        %while3A_874 = scf.for %while3A_877 = %mul3A_865 to %while3A_872 step %while3A_873 iter_args(%while3A_878 = %while3A_866) -> (i32)  : i32 {
          %shift_right_logical3A = arith.constant 5 : i32
          %shift_right_logical3A_879 = arith.shrui %while3A_877, %shift_right_logical3A : i32
          %and3A_880 = arith.constant 31 : i32
          %and3A_881 = arith.andi %while3A_877, %and3A_880 : i32
          %mul3A_882 = arith.constant 16 : i32
          %mul3A_883 = arith.muli %and3A_881, %mul3A_882 : i32
          %broadcast_in_dim3A = arith.constant 0.000000e+00 : f32
          %broadcast_in_dim3A_884 = vector.broadcast %broadcast_in_dim3A : f32 to vector<16xf32>
          %swap3A = arith.index_cast %shift_right_logical3A_879 : i32 to index
          %swap3A_885 = arith.index_cast %mul3A_883 : i32 to index
          %swap3A_886 = tpu.vector_load %arg7[%swap3A, %swap3A_885] {strides = array<i32>} : memref<64x512xf32, #tpu.memory_space<vmem>>, vector<1x16xf32>,
          %swap3A_887 = vector.shape_cast %swap3A_886 : vector<1x16xf32> to vector<16xf32>
          %swap3A_888 = vector.shape_cast %broadcast_in_dim3A_884 : vector<16xf32> to vector<1x16xf32>
          tpu.vector_store %arg7[%swap3A, %swap3A_885], %swap3A_888 {strides = array<i32>} : memref<64x512xf32, #tpu.memory_space<vmem>>, vector<1x16xf32>,
          %while3A_889 = arith.constant 0 : i32
          scf.yield %while3A_889 : i32
        }
        %while3A_875 = arith.constant 1 : i32
        %while3A_876 = scf.for %while3A_877 = %while3A_872 to %while3A_868 step %while3A_875 iter_args(%while3A_878 = %while3A_874) -> (i32)  : i32 {
          %shift_right_logical3A = arith.constant 5 : i32
          %shift_right_logical3A_879 = arith.shrui %while3A_877, %shift_right_logical3A : i32
          %and3A_880 = arith.constant 31 : i32
          %and3A_881 = arith.andi %while3A_877, %and3A_880 : i32
          %mul3A_882 = arith.constant 16 : i32
          %mul3A_883 = arith.muli %and3A_881, %mul3A_882 : i32
          %broadcast_in_dim3A = arith.constant 0.000000e+00 : f32
          %broadcast_in_dim3A_884 = vector.broadcast %broadcast_in_dim3A : f32 to vector<16xf32>
          %swap3A = arith.index_cast %shift_right_logical3A_879 : i32 to index
          %swap3A_885 = arith.index_cast %mul3A_883 : i32 to index
          %swap3A_886 = tpu.vector_load %arg7[%swap3A, %swap3A_885] {strides = array<i32>} : memref<64x512xf32, #tpu.memory_space<vmem>>, vector<1x16xf32>,
          %swap3A_887 = vector.shape_cast %swap3A_886 : vector<1x16xf32> to vector<16xf32>
          %swap3A_888 = vector.shape_cast %broadcast_in_dim3A_884 : vector<16xf32> to vector<1x16xf32>
          tpu.vector_store %arg7[%swap3A, %swap3A_885], %swap3A_888 {strides = array<i32>} : memref<64x512xf32, #tpu.memory_space<vmem>>, vector<1x16xf32>,
          %while3A_889 = arith.constant 0 : i32
          scf.yield %while3A_889 : i32
        }
      } else {
      }
      %dma_start3A_860 = arith.constant 0 : i32
      %dma_start3A_861 = tpu.memref_slice %arg5[%add3A_127, %dma_start3A_860] : memref<32768x512xf32, #tpu.memory_space<hbm>> -> memref<64x512xf32, #tpu.memory_space<hbm>>
      %dma_start3A_862 = arith.constant 0 : i32
      %dma_start3A_863 = tpu.memref_slice %arg5[%add3A_127, %dma_start3A_862] : memref<32768x512xf32, #tpu.memory_space<hbm>> -> memref<64x512xf32, #tpu.memory_space<hbm>>
      tpu.enqueue_dma source(%arg7 : memref<64x512xf32, #tpu.memory_space<vmem>>) target(%dma_start3A_863 : memref<64x512xf32, #tpu.memory_space<hbm>>) target_semaphore(%arg16 : memref<!tpu.dma_semaphore, #tpu.memory_space<semaphore_mem>>)
    } else {
    }
    %le3A_828 = arith.constant 0 : i32
    %le3A_829 = arith.cmpi sle, %min3A_512, %le3A_828 : i32
    %convert_element_type3A_830 = arith.extui %le3A_829 : i1 to i32
    %cond3A_831 = arith.constant 0 : i32
    %cond3A_832 = arith.cmpi ne, %convert_element_type3A_830, %cond3A_831 : i32
    scf.if %cond3A_832 {
      %dma_start3A_851 = arith.constant 0 : i32
      %dma_start3A_852 = tpu.memref_slice %arg5[%add3A_127, %dma_start3A_851] : memref<32768x512xf32, #tpu.memory_space<hbm>> -> memref<32x512xf32, #tpu.memory_space<hbm>>
      %dma_start3A_853 = arith.constant 0 : i32
      %dma_start3A_854 = tpu.memref_slice %arg5[%add3A_127, %dma_start3A_853] : memref<32768x512xf32, #tpu.memory_space<hbm>> -> memref<32x512xf32, #tpu.memory_space<hbm>>
      tpu.enqueue_dma source(%arg10 : memref<32x512xf32, #tpu.memory_space<vmem>>) target(%dma_start3A_854 : memref<32x512xf32, #tpu.memory_space<hbm>>) target_semaphore(%arg16 : memref<!tpu.dma_semaphore, #tpu.memory_space<semaphore_mem>>)
      %add3A_855 = arith.constant 32 : i32
      %add3A_856 = arith.addi %add3A_127, %add3A_855 : i32
      %dma_start3A_857 = arith.constant 0 : i32
      %dma_start3A_858 = tpu.memref_slice %arg5[%add3A_856, %dma_start3A_857] : memref<32768x512xf32, #tpu.memory_space<hbm>> -> memref<32x512xf32, #tpu.memory_space<hbm>>
      %dma_start3A_859 = arith.constant 0 : i32
      %dma_start3A_860 = tpu.memref_slice %arg5[%add3A_856, %dma_start3A_859] : memref<32768x512xf32, #tpu.memory_space<hbm>> -> memref<32x512xf32, #tpu.memory_space<hbm>>
      tpu.enqueue_dma source(%arg10 : memref<32x512xf32, #tpu.memory_space<vmem>>) target(%dma_start3A_860 : memref<32x512xf32, #tpu.memory_space<hbm>>) target_semaphore(%arg16 : memref<!tpu.dma_semaphore, #tpu.memory_space<semaphore_mem>>)
    } else {
    }
    %dma_wait3A_833 = arith.constant 0 : i32
    %dma_wait3A_834 = arith.constant 0 : i32
    %dma_wait3A_835 = tpu.memref_slice %arg5[%dma_wait3A_833, %dma_wait3A_834] : memref<32768x512xf32, #tpu.memory_space<hbm>> -> memref<64x512xf32, #tpu.memory_space<hbm>>
    %dma_wait3A_836 = arith.constant 0 : i32
    %dma_wait3A_837 = arith.constant 0 : i32
    %dma_wait3A_838 = tpu.memref_slice %arg5[%dma_wait3A_836, %dma_wait3A_837] : memref<32768x512xf32, #tpu.memory_space<hbm>> -> memref<64x512xf32, #tpu.memory_space<hbm>>
    tpu.wait_dma2 semaphore(%arg16 : memref<!tpu.dma_semaphore, #tpu.memory_space<semaphore_mem>>) src(%arg7 : memref<64x512xf32, #tpu.memory_space<vmem>>) dst(%dma_wait3A_838 : memref<64x512xf32, #tpu.memory_space<hbm>>)
    %dma_wait3A_839 = arith.constant 0 : i32
    %dma_wait3A_840 = arith.constant 0 : i32
    %dma_wait3A_841 = tpu.memref_slice %arg5[%dma_wait3A_839, %dma_wait3A_840] : memref<32768x512xf32, #tpu.memory_space<hbm>> -> memref<64x512xf32, #tpu.memory_space<hbm>>
    %dma_wait3A_842 = arith.constant 0 : i32
    %dma_wait3A_843 = arith.constant 0 : i32
    %dma_wait3A_844 = tpu.memref_slice %arg5[%dma_wait3A_842, %dma_wait3A_843] : memref<32768x512xf32, #tpu.memory_space<hbm>> -> memref<64x512xf32, #tpu.memory_space<hbm>>
    tpu.wait_dma2 semaphore(%arg17 : memref<!tpu.dma_semaphore, #tpu.memory_space<semaphore_mem>>) src(%arg8 : memref<64x512xf32, #tpu.memory_space<vmem>>) dst(%dma_wait3A_844 : memref<64x512xf32, #tpu.memory_space<hbm>>)
    %dma_wait3A_845 = arith.constant 0 : i32
    %dma_wait3A_846 = arith.constant 0 : i32
    %dma_wait3A_847 = tpu.memref_slice %arg5[%dma_wait3A_845, %dma_wait3A_846] : memref<32768x512xf32, #tpu.memory_space<hbm>> -> memref<64x512xf32, #tpu.memory_space<hbm>>
    %dma_wait3A_848 = arith.constant 0 : i32
    %dma_wait3A_849 = arith.constant 0 : i32
    %dma_wait3A_850 = tpu.memref_slice %arg5[%dma_wait3A_848, %dma_wait3A_849] : memref<32768x512xf32, #tpu.memory_space<hbm>> -> memref<64x512xf32, #tpu.memory_space<hbm>>
    tpu.wait_dma2 semaphore(%arg18 : memref<!tpu.dma_semaphore, #tpu.memory_space<semaphore_mem>>) src(%arg9 : memref<64x512xf32, #tpu.memory_space<vmem>>) dst(%dma_wait3A_850 : memref<64x512xf32, #tpu.memory_space<hbm>>)
    return
  }
}

</mosaic_0001>

<sc_bundles>
// kernel: _sembed.3.cloned.1.call-start
scs
__scs_entry_jumppad:
0x0: {  	(pc) =	sbr.rel $0x88, $3  }
0x1: {  	(tag) =	ssettag $0x0;
	lr =	simm.s32 $0x1  }
0x2: {  	[smem:$0x3F9E] =	sst lr;
	_ =	strace $0xD0000000  }
0x3: {  	_ = 	snop  }
0x4: {  	_ = 	snop  }
0x5: {  	_ = 	snop  }
0x6: {  	_ = 	snop  }
0x7: {  	_ = 	snop  }
__scs_overlays_trampoline_lowered:
0x8: {  	[smem:$0x3FAD] =	sst s0  }
0x9: {  	[smem:$0x3FAE] =	sst s1  }
0xa: {  	[smem:$0x3FAF] =	sst s2  }
0xb: {  	[smem:$0x3FB0] =	sst s3  }
0xc: {  	[smem:$0x3FB1] =	sst s4  }
0xd: {  	[smem:$0x3FB2] =	sst s5  }
0xe: {  	[smem:$0x3FB3] =	sst s6  }
0xf: {  	[smem:$0x3FB4] =	sst s7  }
0x10: {  	[smem:$0x3FB5] =	sst s8  }
0x11: {  	[smem:$0x3FB6] =	sst s9;
	s0 =	simm.s32 @!p0 $0x0  }
0x12: {  	s1 =	sld [smem:$0x3F9C];
	s0 =	simm.s32 @p0 $0x1  }
0x13: {  	[smem:$0x3FB7] =	sst s0;
	s0 =	simm.s32 @!p1 $0x0  }
0x14: {  	s2 =	sld [smem:$0x3F9B];
	s0 =	simm.s32 @p1 $0x1  }
0x15: {  	[smem:$0x3FB8] =	sst s0;
	s0 =	simm.s32 @!p2 $0x0  }
0x16: {  	s3 =	sld [smem:$0x3FDB];
	s0 =	simm.s32 @p2 $0x1  }
0x17: {  	s4 =	simm.s32 $0x1BF5;
	[smem:$0x3FBA] =	sst s0  }
0x18: {  	s0 =	sld [smem:$0x3F9D];
	_ =	swait.ge [sflag:s4], $0x0  }
0x19: {  	s7 =	sld [smem:$0x3F9E]  }
0x1a: {  	s8 =	sadd.s32 $0xFFFFE003, lr  }
0x1b: {  	s9 =	sadd.s32 $0xFFFFFEF7, lr;
	s5 =	simm.s32 $0xFFFFFFFF;
	p2 =	slt.u32 s8, $0xFFFFF086  }
0x1c: {  	p1 =	slt.u32 s9, $0xF7A;
	s5 =	simm.s32 @!p2 $0x0  }
0x1d: {  	s5 =	simm.s32 @p1 $0x1;
	p0 =	seq.s32 s7, s2  }
0x1e: {  	s7 =	smul.u32 @!p0 $0xF7A, s2;
	p2 =	seq.s32 @!p0 s5, $0x0  }
0x1f: {  	s9 =	smul.u32 $0xF7A, s1;
	s8 =	simm.s32 @!p0 $0x1BF5;
	p2 =	por !p2, p0  }
0x20: {  	[sflag:s8] =	ssyncset.s32 @!p0 $0xFFFFF086;
	s6 =	sadd.s32 @!p0 s3, s7;
	s7 =	simm.s32 @!p0 $0x108  }
0x21: {  	s3 =	sadd.s32 s3, s9;
	s6 =	sadd.s32 @!p0 $0x88, s6;
	s7 =	simm.s32 @p2 $0x1082  }
0x22: {  	[simem:s7], [sflag:s8] =	dma.local @!p0 [hbm:s6], $0xF7A  }
0x23: {  	s9 =	sor.u32 $0xD0000000, s2;
	s6 =	simm.s32 $0x108;
	_ =	swait.ge @!p0 [sflag:s8], $0x0  }
0x24: {  	s3 =	sadd.s32 $0x88, s3;
	s6 =	simm.s32 @!p1 $0x1082;
	[sflag:s4] =	ssyncset.s32 $0xFFFFF086  }
0x25: {  	[simem:s6], [sflag:s4] =	dma.local [hbm:s3], $0xF7A  }
0x26: {  	[smem:$0x3F9E] =	sst s1;
	(tag) =	ssettag s2;
	_ =	strace s9  }
0x27: {  	s1 =	sld [smem:$0x3FAE]  }
0x28: {  	s2 =	sld [smem:$0x3FAF]  }
0x29: {  	s4 =	sld [smem:$0x3FB1]  }
0x2a: {  	p0 =	seq.s32 s5, $0x0;
	s5 =	sld [smem:$0x3FB2]  }
0x2b: {  	s6 =	sld [smem:$0x3FB3]  }
0x2c: {  	s7 =	sld [smem:$0x3FB4]  }
0x2d: {  	s3 =	simm.s32 $0x108;
	s8 =	sld [smem:$0x3FB5]  }
0x2e: {  	s3 =	simm.s32 @!p0 $0x1082;
	s9 =	sld [smem:$0x3FB6]  }
0x2f: {  	lr =	sadd.s32 s0, s3;
	s0 =	sld [smem:$0x3FAD]  }
0x30: {  	s3 =	sld [smem:$0x3FB0]  }
0x31: {  	[smem:$0x3FB9] =	sst s10  }
0x32: {  	s10 =	sld [smem:$0x3FB7];
	_ =	sdelay $0x3  }
0x33: {  	p0 =	seq.s32 s10, $0x1;
	s10 =	sld [smem:$0x3FB9];
	_ =	sdelay $0x3  }
0x34: {  	[smem:$0x3FB9] =	sst s10  }
0x35: {  	s10 =	sld [smem:$0x3FB8];
	_ =	sdelay $0x3  }
0x36: {  	p1 =	seq.s32 s10, $0x1;
	s10 =	sld [smem:$0x3FB9];
	_ =	sdelay $0x3  }
0x37: {  	[smem:$0x3FB9] =	sst s10  }
0x38: {  	s10 =	sld [smem:$0x3FBA]  }
0x39: {  	_ = 	snop;
	(pc) =	sbr.ind lr, $3  }
0x3a: {  	_ = 	snop  }
0x3b: {  	_ = 	snop  }
0x3c: {  	p2 =	seq.s32 s10, $0x1;
	s10 =	sld [smem:$0x3FB9]  }
0x3d: {  	_ =	shalt  }
0x3e: {  	_ =	shalt  }
0x3f: {  	_ =	shalt  }
0x40: {  	_ =	shalt  }
0x41: {  	_ =	shalt  }
0x42: {  	_ =	shalt  }
0x43: {  	_ =	shalt  }
0x44: {  	_ =	shalt  }
0x45: {  	_ =	shalt  }
0x46: {  	_ =	shalt  }
0x47: {  	_ =	shalt  }
0x48: {  	_ =	shalt  }
0x49: {  	_ =	shalt  }
0x4a: {  	_ =	shalt  }
0x4b: {  	_ =	shalt  }
0x4c: {  	_ =	shalt  }
0x4d: {  	_ =	shalt  }
0x4e: {  	_ =	shalt  }
0x4f: {  	_ =	shalt  }
0x50: {  	_ =	shalt  }
0x51: {  	_ =	shalt  }
0x52: {  	_ =	shalt  }
0x53: {  	_ =	shalt  }
0x54: {  	_ =	shalt  }
0x55: {  	_ =	shalt  }
0x56: {  	_ =	shalt  }
0x57: {  	_ =	shalt  }
0x58: {  	_ =	shalt  }
0x59: {  	_ =	shalt  }
0x5a: {  	_ =	shalt  }
0x5b: {  	_ =	shalt  }
0x5c: {  	_ =	shalt  }
0x5d: {  	_ =	shalt  }
0x5e: {  	_ =	shalt  }
0x5f: {  	_ =	shalt  }
0x60: {  	_ =	shalt  }
0x61: {  	_ =	shalt  }
0x62: {  	_ =	shalt  }
0x63: {  	_ =	shalt  }
0x64: {  	_ =	shalt  }
0x65: {  	_ =	shalt  }
0x66: {  	_ =	shalt  }
0x67: {  	_ =	shalt  }
0x68: {  	_ =	shalt  }
0x69: {  	_ =	shalt  }
0x6a: {  	_ =	shalt  }
0x6b: {  	_ =	shalt  }
0x6c: {  	_ =	shalt  }
0x6d: {  	_ =	shalt  }
0x6e: {  	_ =	shalt  }
0x6f: {  	_ =	shalt  }
0x70: {  	_ =	shalt  }
0x71: {  	_ =	shalt  }
0x72: {  	_ =	shalt  }
0x73: {  	_ =	shalt  }
0x74: {  	_ =	shalt  }
0x75: {  	_ =	shalt  }
0x76: {  	_ =	shalt  }
0x77: {  	_ =	shalt  }
0x78: {  	_ =	shalt  }
0x79: {  	_ =	shalt  }
0x7a: {  	_ =	shalt  }
0x7b: {  	_ =	shalt  }
0x7c: {  	_ =	shalt  }
0x7d: {  	_ =	shalt  }
0x7e: {  	_ =	shalt  }
0x7f: {  	_ =	shalt  }
0x80: {  	_ =	shalt  }
0x81: {  	_ =	shalt  }
0x82: {  	_ =	shalt  }
0x83: {  	_ =	shalt  }
0x84: {  	_ =	shalt  }
0x85: {  	_ =	shalt  }
0x86: {  	_ =	shalt  }
0x87: {  	_ =	shalt  }
.Lfunc_end0:
.L_simem_size_0:
called_computation_lowered:
.L_overlay_start_0:
0x88: {  	s2 =	sld [smem:$0x3FD9]  }
0x89: {  	s3 =	sld [smem:$0x3FFE];
	_ =	sdelay $0x1  }
0x8a: {  	s1 =	srdreg.scid  }
0x8b: {  	s0 =	sand.u32 $0x1, s1  }
0x8c: {  	s18 =	sshll.u32 s0, $0xA;
	s2 =	sadd.s32 s3, s2  }
0x8d: {  	s2 =	sadd.s32 s2, s18  }
0x8e: {  	[smem:$0x3FC5] =	sst s2  }
0x8f: {  	_ = 	snop  }
0x90: {  	s2 =	sld [smem:$0x3FC9]  }
0x91: {  	s19 =	sld [smem:$0x3FC8]  }
0x92: {  	s4 =	sld [smem:$0x3FC7]  }
0x93: {  	s5 =	sld [smem:$0x3FD0];
	(tm) =	ssettm $0x1  }
0x94: {  	s6 =	sld [smem:$0x3FFB];
	_ =	sdelay $0x3  }
0x95: {  	_ =	strace s6  }
0x96: {  	s6 =	sld [smem:$0x3FFC];
	_ =	sdelay $0x3  }
0x97: {  	_ =	strace s6  }
0x98: {  	s6 =	sld [smem:$0x3FFD];
	_ =	sdelay $0x3  }
0x99: {  	_ =	strace s6  }
0x9a: {  	_ =	strace $0x8FFFFFFF  }
0x9b: {  	s20 =	sld [smem:$0x3FDB];
	_ =	sdelay $0x1  }
0x9c: {  	s7 =	simm.s32 $_scs_section_size  }
0x9d: {  	s8 =	simm.s32 $_size__tile_overlayer_lowered;
	s9 =	simm.s32 $_tile_overlayer_lowered  }
0x9e: {  	s23 =	simm.s32 $0x1BFF;
	s22 =	sshll.u32 s9, $0x1;
	s6 =	sadd.s32 s7, s20  }
0x9f: {  	s10 =	simm.s32 $0x0;
	s21 =	sshll.u32 s8, $0x1;
	s8 =	sadd.s32 s22, s6  }
0xa0: {  	[timem:s10], [sflag:s23] =	dma.local [hbm:s8], s21  }
0xa1: {  	_ =	swait.ge [sflag:s23], s21  }
0xa2: {  	s7 =	ssub.s32 $0x0, s21;
	[sflag:s23] =	ssyncset.done $0x0  }
0xa3: {  	[sflag:s23] =	ssyncadd.s32 s7;
	_ =	sdelay $0x1  }
0xa4: {  	s24 =	simm.s32 $0x1B8B  }
0xa5: {  	_ =	swait.ge [sflag:s24], $0x1  }
0xa6: {  	[sflag:s24] =	ssyncset.done $0x0  }
0xa7: {  	s25 =	simm.s32 $0x1B8E;
	[sflag:s24] =	ssyncadd.s32 $0xFFFFFFFF  }
0xa8: {  	s26 =	simm.s32 $execute0_lowered;
	[smem:$0x3FD2] =	sst s25  }
0xa9: {  	s7 =	sshll.u32 s26, $0x1;
	_ =	strace $0x80000046;
	[dreg:$0x1] =	wrdreg $0xFFFFFFFF  }
0xaa: {  	s28 =	simm.s32 $_size_execute0_lowered;
	s6 =	sadd.s32 s6, s7;
	[dreg:$0x0] =	wrdreg $0x0  }
0xab: {  	s7 =	sshll.u32 s28, $0x1;
	[dreg:$0x2] =	wrdreg s6  }
0xac: {  	[dreg:$0x3] =	wrdreg s7  }
0xad: {  	[dreg:$0x4] =	wrdreg $0xC0  }
0xae: {  	_ =	task [dreg:s10], $0x5FFFF  }
0xaf: {  	[dreg:$0x1] =	wrdreg $0xFFFFFFFF  }
0xb0: {  	[dreg:$0x0] =	wrdreg $0x60  }
0xb1: {  	[dreg:$0x2] =	wrdreg s2  }
0xb2: {  	[dreg:$0x3] =	wrdreg s19  }
0xb3: {  	[dreg:$0x4] =	wrdreg s4  }
0xb4: {  	[dreg:$0x5] =	wrdreg s5  }
0xb5: {  	[dreg:$0x6] =	wrdreg $0x9  }
0xb6: {  	_ =	task.clear_ibuf [dreg:s10], $0x7FFFF;
	_ =	strace $0x90000046  }
0xb7: {  	s29 =	simm.s32 $0x9;
	_ =	strace $0x80000048  }
0xb8: {  	_ =	swait.ge [sflag:s29], $0x1  }
0xb9: {  	[sflag:s29] =	ssyncadd.s32 $0xFFFFFFFF  }
0xba: {  	_ =	strace $0x90000048  }
0xbb: {  	_ =	sfence  }
0xbc: {  	s30 =	sld [smem:$0x0];
	_ =	sdelay $0x2  }
0xbd: {  	s31 =	sshll.u32 s1, $0xD;
	s1 =	sshrl.u32 s1, $0x2  }
0xbe: {  	s3 =	sand.u32 $0x4000, s31;
	s1 =	sadd.s32 s1, s30  }
0xbf: {  	s0 =	sor.u32 s3, s0;
	s1 =	sshll.u32 s1, $0x11  }
0xc0: {  	s0 =	sor.u32 s1, s0  }
0xc1: {  	s0 =	sadd.s32 $0x8F2B, s0  }
0xc2: {  	[sflag:s0] =	ssyncadd.remote.s32 $0x1  }
0xc3: {  	_ =	sfence.sel $0xFFFF  }
0xc4: {  	[dreg:$0x0] =	wrdreg $0xFFFFFFFF;
	(pc) =	sbr.abs _section_cstart, $3  }
0xc5: {  	[dreg:$0x1] =	wrdreg $0xFFFFFFFF  }
0xc6: {  	_ =	task.clear_ibuf [dreg:s10], $0x2FFFF;
	_ =	strace $0x9FFFFFFF  }
0xc7: {  	(tm) =	ssettm $0x7FFFFFFF  }
tec
execute0_lowered:
.L_overlay_start_1:
0x0: {  	(tag) =	ssettag $0x1  }
0x1: {  	s0 =	srdreg.scid  }
0x2: {  	s6 =	sand.u32 $0x1, s0  }
0x3: {  	s3 =	stileid.u32;
	s12 =	rddreg [dreg:$0x1];
	s0 =	ssub.s32 $0x2, s6  }
0x4: {  	s1 =	sshll.u32 s3, $0x7;
	s10 =	sshll.u32 s6, $0x6;
	s2 =	sshrl.u32 s0, $0x1  }
0x5: {  	s28 =	sshll.u32 s3, $0xA;
	s26 =	sor.u32 s10, s1;
	s0 =	ssub.s32 s0, s2  }
0x6: {  	s9 =	sadd.s32 $0x80, s26;
	s14 =	sadd.s32 $0x100, s26;
	s8 =	sadd.s32 $0x180, s26  }
0x7: {  	s1 =	sadd.s32 $0x200, s26;
	s7 =	sadd.s32 $0x280, s26;
	s24 =	sadd.s32 $0x300, s26  }
0x8: {  	s22 =	sxor.u32 $0x400, s26;
	s5 =	sadd.s32 $0x480, s26;
	s15 =	sadd.s32 $0x500, s26  }
0x9: {  	s25 =	sadd.s32 $0x600, s26;
	s4 =	sadd.s32 $0x580, s26;
	s2 =	sor.u32 s10, s28  }
0xa: {  	s3 =	sadd.s32 $0x700, s26;
	[smem:$0x7EA] =	sst s0;
	s0 =	sand.u32 $0x7C0, s1  }
0xb: {  	s17 =	sand.u32 $0x7C0, s24;
	s24 =	sand.u32 $0x7C0, s25;
	s1 =	sshrl.u32 s2, $0x3  }
0xc: {  	s11 =	sshll.u32 s9, $0x3;
	s31 =	sand.u32 $0x7C0, s3;
	s16 =	sshll.u32 s14, $0x3  }
0xd: {  	s18 =	sshll.u32 s8, $0x3;
	s28 =	sshll.u32 s5, $0x3;
	s29 =	sand.u32 $0x7C0, s7  }
0xe: {  	s7 =	sshll.u32 s7, $0x6;
	[dreg:$0x8] =	wrdreg s22;
	s1 =	sadd.s32 s12, s1  }
0xf: {  	s13 =	sand.u32 $0x3C00, s11;
	s11 =	sand.u32 $0x3C00, s16;
	[dreg:$0x6] =	wrdreg s0  }
0x10: {  	s3 =	sand.u32 $0x3C00, s18;
	s18 =	sshll.u32 s6, $0x3;
	[dreg:$0x9] =	wrdreg s24  }
0x11: {  	s16 =	sshll.u32 s4, $0x3;
	s7 =	sor.u32 $0xA0000, s7;
	[dreg:$0xb] =	wrdreg s1  }
0x12: {  	s1 =	sor.u32 s10, s13;
	s19 =	sor.u32 s10, s11;
	s3 =	sor.u32 s10, s3  }
0x13: {  	s13 =	sshll.u32 s22, $0x3;
	s11 =	sand.u32 $0x3C00, s28;
	s16 =	sand.u32 $0x3C00, s16  }
0x14: {  	s2 =	sor.u32 s0, s18;
	s1 =	sshrl.u32 s1, $0x3;
	s20 =	sshrl.u32 s3, $0x3  }
0x15: {  	s23 =	sand.u32 $0x3C00, s13;
	s11 =	sor.u32 s10, s11;
	s16 =	sor.u32 s10, s16  }
0x16: {  	s3 =	sor.u32 s29, s18;
	s1 =	sadd.s32 s1, s12;
	s21 =	sadd.s32 s20, s12  }
0x17: {  	s25 =	sor.u32 s10, s23;
	s16 =	sshrl.u32 s16, $0x3;
	[smem:$0x7C6] =	sst s1  }
0x18: {  	s1 =	sshrl.u32 s19, $0x3;
	[smem:$0x7DE] =	sst s21;
	s19 =	sadd.s32 $0x380, s26  }
0x19: {  	s6 =	sshrl.u32 s25, $0x3;
	s1 =	sadd.s32 s1, s12;
	s28 =	sand.u32 $0x7C0, s19  }
0x1a: {  	s25 =	sadd.s32 s6, s12;
	[smem:$0x7C8] =	sst s1;
	s1 =	sshll.u32 s15, $0x3  }
0x1b: {  	s20 =	sor.u32 s28, s18;
	[smem:$0x7E2] =	sst s25;
	s13 =	sand.u32 $0x3C00, s1  }
0x1c: {  	s1 =	smov.u32 s17;
	s17 =	sor.u32 s17, s18;
	s21 =	sor.u32 $0x70, s20  }
0x1d: {  	s20 =	sor.u32 s24, s18;
	s13 =	sor.u32 s10, s13;
	s10 =	sor.u32 $0x40, s2  }
0x1e: {  	[dreg:$0x7] =	wrdreg s1;
	s17 =	sor.u32 $0x60, s17;
	s23 =	sadd.s32 s12, s21  }
0x1f: {  	s21 =	sor.u32 $0x840, s20;
	s2 =	sshll.u32 s26, $0x6;
	s10 =	sadd.s32 s12, s10  }
0x20: {  	[dreg:$0x11] =	wrdreg s23;
	s6 =	sshrl.u32 s13, $0x3;
	s20 =	sadd.s32 s12, s21  }
0x21: {  	s21 =	sor.u32 s31, s18;
	[dreg:$0xd] =	wrdreg s10;
	s10 =	sor.u32 $0x50, s3  }
0x22: {  	s3 =	sshrl.u32 s11, $0x3;
	s13 =	sadd.s32 s6, s12;
	[dreg:$0x13] =	wrdreg s20  }
0x23: {  	s25 =	sor.u32 $0x860, s21;
	s11 =	sand.u32 $0x7C0, s14;
	s14 =	rddreg [dreg:$0x3]  }
0x24: {  	s10 =	sadd.s32 s12, s10;
	[smem:$0x7CC] =	sst s13;
	s13 =	sand.u32 $0x7C0, s15  }
0x25: {  	s30 =	sadd.s32 s14, s2;
	s2 =	sand.u32 $0x7C0, s8;
	s8 =	sshll.u32 s8, $0x6  }
0x26: {  	s21 =	sshll.u32 s11, $0x6;
	s7 =	sadd.s32 s14, s7;
	[dreg:$0xf] =	wrdreg s10  }
0x27: {  	s10 =	sadd.s32 s12, s17;
	s17 =	sadd.s32 s16, s12;
	s16 =	sadd.s32 $0x780, s26  }
0x28: {  	s8 =	sor.u32 $0x60000, s8;
	s15 =	sadd.s32 s21, s14;
	[dreg:$0x1f] =	wrdreg s7  }
0x29: {  	s21 =	sshll.u32 s1, $0x6;
	s1 =	sand.u32 $0x7C0, s5;
	[dreg:$0x10] =	wrdreg s10  }
0x2a: {  	s5 =	sshll.u32 s5, $0x6;
	s10 =	sadd.s32 s3, s12;
	[smem:$0x7CE] =	sst s17  }
0x2b: {  	s17 =	sadd.s32 $0x680, s26;
	s3 =	sand.u32 $0x7C0, s16;
	s8 =	sadd.s32 s14, s8  }
0x2c: {  	s5 =	sor.u32 $0x120000, s5;
	s16 =	sshll.u32 s16, $0x6;
	[smem:$0x7CA] =	sst s10  }
0x2d: {  	s6 =	sand.u32 $0x7C0, s17;
	s10 =	sand.u32 $0x7C0, s9;
	s9 =	sshll.u32 s9, $0x6  }
0x2e: {  	[dreg:$0x1e] =	wrdreg s8;
	s5 =	sadd.s32 s14, s5;
	s17 =	sshll.u32 s17, $0x6  }
0x2f: {  	s16 =	sor.u32 $0x1E0000, s16;
	s23 =	sor.u32 s6, s18;
	s18 =	sor.u32 s3, s18  }
0x30: {  	s9 =	sor.u32 $0x20000, s9;
	[smem:$0x7C2] =	sst s5;
	s16 =	sadd.s32 s14, s16  }
0x31: {  	s20 =	sor.u32 $0x850, s23;
	s18 =	sor.u32 $0x870, s18;
	s9 =	sadd.s32 s14, s9  }
0x32: {  	s23 =	sshll.u32 s2, $0x6;
	[smem:$0x7C5] =	sst s16;
	s20 =	sadd.s32 s12, s20  }
0x33: {  	[dreg:$0x1c] =	wrdreg s9;
	s8 =	sadd.s32 s23, s14;
	s23 =	sshll.u32 s28, $0x6  }
0x34: {  	[dreg:$0x15] =	wrdreg s20;
	s20 =	sadd.s32 s12, s25;
	s12 =	sadd.s32 s12, s18  }
0x35: {  	s25 =	sshll.u32 s0, $0x6;
	s0 =	sshll.u32 s19, $0x6;
	[dreg:$0x16] =	wrdreg s20  }
0x36: {  	[dreg:$0x17] =	wrdreg s12;
	s20 =	simm.s32 $0x0;
	s7 =	sor.u32 $0xE0000, s0  }
0x37: {  	s0 =	sshll.u32 s1, $0x6;
	s12 =	sor.u32 $0x1A0000, s17;
	[smem:$0x7FF] =	sst s20  }
0x38: {  	s7 =	sadd.s32 s14, s7;
	s5 =	sadd.s32 s0, s14;
	s0 =	sand.u32 $0x7C0, s4  }
0x39: {  	s4 =	sshll.u32 s4, $0x6;
	s12 =	sadd.s32 s14, s12;
	[smem:$0x7C1] =	sst s7  }
0x3a: {  	s18 =	sshll.u32 s10, $0x6;
	s4 =	sor.u32 $0x160000, s4;
	[smem:$0x7C4] =	sst s12  }
0x3b: {  	s9 =	sadd.s32 s18, s14;
	s12 =	rddreg [dreg:$0x0];
	s4 =	sadd.s32 s14, s4  }
0x3c: {  	s8 =	sadd.s32 $0x60800, s8;
	s9 =	sadd.s32 $0x20800, s9;
	[smem:$0x7C3] =	sst s4  }
0x3d: {  	s7 =	sadd.s32 s23, s14;
	_ =	strace $0x80000047;
	[smem:$0x7D0] =	sst s9  }
0x3e: {  	s7 =	sadd.s32 $0xE0800, s7;
	[smem:$0x7D3] =	sst s8  }
0x3f: {  	s5 =	sadd.s32 $0x120800, s5;
	[smem:$0x7D9] =	sst s7  }
0x40: {  	[smem:$0x7DC] =	sst s5  }
0x41: {  	[dreg:$0x1b] =	wrdreg s30  }
0x42: {  	[dreg:$0x5] =	wrdreg s26  }
0x43: {  	[dreg:$0x19] =	wrdreg s10  }
0x44: {  	s24 =	sshll.u32 s24, $0x6;
	s21 =	sadd.s32 s21, s14;
	[dreg:$0x18] =	wrdreg s11  }
0x45: {  	s16 =	sshll.u32 s3, $0x6;
	s19 =	sshll.u32 s29, $0x6;
	[dreg:$0x1d] =	wrdreg s2  }
0x46: {  	s18 =	sadd.s32 s25, s14;
	s19 =	sadd.s32 s19, s14;
	[dreg:$0xc] =	wrdreg s29  }
0x47: {  	s25 =	sshll.u32 s22, $0x6;
	s22 =	sshll.u32 s13, $0x6;
	[dreg:$0xe] =	wrdreg s28  }
0x48: {  	s17 =	sadd.s32 s24, s14;
	s22 =	sadd.s32 s22, s14;
	[smem:$0x7F5] =	sst s1  }
0x49: {  	s23 =	sadd.s32 s25, s14;
	s25 =	sshll.u32 s0, $0x6;
	[dreg:$0x1a] =	wrdreg s13  }
0x4a: {  	s4 =	sadd.s32 s25, s14;
	s25 =	sshll.u32 s6, $0x6;
	[smem:$0x7F8] =	sst s0  }
0x4b: {  	s24 =	sadd.s32 s25, s14;
	s25 =	sshll.u32 s31, $0x6;
	[dreg:$0x12] =	wrdreg s6  }
0x4c: {  	s25 =	sadd.s32 s25, s14;
	s14 =	sadd.s32 s16, s14;
	s16 =	sld [smem:$0x7C6]  }
0x4d: {  	[dreg:$0xa] =	wrdreg s31  }
0x4e: {  	s8 =	sadd.s32 $0x100800, s23;
	[dreg:$0x14] =	wrdreg s3  }
0x4f: {  	[smem:$0x7DA] =	sst s8;
	s16 =	sadd.s32 $0x10, s16  }
0x50: {  	[smem:$0x7C7] =	sst s16  }
0x51: {  	s9 =	sadd.s32 $0x100000, s23;
	s16 =	sld [smem:$0x7C8]  }
0x52: {  	s4 =	sadd.s32 $0x160800, s4;
	[smem:$0x7DB] =	sst s9  }
0x53: {  	s23 =	sadd.s32 $0x180000, s17;
	[smem:$0x7E1] =	sst s4  }
0x54: {  	[smem:$0x7E6] =	sst s23;
	s16 =	sadd.s32 $0x20, s16  }
0x55: {  	[smem:$0x7C9] =	sst s16  }
0x56: {  	s16 =	sld [smem:$0x7CA]  }
0x57: {  	s2 =	ssub.s32 $0x0, s2;
	s8 =	sld [smem:$0x7EA]  }
0x58: {  	s1 =	ssub.s32 $0x0, s1;
	[smem:$0x7F0] =	sst s2  }
0x59: {  	[smem:$0x7F6] =	sst s1;
	s16 =	sadd.s32 $0x810, s16  }
0x5a: {  	[smem:$0x7CB] =	sst s16  }
0x5b: {  	s0 =	ssub.s32 $0x0, s0;
	s16 =	sld [smem:$0x7CC]  }
0x5c: {  	s9 =	sadd.s32 $0x800, s30;
	[smem:$0x7F9] =	sst s0  }
0x5d: {  	s23 =	ssub.s32 $0x0, s13;
	[smem:$0x7EC] =	sst s9  }
0x5e: {  	[smem:$0x7F7] =	sst s23;
	s16 =	sadd.s32 $0x820, s16  }
0x5f: {  	[smem:$0x7CD] =	sst s16  }
0x60: {  	s7 =	sadd.s32 $0x1E0800, s14;
	s16 =	sld [smem:$0x7CE]  }
0x61: {  	s14 =	ssub.s32 $0x0, s26;
	[smem:$0x7E9] =	sst s7  }
0x62: {  	s26 =	ssub.s32 $0x0, s31;
	[smem:$0x7ED] =	sst s14  }
0x63: {  	[smem:$0x7FC] =	sst s26;
	s16 =	sadd.s32 $0x830, s16  }
0x64: {  	[smem:$0x7CF] =	sst s16;
	s16 =	sadd.s32 $0x40000, s15  }
0x65: {  	[smem:$0x7D1] =	sst s16;
	s16 =	sadd.s32 $0x40800, s15  }
0x66: {  	s15 =	sadd.s32 $0x80000, s18;
	[smem:$0x7D2] =	sst s16  }
0x67: {  	[smem:$0x7D4] =	sst s15;
	s16 =	sadd.s32 $0x80800, s18  }
0x68: {  	s18 =	sadd.s32 $0xA0800, s19;
	[smem:$0x7D5] =	sst s16  }
0x69: {  	s19 =	sadd.s32 $0xC0000, s21;
	[smem:$0x7D6] =	sst s18  }
0x6a: {  	s21 =	sadd.s32 $0xC0800, s21;
	[smem:$0x7D7] =	sst s19  }
0x6b: {  	s15 =	sadd.s32 $0x140000, s22;
	[smem:$0x7D8] =	sst s21  }
0x6c: {  	[smem:$0x7DD] =	sst s15  }
0x6d: {  	s16 =	sld [smem:$0x7DE]  }
0x6e: {  	s19 =	sld [smem:$0x7E2]  }
0x6f: {  	s18 =	sadd.s32 $0x140800, s22;
	s22 =	sadd.s32 $0x180800, s17;
	s17 =	rddreg [dreg:$0x6]  }
0x70: {  	s21 =	sadd.s32 $0x1A0800, s24;
	[smem:$0x7E0] =	sst s18  }
0x71: {  	[smem:$0x7E4] =	sst s21  }
0x72: {  	s24 =	sadd.s32 $0x1C0000, s25;
	[smem:$0x7E5] =	sst s22  }
0x73: {  	s15 =	ssub.s32 $0x0, s10;
	[smem:$0x7E7] =	sst s24  }
0x74: {  	[smem:$0x7EE] =	sst s15  }
0x75: {  	s21 =	rddreg [dreg:$0x7]  }
0x76: {  	s2 =	ssub.s32 $0x0, s17;
	s24 =	rddreg [dreg:$0x9]  }
0x77: {  	s22 =	ssub.s32 $0x0, s28;
	[smem:$0x7F1] =	sst s2  }
0x78: {  	s28 =	ssub.s32 $0x0, s3;
	[smem:$0x7F4] =	sst s22  }
0x79: {  	s2 =	ssub.s32 $0x0, s21;
	[smem:$0x7FD] =	sst s28  }
0x7a: {  	s30 =	simm.s32 $0x7;
	s0 =	ssub.s32 $0x0, s24;
	[smem:$0x7F3] =	sst s2  }
0x7b: {  	s1 =	simm.s32 $0x0;
	s5 =	sadd.s32 $0x30, s16;
	[smem:$0x7FA] =	sst s0  }
0x7c: {  	s31 =	simm.s32 $0xC00;
	s4 =	sadd.s32 $0x800, s19;
	[smem:$0x7DF] =	sst s5  }
0x7d: {  	s18 =	sadd.s32 $0x100, s12;
	s16 =	ssub.s32 $0x0, s11;
	[smem:$0x7E3] =	sst s4  }
.Ltmp0:
0x7e: {  	s19 =	ssub.s32 $0x0, s29;
	[smem:$0x7EF] =	sst s16;
	(pc) =	sbr.rel .LBB2_1-.Ltmp0, $4  }
0x7f: {  	s24 =	simm.s32 $0x5;
	s5 =	sadd.s32 $0x1C0800, s25;
	[smem:$0x7F2] =	sst s19  }
0x80: {  	v3 =	vlaneseq.u32;
	s21 =	simm.s32 $0x1400;
	s4 =	smax.u32 s8, $0x1;
	[smem:$0x7E8] =	sst s5  }
0x81: {  	v0 =	vimm.f32 $0.0e+00;
	vm0 =	vmmov $0xffff;
	v2 =	vshrl.u32 v3, $0x3;
	s22 =	simm.s32 $0x1C00;
	s25 =	ssub.s32 $0x0, s6;
	[smem:$0x7EB] =	sst s4  }
0x82: {  	v1 =	vand.u32 $0x7, v3;
	v3 =	vor.u32 $0x8, v3;
	v2 =	vmul.u32 $0x8, v2;
	s29 =	simm.s32 $0x6;
	[smem:$0x7FB] =	sst s25;
	s25 =	simm.s32 $0x400  }
.LBB2_145:
0x83: {  	[tilespmem:s6+$0x400] =	vst v0  }
.LBB2_146:
0x84: {  	s2 =	sld [smem:$0x7C5];
	_ =	sdelay $0x2  }
0x85: {  	[hbm4b:s2+s20] =	stream.linear.scatter [tilespmem:s25], [sflag:$0x5], $0x8000, $0x38;
	[tilespmem:$0x1C480] =	vst v63  }
.LBB2_148:
0x86: {  	_ =	swait.ge [sflag:s24], $0x8000  }
0x87: {  	[sflag:s24] =	ssyncset.done $0x0  }
0x88: {  	[sflag:s24] =	ssyncadd.s32 $0xFFFF8000  }
0x89: {  	_ =	swait.ge [sflag:s29], $0x8000  }
0x8a: {  	[sflag:s29] =	ssyncset.done $0x0  }
0x8b: {  	[sflag:s29] =	ssyncadd.s32 $0xFFFF8000  }
0x8c: {  	_ =	swait.ge [sflag:s30], $0x8000  }
0x8d: {  	s2 =	sld [smem:$0x7EB];
	_ =	sdelay $0x1  }
0x8e: {  	s1 =	sadd.s32 $0x1, s1  }
0x8f: {  	p0 =	sne.s32 s1, s2  }
.Ltmp1:
0x90: {  	_ = 	snop;
	(pc) =	sbr.rel @!p0 .LBB2_149-.Ltmp1, $3  }
0x91: {  	_ =	sdelay $0x1  }
0x92: {  	[sflag:s30] =	ssyncset.done $0x0  }
0x93: {  	[sflag:s30] =	ssyncadd.s32 $0xFFFF8000  }
.LBB2_1:
0x94: {  	s2 =	rddreg [dreg:$0x2];
	s3 =	simm.s32 $0x1C400  }
0x95: {  	[tilespmem:s3], [sflag:$0x8] =	stream.linear.gather [hbm4b:s2+s20], $0x10, $0x38;
	[tilespmem:$0x1C480] =	vst v63  }
0x96: {  	s3 =	simm.s32 $0x8  }
0x97: {  	_ =	swait.ge [sflag:s3], $0x10  }
0x98: {  	[sflag:s3] =	ssyncset.done $0x0;
	s4 =	rddreg [dreg:$0xb]  }
0x99: {  	s5 =	sld [smem:$0x7C7];
	[sflag:s3] =	ssyncadd.s32 $0xFFFFFFF0  }
0x9a: {  	[tilespmem:s20], [sflag:$0x4] =	stream.linear.gather [hbm4b:s4+s20], $0x40, $0x38;
	[tilespmem:$0x1C480] =	vst v63  }
0x9b: {  	s6 =	simm.s32 $0x40;
	s7 =	sld [smem:$0x7C9]  }
0x9c: {  	[tilespmem:s6], [sflag:$0x4] =	stream.linear.gather [hbm4b:s5+s20], $0x40, $0x38;
	[tilespmem:$0x1C480] =	vst v63  }
0x9d: {  	s8 =	simm.s32 $0x80;
	s9 =	sld [smem:$0x7DF]  }
0x9e: {  	[tilespmem:s8], [sflag:$0x4] =	stream.linear.gather [hbm4b:s7+s20], $0x40, $0x38;
	[tilespmem:$0x1C480] =	vst v63  }
0x9f: {  	s10 =	simm.s32 $0xC0;
	s11 =	rddreg [dreg:$0xd]  }
0xa0: {  	[tilespmem:s10], [sflag:$0x4] =	stream.linear.gather [hbm4b:s9+s20], $0x40, $0x38;
	[tilespmem:$0x1C480] =	vst v63  }
0xa1: {  	s13 =	simm.s32 $0x100;
	s14 =	rddreg [dreg:$0xf]  }
0xa2: {  	[tilespmem:s13], [sflag:$0x4] =	stream.linear.gather [hbm4b:s11+s20], $0x40, $0x38;
	[tilespmem:$0x1C480] =	vst v63  }
0xa3: {  	s15 =	simm.s32 $0x140;
	s16 =	rddreg [dreg:$0x10]  }
0xa4: {  	[tilespmem:s15], [sflag:$0x4] =	stream.linear.gather [hbm4b:s14+s20], $0x40, $0x38;
	[tilespmem:$0x1C480] =	vst v63  }
0xa5: {  	s17 =	simm.s32 $0x180;
	s19 =	rddreg [dreg:$0x11]  }
0xa6: {  	[tilespmem:s17], [sflag:$0x4] =	stream.linear.gather [hbm4b:s16+s20], $0x40, $0x38;
	[tilespmem:$0x1C480] =	vst v63  }
0xa7: {  	s23 =	simm.s32 $0x1C0;
	s26 =	sld [smem:$0x7E3]  }
0xa8: {  	[tilespmem:s23], [sflag:$0x4] =	stream.linear.gather [hbm4b:s19+s20], $0x40, $0x38;
	[tilespmem:$0x1C480] =	vst v63  }
0xa9: {  	s0 =	simm.s32 $0x200;
	s4 =	sld [smem:$0x7CB]  }
0xaa: {  	[tilespmem:s0], [sflag:$0x4] =	stream.linear.gather [hbm4b:s26+s20], $0x40, $0x38;
	[tilespmem:$0x1C480] =	vst v63  }
0xab: {  	s5 =	simm.s32 $0x240;
	s6 =	sld [smem:$0x7CD]  }
0xac: {  	[tilespmem:s5], [sflag:$0x4] =	stream.linear.gather [hbm4b:s4+s20], $0x40, $0x38;
	[tilespmem:$0x1C480] =	vst v63  }
0xad: {  	s7 =	simm.s32 $0x280;
	s8 =	sld [smem:$0x7CF]  }
0xae: {  	[tilespmem:s7], [sflag:$0x4] =	stream.linear.gather [hbm4b:s6+s20], $0x40, $0x38;
	[tilespmem:$0x1C480] =	vst v63  }
0xaf: {  	s9 =	simm.s32 $0x2C0  }
0xb0: {  	[tilespmem:s9], [sflag:$0x4] =	stream.linear.gather [hbm4b:s8+s20], $0x40, $0x38;
	[tilespmem:$0x1C480] =	vst v63  }
0xb1: {  	s10 =	rddreg [dreg:$0x13];
	s11 =	simm.s32 $0x300  }
0xb2: {  	[tilespmem:s11], [sflag:$0x4] =	stream.linear.gather [hbm4b:s10+s20], $0x40, $0x38;
	[tilespmem:$0x1C480] =	vst v63  }
0xb3: {  	s13 =	rddreg [dreg:$0x15];
	s14 =	simm.s32 $0x340  }
0xb4: {  	[tilespmem:s14], [sflag:$0x4] =	stream.linear.gather [hbm4b:s13+s20], $0x40, $0x38;
	[tilespmem:$0x1C480] =	vst v63  }
0xb5: {  	s15 =	rddreg [dreg:$0x16];
	s16 =	simm.s32 $0x380  }
0xb6: {  	[tilespmem:s16], [sflag:$0x4] =	stream.linear.gather [hbm4b:s15+s20], $0x40, $0x38;
	[tilespmem:$0x1C480] =	vst v63  }
0xb7: {  	s17 =	rddreg [dreg:$0x17];
	s19 =	simm.s32 $0x3C0;
	s23 =	simm.s32 $0x4  }
0xb8: {  	[tilespmem:s19], [sflag:$0x4] =	stream.linear.gather [hbm4b:s17+s20], $0x40, $0x38;
	[tilespmem:$0x1C480] =	vst v63  }
0xb9: {  	_ =	swait.ge [sflag:s23], $0x400  }
0xba: {  	[sflag:s23] =	ssyncset.done $0x0  }
0xbb: {  	[sflag:s23] =	ssyncadd.s32 $0xFFFFFC00  }
0xbc: {  	v4 =	vld [tilespmem:$0x1C400];
	_ =	sdelay $0x4  }
0xbd: {  	(v2sf) =	vpush v4, $0x0  }
0xbe: {  	(v2sf) =	vpush v4, $0x1  }
0xbf: {  	(v2sf) =	vpush v4, $0x2  }
0xc0: {  	(v2sf) =	vpush v4, $0x3  }
0xc1: {  	(v2sf) =	vpush v4, $0x4  }
0xc2: {  	(v2sf) =	vpush v4, $0x5  }
0xc3: {  	(v2sf) =	vpush v4, $0x6  }
0xc4: {  	(v2sf) =	vpush v4, $0x7  }
0xc5: {  	(v2sf) =	vpush v4, $0x8  }
0xc6: {  	(v2sf) =	vpush v4, $0x9;
	_ =	sdelay $0x1  }
0xc7: {  	(v2sf) =	vpush v4, $0xA  }
0xc8: {  	(v2sf) =	vpush v4, $0xB  }
0xc9: {  	(v2sf) =	vpush v4, $0xC  }
0xca: {  	(v2sf) =	vpush v4, $0xD  }
0xcb: {  	(v2sf) =	vpush v4, $0xE;
	s9 =	spop (v2sf)  }
0xcc: {  	(v2sf) =	vpush v4, $0xF;
	s5 =	spop (v2sf)  }
0xcd: {  	s2 =	spop (v2sf)  }
0xce: {  	s16 =	spop (v2sf)  }
0xcf: {  	s15 =	spop (v2sf)  }
0xd0: {  	s3 =	spop (v2sf)  }
0xd1: {  	s17 =	spop (v2sf)  }
0xd2: {  	s0 =	spop (v2sf)  }
0xd3: {  	s4 =	spop (v2sf)  }
0xd4: {  	s6 =	rddreg [dreg:$0x5];
	s26 =	spop (v2sf)  }
0xd5: {  	[smem:$0x7C0] =	sst s26;
	s26 =	ssub.s32 s9, s6  }
0xd6: {  	s28 =	spop (v2sf);
	p1 =	slt.s32 s26, $0x1  }
.Ltmp2:
0xd7: {  	s23 =	spop (v2sf);
	(pc) =	sbr.rel @p1 .LBB2_3-.Ltmp2, $4  }
0xd8: {  	s19 =	spop (v2sf)  }
0xd9: {  	[smem:$0x7BF] =	sst s0;
	s0 =	spop (v2sf)  }
0xda: {  	s14 =	spop (v2sf)  }
0xdb: {  	s11 =	spop (v2sf)  }
0xdc: {  	v4 =	vld [tilespmem:$0x0];
	_ =	sdelay $0x4  }
0xdd: {  	v5 =	vshll.u32 v4, $0x2  }
0xde: {  	v4 =	vand.u32 $0x7, v4;
	v5 =	vand.u32 $0xFFFFFFE0, v5  }
0xdf: {  	v4 =	vor.u32 v4, v5  }
0xe0: {  	v5 =	vperm.xlane v4, v1;
	_ =	sdelay $0x1  }
0xe1: {  	v5 =	vadd.s32 v2, v5;
	_ =	sdelay $0x1  }
0xe2: {  	v4 =	vperm.xlane v4, v3;
	_ =	sdelay $0x1  }
0xe3: {  	v4 =	vadd.s32 v2, v4  }
0xe4: {  	[tilespmem:s25], [sflag:$0x1] =	stream.indirect_vreg.gather [hbm4b:s12+s20], $0x80, v5, vm0, $0xb8;
	[tilespmem:$0x1C480] =	vst v63  }
0xe5: {  	_ = 	snop  }
0xe6: {  	[tilespmem:s31], [sflag:$0x1] =	stream.indirect_vreg.gather [hbm4b:s18+s20], $0x80, v5, vm0, $0xb8;
	[tilespmem:$0x1C480] =	vst v63  }
0xe7: {  	_ = 	snop  }
0xe8: {  	[tilespmem:s21], [sflag:$0x1] =	stream.indirect_vreg.gather [hbm4b:s12+s20], $0x80, v4, vm0, $0xb8;
	[tilespmem:$0x1C480] =	vst v63  }
0xe9: {  	_ = 	snop  }
0xea: {  	[tilespmem:s22], [sflag:$0x1] =	stream.indirect_vreg.gather [hbm4b:s18+s20], $0x80, v4, vm0, $0xb8;
	[tilespmem:$0x1C480] =	vst v63  }
0xeb: {  	v4 =	vld [tilespmem:$0x10];
	_ =	sdelay $0x4  }
0xec: {  	v5 =	vshll.u32 v4, $0x2  }
0xed: {  	v4 =	vand.u32 $0x7, v4;
	v5 =	vand.u32 $0xFFFFFFE0, v5  }
0xee: {  	v4 =	vor.u32 v4, v5  }
0xef: {  	v5 =	vperm.xlane v4, v1;
	_ =	sdelay $0x1  }
0xf0: {  	v5 =	vadd.s32 v2, v5;
	_ =	sdelay $0x1  }
0xf1: {  	v4 =	vperm.xlane v4, v3;
	_ =	sdelay $0x1  }
0xf2: {  	s6 =	simm.s32 $0x2400;
	v4 =	vadd.s32 v2, v4  }
0xf3: {  	[tilespmem:s6], [sflag:$0x1] =	stream.indirect_vreg.gather [hbm4b:s12+s20], $0x80, v5, vm0, $0xb8;
	[tilespmem:$0x1C480] =	vst v63  }
0xf4: {  	s22 =	simm.s32 $0x2C00  }
0xf5: {  	[tilespmem:s22], [sflag:$0x1] =	stream.indirect_vreg.gather [hbm4b:s18+s20], $0x80, v5, vm0, $0xb8;
	[tilespmem:$0x1C480] =	vst v63  }
0xf6: {  	s25 =	simm.s32 $0x3400  }
0xf7: {  	[tilespmem:s25], [sflag:$0x1] =	stream.indirect_vreg.gather [hbm4b:s12+s20], $0x80, v4, vm0, $0xb8;
	[tilespmem:$0x1C480] =	vst v63  }
0xf8: {  	s31 =	simm.s32 $0x3C00  }
0xf9: {  	[tilespmem:s31], [sflag:$0x1] =	stream.indirect_vreg.gather [hbm4b:s18+s20], $0x80, v4, vm0, $0xb8;
	[tilespmem:$0x1C480] =	vst v63  }
0xfa: {  	v4 =	vld [tilespmem:$0x20];
	_ =	sdelay $0x4  }
0xfb: {  	v5 =	vshll.u32 v4, $0x2  }
0xfc: {  	v4 =	vand.u32 $0x7, v4;
	v5 =	vand.u32 $0xFFFFFFE0, v5  }
0xfd: {  	v4 =	vor.u32 v4, v5  }
0xfe: {  	v5 =	vperm.xlane v4, v1;
	_ =	sdelay $0x1  }
0xff: {  	v5 =	vadd.s32 v2, v5;
	_ =	sdelay $0x1  }
0x100: {  	v4 =	vperm.xlane v4, v3;
	_ =	sdelay $0x1  }
0x101: {  	s7 =	simm.s32 $0x4400;
	v4 =	vadd.s32 v2, v4  }
0x102: {  	[tilespmem:s7], [sflag:$0x1] =	stream.indirect_vreg.gather [hbm4b:s12+s20], $0x80, v5, vm0, $0xb8;
	[tilespmem:$0x1C480] =	vst v63  }
0x103: {  	s8 =	simm.s32 $0x4C00  }
0x104: {  	[tilespmem:s8], [sflag:$0x1] =	stream.indirect_vreg.gather [hbm4b:s18+s20], $0x80, v5, vm0, $0xb8;
	[tilespmem:$0x1C480] =	vst v63  }
0x105: {  	s10 =	simm.s32 $0x5400  }
0x106: {  	[tilespmem:s10], [sflag:$0x1] =	stream.indirect_vreg.gather [hbm4b:s12+s20], $0x80, v4, vm0, $0xb8;
	[tilespmem:$0x1C480] =	vst v63  }
0x107: {  	s13 =	simm.s32 $0x5C00  }
0x108: {  	[tilespmem:s13], [sflag:$0x1] =	stream.indirect_vreg.gather [hbm4b:s18+s20], $0x80, v4, vm0, $0xb8;
	[tilespmem:$0x1C480] =	vst v63  }
0x109: {  	v4 =	vld [tilespmem:$0x30];
	_ =	sdelay $0x4  }
0x10a: {  	v5 =	vshll.u32 v4, $0x2  }
0x10b: {  	v4 =	vand.u32 $0x7, v4;
	v5 =	vand.u32 $0xFFFFFFE0, v5  }
0x10c: {  	v4 =	vor.u32 v4, v5  }
0x10d: {  	v5 =	vperm.xlane v4, v1;
	_ =	sdelay $0x1  }
0x10e: {  	v5 =	vadd.s32 v2, v5;
	_ =	sdelay $0x1  }
0x10f: {  	v4 =	vperm.xlane v4, v3;
	_ =	sdelay $0x1  }
0x110: {  	s21 =	simm.s32 $0x6400;
	v4 =	vadd.s32 v2, v4  }
0x111: {  	[tilespmem:s21], [sflag:$0x1] =	stream.indirect_vreg.gather [hbm4b:s12+s20], $0x80, v5, vm0, $0xb8;
	[tilespmem:$0x1C480] =	vst v63  }
0x112: {  	s22 =	simm.s32 $0x6C00  }
0x113: {  	[tilespmem:s22], [sflag:$0x1] =	stream.indirect_vreg.gather [hbm4b:s18+s20], $0x80, v5, vm0, $0xb8;
	[tilespmem:$0x1C480] =	vst v63  }
0x114: {  	s25 =	simm.s32 $0x7400  }
0x115: {  	[tilespmem:s25], [sflag:$0x1] =	stream.indirect_vreg.gather [hbm4b:s12+s20], $0x80, v4, vm0, $0xb8;
	[tilespmem:$0x1C480] =	vst v63  }
0x116: {  	s31 =	simm.s32 $0x7C00  }
0x117: {  	[tilespmem:s31], [sflag:$0x1] =	stream.indirect_vreg.gather [hbm4b:s18+s20], $0x80, v4, vm0, $0xb8;
	[tilespmem:$0x1C480] =	vst v63  }
.LBB2_3:
0x118: {  	s6 =	rddreg [dreg:$0x19]  }
0x119: {  	s25 =	rddreg [dreg:$0x8]  }
0x11a: {  	s7 =	rddreg [dreg:$0x18]  }
0x11b: {  	s8 =	rddreg [dreg:$0x1d]  }
0x11c: {  	s13 =	rddreg [dreg:$0x6]  }
0x11d: {  	s21 =	rddreg [dreg:$0x7]  }
0x11e: {  	[smem:$0x7B2] =	sst s17  }
0x11f: {  	[smem:$0x7B6] =	sst s28  }
0x120: {  	[smem:$0x7B8] =	sst s23  }
0x121: {  	[smem:$0x7B9] =	sst s19  }
0x122: {  	[smem:$0x7BB] =	sst s0  }
0x123: {  	[smem:$0x7BC] =	sst s14  }
0x124: {  	[smem:$0x7BD] =	sst s11;
	s31 =	ssub.s32 s5, s6;
	s10 =	ssub.s32 s4, s25  }
0x125: {  	s22 =	ssub.s32 s2, s7;
	s17 =	ssub.s32 s17, s21;
	s21 =	sld [smem:$0x7BF]  }
0x126: {  	s6 =	ssub.s32 s16, s8;
	s4 =	ssub.s32 s15, s13;
	s8 =	rddreg [dreg:$0xc]  }
0x127: {  	s25 =	rddreg [dreg:$0xe];
	p0 =	sgt.s32 s10, $0x0;
	s7 =	smov.u32 s10  }
0x128: {  	s13 =	ssub.s32 s3, s8;
	s8 =	ssub.s32 s21, s25;
	s21 =	sld [smem:$0x7F5]  }
0x129: {  	s7 =	simm.s32 @!p0 $0x0;
	s25 =	sld [smem:$0x7C0]  }
0x12a: {  	s7 =	smin.u32 s7, $0x40;
	[smem:$0x7B3] =	sst s8  }
0x12b: {  	[smem:$0x7B4] =	sst s7  }
0x12c: {  	s8 =	rddreg [dreg:$0x9]  }
0x12d: {  	s7 =	ssub.s32 s25, s21;
	s21 =	rddreg [dreg:$0x1a]  }
0x12e: {  	s25 =	sld [smem:$0x7F8]  }
0x12f: {  	[smem:$0x7B5] =	sst s7  }
0x130: {  	s7 =	ssub.s32 s28, s21;
	s21 =	rddreg [dreg:$0x12]  }
0x131: {  	[smem:$0x7B7] =	sst s7;
	s7 =	ssub.s32 s19, s8  }
0x132: {  	[smem:$0x7BA] =	sst s7  }
0x133: {  	s19 =	ssub.s32 s0, s21;
	s28 =	ssub.s32 s23, s25;
	s25 =	rddreg [dreg:$0x14]  }
0x134: {  	s21 =	simm.s32 $0x0;
	s23 =	rddreg [dreg:$0xa];
	s7 =	ssub.s32 s11, s25  }
0x135: {  	s0 =	ssub.s32 s14, s23;
	s23 =	simm.s32 $0x0;
	[smem:$0x7BE] =	sst s7  }
.LBB2_4:
0x136: {  	s7 =	sshll.u32 s23, $0x9;
	s8 =	sshll.u32 s23, $0x7  }
0x137: {  	s7 =	sand.u32 $0x3000, s7;
	s8 =	sand.u32 $0x380, s8  }
0x138: {  	s7 =	sor.u32 s8, s7  }
0x139: {  	s25 =	sand.u32 $0xC00, s21;
	s8 =	sor.u32 $0x18400, s7  }
0x13a: {  	s11 =	sand.u32 $0x70, s21;
	s14 =	sadd.s32 s25, s8  }
0x13b: {  	s7 =	simm.s32 $0x10;
	s14 =	sadd.s32 s11, s14;
	s11 =	simm.s32 $0x0  }
.LBB2_5:
0x13c: {  	p0 =	sne.s32 s7, $0x1F0  }
0x13d: {  	[tilespmem:s14+$0x0] =	vst v0;
	s11 =	sadd.s32 $0x80, s11;
	s14 =	smov.u32 s7;
	s7 =	sadd.s32 $0x10, s7  }
.Ltmp3:
0x13e: {  	(pc) =	sbr.rel @p0 .LBB2_5-.Ltmp3, $4  }
0x13f: {  	_ = 	snop  }
0x140: {  	s25 =	sand.u32 $0xC00, s11  }
0x141: {  	s14 =	sand.u32 $0x70, s14;
	s25 =	sadd.s32 s25, s8  }
0x142: {  	s14 =	sadd.s32 s14, s25  }
0x143: {  	s23 =	sadd.s32 $0x1, s23  }
0x144: {  	p0 =	sne.s32 s23, $0x20  }
.Ltmp4:
0x145: {  	_ = 	snop;
	(pc) =	sbr.rel @p0 .LBB2_4-.Ltmp4, $2  }
0x146: {  	_ =	sdelay $0x2  }
0x147: {  	[tilespmem:s14+$0x0] =	vst v0  }
0x148: {  	p0 =	slt.s32 s31, $0x1  }
.Ltmp5:
0x149: {  	_ = 	snop;
	(pc) =	sbr.rel @p0 .LBB2_9-.Ltmp5, $2  }
0x14a: {  	_ =	sdelay $0x2  }
0x14b: {  	s14 =	simm.s32 $0x8400  }
0x14c: {  	v4 =	vld [tilespmem:$0x40];
	_ =	sdelay $0x4  }
0x14d: {  	v5 =	vshll.u32 v4, $0x2  }
0x14e: {  	v4 =	vand.u32 $0x7, v4;
	v5 =	vand.u32 $0xFFFFFFE0, v5  }
0x14f: {  	v4 =	vor.u32 v4, v5  }
0x150: {  	v5 =	vperm.xlane v4, v1;
	_ =	sdelay $0x1  }
0x151: {  	v5 =	vadd.s32 v2, v5;
	_ =	sdelay $0x1  }
0x152: {  	v4 =	vperm.xlane v4, v3;
	_ =	sdelay $0x1  }
0x153: {  	v4 =	vadd.s32 v2, v4  }
0x154: {  	[tilespmem:s14], [sflag:$0x2] =	stream.indirect_vreg.gather [hbm4b:s12+s20], $0x80, v5, vm0, $0xb8;
	[tilespmem:$0x1C480] =	vst v63  }
0x155: {  	s7 =	simm.s32 $0x8C00  }
0x156: {  	[tilespmem:s7], [sflag:$0x2] =	stream.indirect_vreg.gather [hbm4b:s18+s20], $0x80, v5, vm0, $0xb8;
	[tilespmem:$0x1C480] =	vst v63  }
0x157: {  	s11 =	simm.s32 $0x9400  }
0x158: {  	[tilespmem:s11], [sflag:$0x2] =	stream.indirect_vreg.gather [hbm4b:s12+s20], $0x80, v4, vm0, $0xb8;
	[tilespmem:$0x1C480] =	vst v63  }
0x159: {  	s21 =	simm.s32 $0x9C00  }
0x15a: {  	[tilespmem:s21], [sflag:$0x2] =	stream.indirect_vreg.gather [hbm4b:s18+s20], $0x80, v4, vm0, $0xb8;
	[tilespmem:$0x1C480] =	vst v63  }
0x15b: {  	v4 =	vld [tilespmem:$0x50];
	_ =	sdelay $0x4  }
0x15c: {  	v5 =	vshll.u32 v4, $0x2  }
0x15d: {  	v4 =	vand.u32 $0x7, v4;
	v5 =	vand.u32 $0xFFFFFFE0, v5  }
0x15e: {  	v4 =	vor.u32 v4, v5  }
0x15f: {  	v5 =	vperm.xlane v4, v1;
	_ =	sdelay $0x1  }
0x160: {  	v5 =	vadd.s32 v2, v5;
	_ =	sdelay $0x1  }
0x161: {  	v4 =	vperm.xlane v4, v3;
	_ =	sdelay $0x1  }
0x162: {  	s23 =	simm.s32 $0xA400;
	v4 =	vadd.s32 v2, v4  }
0x163: {  	[tilespmem:s23], [sflag:$0x2] =	stream.indirect_vreg.gather [hbm4b:s12+s20], $0x80, v5, vm0, $0xb8;
	[tilespmem:$0x1C480] =	vst v63  }
0x164: {  	s25 =	simm.s32 $0xAC00  }
0x165: {  	[tilespmem:s25], [sflag:$0x2] =	stream.indirect_vreg.gather [hbm4b:s18+s20], $0x80, v5, vm0, $0xb8;
	[tilespmem:$0x1C480] =	vst v63  }
0x166: {  	s8 =	simm.s32 $0xB400  }
0x167: {  	[tilespmem:s8], [sflag:$0x2] =	stream.indirect_vreg.gather [hbm4b:s12+s20], $0x80, v4, vm0, $0xb8;
	[tilespmem:$0x1C480] =	vst v63  }
0x168: {  	s11 =	simm.s32 $0xBC00  }
0x169: {  	[tilespmem:s11], [sflag:$0x2] =	stream.indirect_vreg.gather [hbm4b:s18+s20], $0x80, v4, vm0, $0xb8;
	[tilespmem:$0x1C480] =	vst v63  }
0x16a: {  	v4 =	vld [tilespmem:$0x60];
	_ =	sdelay $0x4  }
0x16b: {  	v5 =	vshll.u32 v4, $0x2  }
0x16c: {  	v4 =	vand.u32 $0x7, v4;
	v5 =	vand.u32 $0xFFFFFFE0, v5  }
0x16d: {  	v4 =	vor.u32 v4, v5  }
0x16e: {  	v5 =	vperm.xlane v4, v1;
	_ =	sdelay $0x1  }
0x16f: {  	v5 =	vadd.s32 v2, v5;
	_ =	sdelay $0x1  }
0x170: {  	v4 =	vperm.xlane v4, v3;
	_ =	sdelay $0x1  }
0x171: {  	s21 =	simm.s32 $0xC400;
	v4 =	vadd.s32 v2, v4  }
0x172: {  	[tilespmem:s21], [sflag:$0x2] =	stream.indirect_vreg.gather [hbm4b:s12+s20], $0x80, v5, vm0, $0xb8;
	[tilespmem:$0x1C480] =	vst v63  }
0x173: {  	s23 =	simm.s32 $0xCC00  }
0x174: {  	[tilespmem:s23], [sflag:$0x2] =	stream.indirect_vreg.gather [hbm4b:s18+s20], $0x80, v5, vm0, $0xb8;
	[tilespmem:$0x1C480] =	vst v63  }
0x175: {  	s25 =	simm.s32 $0xD400  }
0x176: {  	[tilespmem:s25], [sflag:$0x2] =	stream.indirect_vreg.gather [hbm4b:s12+s20], $0x80, v4, vm0, $0xb8;
	[tilespmem:$0x1C480] =	vst v63  }
0x177: {  	s8 =	simm.s32 $0xDC00  }
0x178: {  	[tilespmem:s8], [sflag:$0x2] =	stream.indirect_vreg.gather [hbm4b:s18+s20], $0x80, v4, vm0, $0xb8;
	[tilespmem:$0x1C480] =	vst v63  }
0x179: {  	v4 =	vld [tilespmem:$0x70];
	_ =	sdelay $0x4  }
0x17a: {  	v5 =	vshll.u32 v4, $0x2  }
0x17b: {  	v4 =	vand.u32 $0x7, v4;
	v5 =	vand.u32 $0xFFFFFFE0, v5  }
0x17c: {  	v4 =	vor.u32 v4, v5  }
0x17d: {  	v5 =	vperm.xlane v4, v1;
	_ =	sdelay $0x1  }
0x17e: {  	v5 =	vadd.s32 v2, v5;
	_ =	sdelay $0x1  }
0x17f: {  	v4 =	vperm.xlane v4, v3;
	_ =	sdelay $0x1  }
0x180: {  	s11 =	simm.s32 $0xE400;
	v4 =	vadd.s32 v2, v4  }
0x181: {  	[tilespmem:s11], [sflag:$0x2] =	stream.indirect_vreg.gather [hbm4b:s12+s20], $0x80, v5, vm0, $0xb8;
	[tilespmem:$0x1C480] =	vst v63  }
0x182: {  	s21 =	simm.s32 $0xEC00  }
0x183: {  	[tilespmem:s21], [sflag:$0x2] =	stream.indirect_vreg.gather [hbm4b:s18+s20], $0x80, v5, vm0, $0xb8;
	[tilespmem:$0x1C480] =	vst v63  }
0x184: {  	s23 =	simm.s32 $0xF400  }
0x185: {  	[tilespmem:s23], [sflag:$0x2] =	stream.indirect_vreg.gather [hbm4b:s12+s20], $0x80, v4, vm0, $0xb8;
	[tilespmem:$0x1C480] =	vst v63  }
0x186: {  	s25 =	simm.s32 $0xFC00  }
0x187: {  	[tilespmem:s25], [sflag:$0x2] =	stream.indirect_vreg.gather [hbm4b:s18+s20], $0x80, v4, vm0, $0xb8;
	[tilespmem:$0x1C480] =	vst v63  }
.LBB2_9:
.Ltmp6:
0x188: {  	(pc) =	sbr.rel @p1 .LBB2_15-.Ltmp6, $2  }
0x189: {  	_ =	sdelay $0x2  }
0x18a: {  	s25 =	simm.s32 $0x400;
	s23 =	simm.s32 $0x10400;
	s21 =	simm.s32 $0x1400  }
0x18b: {  	p1 =	sgt.u32 s26, $0x3F  }
.Ltmp7:
0x18c: {  	_ = 	snop;
	(pc) =	sbr.rel @p1 .LBB2_14-.Ltmp7, $4  }
0x18d: {  	s7 =	simm.s32 $0x1  }
0x18e: {  	_ =	swait.ge [sflag:s7], $0x8000  }
0x18f: {  	[sflag:s7] =	ssyncset.done $0x0  }
0x190: {  	s26 =	simm.s32 $0x3;
	[sflag:s7] =	ssyncadd.s32 $0xFFFF8000  }
0x191: {  	s7 =	sld [smem:$0x7ED];
	_ =	sdelay $0x2  }
0x192: {  	s7 =	sadd.s32 s9, s7  }
0x193: {  	p1 =	sgt.s32 s7, $0x0  }
0x194: {  	s7 =	simm.s32 @!p1 $0x0  }
0x195: {  	s7 =	smin.u32 s7, $0x40  }
0x196: {  	s8 =	sshll.u32 s7, $0x5  }
0x197: {  	s8 =	sadd.s32 $0xFFFFFFFF, s8  }
0x198: {  	s23 =	sadd.s32 $0x1, s8  }
0x199: {  	p1 =	slt.u32 s23, $0x7FF  }
.Ltmp8:
0x19a: {  	s9 =	sshll.u32 s7, $0xC;
	s11 =	sshll.u32 s7, $0x9;
	(pc) =	sbr.rel @!p1 .LBB2_13-.Ltmp8, $4  }
0x19b: {  	s21 =	sshll.u32 s7, $0x7;
	s7 =	sand.u32 $0x7000, s11;
	s14 =	sand.u32 $0xC00, s9  }
0x19c: {  	s8 =	sand.u32 $0x380, s21;
	s7 =	sor.u32 s14, s7  }
0x19d: {  	s14 =	sand.u32 $0x70, s11;
	s7 =	sor.u32 s8, s7  }
0x19e: {  	s8 =	sadd.s32 $0x10, s11;
	s7 =	sor.u32 s14, s7  }
.LBB2_12:
0x19f: {  	s23 =	sadd.s32 $0x1, s23  }
0x1a0: {  	[tilespmem:s7+$0x400] =	vst v0;
	s21 =	sadd.s32 $0x4, s21;
	s9 =	sadd.s32 $0x80, s9;
	p1 =	slt.u32 s23, $0x7FF  }
.Ltmp9:
0x1a1: {  	(pc) =	sbr.rel @p1 .LBB2_12-.Ltmp9, $4  }
0x1a2: {  	s7 =	sand.u32 $0x7000, s8;
	s11 =	sand.u32 $0xC00, s9  }
0x1a3: {  	s14 =	sand.u32 $0x380, s21;
	s7 =	sor.u32 s11, s7  }
0x1a4: {  	s11 =	sand.u32 $0x70, s8;
	s7 =	sor.u32 s14, s7  }
0x1a5: {  	s8 =	sadd.s32 $0x10, s8;
	s7 =	sor.u32 s11, s7  }
.LBB2_13:
0x1a6: {  	[tilespmem:s7+$0x400] =	vst v0;
	s23 =	simm.s32 $0x10400;
	s21 =	simm.s32 $0x1400;
	s14 =	simm.s32 $0x8400  }
.LBB2_14:
.Ltmp10:
0x1a7: {  	(pc) =	sbr.rel .LBB2_16-.Ltmp10, $3  }
0x1a8: {  	_ =	sdelay $0x1  }
0x1a9: {  	s7 =	rddreg [dreg:$0x1b]  }
0x1aa: {  	[hbm4b:s7+s20] =	stream.linear.scatter [tilespmem:s25], [sflag:$0x5], $0x8000, $0x38;
	[tilespmem:$0x1C480] =	vst v63  }
.LBB2_15:
0x1ab: {  	s7 =	rddreg [dreg:$0x1b]  }
0x1ac: {  	s8 =	simm.s32 $0x18400;
	s26 =	sld [smem:$0x7EC]  }
0x1ad: {  	[hbm4b:s7+s20] =	stream.linear.scatter [tilespmem:s8], [sflag:$0x5], $0x4000, $0x38;
	[tilespmem:$0x1C480] =	vst v63  }
0x1ae: {  	_ = 	snop  }
0x1af: {  	[hbm4b:s26+s20] =	stream.linear.scatter [tilespmem:s8], [sflag:$0x5], $0x4000, $0x38;
	[tilespmem:$0x1C480] =	vst v63  }
0x1b0: {  	s26 =	simm.s32 $0x3  }
.LBB2_16:
0x1b1: {  	p1 =	slt.s32 s22, $0x1  }
.Ltmp11:
0x1b2: {  	_ = 	snop;
	(pc) =	sbr.rel @p1 .LBB2_18-.Ltmp11, $1  }
0x1b3: {  	_ =	sdelay $0x3  }
0x1b4: {  	v4 =	vld [tilespmem:$0x80];
	_ =	sdelay $0x4  }
0x1b5: {  	v5 =	vshll.u32 v4, $0x2  }
0x1b6: {  	v4 =	vand.u32 $0x7, v4;
	v5 =	vand.u32 $0xFFFFFFE0, v5  }
0x1b7: {  	v4 =	vor.u32 v4, v5  }
0x1b8: {  	v5 =	vperm.xlane v4, v1;
	_ =	sdelay $0x1  }
0x1b9: {  	v5 =	vadd.s32 v2, v5;
	_ =	sdelay $0x1  }
0x1ba: {  	v4 =	vperm.xlane v4, v3;
	_ =	sdelay $0x1  }
0x1bb: {  	v4 =	vadd.s32 v2, v4  }
0x1bc: {  	[tilespmem:s23], [sflag:$0x3] =	stream.indirect_vreg.gather [hbm4b:s12+s20], $0x80, v5, vm0, $0xb8;
	[tilespmem:$0x1C480] =	vst v63  }
0x1bd: {  	s7 =	simm.s32 $0x10C00  }
0x1be: {  	[tilespmem:s7], [sflag:$0x3] =	stream.indirect_vreg.gather [hbm4b:s18+s20], $0x80, v5, vm0, $0xb8;
	[tilespmem:$0x1C480] =	vst v63  }
0x1bf: {  	s9 =	simm.s32 $0x11400  }
0x1c0: {  	[tilespmem:s9], [sflag:$0x3] =	stream.indirect_vreg.gather [hbm4b:s12+s20], $0x80, v4, vm0, $0xb8;
	[tilespmem:$0x1C480] =	vst v63  }
0x1c1: {  	s11 =	simm.s32 $0x11C00  }
0x1c2: {  	[tilespmem:s11], [sflag:$0x3] =	stream.indirect_vreg.gather [hbm4b:s18+s20], $0x80, v4, vm0, $0xb8;
	[tilespmem:$0x1C480] =	vst v63  }
0x1c3: {  	v4 =	vld [tilespmem:$0x90];
	_ =	sdelay $0x4  }
0x1c4: {  	v5 =	vshll.u32 v4, $0x2  }
0x1c5: {  	v4 =	vand.u32 $0x7, v4;
	v5 =	vand.u32 $0xFFFFFFE0, v5  }
0x1c6: {  	v4 =	vor.u32 v4, v5  }
0x1c7: {  	v5 =	vperm.xlane v4, v1;
	_ =	sdelay $0x1  }
0x1c8: {  	v5 =	vadd.s32 v2, v5;
	_ =	sdelay $0x1  }
0x1c9: {  	v4 =	vperm.xlane v4, v3;
	_ =	sdelay $0x1  }
0x1ca: {  	s8 =	simm.s32 $0x12400;
	v4 =	vadd.s32 v2, v4  }
0x1cb: {  	[tilespmem:s8], [sflag:$0x3] =	stream.indirect_vreg.gather [hbm4b:s12+s20], $0x80, v5, vm0, $0xb8;
	[tilespmem:$0x1C480] =	vst v63  }
0x1cc: {  	s9 =	simm.s32 $0x12C00  }
0x1cd: {  	[tilespmem:s9], [sflag:$0x3] =	stream.indirect_vreg.gather [hbm4b:s18+s20], $0x80, v5, vm0, $0xb8;
	[tilespmem:$0x1C480] =	vst v63  }
0x1ce: {  	s11 =	simm.s32 $0x13400  }
0x1cf: {  	[tilespmem:s11], [sflag:$0x3] =	stream.indirect_vreg.gather [hbm4b:s12+s20], $0x80, v4, vm0, $0xb8;
	[tilespmem:$0x1C480] =	vst v63  }
0x1d0: {  	s8 =	simm.s32 $0x13C00  }
0x1d1: {  	[tilespmem:s8], [sflag:$0x3] =	stream.indirect_vreg.gather [hbm4b:s18+s20], $0x80, v4, vm0, $0xb8;
	[tilespmem:$0x1C480] =	vst v63  }
0x1d2: {  	v4 =	vld [tilespmem:$0xA0];
	_ =	sdelay $0x4  }
0x1d3: {  	v5 =	vshll.u32 v4, $0x2  }
0x1d4: {  	v4 =	vand.u32 $0x7, v4;
	v5 =	vand.u32 $0xFFFFFFE0, v5  }
0x1d5: {  	v4 =	vor.u32 v4, v5  }
0x1d6: {  	v5 =	vperm.xlane v4, v1;
	_ =	sdelay $0x1  }
0x1d7: {  	v5 =	vadd.s32 v2, v5;
	_ =	sdelay $0x1  }
0x1d8: {  	v4 =	vperm.xlane v4, v3;
	_ =	sdelay $0x1  }
0x1d9: {  	s9 =	simm.s32 $0x14400;
	v4 =	vadd.s32 v2, v4  }
0x1da: {  	[tilespmem:s9], [sflag:$0x3] =	stream.indirect_vreg.gather [hbm4b:s12+s20], $0x80, v5, vm0, $0xb8;
	[tilespmem:$0x1C480] =	vst v63  }
0x1db: {  	s11 =	simm.s32 $0x14C00  }
0x1dc: {  	[tilespmem:s11], [sflag:$0x3] =	stream.indirect_vreg.gather [hbm4b:s18+s20], $0x80, v5, vm0, $0xb8;
	[tilespmem:$0x1C480] =	vst v63  }
0x1dd: {  	s8 =	simm.s32 $0x15400  }
0x1de: {  	[tilespmem:s8], [sflag:$0x3] =	stream.indirect_vreg.gather [hbm4b:s12+s20], $0x80, v4, vm0, $0xb8;
	[tilespmem:$0x1C480] =	vst v63  }
0x1df: {  	s9 =	simm.s32 $0x15C00  }
0x1e0: {  	[tilespmem:s9], [sflag:$0x3] =	stream.indirect_vreg.gather [hbm4b:s18+s20], $0x80, v4, vm0, $0xb8;
	[tilespmem:$0x1C480] =	vst v63  }
0x1e1: {  	v4 =	vld [tilespmem:$0xB0];
	_ =	sdelay $0x4  }
0x1e2: {  	v5 =	vshll.u32 v4, $0x2  }
0x1e3: {  	v4 =	vand.u32 $0x7, v4;
	v5 =	vand.u32 $0xFFFFFFE0, v5  }
0x1e4: {  	v4 =	vor.u32 v4, v5  }
0x1e5: {  	v5 =	vperm.xlane v4, v1;
	_ =	sdelay $0x1  }
0x1e6: {  	v5 =	vadd.s32 v2, v5;
	_ =	sdelay $0x1  }
0x1e7: {  	v4 =	vperm.xlane v4, v3;
	_ =	sdelay $0x1  }
0x1e8: {  	s11 =	simm.s32 $0x16400;
	v4 =	vadd.s32 v2, v4  }
0x1e9: {  	[tilespmem:s11], [sflag:$0x3] =	stream.indirect_vreg.gather [hbm4b:s12+s20], $0x80, v5, vm0, $0xb8;
	[tilespmem:$0x1C480] =	vst v63  }
0x1ea: {  	s8 =	simm.s32 $0x16C00  }
0x1eb: {  	[tilespmem:s8], [sflag:$0x3] =	stream.indirect_vreg.gather [hbm4b:s18+s20], $0x80, v5, vm0, $0xb8;
	[tilespmem:$0x1C480] =	vst v63  }
0x1ec: {  	s9 =	simm.s32 $0x17400  }
0x1ed: {  	[tilespmem:s9], [sflag:$0x3] =	stream.indirect_vreg.gather [hbm4b:s12+s20], $0x80, v4, vm0, $0xb8;
	[tilespmem:$0x1C480] =	vst v63  }
0x1ee: {  	s11 =	simm.s32 $0x17C00  }
0x1ef: {  	[tilespmem:s11], [sflag:$0x3] =	stream.indirect_vreg.gather [hbm4b:s18+s20], $0x80, v4, vm0, $0xb8;
	[tilespmem:$0x1C480] =	vst v63  }
.LBB2_18:
.Ltmp12:
0x1f0: {  	(pc) =	sbr.rel @p0 .LBB2_24-.Ltmp12, $1  }
0x1f1: {  	_ =	sdelay $0x3  }
0x1f2: {  	p0 =	sgt.u32 s31, $0x3F  }
.Ltmp13:
0x1f3: {  	_ = 	snop;
	(pc) =	sbr.rel @p0 .LBB2_23-.Ltmp13, $4  }
0x1f4: {  	s7 =	simm.s32 $0x2  }
0x1f5: {  	_ =	swait.ge [sflag:s7], $0x8000  }
0x1f6: {  	[sflag:s7] =	ssyncset.done $0x0  }
0x1f7: {  	s31 =	simm.s32 $0xC00;
	[sflag:s7] =	ssyncadd.s32 $0xFFFF8000  }
0x1f8: {  	s7 =	sld [smem:$0x7EE];
	_ =	sdelay $0x2  }
0x1f9: {  	s5 =	sadd.s32 s5, s7  }
0x1fa: {  	p0 =	sgt.s32 s5, $0x0  }
0x1fb: {  	s5 =	simm.s32 @!p0 $0x0  }
0x1fc: {  	s21 =	smin.u32 s5, $0x40  }
0x1fd: {  	s5 =	sshll.u32 s21, $0x5  }
0x1fe: {  	s11 =	sshll.u32 s21, $0x9;
	s8 =	sadd.s32 $0xFFFFFFFF, s5  }
0x1ff: {  	s9 =	sshll.u32 s21, $0x7;
	s5 =	sshll.u32 s21, $0xC;
	s21 =	sadd.s32 $0x1, s8  }
0x200: {  	p0 =	slt.u32 s21, $0x7FF  }
.Ltmp14:
0x201: {  	_ = 	snop;
	(pc) =	sbr.rel @!p0 .LBB2_22-.Ltmp14, $4  }
0x202: {  	s7 =	sand.u32 $0x7000, s11;
	s14 =	sand.u32 $0xC00, s5  }
0x203: {  	s8 =	sand.u32 $0x380, s9;
	s7 =	sor.u32 s14, s7  }
0x204: {  	s14 =	sand.u32 $0x70, s11;
	s7 =	sor.u32 s8, s7  }
0x205: {  	s8 =	sadd.s32 $0x10, s11;
	s7 =	sor.u32 s14, s7  }
.LBB2_21:
0x206: {  	s21 =	sadd.s32 $0x1, s21  }
0x207: {  	[tilespmem:s7+$0x8400] =	vst v0;
	s9 =	sadd.s32 $0x4, s9;
	s5 =	sadd.s32 $0x80, s5;
	p0 =	slt.u32 s21, $0x7FF  }
.Ltmp15:
0x208: {  	(pc) =	sbr.rel @p0 .LBB2_21-.Ltmp15, $4  }
0x209: {  	s7 =	sand.u32 $0x7000, s8;
	s11 =	sand.u32 $0xC00, s5  }
0x20a: {  	s14 =	sand.u32 $0x380, s9;
	s7 =	sor.u32 s11, s7  }
0x20b: {  	s11 =	sand.u32 $0x70, s8;
	s7 =	sor.u32 s14, s7  }
0x20c: {  	s8 =	sadd.s32 $0x10, s8;
	s7 =	sor.u32 s11, s7  }
.LBB2_22:
0x20d: {  	[tilespmem:s7+$0x8400] =	vst v0;
	s21 =	simm.s32 $0x1400;
	s14 =	simm.s32 $0x8400  }
.LBB2_23:
.Ltmp16:
0x20e: {  	(pc) =	sbr.rel .LBB2_25-.Ltmp16, $3  }
0x20f: {  	_ =	sdelay $0x1  }
0x210: {  	s5 =	rddreg [dreg:$0x1c]  }
0x211: {  	[hbm4b:s5+s20] =	stream.linear.scatter [tilespmem:s14], [sflag:$0x6], $0x8000, $0x38;
	[tilespmem:$0x1C480] =	vst v63  }
.LBB2_24:
0x212: {  	s5 =	rddreg [dreg:$0x1c]  }
0x213: {  	s7 =	simm.s32 $0x18400;
	s11 =	sld [smem:$0x7D0]  }
0x214: {  	[hbm4b:s5+s20] =	stream.linear.scatter [tilespmem:s7], [sflag:$0x6], $0x4000, $0x38;
	[tilespmem:$0x1C480] =	vst v63  }
0x215: {  	s31 =	simm.s32 $0xC00  }
0x216: {  	[hbm4b:s11+s20] =	stream.linear.scatter [tilespmem:s7], [sflag:$0x6], $0x4000, $0x38;
	[tilespmem:$0x1C480] =	vst v63  }
.LBB2_25:
0x217: {  	p0 =	slt.s32 s6, $0x1  }
.Ltmp17:
0x218: {  	_ = 	snop;
	(pc) =	sbr.rel @p0 .LBB2_27-.Ltmp17, $4  }
0x219: {  	_ = 	snop  }
0x21a: {  	_ =	swait.ge [sflag:s24], $0x8000  }
0x21b: {  	[sflag:s24] =	ssyncset.done $0x0  }
0x21c: {  	[sflag:s24] =	ssyncadd.s32 $0xFFFF8000  }
0x21d: {  	v4 =	vld [tilespmem:$0xC0];
	_ =	sdelay $0x4  }
0x21e: {  	v5 =	vshll.u32 v4, $0x2  }
0x21f: {  	v4 =	vand.u32 $0x7, v4;
	v5 =	vand.u32 $0xFFFFFFE0, v5  }
0x220: {  	v4 =	vor.u32 v4, v5  }
0x221: {  	v5 =	vperm.xlane v4, v1;
	_ =	sdelay $0x1  }
0x222: {  	v5 =	vadd.s32 v2, v5;
	_ =	sdelay $0x1  }
0x223: {  	v4 =	vperm.xlane v4, v3;
	_ =	sdelay $0x1  }
0x224: {  	v4 =	vadd.s32 v2, v4  }
0x225: {  	[tilespmem:s25], [sflag:$0x1] =	stream.indirect_vreg.gather [hbm4b:s12+s20], $0x80, v5, vm0, $0xb8;
	[tilespmem:$0x1C480] =	vst v63  }
0x226: {  	_ = 	snop  }
0x227: {  	[tilespmem:s31], [sflag:$0x1] =	stream.indirect_vreg.gather [hbm4b:s18+s20], $0x80, v5, vm0, $0xb8;
	[tilespmem:$0x1C480] =	vst v63  }
0x228: {  	_ = 	snop  }
0x229: {  	[tilespmem:s21], [sflag:$0x1] =	stream.indirect_vreg.gather [hbm4b:s12+s20], $0x80, v4, vm0, $0xb8;
	[tilespmem:$0x1C480] =	vst v63  }
0x22a: {  	s5 =	simm.s32 $0x1C00  }
0x22b: {  	[tilespmem:s5], [sflag:$0x1] =	stream.indirect_vreg.gather [hbm4b:s18+s20], $0x80, v4, vm0, $0xb8;
	[tilespmem:$0x1C480] =	vst v63  }
0x22c: {  	v4 =	vld [tilespmem:$0xD0];
	_ =	sdelay $0x4  }
0x22d: {  	v5 =	vshll.u32 v4, $0x2  }
0x22e: {  	v4 =	vand.u32 $0x7, v4;
	v5 =	vand.u32 $0xFFFFFFE0, v5  }
0x22f: {  	v4 =	vor.u32 v4, v5  }
0x230: {  	v5 =	vperm.xlane v4, v1;
	_ =	sdelay $0x1  }
0x231: {  	v5 =	vadd.s32 v2, v5;
	_ =	sdelay $0x1  }
0x232: {  	v4 =	vperm.xlane v4, v3;
	_ =	sdelay $0x1  }
0x233: {  	s7 =	simm.s32 $0x2400;
	v4 =	vadd.s32 v2, v4  }
0x234: {  	[tilespmem:s7], [sflag:$0x1] =	stream.indirect_vreg.gather [hbm4b:s12+s20], $0x80, v5, vm0, $0xb8;
	[tilespmem:$0x1C480] =	vst v63  }
0x235: {  	s8 =	simm.s32 $0x2C00  }
0x236: {  	[tilespmem:s8], [sflag:$0x1] =	stream.indirect_vreg.gather [hbm4b:s18+s20], $0x80, v5, vm0, $0xb8;
	[tilespmem:$0x1C480] =	vst v63  }
0x237: {  	s9 =	simm.s32 $0x3400  }
0x238: {  	[tilespmem:s9], [sflag:$0x1] =	stream.indirect_vreg.gather [hbm4b:s12+s20], $0x80, v4, vm0, $0xb8;
	[tilespmem:$0x1C480] =	vst v63  }
0x239: {  	s11 =	simm.s32 $0x3C00  }
0x23a: {  	[tilespmem:s11], [sflag:$0x1] =	stream.indirect_vreg.gather [hbm4b:s18+s20], $0x80, v4, vm0, $0xb8;
	[tilespmem:$0x1C480] =	vst v63  }
0x23b: {  	v4 =	vld [tilespmem:$0xE0];
	_ =	sdelay $0x4  }
0x23c: {  	v5 =	vshll.u32 v4, $0x2  }
0x23d: {  	v4 =	vand.u32 $0x7, v4;
	v5 =	vand.u32 $0xFFFFFFE0, v5  }
0x23e: {  	v4 =	vor.u32 v4, v5  }
0x23f: {  	v5 =	vperm.xlane v4, v1;
	_ =	sdelay $0x1  }
0x240: {  	v5 =	vadd.s32 v2, v5;
	_ =	sdelay $0x1  }
0x241: {  	v4 =	vperm.xlane v4, v3;
	_ =	sdelay $0x1  }
0x242: {  	s7 =	simm.s32 $0x4400;
	v4 =	vadd.s32 v2, v4  }
0x243: {  	[tilespmem:s7], [sflag:$0x1] =	stream.indirect_vreg.gather [hbm4b:s12+s20], $0x80, v5, vm0, $0xb8;
	[tilespmem:$0x1C480] =	vst v63  }
0x244: {  	s8 =	simm.s32 $0x4C00  }
0x245: {  	[tilespmem:s8], [sflag:$0x1] =	stream.indirect_vreg.gather [hbm4b:s18+s20], $0x80, v5, vm0, $0xb8;
	[tilespmem:$0x1C480] =	vst v63  }
0x246: {  	s9 =	simm.s32 $0x5400  }
0x247: {  	[tilespmem:s9], [sflag:$0x1] =	stream.indirect_vreg.gather [hbm4b:s12+s20], $0x80, v4, vm0, $0xb8;
	[tilespmem:$0x1C480] =	vst v63  }
0x248: {  	s11 =	simm.s32 $0x5C00  }
0x249: {  	[tilespmem:s11], [sflag:$0x1] =	stream.indirect_vreg.gather [hbm4b:s18+s20], $0x80, v4, vm0, $0xb8;
	[tilespmem:$0x1C480] =	vst v63  }
0x24a: {  	v4 =	vld [tilespmem:$0xF0];
	_ =	sdelay $0x4  }
0x24b: {  	v5 =	vshll.u32 v4, $0x2  }
0x24c: {  	v4 =	vand.u32 $0x7, v4;
	v5 =	vand.u32 $0xFFFFFFE0, v5  }
0x24d: {  	v4 =	vor.u32 v4, v5  }
0x24e: {  	v5 =	vperm.xlane v4, v1;
	_ =	sdelay $0x1  }
0x24f: {  	v5 =	vadd.s32 v2, v5;
	_ =	sdelay $0x1  }
0x250: {  	v4 =	vperm.xlane v4, v3;
	_ =	sdelay $0x1  }
0x251: {  	s7 =	simm.s32 $0x6400;
	v4 =	vadd.s32 v2, v4  }
0x252: {  	[tilespmem:s7], [sflag:$0x1] =	stream.indirect_vreg.gather [hbm4b:s12+s20], $0x80, v5, vm0, $0xb8;
	[tilespmem:$0x1C480] =	vst v63  }
0x253: {  	s8 =	simm.s32 $0x6C00  }
0x254: {  	[tilespmem:s8], [sflag:$0x1] =	stream.indirect_vreg.gather [hbm4b:s18+s20], $0x80, v5, vm0, $0xb8;
	[tilespmem:$0x1C480] =	vst v63  }
0x255: {  	s9 =	simm.s32 $0x7400  }
0x256: {  	[tilespmem:s9], [sflag:$0x1] =	stream.indirect_vreg.gather [hbm4b:s12+s20], $0x80, v4, vm0, $0xb8;
	[tilespmem:$0x1C480] =	vst v63  }
0x257: {  	s11 =	simm.s32 $0x7C00  }
0x258: {  	[tilespmem:s11], [sflag:$0x1] =	stream.indirect_vreg.gather [hbm4b:s18+s20], $0x80, v4, vm0, $0xb8;
	[tilespmem:$0x1C480] =	vst v63  }
.LBB2_27:
.Ltmp18:
0x259: {  	(pc) =	sbr.rel @p1 .LBB2_33-.Ltmp18, $1  }
0x25a: {  	_ =	sdelay $0x3  }
0x25b: {  	p1 =	sgt.u32 s22, $0x3F  }
.Ltmp19:
0x25c: {  	_ = 	snop;
	(pc) =	sbr.rel @p1 .LBB2_32-.Ltmp19, $4  }
0x25d: {  	_ = 	snop  }
0x25e: {  	_ =	swait.ge [sflag:s26], $0x8000  }
0x25f: {  	[sflag:s26] =	ssyncset.done $0x0  }
0x260: {  	s22 =	simm.s32 $0x1C00;
	[sflag:s26] =	ssyncadd.s32 $0xFFFF8000  }
0x261: {  	s5 =	sld [smem:$0x7EF];
	_ =	sdelay $0x2  }
0x262: {  	s2 =	sadd.s32 s2, s5  }
0x263: {  	p1 =	sgt.s32 s2, $0x0  }
0x264: {  	s2 =	simm.s32 @!p1 $0x0  }
0x265: {  	s14 =	smin.u32 s2, $0x40  }
0x266: {  	s2 =	sshll.u32 s14, $0x5  }
0x267: {  	s7 =	sadd.s32 $0xFFFFFFFF, s2  }
0x268: {  	s9 =	sadd.s32 $0x1, s7  }
0x269: {  	p1 =	slt.u32 s9, $0x7FF  }
.Ltmp20:
0x26a: {  	s8 =	sshll.u32 s14, $0x9;
	s2 =	sshll.u32 s14, $0xC;
	(pc) =	sbr.rel @!p1 .LBB2_31-.Ltmp20, $4  }
0x26b: {  	s5 =	sshll.u32 s14, $0x7;
	s11 =	sand.u32 $0x7000, s8;
	s14 =	sand.u32 $0xC00, s2  }
0x26c: {  	s7 =	sand.u32 $0x380, s5;
	s11 =	sor.u32 s14, s11  }
0x26d: {  	s14 =	sand.u32 $0x70, s8;
	s7 =	sor.u32 s7, s11  }
0x26e: {  	s8 =	sadd.s32 $0x10, s8;
	s7 =	sor.u32 s14, s7  }
.LBB2_30:
0x26f: {  	s9 =	sadd.s32 $0x1, s9  }
0x270: {  	[tilespmem:s7+$0x10400] =	vst v0;
	s5 =	sadd.s32 $0x4, s5;
	s2 =	sadd.s32 $0x80, s2;
	p1 =	slt.u32 s9, $0x7FF  }
.Ltmp21:
0x271: {  	(pc) =	sbr.rel @p1 .LBB2_30-.Ltmp21, $4  }
0x272: {  	s7 =	sand.u32 $0x7000, s8;
	s11 =	sand.u32 $0xC00, s2  }
0x273: {  	s14 =	sand.u32 $0x380, s5;
	s7 =	sor.u32 s11, s7  }
0x274: {  	s11 =	sand.u32 $0x70, s8;
	s7 =	sor.u32 s14, s7  }
0x275: {  	s8 =	sadd.s32 $0x10, s8;
	s7 =	sor.u32 s11, s7  }
.LBB2_31:
0x276: {  	[tilespmem:s7+$0x10400] =	vst v0;
	s14 =	simm.s32 $0x8400  }
.LBB2_32:
.Ltmp22:
0x277: {  	(pc) =	sbr.rel .LBB2_34-.Ltmp22, $2  }
0x278: {  	s2 =	sld [smem:$0x7D1];
	_ =	sdelay $0x2  }
0x279: {  	[hbm4b:s2+s20] =	stream.linear.scatter [tilespmem:s23], [sflag:$0x7], $0x8000, $0x38;
	[tilespmem:$0x1C480] =	vst v63  }
.LBB2_33:
0x27a: {  	s2 =	sld [smem:$0x7D1];
	_ =	sdelay $0x1  }
0x27b: {  	s5 =	simm.s32 $0x18400;
	s22 =	sld [smem:$0x7D2]  }
0x27c: {  	[hbm4b:s2+s20] =	stream.linear.scatter [tilespmem:s5], [sflag:$0x7], $0x4000, $0x38;
	[tilespmem:$0x1C480] =	vst v63  }
0x27d: {  	_ = 	snop  }
0x27e: {  	[hbm4b:s22+s20] =	stream.linear.scatter [tilespmem:s5], [sflag:$0x7], $0x4000, $0x38;
	[tilespmem:$0x1C480] =	vst v63  }
0x27f: {  	s22 =	simm.s32 $0x1C00  }
.LBB2_34:
0x280: {  	p1 =	slt.s32 s4, $0x1  }
.Ltmp23:
0x281: {  	_ = 	snop;
	(pc) =	sbr.rel @p1 .LBB2_36-.Ltmp23, $4  }
0x282: {  	_ = 	snop  }
0x283: {  	_ =	swait.ge [sflag:s29], $0x8000  }
0x284: {  	[sflag:s29] =	ssyncset.done $0x0  }
0x285: {  	[sflag:s29] =	ssyncadd.s32 $0xFFFF8000  }
0x286: {  	v4 =	vld [tilespmem:$0x100];
	_ =	sdelay $0x4  }
0x287: {  	v5 =	vshll.u32 v4, $0x2  }
0x288: {  	v4 =	vand.u32 $0x7, v4;
	v5 =	vand.u32 $0xFFFFFFE0, v5  }
0x289: {  	v4 =	vor.u32 v4, v5  }
0x28a: {  	v5 =	vperm.xlane v4, v1;
	_ =	sdelay $0x1  }
0x28b: {  	v5 =	vadd.s32 v2, v5;
	_ =	sdelay $0x1  }
0x28c: {  	v4 =	vperm.xlane v4, v3;
	_ =	sdelay $0x1  }
0x28d: {  	v4 =	vadd.s32 v2, v4  }
0x28e: {  	[tilespmem:s14], [sflag:$0x2] =	stream.indirect_vreg.gather [hbm4b:s12+s20], $0x80, v5, vm0, $0xb8;
	[tilespmem:$0x1C480] =	vst v63  }
0x28f: {  	s2 =	simm.s32 $0x8C00  }
0x290: {  	[tilespmem:s2], [sflag:$0x2] =	stream.indirect_vreg.gather [hbm4b:s18+s20], $0x80, v5, vm0, $0xb8;
	[tilespmem:$0x1C480] =	vst v63  }
0x291: {  	s7 =	simm.s32 $0x9400  }
0x292: {  	[tilespmem:s7], [sflag:$0x2] =	stream.indirect_vreg.gather [hbm4b:s12+s20], $0x80, v4, vm0, $0xb8;
	[tilespmem:$0x1C480] =	vst v63  }
0x293: {  	s8 =	simm.s32 $0x9C00  }
0x294: {  	[tilespmem:s8], [sflag:$0x2] =	stream.indirect_vreg.gather [hbm4b:s18+s20], $0x80, v4, vm0, $0xb8;
	[tilespmem:$0x1C480] =	vst v63  }
0x295: {  	v4 =	vld [tilespmem:$0x110];
	_ =	sdelay $0x4  }
0x296: {  	v5 =	vshll.u32 v4, $0x2  }
0x297: {  	v4 =	vand.u32 $0x7, v4;
	v5 =	vand.u32 $0xFFFFFFE0, v5  }
0x298: {  	v4 =	vor.u32 v4, v5  }
0x299: {  	v5 =	vperm.xlane v4, v1;
	_ =	sdelay $0x1  }
0x29a: {  	v5 =	vadd.s32 v2, v5;
	_ =	sdelay $0x1  }
0x29b: {  	v4 =	vperm.xlane v4, v3;
	_ =	sdelay $0x1  }
0x29c: {  	s9 =	simm.s32 $0xA400;
	v4 =	vadd.s32 v2, v4  }
0x29d: {  	[tilespmem:s9], [sflag:$0x2] =	stream.indirect_vreg.gather [hbm4b:s12+s20], $0x80, v5, vm0, $0xb8;
	[tilespmem:$0x1C480] =	vst v63  }
0x29e: {  	s11 =	simm.s32 $0xAC00  }
0x29f: {  	[tilespmem:s11], [sflag:$0x2] =	stream.indirect_vreg.gather [hbm4b:s18+s20], $0x80, v5, vm0, $0xb8;
	[tilespmem:$0x1C480] =	vst v63  }
0x2a0: {  	s5 =	simm.s32 $0xB400  }
0x2a1: {  	[tilespmem:s5], [sflag:$0x2] =	stream.indirect_vreg.gather [hbm4b:s12+s20], $0x80, v4, vm0, $0xb8;
	[tilespmem:$0x1C480] =	vst v63  }
0x2a2: {  	s7 =	simm.s32 $0xBC00  }
0x2a3: {  	[tilespmem:s7], [sflag:$0x2] =	stream.indirect_vreg.gather [hbm4b:s18+s20], $0x80, v4, vm0, $0xb8;
	[tilespmem:$0x1C480] =	vst v63  }
0x2a4: {  	v4 =	vld [tilespmem:$0x120];
	_ =	sdelay $0x4  }
0x2a5: {  	v5 =	vshll.u32 v4, $0x2  }
0x2a6: {  	v4 =	vand.u32 $0x7, v4;
	v5 =	vand.u32 $0xFFFFFFE0, v5  }
0x2a7: {  	v4 =	vor.u32 v4, v5  }
0x2a8: {  	v5 =	vperm.xlane v4, v1;
	_ =	sdelay $0x1  }
0x2a9: {  	v5 =	vadd.s32 v2, v5;
	_ =	sdelay $0x1  }
0x2aa: {  	v4 =	vperm.xlane v4, v3;
	_ =	sdelay $0x1  }
0x2ab: {  	s8 =	simm.s32 $0xC400;
	v4 =	vadd.s32 v2, v4  }
0x2ac: {  	[tilespmem:s8], [sflag:$0x2] =	stream.indirect_vreg.gather [hbm4b:s12+s20], $0x80, v5, vm0, $0xb8;
	[tilespmem:$0x1C480] =	vst v63  }
0x2ad: {  	s9 =	simm.s32 $0xCC00  }
0x2ae: {  	[tilespmem:s9], [sflag:$0x2] =	stream.indirect_vreg.gather [hbm4b:s18+s20], $0x80, v5, vm0, $0xb8;
	[tilespmem:$0x1C480] =	vst v63  }
0x2af: {  	s11 =	simm.s32 $0xD400  }
0x2b0: {  	[tilespmem:s11], [sflag:$0x2] =	stream.indirect_vreg.gather [hbm4b:s12+s20], $0x80, v4, vm0, $0xb8;
	[tilespmem:$0x1C480] =	vst v63  }
0x2b1: {  	s5 =	simm.s32 $0xDC00  }
0x2b2: {  	[tilespmem:s5], [sflag:$0x2] =	stream.indirect_vreg.gather [hbm4b:s18+s20], $0x80, v4, vm0, $0xb8;
	[tilespmem:$0x1C480] =	vst v63  }
0x2b3: {  	v4 =	vld [tilespmem:$0x130];
	_ =	sdelay $0x4  }
0x2b4: {  	v5 =	vshll.u32 v4, $0x2  }
0x2b5: {  	v4 =	vand.u32 $0x7, v4;
	v5 =	vand.u32 $0xFFFFFFE0, v5  }
0x2b6: {  	v4 =	vor.u32 v4, v5  }
0x2b7: {  	v5 =	vperm.xlane v4, v1;
	_ =	sdelay $0x1  }
0x2b8: {  	v5 =	vadd.s32 v2, v5;
	_ =	sdelay $0x1  }
0x2b9: {  	v4 =	vperm.xlane v4, v3;
	_ =	sdelay $0x1  }
0x2ba: {  	s7 =	simm.s32 $0xE400;
	v4 =	vadd.s32 v2, v4  }
0x2bb: {  	[tilespmem:s7], [sflag:$0x2] =	stream.indirect_vreg.gather [hbm4b:s12+s20], $0x80, v5, vm0, $0xb8;
	[tilespmem:$0x1C480] =	vst v63  }
0x2bc: {  	s8 =	simm.s32 $0xEC00  }
0x2bd: {  	[tilespmem:s8], [sflag:$0x2] =	stream.indirect_vreg.gather [hbm4b:s18+s20], $0x80, v5, vm0, $0xb8;
	[tilespmem:$0x1C480] =	vst v63  }
0x2be: {  	s9 =	simm.s32 $0xF400  }
0x2bf: {  	[tilespmem:s9], [sflag:$0x2] =	stream.indirect_vreg.gather [hbm4b:s12+s20], $0x80, v4, vm0, $0xb8;
	[tilespmem:$0x1C480] =	vst v63  }
0x2c0: {  	s11 =	simm.s32 $0xFC00  }
0x2c1: {  	[tilespmem:s11], [sflag:$0x2] =	stream.indirect_vreg.gather [hbm4b:s18+s20], $0x80, v4, vm0, $0xb8;
	[tilespmem:$0x1C480] =	vst v63  }
.LBB2_36:
.Ltmp24:
0x2c2: {  	(pc) =	sbr.rel @p0 .LBB2_42-.Ltmp24, $1  }
0x2c3: {  	_ =	sdelay $0x3  }
0x2c4: {  	p0 =	sgt.u32 s6, $0x3F  }
.Ltmp25:
0x2c5: {  	_ = 	snop;
	(pc) =	sbr.rel @p0 .LBB2_41-.Ltmp25, $4  }
0x2c6: {  	s2 =	simm.s32 $0x1  }
0x2c7: {  	_ =	swait.ge [sflag:s2], $0x8000  }
0x2c8: {  	[sflag:s2] =	ssyncset.done $0x0  }
0x2c9: {  	[sflag:s2] =	ssyncadd.s32 $0xFFFF8000  }
0x2ca: {  	s2 =	sld [smem:$0x7F0];
	_ =	sdelay $0x2  }
0x2cb: {  	s2 =	sadd.s32 s16, s2  }
0x2cc: {  	p0 =	sgt.s32 s2, $0x0  }
0x2cd: {  	s2 =	simm.s32 @!p0 $0x0  }
0x2ce: {  	s5 =	smin.u32 s2, $0x40  }
0x2cf: {  	s2 =	sshll.u32 s5, $0x5  }
0x2d0: {  	s6 =	sadd.s32 $0xFFFFFFFF, s2  }
0x2d1: {  	s6 =	sadd.s32 $0x1, s6  }
0x2d2: {  	p0 =	slt.u32 s6, $0x7FF  }
.Ltmp26:
0x2d3: {  	s8 =	sshll.u32 s5, $0x9;
	s2 =	sshll.u32 s5, $0xC;
	(pc) =	sbr.rel @!p0 .LBB2_40-.Ltmp26, $4  }
0x2d4: {  	s5 =	sshll.u32 s5, $0x7;
	s7 =	sand.u32 $0x7000, s8;
	s9 =	sand.u32 $0xC00, s2  }
0x2d5: {  	s11 =	sand.u32 $0x380, s5;
	s7 =	sor.u32 s9, s7  }
0x2d6: {  	s16 =	sand.u32 $0x70, s8;
	s7 =	sor.u32 s11, s7  }
0x2d7: {  	s8 =	sadd.s32 $0x10, s8;
	s7 =	sor.u32 s16, s7  }
.LBB2_39:
0x2d8: {  	s6 =	sadd.s32 $0x1, s6  }
0x2d9: {  	[tilespmem:s7+$0x400] =	vst v0;
	s5 =	sadd.s32 $0x4, s5;
	s2 =	sadd.s32 $0x80, s2;
	p0 =	slt.u32 s6, $0x7FF  }
.Ltmp27:
0x2da: {  	(pc) =	sbr.rel @p0 .LBB2_39-.Ltmp27, $4  }
0x2db: {  	s7 =	sand.u32 $0x7000, s8;
	s9 =	sand.u32 $0xC00, s2  }
0x2dc: {  	s11 =	sand.u32 $0x380, s5;
	s7 =	sor.u32 s9, s7  }
0x2dd: {  	s9 =	sand.u32 $0x70, s8;
	s7 =	sor.u32 s11, s7  }
0x2de: {  	s8 =	sadd.s32 $0x10, s8;
	s7 =	sor.u32 s9, s7  }
.LBB2_40:
0x2df: {  	[tilespmem:s7+$0x400] =	vst v0  }
.LBB2_41:
.Ltmp28:
0x2e0: {  	(pc) =	sbr.rel .LBB2_43-.Ltmp28, $3  }
0x2e1: {  	_ =	sdelay $0x1  }
0x2e2: {  	s2 =	rddreg [dreg:$0x1e];
	s16 =	simm.s32 $0x18400  }
0x2e3: {  	[hbm4b:s2+s20] =	stream.linear.scatter [tilespmem:s25], [sflag:$0x5], $0x8000, $0x38;
	[tilespmem:$0x1C480] =	vst v63  }
.LBB2_42:
0x2e4: {  	s2 =	rddreg [dreg:$0x1e]  }
0x2e5: {  	s16 =	simm.s32 $0x18400;
	s11 =	sld [smem:$0x7D3]  }
0x2e6: {  	[hbm4b:s2+s20] =	stream.linear.scatter [tilespmem:s16], [sflag:$0x5], $0x4000, $0x38;
	[tilespmem:$0x1C480] =	vst v63  }
0x2e7: {  	_ = 	snop  }
0x2e8: {  	[hbm4b:s11+s20] =	stream.linear.scatter [tilespmem:s16], [sflag:$0x5], $0x4000, $0x38;
	[tilespmem:$0x1C480] =	vst v63  }
.LBB2_43:
0x2e9: {  	p0 =	slt.s32 s13, $0x1  }
.Ltmp29:
0x2ea: {  	_ = 	snop;
	(pc) =	sbr.rel @p0 .LBB2_45-.Ltmp29, $4  }
0x2eb: {  	_ = 	snop  }
0x2ec: {  	_ =	swait.ge [sflag:s30], $0x8000  }
0x2ed: {  	[sflag:s30] =	ssyncset.done $0x0  }
0x2ee: {  	[sflag:s30] =	ssyncadd.s32 $0xFFFF8000  }
0x2ef: {  	v4 =	vld [tilespmem:$0x140];
	_ =	sdelay $0x4  }
0x2f0: {  	v5 =	vshll.u32 v4, $0x2  }
0x2f1: {  	v4 =	vand.u32 $0x7, v4;
	v5 =	vand.u32 $0xFFFFFFE0, v5  }
0x2f2: {  	v4 =	vor.u32 v4, v5  }
0x2f3: {  	v5 =	vperm.xlane v4, v1;
	_ =	sdelay $0x1  }
0x2f4: {  	v5 =	vadd.s32 v2, v5;
	_ =	sdelay $0x1  }
0x2f5: {  	v4 =	vperm.xlane v4, v3;
	_ =	sdelay $0x1  }
0x2f6: {  	v4 =	vadd.s32 v2, v4  }
0x2f7: {  	[tilespmem:s23], [sflag:$0x3] =	stream.indirect_vreg.gather [hbm4b:s12+s20], $0x80, v5, vm0, $0xb8;
	[tilespmem:$0x1C480] =	vst v63  }
0x2f8: {  	s2 =	simm.s32 $0x10C00  }
0x2f9: {  	[tilespmem:s2], [sflag:$0x3] =	stream.indirect_vreg.gather [hbm4b:s18+s20], $0x80, v5, vm0, $0xb8;
	[tilespmem:$0x1C480] =	vst v63  }
0x2fa: {  	s9 =	simm.s32 $0x11400  }
0x2fb: {  	[tilespmem:s9], [sflag:$0x3] =	stream.indirect_vreg.gather [hbm4b:s12+s20], $0x80, v4, vm0, $0xb8;
	[tilespmem:$0x1C480] =	vst v63  }
0x2fc: {  	s11 =	simm.s32 $0x11C00  }
0x2fd: {  	[tilespmem:s11], [sflag:$0x3] =	stream.indirect_vreg.gather [hbm4b:s18+s20], $0x80, v4, vm0, $0xb8;
	[tilespmem:$0x1C480] =	vst v63  }
0x2fe: {  	v4 =	vld [tilespmem:$0x150];
	_ =	sdelay $0x4  }
0x2ff: {  	v5 =	vshll.u32 v4, $0x2  }
0x300: {  	v4 =	vand.u32 $0x7, v4;
	v5 =	vand.u32 $0xFFFFFFE0, v5  }
0x301: {  	v4 =	vor.u32 v4, v5  }
0x302: {  	v5 =	vperm.xlane v4, v1;
	_ =	sdelay $0x1  }
0x303: {  	v5 =	vadd.s32 v2, v5;
	_ =	sdelay $0x1  }
0x304: {  	v4 =	vperm.xlane v4, v3;
	_ =	sdelay $0x1  }
0x305: {  	s5 =	simm.s32 $0x12400;
	v4 =	vadd.s32 v2, v4  }
0x306: {  	[tilespmem:s5], [sflag:$0x3] =	stream.indirect_vreg.gather [hbm4b:s12+s20], $0x80, v5, vm0, $0xb8;
	[tilespmem:$0x1C480] =	vst v63  }
0x307: {  	s6 =	simm.s32 $0x12C00  }
0x308: {  	[tilespmem:s6], [sflag:$0x3] =	stream.indirect_vreg.gather [hbm4b:s18+s20], $0x80, v5, vm0, $0xb8;
	[tilespmem:$0x1C480] =	vst v63  }
0x309: {  	s7 =	simm.s32 $0x13400  }
0x30a: {  	[tilespmem:s7], [sflag:$0x3] =	stream.indirect_vreg.gather [hbm4b:s12+s20], $0x80, v4, vm0, $0xb8;
	[tilespmem:$0x1C480] =	vst v63  }
0x30b: {  	s8 =	simm.s32 $0x13C00  }
0x30c: {  	[tilespmem:s8], [sflag:$0x3] =	stream.indirect_vreg.gather [hbm4b:s18+s20], $0x80, v4, vm0, $0xb8;
	[tilespmem:$0x1C480] =	vst v63  }
0x30d: {  	v4 =	vld [tilespmem:$0x160];
	_ =	sdelay $0x4  }
0x30e: {  	v5 =	vshll.u32 v4, $0x2  }
0x30f: {  	v4 =	vand.u32 $0x7, v4;
	v5 =	vand.u32 $0xFFFFFFE0, v5  }
0x310: {  	v4 =	vor.u32 v4, v5  }
0x311: {  	v5 =	vperm.xlane v4, v1;
	_ =	sdelay $0x1  }
0x312: {  	v5 =	vadd.s32 v2, v5;
	_ =	sdelay $0x1  }
0x313: {  	v4 =	vperm.xlane v4, v3;
	_ =	sdelay $0x1  }
0x314: {  	s9 =	simm.s32 $0x14400;
	v4 =	vadd.s32 v2, v4  }
0x315: {  	[tilespmem:s9], [sflag:$0x3] =	stream.indirect_vreg.gather [hbm4b:s12+s20], $0x80, v5, vm0, $0xb8;
	[tilespmem:$0x1C480] =	vst v63  }
0x316: {  	s11 =	simm.s32 $0x14C00  }
0x317: {  	[tilespmem:s11], [sflag:$0x3] =	stream.indirect_vreg.gather [hbm4b:s18+s20], $0x80, v5, vm0, $0xb8;
	[tilespmem:$0x1C480] =	vst v63  }
0x318: {  	s5 =	simm.s32 $0x15400  }
0x319: {  	[tilespmem:s5], [sflag:$0x3] =	stream.indirect_vreg.gather [hbm4b:s12+s20], $0x80, v4, vm0, $0xb8;
	[tilespmem:$0x1C480] =	vst v63  }
0x31a: {  	s6 =	simm.s32 $0x15C00  }
0x31b: {  	[tilespmem:s6], [sflag:$0x3] =	stream.indirect_vreg.gather [hbm4b:s18+s20], $0x80, v4, vm0, $0xb8;
	[tilespmem:$0x1C480] =	vst v63  }
0x31c: {  	v4 =	vld [tilespmem:$0x170];
	_ =	sdelay $0x4  }
0x31d: {  	v5 =	vshll.u32 v4, $0x2  }
0x31e: {  	v4 =	vand.u32 $0x7, v4;
	v5 =	vand.u32 $0xFFFFFFE0, v5  }
0x31f: {  	v4 =	vor.u32 v4, v5  }
0x320: {  	v5 =	vperm.xlane v4, v1;
	_ =	sdelay $0x1  }
0x321: {  	v5 =	vadd.s32 v2, v5;
	_ =	sdelay $0x1  }
0x322: {  	v4 =	vperm.xlane v4, v3;
	_ =	sdelay $0x1  }
0x323: {  	s7 =	simm.s32 $0x16400;
	v4 =	vadd.s32 v2, v4  }
0x324: {  	[tilespmem:s7], [sflag:$0x3] =	stream.indirect_vreg.gather [hbm4b:s12+s20], $0x80, v5, vm0, $0xb8;
	[tilespmem:$0x1C480] =	vst v63  }
0x325: {  	s8 =	simm.s32 $0x16C00  }
0x326: {  	[tilespmem:s8], [sflag:$0x3] =	stream.indirect_vreg.gather [hbm4b:s18+s20], $0x80, v5, vm0, $0xb8;
	[tilespmem:$0x1C480] =	vst v63  }
0x327: {  	s9 =	simm.s32 $0x17400  }
0x328: {  	[tilespmem:s9], [sflag:$0x3] =	stream.indirect_vreg.gather [hbm4b:s12+s20], $0x80, v4, vm0, $0xb8;
	[tilespmem:$0x1C480] =	vst v63  }
0x329: {  	s11 =	simm.s32 $0x17C00  }
0x32a: {  	[tilespmem:s11], [sflag:$0x3] =	stream.indirect_vreg.gather [hbm4b:s18+s20], $0x80, v4, vm0, $0xb8;
	[tilespmem:$0x1C480] =	vst v63  }
.LBB2_45:
.Ltmp30:
0x32b: {  	(pc) =	sbr.rel @p1 .LBB2_51-.Ltmp30, $1  }
0x32c: {  	_ =	sdelay $0x3  }
0x32d: {  	p1 =	sgt.u32 s4, $0x3F  }
.Ltmp31:
0x32e: {  	_ = 	snop;
	(pc) =	sbr.rel @p1 .LBB2_50-.Ltmp31, $4  }
0x32f: {  	s2 =	simm.s32 $0x2  }
0x330: {  	_ =	swait.ge [sflag:s2], $0x8000  }
0x331: {  	[sflag:s2] =	ssyncset.done $0x0  }
0x332: {  	[sflag:s2] =	ssyncadd.s32 $0xFFFF8000  }
0x333: {  	s2 =	sld [smem:$0x7F1];
	_ =	sdelay $0x2  }
0x334: {  	s2 =	sadd.s32 s15, s2  }
0x335: {  	p1 =	sgt.s32 s2, $0x0  }
0x336: {  	s2 =	simm.s32 @!p1 $0x0  }
0x337: {  	s4 =	smin.u32 s2, $0x40  }
0x338: {  	s2 =	sshll.u32 s4, $0x5  }
0x339: {  	s5 =	sadd.s32 $0xFFFFFFFF, s2  }
0x33a: {  	s5 =	sadd.s32 $0x1, s5  }
0x33b: {  	p1 =	slt.u32 s5, $0x7FF  }
.Ltmp32:
0x33c: {  	s6 =	sshll.u32 s4, $0x9;
	s2 =	sshll.u32 s4, $0xC;
	(pc) =	sbr.rel @!p1 .LBB2_49-.Ltmp32, $4  }
0x33d: {  	s4 =	sshll.u32 s4, $0x7;
	s7 =	sand.u32 $0x7000, s6;
	s8 =	sand.u32 $0xC00, s2  }
0x33e: {  	s9 =	sand.u32 $0x380, s4;
	s7 =	sor.u32 s8, s7  }
0x33f: {  	s15 =	sand.u32 $0x70, s6;
	s7 =	sor.u32 s9, s7  }
0x340: {  	s6 =	sadd.s32 $0x10, s6;
	s7 =	sor.u32 s15, s7  }
.LBB2_48:
0x341: {  	s5 =	sadd.s32 $0x1, s5  }
0x342: {  	[tilespmem:s7+$0x8400] =	vst v0;
	s4 =	sadd.s32 $0x4, s4;
	s2 =	sadd.s32 $0x80, s2;
	p1 =	slt.u32 s5, $0x7FF  }
.Ltmp33:
0x343: {  	(pc) =	sbr.rel @p1 .LBB2_48-.Ltmp33, $4  }
0x344: {  	s7 =	sand.u32 $0x7000, s6;
	s8 =	sand.u32 $0xC00, s2  }
0x345: {  	s9 =	sand.u32 $0x380, s4;
	s7 =	sor.u32 s8, s7  }
0x346: {  	s8 =	sand.u32 $0x70, s6;
	s7 =	sor.u32 s9, s7  }
0x347: {  	s6 =	sadd.s32 $0x10, s6;
	s7 =	sor.u32 s8, s7  }
.LBB2_49:
0x348: {  	[tilespmem:s7+$0x8400] =	vst v0  }
.LBB2_50:
.Ltmp34:
0x349: {  	(pc) =	sbr.rel .LBB2_52-.Ltmp34, $2  }
0x34a: {  	s2 =	sld [smem:$0x7D4];
	_ =	sdelay $0x2  }
0x34b: {  	[hbm4b:s2+s20] =	stream.linear.scatter [tilespmem:s14], [sflag:$0x6], $0x8000, $0x38;
	[tilespmem:$0x1C480] =	vst v63  }
.LBB2_51:
0x34c: {  	s2 =	sld [smem:$0x7D4];
	_ =	sdelay $0x1  }
0x34d: {  	s15 =	sld [smem:$0x7D5]  }
0x34e: {  	[hbm4b:s2+s20] =	stream.linear.scatter [tilespmem:s16], [sflag:$0x6], $0x4000, $0x38;
	[tilespmem:$0x1C480] =	vst v63  }
0x34f: {  	_ = 	snop  }
0x350: {  	[hbm4b:s15+s20] =	stream.linear.scatter [tilespmem:s16], [sflag:$0x6], $0x4000, $0x38;
	[tilespmem:$0x1C480] =	vst v63  }
.LBB2_52:
0x351: {  	p1 =	slt.s32 s17, $0x1  }
.Ltmp35:
0x352: {  	_ = 	snop;
	(pc) =	sbr.rel @p1 .LBB2_54-.Ltmp35, $4  }
0x353: {  	_ = 	snop  }
0x354: {  	_ =	swait.ge [sflag:s24], $0x8000  }
0x355: {  	[sflag:s24] =	ssyncset.done $0x0  }
0x356: {  	s15 =	smov.u32 s28;
	[sflag:s24] =	ssyncadd.s32 $0xFFFF8000  }
0x357: {  	v4 =	vld [tilespmem:$0x180];
	_ =	sdelay $0x4  }
0x358: {  	v5 =	vshll.u32 v4, $0x2  }
0x359: {  	v4 =	vand.u32 $0x7, v4;
	v5 =	vand.u32 $0xFFFFFFE0, v5  }
0x35a: {  	v4 =	vor.u32 v4, v5  }
0x35b: {  	v5 =	vperm.xlane v4, v1;
	_ =	sdelay $0x1  }
0x35c: {  	v5 =	vadd.s32 v2, v5;
	_ =	sdelay $0x1  }
0x35d: {  	v4 =	vperm.xlane v4, v3;
	_ =	sdelay $0x1  }
0x35e: {  	v4 =	vadd.s32 v2, v4  }
0x35f: {  	[tilespmem:s25], [sflag:$0x1] =	stream.indirect_vreg.gather [hbm4b:s12+s20], $0x80, v5, vm0, $0xb8;
	[tilespmem:$0x1C480] =	vst v63  }
0x360: {  	_ = 	snop  }
0x361: {  	[tilespmem:s31], [sflag:$0x1] =	stream.indirect_vreg.gather [hbm4b:s18+s20], $0x80, v5, vm0, $0xb8;
	[tilespmem:$0x1C480] =	vst v63  }
0x362: {  	_ = 	snop  }
0x363: {  	[tilespmem:s21], [sflag:$0x1] =	stream.indirect_vreg.gather [hbm4b:s12+s20], $0x80, v4, vm0, $0xb8;
	[tilespmem:$0x1C480] =	vst v63  }
0x364: {  	_ = 	snop  }
0x365: {  	[tilespmem:s22], [sflag:$0x1] =	stream.indirect_vreg.gather [hbm4b:s18+s20], $0x80, v4, vm0, $0xb8;
	[tilespmem:$0x1C480] =	vst v63  }
0x366: {  	v4 =	vld [tilespmem:$0x190];
	_ =	sdelay $0x4  }
0x367: {  	v5 =	vshll.u32 v4, $0x2  }
0x368: {  	v4 =	vand.u32 $0x7, v4;
	v5 =	vand.u32 $0xFFFFFFE0, v5  }
0x369: {  	v4 =	vor.u32 v4, v5  }
0x36a: {  	v5 =	vperm.xlane v4, v1;
	_ =	sdelay $0x1  }
0x36b: {  	v5 =	vadd.s32 v2, v5;
	_ =	sdelay $0x1  }
0x36c: {  	v4 =	vperm.xlane v4, v3;
	_ =	sdelay $0x1  }
0x36d: {  	s2 =	simm.s32 $0x2400;
	v4 =	vadd.s32 v2, v4  }
0x36e: {  	[tilespmem:s2], [sflag:$0x1] =	stream.indirect_vreg.gather [hbm4b:s12+s20], $0x80, v5, vm0, $0xb8;
	[tilespmem:$0x1C480] =	vst v63  }
0x36f: {  	s9 =	simm.s32 $0x2C00  }
0x370: {  	[tilespmem:s9], [sflag:$0x1] =	stream.indirect_vreg.gather [hbm4b:s18+s20], $0x80, v5, vm0, $0xb8;
	[tilespmem:$0x1C480] =	vst v63  }
0x371: {  	s11 =	simm.s32 $0x3400  }
0x372: {  	[tilespmem:s11], [sflag:$0x1] =	stream.indirect_vreg.gather [hbm4b:s12+s20], $0x80, v4, vm0, $0xb8;
	[tilespmem:$0x1C480] =	vst v63  }
0x373: {  	s28 =	simm.s32 $0x3C00  }
0x374: {  	[tilespmem:s28], [sflag:$0x1] =	stream.indirect_vreg.gather [hbm4b:s18+s20], $0x80, v4, vm0, $0xb8;
	[tilespmem:$0x1C480] =	vst v63  }
0x375: {  	v4 =	vld [tilespmem:$0x1A0];
	_ =	sdelay $0x4  }
0x376: {  	v5 =	vshll.u32 v4, $0x2  }
0x377: {  	v4 =	vand.u32 $0x7, v4;
	v5 =	vand.u32 $0xFFFFFFE0, v5  }
0x378: {  	v4 =	vor.u32 v4, v5  }
0x379: {  	v5 =	vperm.xlane v4, v1;
	_ =	sdelay $0x1  }
0x37a: {  	v5 =	vadd.s32 v2, v5;
	_ =	sdelay $0x1  }
0x37b: {  	v4 =	vperm.xlane v4, v3;
	_ =	sdelay $0x1  }
0x37c: {  	s4 =	simm.s32 $0x4400;
	v4 =	vadd.s32 v2, v4  }
0x37d: {  	[tilespmem:s4], [sflag:$0x1] =	stream.indirect_vreg.gather [hbm4b:s12+s20], $0x80, v5, vm0, $0xb8;
	[tilespmem:$0x1C480] =	vst v63  }
0x37e: {  	s5 =	simm.s32 $0x4C00  }
0x37f: {  	[tilespmem:s5], [sflag:$0x1] =	stream.indirect_vreg.gather [hbm4b:s18+s20], $0x80, v5, vm0, $0xb8;
	[tilespmem:$0x1C480] =	vst v63  }
0x380: {  	s6 =	simm.s32 $0x5400  }
0x381: {  	[tilespmem:s6], [sflag:$0x1] =	stream.indirect_vreg.gather [hbm4b:s12+s20], $0x80, v4, vm0, $0xb8;
	[tilespmem:$0x1C480] =	vst v63  }
0x382: {  	s7 =	simm.s32 $0x5C00  }
0x383: {  	[tilespmem:s7], [sflag:$0x1] =	stream.indirect_vreg.gather [hbm4b:s18+s20], $0x80, v4, vm0, $0xb8;
	[tilespmem:$0x1C480] =	vst v63  }
0x384: {  	v4 =	vld [tilespmem:$0x1B0];
	_ =	sdelay $0x4  }
0x385: {  	v5 =	vshll.u32 v4, $0x2  }
0x386: {  	v4 =	vand.u32 $0x7, v4;
	v5 =	vand.u32 $0xFFFFFFE0, v5  }
0x387: {  	v4 =	vor.u32 v4, v5  }
0x388: {  	v5 =	vperm.xlane v4, v1;
	_ =	sdelay $0x1  }
0x389: {  	v5 =	vadd.s32 v2, v5;
	_ =	sdelay $0x1  }
0x38a: {  	v4 =	vperm.xlane v4, v3;
	_ =	sdelay $0x1  }
0x38b: {  	s8 =	simm.s32 $0x6400;
	v4 =	vadd.s32 v2, v4  }
0x38c: {  	[tilespmem:s8], [sflag:$0x1] =	stream.indirect_vreg.gather [hbm4b:s12+s20], $0x80, v5, vm0, $0xb8;
	[tilespmem:$0x1C480] =	vst v63  }
0x38d: {  	s9 =	simm.s32 $0x6C00  }
0x38e: {  	[tilespmem:s9], [sflag:$0x1] =	stream.indirect_vreg.gather [hbm4b:s18+s20], $0x80, v5, vm0, $0xb8;
	[tilespmem:$0x1C480] =	vst v63  }
0x38f: {  	s11 =	simm.s32 $0x7400  }
0x390: {  	[tilespmem:s11], [sflag:$0x1] =	stream.indirect_vreg.gather [hbm4b:s12+s20], $0x80, v4, vm0, $0xb8;
	[tilespmem:$0x1C480] =	vst v63  }
0x391: {  	s28 =	simm.s32 $0x7C00  }
0x392: {  	[tilespmem:s28], [sflag:$0x1] =	stream.indirect_vreg.gather [hbm4b:s18+s20], $0x80, v4, vm0, $0xb8;
	[tilespmem:$0x1C480] =	vst v63  }
.LBB2_54:
.Ltmp36:
0x393: {  	(pc) =	sbr.rel @p0 .LBB2_60-.Ltmp36, $2  }
0x394: {  	_ =	sdelay $0x2  }
0x395: {  	s28 =	sld [smem:$0x7B6]  }
0x396: {  	p0 =	sgt.u32 s13, $0x3F  }
.Ltmp37:
0x397: {  	_ = 	snop;
	(pc) =	sbr.rel @p0 .LBB2_59-.Ltmp37, $4  }
0x398: {  	_ = 	snop  }
0x399: {  	_ =	swait.ge [sflag:s26], $0x8000  }
0x39a: {  	s11 =	smov.u32 s0;
	[sflag:s26] =	ssyncset.done $0x0;
	s13 =	sld [smem:$0x7BA]  }
0x39b: {  	s9 =	smov.u32 s19;
	s19 =	sld [smem:$0x7B5];
	[sflag:s26] =	ssyncadd.s32 $0xFFFF8000  }
0x39c: {  	s2 =	sld [smem:$0x7F2];
	_ =	sdelay $0x2  }
0x39d: {  	s2 =	sadd.s32 s3, s2  }
0x39e: {  	p0 =	sgt.s32 s2, $0x0  }
0x39f: {  	s2 =	simm.s32 @!p0 $0x0  }
0x3a0: {  	s8 =	smin.u32 s2, $0x40  }
0x3a1: {  	s2 =	sshll.u32 s8, $0x5  }
0x3a2: {  	s4 =	sadd.s32 $0xFFFFFFFF, s2  }
0x3a3: {  	s4 =	sadd.s32 $0x1, s4  }
0x3a4: {  	p0 =	slt.u32 s4, $0x7FF  }
.Ltmp38:
0x3a5: {  	s5 =	sshll.u32 s8, $0x9;
	s2 =	sshll.u32 s8, $0xC;
	(pc) =	sbr.rel @!p0 .LBB2_58-.Ltmp38, $4  }
0x3a6: {  	s3 =	sshll.u32 s8, $0x7;
	s6 =	sand.u32 $0x7000, s5;
	s7 =	sand.u32 $0xC00, s2  }
0x3a7: {  	s8 =	sand.u32 $0x380, s3;
	s6 =	sor.u32 s7, s6  }
0x3a8: {  	s0 =	sand.u32 $0x70, s5;
	s6 =	sor.u32 s8, s6  }
0x3a9: {  	s5 =	sadd.s32 $0x10, s5;
	s6 =	sor.u32 s0, s6  }
.LBB2_57:
0x3aa: {  	s4 =	sadd.s32 $0x1, s4  }
0x3ab: {  	[tilespmem:s6+$0x10400] =	vst v0;
	s3 =	sadd.s32 $0x4, s3;
	s2 =	sadd.s32 $0x80, s2;
	p0 =	slt.u32 s4, $0x7FF  }
.Ltmp39:
0x3ac: {  	(pc) =	sbr.rel @p0 .LBB2_57-.Ltmp39, $4  }
0x3ad: {  	s6 =	sand.u32 $0x7000, s5;
	s7 =	sand.u32 $0xC00, s2  }
0x3ae: {  	s8 =	sand.u32 $0x380, s3;
	s6 =	sor.u32 s7, s6  }
0x3af: {  	s7 =	sand.u32 $0x70, s5;
	s6 =	sor.u32 s8, s6  }
0x3b0: {  	s5 =	sadd.s32 $0x10, s5;
	s6 =	sor.u32 s7, s6  }
.LBB2_58:
0x3b1: {  	[tilespmem:s6+$0x10400] =	vst v0  }
.LBB2_59:
.Ltmp40:
0x3b2: {  	(pc) =	sbr.rel .LBB2_61-.Ltmp40, $3  }
0x3b3: {  	_ =	sdelay $0x1  }
0x3b4: {  	s2 =	rddreg [dreg:$0x1f]  }
0x3b5: {  	[hbm4b:s2+s20] =	stream.linear.scatter [tilespmem:s23], [sflag:$0x7], $0x8000, $0x38;
	[tilespmem:$0x1C480] =	vst v63  }
.LBB2_60:
0x3b6: {  	s2 =	rddreg [dreg:$0x1f]  }
0x3b7: {  	s13 =	sld [smem:$0x7D6]  }
0x3b8: {  	[hbm4b:s2+s20] =	stream.linear.scatter [tilespmem:s16], [sflag:$0x7], $0x4000, $0x38;
	[tilespmem:$0x1C480] =	vst v63  }
0x3b9: {  	s9 =	smov.u32 s19;
	s19 =	sld [smem:$0x7B5]  }
0x3ba: {  	[hbm4b:s13+s20] =	stream.linear.scatter [tilespmem:s16], [sflag:$0x7], $0x4000, $0x38;
	[tilespmem:$0x1C480] =	vst v63  }
0x3bb: {  	s11 =	smov.u32 s0;
	s13 =	sld [smem:$0x7BA]  }
.LBB2_61:
0x3bc: {  	_ =	swait.ge [sflag:s29], $0x8000  }
0x3bd: {  	s0 =	sld [smem:$0x7B3];
	_ =	sdelay $0x2  }
0x3be: {  	p0 =	slt.s32 s0, $0x1  }
.Ltmp41:
0x3bf: {  	_ = 	snop;
	(pc) =	sbr.rel @p0 .LBB2_63-.Ltmp41, $3  }
0x3c0: {  	_ =	sdelay $0x1  }
0x3c1: {  	[sflag:s29] =	ssyncset.done $0x0  }
0x3c2: {  	[sflag:s29] =	ssyncadd.s32 $0xFFFF8000  }
0x3c3: {  	v4 =	vld [tilespmem:$0x1C0];
	_ =	sdelay $0x4  }
0x3c4: {  	v5 =	vshll.u32 v4, $0x2  }
0x3c5: {  	v4 =	vand.u32 $0x7, v4;
	v5 =	vand.u32 $0xFFFFFFE0, v5  }
0x3c6: {  	v4 =	vor.u32 v4, v5  }
0x3c7: {  	v5 =	vperm.xlane v4, v1;
	_ =	sdelay $0x1  }
0x3c8: {  	v5 =	vadd.s32 v2, v5;
	_ =	sdelay $0x1  }
0x3c9: {  	v4 =	vperm.xlane v4, v3;
	_ =	sdelay $0x1  }
0x3ca: {  	v4 =	vadd.s32 v2, v4  }
0x3cb: {  	[tilespmem:s14], [sflag:$0x2] =	stream.indirect_vreg.gather [hbm4b:s12+s20], $0x80, v5, vm0, $0xb8;
	[tilespmem:$0x1C480] =	vst v63  }
0x3cc: {  	s2 =	simm.s32 $0x8C00  }
0x3cd: {  	[tilespmem:s2], [sflag:$0x2] =	stream.indirect_vreg.gather [hbm4b:s18+s20], $0x80, v5, vm0, $0xb8;
	[tilespmem:$0x1C480] =	vst v63  }
0x3ce: {  	s0 =	simm.s32 $0x9400  }
0x3cf: {  	[tilespmem:s0], [sflag:$0x2] =	stream.indirect_vreg.gather [hbm4b:s12+s20], $0x80, v4, vm0, $0xb8;
	[tilespmem:$0x1C480] =	vst v63  }
0x3d0: {  	s3 =	simm.s32 $0x9C00  }
0x3d1: {  	[tilespmem:s3], [sflag:$0x2] =	stream.indirect_vreg.gather [hbm4b:s18+s20], $0x80, v4, vm0, $0xb8;
	[tilespmem:$0x1C480] =	vst v63  }
0x3d2: {  	v4 =	vld [tilespmem:$0x1D0];
	_ =	sdelay $0x4  }
0x3d3: {  	v5 =	vshll.u32 v4, $0x2  }
0x3d4: {  	v4 =	vand.u32 $0x7, v4;
	v5 =	vand.u32 $0xFFFFFFE0, v5  }
0x3d5: {  	v4 =	vor.u32 v4, v5  }
0x3d6: {  	v5 =	vperm.xlane v4, v1;
	_ =	sdelay $0x1  }
0x3d7: {  	v5 =	vadd.s32 v2, v5;
	_ =	sdelay $0x1  }
0x3d8: {  	v4 =	vperm.xlane v4, v3;
	_ =	sdelay $0x1  }
0x3d9: {  	s4 =	simm.s32 $0xA400;
	v4 =	vadd.s32 v2, v4  }
0x3da: {  	[tilespmem:s4], [sflag:$0x2] =	stream.indirect_vreg.gather [hbm4b:s12+s20], $0x80, v5, vm0, $0xb8;
	[tilespmem:$0x1C480] =	vst v63  }
0x3db: {  	s5 =	simm.s32 $0xAC00  }
0x3dc: {  	[tilespmem:s5], [sflag:$0x2] =	stream.indirect_vreg.gather [hbm4b:s18+s20], $0x80, v5, vm0, $0xb8;
	[tilespmem:$0x1C480] =	vst v63  }
0x3dd: {  	s6 =	simm.s32 $0xB400  }
0x3de: {  	[tilespmem:s6], [sflag:$0x2] =	stream.indirect_vreg.gather [hbm4b:s12+s20], $0x80, v4, vm0, $0xb8;
	[tilespmem:$0x1C480] =	vst v63  }
0x3df: {  	s7 =	simm.s32 $0xBC00  }
0x3e0: {  	[tilespmem:s7], [sflag:$0x2] =	stream.indirect_vreg.gather [hbm4b:s18+s20], $0x80, v4, vm0, $0xb8;
	[tilespmem:$0x1C480] =	vst v63  }
0x3e1: {  	v4 =	vld [tilespmem:$0x1E0];
	_ =	sdelay $0x4  }
0x3e2: {  	v5 =	vshll.u32 v4, $0x2  }
0x3e3: {  	v4 =	vand.u32 $0x7, v4;
	v5 =	vand.u32 $0xFFFFFFE0, v5  }
0x3e4: {  	v4 =	vor.u32 v4, v5  }
0x3e5: {  	v5 =	vperm.xlane v4, v1;
	_ =	sdelay $0x1  }
0x3e6: {  	v5 =	vadd.s32 v2, v5;
	_ =	sdelay $0x1  }
0x3e7: {  	v4 =	vperm.xlane v4, v3;
	_ =	sdelay $0x1  }
0x3e8: {  	s8 =	simm.s32 $0xC400;
	v4 =	vadd.s32 v2, v4  }
0x3e9: {  	[tilespmem:s8], [sflag:$0x2] =	stream.indirect_vreg.gather [hbm4b:s12+s20], $0x80, v5, vm0, $0xb8;
	[tilespmem:$0x1C480] =	vst v63  }
0x3ea: {  	s0 =	simm.s32 $0xCC00  }
0x3eb: {  	[tilespmem:s0], [sflag:$0x2] =	stream.indirect_vreg.gather [hbm4b:s18+s20], $0x80, v5, vm0, $0xb8;
	[tilespmem:$0x1C480] =	vst v63  }
0x3ec: {  	s3 =	simm.s32 $0xD400  }
0x3ed: {  	[tilespmem:s3], [sflag:$0x2] =	stream.indirect_vreg.gather [hbm4b:s12+s20], $0x80, v4, vm0, $0xb8;
	[tilespmem:$0x1C480] =	vst v63  }
0x3ee: {  	s4 =	simm.s32 $0xDC00  }
0x3ef: {  	[tilespmem:s4], [sflag:$0x2] =	stream.indirect_vreg.gather [hbm4b:s18+s20], $0x80, v4, vm0, $0xb8;
	[tilespmem:$0x1C480] =	vst v63  }
0x3f0: {  	v4 =	vld [tilespmem:$0x1F0];
	_ =	sdelay $0x4  }
0x3f1: {  	v5 =	vshll.u32 v4, $0x2  }
0x3f2: {  	v4 =	vand.u32 $0x7, v4;
	v5 =	vand.u32 $0xFFFFFFE0, v5  }
0x3f3: {  	v4 =	vor.u32 v4, v5  }
0x3f4: {  	v5 =	vperm.xlane v4, v1;
	_ =	sdelay $0x1  }
0x3f5: {  	v5 =	vadd.s32 v2, v5;
	_ =	sdelay $0x1  }
0x3f6: {  	v4 =	vperm.xlane v4, v3;
	_ =	sdelay $0x1  }
0x3f7: {  	s5 =	simm.s32 $0xE400;
	v4 =	vadd.s32 v2, v4  }
0x3f8: {  	[tilespmem:s5], [sflag:$0x2] =	stream.indirect_vreg.gather [hbm4b:s12+s20], $0x80, v5, vm0, $0xb8;
	[tilespmem:$0x1C480] =	vst v63  }
0x3f9: {  	s6 =	simm.s32 $0xEC00  }
0x3fa: {  	[tilespmem:s6], [sflag:$0x2] =	stream.indirect_vreg.gather [hbm4b:s18+s20], $0x80, v5, vm0, $0xb8;
	[tilespmem:$0x1C480] =	vst v63  }
0x3fb: {  	s7 =	simm.s32 $0xF400  }
0x3fc: {  	[tilespmem:s7], [sflag:$0x2] =	stream.indirect_vreg.gather [hbm4b:s12+s20], $0x80, v4, vm0, $0xb8;
	[tilespmem:$0x1C480] =	vst v63  }
0x3fd: {  	s8 =	simm.s32 $0xFC00  }
0x3fe: {  	[tilespmem:s8], [sflag:$0x2] =	stream.indirect_vreg.gather [hbm4b:s18+s20], $0x80, v4, vm0, $0xb8;
	[tilespmem:$0x1C480] =	vst v63  }
.LBB2_63:
.Ltmp42:
0x3ff: {  	(pc) =	sbr.rel @p1 .LBB2_69-.Ltmp42, $1  }
0x400: {  	_ =	sdelay $0x3  }
0x401: {  	p1 =	sgt.u32 s17, $0x3F  }
.Ltmp43:
0x402: {  	_ = 	snop;
	(pc) =	sbr.rel @p1 .LBB2_68-.Ltmp43, $4  }
0x403: {  	s0 =	simm.s32 $0x1  }
0x404: {  	_ =	swait.ge [sflag:s0], $0x8000  }
0x405: {  	[sflag:s0] =	ssyncset.done $0x0  }
0x406: {  	s17 =	sld [smem:$0x7B7];
	[sflag:s0] =	ssyncadd.s32 $0xFFFF8000  }
0x407: {  	s2 =	sld [smem:$0x7F3]  }
0x408: {  	s0 =	sld [smem:$0x7B2];
	_ =	sdelay $0x2  }
0x409: {  	s2 =	sadd.s32 s0, s2  }
0x40a: {  	p1 =	sgt.s32 s2, $0x0  }
0x40b: {  	s2 =	simm.s32 @!p1 $0x0  }
0x40c: {  	s3 =	smin.u32 s2, $0x40  }
0x40d: {  	s2 =	sshll.u32 s3, $0x5  }
0x40e: {  	s4 =	sadd.s32 $0xFFFFFFFF, s2  }
0x40f: {  	s4 =	sadd.s32 $0x1, s4  }
0x410: {  	p1 =	slt.u32 s4, $0x7FF  }
.Ltmp44:
0x411: {  	s5 =	sshll.u32 s3, $0x9;
	s2 =	sshll.u32 s3, $0xC;
	(pc) =	sbr.rel @!p1 .LBB2_67-.Ltmp44, $4  }
0x412: {  	s3 =	sshll.u32 s3, $0x7;
	s6 =	sand.u32 $0x7000, s5;
	s7 =	sand.u32 $0xC00, s2  }
0x413: {  	s8 =	sand.u32 $0x380, s3;
	s6 =	sor.u32 s7, s6  }
0x414: {  	s0 =	sand.u32 $0x70, s5;
	s6 =	sor.u32 s8, s6  }
0x415: {  	s5 =	sadd.s32 $0x10, s5;
	s6 =	sor.u32 s0, s6  }
.LBB2_66:
0x416: {  	s4 =	sadd.s32 $0x1, s4  }
0x417: {  	[tilespmem:s6+$0x400] =	vst v0;
	s3 =	sadd.s32 $0x4, s3;
	s2 =	sadd.s32 $0x80, s2;
	p1 =	slt.u32 s4, $0x7FF  }
.Ltmp45:
0x418: {  	(pc) =	sbr.rel @p1 .LBB2_66-.Ltmp45, $4  }
0x419: {  	s6 =	sand.u32 $0x7000, s5;
	s7 =	sand.u32 $0xC00, s2  }
0x41a: {  	s8 =	sand.u32 $0x380, s3;
	s6 =	sor.u32 s7, s6  }
0x41b: {  	s7 =	sand.u32 $0x70, s5;
	s6 =	sor.u32 s8, s6  }
0x41c: {  	s5 =	sadd.s32 $0x10, s5;
	s6 =	sor.u32 s7, s6  }
.LBB2_67:
0x41d: {  	[tilespmem:s6+$0x400] =	vst v0  }
.LBB2_68:
.Ltmp46:
0x41e: {  	(pc) =	sbr.rel .LBB2_70-.Ltmp46, $2  }
0x41f: {  	s2 =	sld [smem:$0x7D7];
	_ =	sdelay $0x2  }
0x420: {  	[hbm4b:s2+s20] =	stream.linear.scatter [tilespmem:s25], [sflag:$0x5], $0x8000, $0x38;
	[tilespmem:$0x1C480] =	vst v63  }
.LBB2_69:
0x421: {  	s2 =	sld [smem:$0x7D7];
	_ =	sdelay $0x1  }
0x422: {  	s17 =	sld [smem:$0x7D8]  }
0x423: {  	[hbm4b:s2+s20] =	stream.linear.scatter [tilespmem:s16], [sflag:$0x5], $0x4000, $0x38;
	[tilespmem:$0x1C480] =	vst v63  }
0x424: {  	_ = 	snop  }
0x425: {  	[hbm4b:s17+s20] =	stream.linear.scatter [tilespmem:s16], [sflag:$0x5], $0x4000, $0x38;
	[tilespmem:$0x1C480] =	vst v63  }
0x426: {  	s17 =	sld [smem:$0x7B7]  }
.LBB2_70:
0x427: {  	p1 =	slt.s32 s10, $0x1  }
.Ltmp47:
0x428: {  	_ = 	snop;
	(pc) =	sbr.rel @p1 .LBB2_72-.Ltmp47, $4  }
0x429: {  	_ = 	snop  }
0x42a: {  	_ =	swait.ge [sflag:s30], $0x8000  }
0x42b: {  	[sflag:s30] =	ssyncset.done $0x0  }
0x42c: {  	[sflag:s30] =	ssyncadd.s32 $0xFFFF8000  }
0x42d: {  	v4 =	vld [tilespmem:$0x200];
	_ =	sdelay $0x4  }
0x42e: {  	v5 =	vshll.u32 v4, $0x2  }
0x42f: {  	v4 =	vand.u32 $0x7, v4;
	v5 =	vand.u32 $0xFFFFFFE0, v5  }
0x430: {  	v4 =	vor.u32 v4, v5  }
0x431: {  	v5 =	vperm.xlane v4, v1;
	_ =	sdelay $0x1  }
0x432: {  	v5 =	vadd.s32 v2, v5;
	_ =	sdelay $0x1  }
0x433: {  	v4 =	vperm.xlane v4, v3;
	_ =	sdelay $0x1  }
0x434: {  	v4 =	vadd.s32 v2, v4  }
0x435: {  	[tilespmem:s23], [sflag:$0x3] =	stream.indirect_vreg.gather [hbm4b:s12+s20], $0x80, v5, vm0, $0xb8;
	[tilespmem:$0x1C480] =	vst v63  }
0x436: {  	s2 =	simm.s32 $0x10C00  }
0x437: {  	[tilespmem:s2], [sflag:$0x3] =	stream.indirect_vreg.gather [hbm4b:s18+s20], $0x80, v5, vm0, $0xb8;
	[tilespmem:$0x1C480] =	vst v63  }
0x438: {  	s0 =	simm.s32 $0x11400  }
0x439: {  	[tilespmem:s0], [sflag:$0x3] =	stream.indirect_vreg.gather [hbm4b:s12+s20], $0x80, v4, vm0, $0xb8;
	[tilespmem:$0x1C480] =	vst v63  }
0x43a: {  	s3 =	simm.s32 $0x11C00  }
0x43b: {  	[tilespmem:s3], [sflag:$0x3] =	stream.indirect_vreg.gather [hbm4b:s18+s20], $0x80, v4, vm0, $0xb8;
	[tilespmem:$0x1C480] =	vst v63  }
0x43c: {  	v4 =	vld [tilespmem:$0x210];
	_ =	sdelay $0x4  }
0x43d: {  	v5 =	vshll.u32 v4, $0x2  }
0x43e: {  	v4 =	vand.u32 $0x7, v4;
	v5 =	vand.u32 $0xFFFFFFE0, v5  }
0x43f: {  	v4 =	vor.u32 v4, v5  }
0x440: {  	v5 =	vperm.xlane v4, v1;
	_ =	sdelay $0x1  }
0x441: {  	v5 =	vadd.s32 v2, v5;
	_ =	sdelay $0x1  }
0x442: {  	v4 =	vperm.xlane v4, v3;
	_ =	sdelay $0x1  }
0x443: {  	s4 =	simm.s32 $0x12400;
	v4 =	vadd.s32 v2, v4  }
0x444: {  	[tilespmem:s4], [sflag:$0x3] =	stream.indirect_vreg.gather [hbm4b:s12+s20], $0x80, v5, vm0, $0xb8;
	[tilespmem:$0x1C480] =	vst v63  }
0x445: {  	s5 =	simm.s32 $0x12C00  }
0x446: {  	[tilespmem:s5], [sflag:$0x3] =	stream.indirect_vreg.gather [hbm4b:s18+s20], $0x80, v5, vm0, $0xb8;
	[tilespmem:$0x1C480] =	vst v63  }
0x447: {  	s6 =	simm.s32 $0x13400  }
0x448: {  	[tilespmem:s6], [sflag:$0x3] =	stream.indirect_vreg.gather [hbm4b:s12+s20], $0x80, v4, vm0, $0xb8;
	[tilespmem:$0x1C480] =	vst v63  }
0x449: {  	s7 =	simm.s32 $0x13C00  }
0x44a: {  	[tilespmem:s7], [sflag:$0x3] =	stream.indirect_vreg.gather [hbm4b:s18+s20], $0x80, v4, vm0, $0xb8;
	[tilespmem:$0x1C480] =	vst v63  }
0x44b: {  	v4 =	vld [tilespmem:$0x220];
	_ =	sdelay $0x4  }
0x44c: {  	v5 =	vshll.u32 v4, $0x2  }
0x44d: {  	v4 =	vand.u32 $0x7, v4;
	v5 =	vand.u32 $0xFFFFFFE0, v5  }
0x44e: {  	v4 =	vor.u32 v4, v5  }
0x44f: {  	v5 =	vperm.xlane v4, v1;
	_ =	sdelay $0x1  }
0x450: {  	v5 =	vadd.s32 v2, v5;
	_ =	sdelay $0x1  }
0x451: {  	v4 =	vperm.xlane v4, v3;
	_ =	sdelay $0x1  }
0x452: {  	s8 =	simm.s32 $0x14400;
	v4 =	vadd.s32 v2, v4  }
0x453: {  	[tilespmem:s8], [sflag:$0x3] =	stream.indirect_vreg.gather [hbm4b:s12+s20], $0x80, v5, vm0, $0xb8;
	[tilespmem:$0x1C480] =	vst v63  }
0x454: {  	s0 =	simm.s32 $0x14C00  }
0x455: {  	[tilespmem:s0], [sflag:$0x3] =	stream.indirect_vreg.gather [hbm4b:s18+s20], $0x80, v5, vm0, $0xb8;
	[tilespmem:$0x1C480] =	vst v63  }
0x456: {  	s3 =	simm.s32 $0x15400  }
0x457: {  	[tilespmem:s3], [sflag:$0x3] =	stream.indirect_vreg.gather [hbm4b:s12+s20], $0x80, v4, vm0, $0xb8;
	[tilespmem:$0x1C480] =	vst v63  }
0x458: {  	s4 =	simm.s32 $0x15C00  }
0x459: {  	[tilespmem:s4], [sflag:$0x3] =	stream.indirect_vreg.gather [hbm4b:s18+s20], $0x80, v4, vm0, $0xb8;
	[tilespmem:$0x1C480] =	vst v63  }
0x45a: {  	v4 =	vld [tilespmem:$0x230];
	_ =	sdelay $0x4  }
0x45b: {  	v5 =	vshll.u32 v4, $0x2  }
0x45c: {  	v4 =	vand.u32 $0x7, v4;
	v5 =	vand.u32 $0xFFFFFFE0, v5  }
0x45d: {  	v4 =	vor.u32 v4, v5  }
0x45e: {  	v5 =	vperm.xlane v4, v1;
	_ =	sdelay $0x1  }
0x45f: {  	v5 =	vadd.s32 v2, v5;
	_ =	sdelay $0x1  }
0x460: {  	v4 =	vperm.xlane v4, v3;
	_ =	sdelay $0x1  }
0x461: {  	s5 =	simm.s32 $0x16400;
	v4 =	vadd.s32 v2, v4  }
0x462: {  	[tilespmem:s5], [sflag:$0x3] =	stream.indirect_vreg.gather [hbm4b:s12+s20], $0x80, v5, vm0, $0xb8;
	[tilespmem:$0x1C480] =	vst v63  }
0x463: {  	s6 =	simm.s32 $0x16C00  }
0x464: {  	[tilespmem:s6], [sflag:$0x3] =	stream.indirect_vreg.gather [hbm4b:s18+s20], $0x80, v5, vm0, $0xb8;
	[tilespmem:$0x1C480] =	vst v63  }
0x465: {  	s7 =	simm.s32 $0x17400  }
0x466: {  	[tilespmem:s7], [sflag:$0x3] =	stream.indirect_vreg.gather [hbm4b:s12+s20], $0x80, v4, vm0, $0xb8;
	[tilespmem:$0x1C480] =	vst v63  }
0x467: {  	s8 =	simm.s32 $0x17C00  }
0x468: {  	[tilespmem:s8], [sflag:$0x3] =	stream.indirect_vreg.gather [hbm4b:s18+s20], $0x80, v4, vm0, $0xb8;
	[tilespmem:$0x1C480] =	vst v63  }
.LBB2_72:
.Ltmp48:
0x469: {  	(pc) =	sbr.rel @p0 .LBB2_78-.Ltmp48, $1  }
0x46a: {  	_ =	sdelay $0x3  }
0x46b: {  	s2 =	simm.s32 $0x2  }
0x46c: {  	_ =	swait.ge [sflag:s2], $0x8000  }
0x46d: {  	s0 =	sld [smem:$0x7B3];
	_ =	sdelay $0x2  }
0x46e: {  	p0 =	sgt.u32 s0, $0x3F  }
.Ltmp49:
0x46f: {  	_ = 	snop;
	(pc) =	sbr.rel @p0 .LBB2_77-.Ltmp49, $3  }
0x470: {  	_ =	sdelay $0x1  }
0x471: {  	[sflag:s2] =	ssyncset.done $0x0  }
0x472: {  	[sflag:s2] =	ssyncadd.s32 $0xFFFF8000  }
0x473: {  	s2 =	sld [smem:$0x7F4]  }
0x474: {  	s0 =	sld [smem:$0x7BF];
	_ =	sdelay $0x2  }
0x475: {  	s2 =	sadd.s32 s0, s2  }
0x476: {  	p0 =	sgt.s32 s2, $0x0  }
0x477: {  	s2 =	simm.s32 @!p0 $0x0  }
0x478: {  	s3 =	smin.u32 s2, $0x40  }
0x479: {  	s2 =	sshll.u32 s3, $0x5  }
0x47a: {  	s4 =	sadd.s32 $0xFFFFFFFF, s2  }
0x47b: {  	s4 =	sadd.s32 $0x1, s4  }
0x47c: {  	p0 =	slt.u32 s4, $0x7FF  }
.Ltmp50:
0x47d: {  	s5 =	sshll.u32 s3, $0x9;
	s2 =	sshll.u32 s3, $0xC;
	(pc) =	sbr.rel @!p0 .LBB2_76-.Ltmp50, $4  }
0x47e: {  	s3 =	sshll.u32 s3, $0x7;
	s6 =	sand.u32 $0x7000, s5;
	s7 =	sand.u32 $0xC00, s2  }
0x47f: {  	s8 =	sand.u32 $0x380, s3;
	s6 =	sor.u32 s7, s6  }
0x480: {  	s0 =	sand.u32 $0x70, s5;
	s6 =	sor.u32 s8, s6  }
0x481: {  	s5 =	sadd.s32 $0x10, s5;
	s6 =	sor.u32 s0, s6  }
.LBB2_75:
0x482: {  	s4 =	sadd.s32 $0x1, s4  }
0x483: {  	[tilespmem:s6+$0x8400] =	vst v0;
	s3 =	sadd.s32 $0x4, s3;
	s2 =	sadd.s32 $0x80, s2;
	p0 =	slt.u32 s4, $0x7FF  }
.Ltmp51:
0x484: {  	(pc) =	sbr.rel @p0 .LBB2_75-.Ltmp51, $4  }
0x485: {  	s6 =	sand.u32 $0x7000, s5;
	s7 =	sand.u32 $0xC00, s2  }
0x486: {  	s8 =	sand.u32 $0x380, s3;
	s6 =	sor.u32 s7, s6  }
0x487: {  	s7 =	sand.u32 $0x70, s5;
	s6 =	sor.u32 s8, s6  }
0x488: {  	s5 =	sadd.s32 $0x10, s5;
	s6 =	sor.u32 s7, s6  }
.LBB2_76:
0x489: {  	[tilespmem:s6+$0x8400] =	vst v0  }
.LBB2_77:
.Ltmp52:
0x48a: {  	(pc) =	sbr.rel .LBB2_79-.Ltmp52, $2  }
0x48b: {  	s2 =	sld [smem:$0x7C1];
	_ =	sdelay $0x2  }
0x48c: {  	[hbm4b:s2+s20] =	stream.linear.scatter [tilespmem:s14], [sflag:$0x6], $0x8000, $0x38;
	[tilespmem:$0x1C480] =	vst v63  }
.LBB2_78:
0x48d: {  	s2 =	sld [smem:$0x7C1];
	_ =	sdelay $0x1  }
0x48e: {  	s8 =	sld [smem:$0x7D9]  }
0x48f: {  	[hbm4b:s2+s20] =	stream.linear.scatter [tilespmem:s16], [sflag:$0x6], $0x4000, $0x38;
	[tilespmem:$0x1C480] =	vst v63  }
0x490: {  	_ = 	snop  }
0x491: {  	[hbm4b:s8+s20] =	stream.linear.scatter [tilespmem:s16], [sflag:$0x6], $0x4000, $0x38;
	[tilespmem:$0x1C480] =	vst v63  }
.LBB2_79:
0x492: {  	p2 =	slt.s32 s19, $0x1  }
.Ltmp53:
0x493: {  	_ = 	snop;
	(pc) =	sbr.rel @p2 .LBB2_81-.Ltmp53, $4  }
0x494: {  	_ = 	snop  }
0x495: {  	_ =	swait.ge [sflag:s24], $0x8000  }
0x496: {  	[sflag:s24] =	ssyncset.done $0x0  }
0x497: {  	[sflag:s24] =	ssyncadd.s32 $0xFFFF8000  }
0x498: {  	v4 =	vld [tilespmem:$0x240];
	_ =	sdelay $0x4  }
0x499: {  	v5 =	vshll.u32 v4, $0x2  }
0x49a: {  	v4 =	vand.u32 $0x7, v4;
	v5 =	vand.u32 $0xFFFFFFE0, v5  }
0x49b: {  	v4 =	vor.u32 v4, v5  }
0x49c: {  	v5 =	vperm.xlane v4, v1;
	_ =	sdelay $0x1  }
0x49d: {  	v5 =	vadd.s32 v2, v5;
	_ =	sdelay $0x1  }
0x49e: {  	v4 =	vperm.xlane v4, v3;
	_ =	sdelay $0x1  }
0x49f: {  	v4 =	vadd.s32 v2, v4  }
0x4a0: {  	[tilespmem:s25], [sflag:$0x1] =	stream.indirect_vreg.gather [hbm4b:s12+s20], $0x80, v5, vm0, $0xb8;
	[tilespmem:$0x1C480] =	vst v63  }
0x4a1: {  	_ = 	snop  }
0x4a2: {  	[tilespmem:s31], [sflag:$0x1] =	stream.indirect_vreg.gather [hbm4b:s18+s20], $0x80, v5, vm0, $0xb8;
	[tilespmem:$0x1C480] =	vst v63  }
0x4a3: {  	_ = 	snop  }
0x4a4: {  	[tilespmem:s21], [sflag:$0x1] =	stream.indirect_vreg.gather [hbm4b:s12+s20], $0x80, v4, vm0, $0xb8;
	[tilespmem:$0x1C480] =	vst v63  }
0x4a5: {  	_ = 	snop  }
0x4a6: {  	[tilespmem:s22], [sflag:$0x1] =	stream.indirect_vreg.gather [hbm4b:s18+s20], $0x80, v4, vm0, $0xb8;
	[tilespmem:$0x1C480] =	vst v63  }
0x4a7: {  	v4 =	vld [tilespmem:$0x250];
	_ =	sdelay $0x4  }
0x4a8: {  	v5 =	vshll.u32 v4, $0x2  }
0x4a9: {  	v4 =	vand.u32 $0x7, v4;
	v5 =	vand.u32 $0xFFFFFFE0, v5  }
0x4aa: {  	v4 =	vor.u32 v4, v5  }
0x4ab: {  	v5 =	vperm.xlane v4, v1;
	_ =	sdelay $0x1  }
0x4ac: {  	v5 =	vadd.s32 v2, v5;
	_ =	sdelay $0x1  }
0x4ad: {  	v4 =	vperm.xlane v4, v3;
	_ =	sdelay $0x1  }
0x4ae: {  	s2 =	simm.s32 $0x2400;
	v4 =	vadd.s32 v2, v4  }
0x4af: {  	[tilespmem:s2], [sflag:$0x1] =	stream.indirect_vreg.gather [hbm4b:s12+s20], $0x80, v5, vm0, $0xb8;
	[tilespmem:$0x1C480] =	vst v63  }
0x4b0: {  	s5 =	simm.s32 $0x2C00  }
0x4b1: {  	[tilespmem:s5], [sflag:$0x1] =	stream.indirect_vreg.gather [hbm4b:s18+s20], $0x80, v5, vm0, $0xb8;
	[tilespmem:$0x1C480] =	vst v63  }
0x4b2: {  	s6 =	simm.s32 $0x3400  }
0x4b3: {  	[tilespmem:s6], [sflag:$0x1] =	stream.indirect_vreg.gather [hbm4b:s12+s20], $0x80, v4, vm0, $0xb8;
	[tilespmem:$0x1C480] =	vst v63  }
0x4b4: {  	s7 =	simm.s32 $0x3C00  }
0x4b5: {  	[tilespmem:s7], [sflag:$0x1] =	stream.indirect_vreg.gather [hbm4b:s18+s20], $0x80, v4, vm0, $0xb8;
	[tilespmem:$0x1C480] =	vst v63  }
0x4b6: {  	v4 =	vld [tilespmem:$0x260];
	_ =	sdelay $0x4  }
0x4b7: {  	v5 =	vshll.u32 v4, $0x2  }
0x4b8: {  	v4 =	vand.u32 $0x7, v4;
	v5 =	vand.u32 $0xFFFFFFE0, v5  }
0x4b9: {  	v4 =	vor.u32 v4, v5  }
0x4ba: {  	v5 =	vperm.xlane v4, v1;
	_ =	sdelay $0x1  }
0x4bb: {  	v5 =	vadd.s32 v2, v5;
	_ =	sdelay $0x1  }
0x4bc: {  	v4 =	vperm.xlane v4, v3;
	_ =	sdelay $0x1  }
0x4bd: {  	s8 =	simm.s32 $0x4400;
	v4 =	vadd.s32 v2, v4  }
0x4be: {  	[tilespmem:s8], [sflag:$0x1] =	stream.indirect_vreg.gather [hbm4b:s12+s20], $0x80, v5, vm0, $0xb8;
	[tilespmem:$0x1C480] =	vst v63  }
0x4bf: {  	s0 =	simm.s32 $0x4C00  }
0x4c0: {  	[tilespmem:s0], [sflag:$0x1] =	stream.indirect_vreg.gather [hbm4b:s18+s20], $0x80, v5, vm0, $0xb8;
	[tilespmem:$0x1C480] =	vst v63  }
0x4c1: {  	s3 =	simm.s32 $0x5400  }
0x4c2: {  	[tilespmem:s3], [sflag:$0x1] =	stream.indirect_vreg.gather [hbm4b:s12+s20], $0x80, v4, vm0, $0xb8;
	[tilespmem:$0x1C480] =	vst v63  }
0x4c3: {  	s4 =	simm.s32 $0x5C00  }
0x4c4: {  	[tilespmem:s4], [sflag:$0x1] =	stream.indirect_vreg.gather [hbm4b:s18+s20], $0x80, v4, vm0, $0xb8;
	[tilespmem:$0x1C480] =	vst v63  }
0x4c5: {  	v4 =	vld [tilespmem:$0x270];
	_ =	sdelay $0x4  }
0x4c6: {  	v5 =	vshll.u32 v4, $0x2  }
0x4c7: {  	v4 =	vand.u32 $0x7, v4;
	v5 =	vand.u32 $0xFFFFFFE0, v5  }
0x4c8: {  	v4 =	vor.u32 v4, v5  }
0x4c9: {  	v5 =	vperm.xlane v4, v1;
	_ =	sdelay $0x1  }
0x4ca: {  	v5 =	vadd.s32 v2, v5;
	_ =	sdelay $0x1  }
0x4cb: {  	v4 =	vperm.xlane v4, v3;
	_ =	sdelay $0x1  }
0x4cc: {  	s5 =	simm.s32 $0x6400;
	v4 =	vadd.s32 v2, v4  }
0x4cd: {  	[tilespmem:s5], [sflag:$0x1] =	stream.indirect_vreg.gather [hbm4b:s12+s20], $0x80, v5, vm0, $0xb8;
	[tilespmem:$0x1C480] =	vst v63  }
0x4ce: {  	s6 =	simm.s32 $0x6C00  }
0x4cf: {  	[tilespmem:s6], [sflag:$0x1] =	stream.indirect_vreg.gather [hbm4b:s18+s20], $0x80, v5, vm0, $0xb8;
	[tilespmem:$0x1C480] =	vst v63  }
0x4d0: {  	s7 =	simm.s32 $0x7400  }
0x4d1: {  	[tilespmem:s7], [sflag:$0x1] =	stream.indirect_vreg.gather [hbm4b:s12+s20], $0x80, v4, vm0, $0xb8;
	[tilespmem:$0x1C480] =	vst v63  }
0x4d2: {  	s8 =	simm.s32 $0x7C00  }
0x4d3: {  	[tilespmem:s8], [sflag:$0x1] =	stream.indirect_vreg.gather [hbm4b:s18+s20], $0x80, v4, vm0, $0xb8;
	[tilespmem:$0x1C480] =	vst v63  }
.LBB2_81:
.Ltmp54:
0x4d4: {  	(pc) =	sbr.rel @p1 .LBB2_86-.Ltmp54, $1  }
0x4d5: {  	_ =	sdelay $0x3  }
0x4d6: {  	p0 =	sgt.u32 s10, $0x3F  }
.Ltmp55:
0x4d7: {  	_ = 	snop;
	(pc) =	sbr.rel @p0 .LBB2_85-.Ltmp55, $4  }
0x4d8: {  	_ = 	snop  }
0x4d9: {  	_ =	swait.ge [sflag:s26], $0x8000  }
0x4da: {  	[sflag:s26] =	ssyncset.done $0x0  }
0x4db: {  	s10 =	sld [smem:$0x7BE];
	[sflag:s26] =	ssyncadd.s32 $0xFFFF8000  }
0x4dc: {  	s0 =	sld [smem:$0x7B4];
	_ =	sdelay $0x2  }
0x4dd: {  	s4 =	sshll.u32 s0, $0x9  }
0x4de: {  	s2 =	sshll.u32 s0, $0xC;
	s3 =	sshll.u32 s0, $0x7;
	p0 =	sne.s32 s4, $0x7FF0  }
.Ltmp56:
0x4df: {  	s5 =	sand.u32 $0x7000, s4;
	s6 =	sand.u32 $0xC00, s2;
	(pc) =	sbr.rel @!p0 .LBB2_85-.Ltmp56, $4  }
0x4e0: {  	s7 =	sand.u32 $0x380, s3;
	s5 =	sor.u32 s6, s5  }
0x4e1: {  	s8 =	sand.u32 $0x70, s4;
	s5 =	sor.u32 s7, s5  }
0x4e2: {  	s5 =	sor.u32 s8, s5  }
0x4e3: {  	s4 =	sadd.s32 $0x10, s4;
	[tilespmem:s5+$0x10400] =	vst v0  }
.LBB2_84:
0x4e4: {  	s5 =	sand.u32 $0x7000, s4;
	s3 =	sadd.s32 $0x4, s3  }
0x4e5: {  	s2 =	sadd.s32 $0x80, s2;
	s6 =	smov.u32 s4;
	p0 =	sne.s32 s4, $0x7FF0  }
.Ltmp57:
0x4e6: {  	s4 =	sadd.s32 $0x10, s4;
	s7 =	sand.u32 $0xC00, s2;
	(pc) =	sbr.rel @p0 .LBB2_84-.Ltmp57, $4  }
0x4e7: {  	s8 =	sand.u32 $0x380, s3;
	s5 =	sor.u32 s7, s5  }
0x4e8: {  	s6 =	sand.u32 $0x70, s6;
	s5 =	sor.u32 s8, s5  }
0x4e9: {  	s5 =	sor.u32 s6, s5  }
0x4ea: {  	[tilespmem:s5+$0x10400] =	vst v0  }
.LBB2_85:
.Ltmp58:
0x4eb: {  	(pc) =	sbr.rel .LBB2_87-.Ltmp58, $2  }
0x4ec: {  	s2 =	sld [smem:$0x7DB];
	_ =	sdelay $0x2  }
0x4ed: {  	[hbm4b:s2+s20] =	stream.linear.scatter [tilespmem:s23], [sflag:$0x7], $0x8000, $0x38;
	[tilespmem:$0x1C480] =	vst v63  }
.LBB2_86:
0x4ee: {  	s2 =	sld [smem:$0x7DB];
	_ =	sdelay $0x1  }
0x4ef: {  	s10 =	sld [smem:$0x7DA]  }
0x4f0: {  	[hbm4b:s2+s20] =	stream.linear.scatter [tilespmem:s16], [sflag:$0x7], $0x4000, $0x38;
	[tilespmem:$0x1C480] =	vst v63  }
0x4f1: {  	_ = 	snop  }
0x4f2: {  	[hbm4b:s10+s20] =	stream.linear.scatter [tilespmem:s16], [sflag:$0x7], $0x4000, $0x38;
	[tilespmem:$0x1C480] =	vst v63  }
0x4f3: {  	s10 =	sld [smem:$0x7BE]  }
.LBB2_87:
0x4f4: {  	p0 =	slt.s32 s17, $0x1  }
.Ltmp59:
0x4f5: {  	_ = 	snop;
	(pc) =	sbr.rel @p0 .LBB2_89-.Ltmp59, $4  }
0x4f6: {  	_ = 	snop  }
0x4f7: {  	_ =	swait.ge [sflag:s29], $0x8000  }
0x4f8: {  	[sflag:s29] =	ssyncset.done $0x0  }
0x4f9: {  	[sflag:s29] =	ssyncadd.s32 $0xFFFF8000  }
0x4fa: {  	v4 =	vld [tilespmem:$0x280];
	_ =	sdelay $0x4  }
0x4fb: {  	v5 =	vshll.u32 v4, $0x2  }
0x4fc: {  	v4 =	vand.u32 $0x7, v4;
	v5 =	vand.u32 $0xFFFFFFE0, v5  }
0x4fd: {  	v4 =	vor.u32 v4, v5  }
0x4fe: {  	v5 =	vperm.xlane v4, v1;
	_ =	sdelay $0x1  }
0x4ff: {  	v5 =	vadd.s32 v2, v5;
	_ =	sdelay $0x1  }
0x500: {  	v4 =	vperm.xlane v4, v3;
	_ =	sdelay $0x1  }
0x501: {  	v4 =	vadd.s32 v2, v4  }
0x502: {  	[tilespmem:s14], [sflag:$0x2] =	stream.indirect_vreg.gather [hbm4b:s12+s20], $0x80, v5, vm0, $0xb8;
	[tilespmem:$0x1C480] =	vst v63  }
0x503: {  	s2 =	simm.s32 $0x8C00  }
0x504: {  	[tilespmem:s2], [sflag:$0x2] =	stream.indirect_vreg.gather [hbm4b:s18+s20], $0x80, v5, vm0, $0xb8;
	[tilespmem:$0x1C480] =	vst v63  }
0x505: {  	s0 =	simm.s32 $0x9400  }
0x506: {  	[tilespmem:s0], [sflag:$0x2] =	stream.indirect_vreg.gather [hbm4b:s12+s20], $0x80, v4, vm0, $0xb8;
	[tilespmem:$0x1C480] =	vst v63  }
0x507: {  	s3 =	simm.s32 $0x9C00  }
0x508: {  	[tilespmem:s3], [sflag:$0x2] =	stream.indirect_vreg.gather [hbm4b:s18+s20], $0x80, v4, vm0, $0xb8;
	[tilespmem:$0x1C480] =	vst v63  }
0x509: {  	v4 =	vld [tilespmem:$0x290];
	_ =	sdelay $0x4  }
0x50a: {  	v5 =	vshll.u32 v4, $0x2  }
0x50b: {  	v4 =	vand.u32 $0x7, v4;
	v5 =	vand.u32 $0xFFFFFFE0, v5  }
0x50c: {  	v4 =	vor.u32 v4, v5  }
0x50d: {  	v5 =	vperm.xlane v4, v1;
	_ =	sdelay $0x1  }
0x50e: {  	v5 =	vadd.s32 v2, v5;
	_ =	sdelay $0x1  }
0x50f: {  	v4 =	vperm.xlane v4, v3;
	_ =	sdelay $0x1  }
0x510: {  	s4 =	simm.s32 $0xA400;
	v4 =	vadd.s32 v2, v4  }
0x511: {  	[tilespmem:s4], [sflag:$0x2] =	stream.indirect_vreg.gather [hbm4b:s12+s20], $0x80, v5, vm0, $0xb8;
	[tilespmem:$0x1C480] =	vst v63  }
0x512: {  	s5 =	simm.s32 $0xAC00  }
0x513: {  	[tilespmem:s5], [sflag:$0x2] =	stream.indirect_vreg.gather [hbm4b:s18+s20], $0x80, v5, vm0, $0xb8;
	[tilespmem:$0x1C480] =	vst v63  }
0x514: {  	s6 =	simm.s32 $0xB400  }
0x515: {  	[tilespmem:s6], [sflag:$0x2] =	stream.indirect_vreg.gather [hbm4b:s12+s20], $0x80, v4, vm0, $0xb8;
	[tilespmem:$0x1C480] =	vst v63  }
0x516: {  	s7 =	simm.s32 $0xBC00  }
0x517: {  	[tilespmem:s7], [sflag:$0x2] =	stream.indirect_vreg.gather [hbm4b:s18+s20], $0x80, v4, vm0, $0xb8;
	[tilespmem:$0x1C480] =	vst v63  }
0x518: {  	v4 =	vld [tilespmem:$0x2A0];
	_ =	sdelay $0x4  }
0x519: {  	v5 =	vshll.u32 v4, $0x2  }
0x51a: {  	v4 =	vand.u32 $0x7, v4;
	v5 =	vand.u32 $0xFFFFFFE0, v5  }
0x51b: {  	v4 =	vor.u32 v4, v5  }
0x51c: {  	v5 =	vperm.xlane v4, v1;
	_ =	sdelay $0x1  }
0x51d: {  	v5 =	vadd.s32 v2, v5;
	_ =	sdelay $0x1  }
0x51e: {  	v4 =	vperm.xlane v4, v3;
	_ =	sdelay $0x1  }
0x51f: {  	s8 =	simm.s32 $0xC400;
	v4 =	vadd.s32 v2, v4  }
0x520: {  	[tilespmem:s8], [sflag:$0x2] =	stream.indirect_vreg.gather [hbm4b:s12+s20], $0x80, v5, vm0, $0xb8;
	[tilespmem:$0x1C480] =	vst v63  }
0x521: {  	s0 =	simm.s32 $0xCC00  }
0x522: {  	[tilespmem:s0], [sflag:$0x2] =	stream.indirect_vreg.gather [hbm4b:s18+s20], $0x80, v5, vm0, $0xb8;
	[tilespmem:$0x1C480] =	vst v63  }
0x523: {  	s3 =	simm.s32 $0xD400  }
0x524: {  	[tilespmem:s3], [sflag:$0x2] =	stream.indirect_vreg.gather [hbm4b:s12+s20], $0x80, v4, vm0, $0xb8;
	[tilespmem:$0x1C480] =	vst v63  }
0x525: {  	s4 =	simm.s32 $0xDC00  }
0x526: {  	[tilespmem:s4], [sflag:$0x2] =	stream.indirect_vreg.gather [hbm4b:s18+s20], $0x80, v4, vm0, $0xb8;
	[tilespmem:$0x1C480] =	vst v63  }
0x527: {  	v4 =	vld [tilespmem:$0x2B0];
	_ =	sdelay $0x4  }
0x528: {  	v5 =	vshll.u32 v4, $0x2  }
0x529: {  	v4 =	vand.u32 $0x7, v4;
	v5 =	vand.u32 $0xFFFFFFE0, v5  }
0x52a: {  	v4 =	vor.u32 v4, v5  }
0x52b: {  	v5 =	vperm.xlane v4, v1;
	_ =	sdelay $0x1  }
0x52c: {  	v5 =	vadd.s32 v2, v5;
	_ =	sdelay $0x1  }
0x52d: {  	v4 =	vperm.xlane v4, v3;
	_ =	sdelay $0x1  }
0x52e: {  	s5 =	simm.s32 $0xE400;
	v4 =	vadd.s32 v2, v4  }
0x52f: {  	[tilespmem:s5], [sflag:$0x2] =	stream.indirect_vreg.gather [hbm4b:s12+s20], $0x80, v5, vm0, $0xb8;
	[tilespmem:$0x1C480] =	vst v63  }
0x530: {  	s6 =	simm.s32 $0xEC00  }
0x531: {  	[tilespmem:s6], [sflag:$0x2] =	stream.indirect_vreg.gather [hbm4b:s18+s20], $0x80, v5, vm0, $0xb8;
	[tilespmem:$0x1C480] =	vst v63  }
0x532: {  	s7 =	simm.s32 $0xF400  }
0x533: {  	[tilespmem:s7], [sflag:$0x2] =	stream.indirect_vreg.gather [hbm4b:s12+s20], $0x80, v4, vm0, $0xb8;
	[tilespmem:$0x1C480] =	vst v63  }
0x534: {  	s8 =	simm.s32 $0xFC00  }
0x535: {  	[tilespmem:s8], [sflag:$0x2] =	stream.indirect_vreg.gather [hbm4b:s18+s20], $0x80, v4, vm0, $0xb8;
	[tilespmem:$0x1C480] =	vst v63  }
.LBB2_89:
.Ltmp60:
0x536: {  	(pc) =	sbr.rel @p2 .LBB2_95-.Ltmp60, $1  }
0x537: {  	_ =	sdelay $0x3  }
0x538: {  	p1 =	sgt.u32 s19, $0x3F  }
.Ltmp61:
0x539: {  	_ = 	snop;
	(pc) =	sbr.rel @p1 .LBB2_94-.Ltmp61, $4  }
0x53a: {  	s0 =	simm.s32 $0x1  }
0x53b: {  	_ =	swait.ge [sflag:s0], $0x8000  }
0x53c: {  	[sflag:s0] =	ssyncset.done $0x0  }
0x53d: {  	[sflag:s0] =	ssyncadd.s32 $0xFFFF8000  }
0x53e: {  	s2 =	sld [smem:$0x7F6]  }
0x53f: {  	s0 =	sld [smem:$0x7C0];
	_ =	sdelay $0x2  }
0x540: {  	s2 =	sadd.s32 s0, s2  }
0x541: {  	p1 =	sgt.s32 s2, $0x0  }
0x542: {  	s2 =	simm.s32 @!p1 $0x0  }
0x543: {  	s3 =	smin.u32 s2, $0x40  }
0x544: {  	s2 =	sshll.u32 s3, $0x5  }
0x545: {  	s4 =	sadd.s32 $0xFFFFFFFF, s2  }
0x546: {  	s4 =	sadd.s32 $0x1, s4  }
0x547: {  	p1 =	slt.u32 s4, $0x7FF  }
.Ltmp62:
0x548: {  	s5 =	sshll.u32 s3, $0x9;
	s2 =	sshll.u32 s3, $0xC;
	(pc) =	sbr.rel @!p1 .LBB2_93-.Ltmp62, $4  }
0x549: {  	s3 =	sshll.u32 s3, $0x7;
	s6 =	sand.u32 $0x7000, s5;
	s7 =	sand.u32 $0xC00, s2  }
0x54a: {  	s8 =	sand.u32 $0x380, s3;
	s6 =	sor.u32 s7, s6  }
0x54b: {  	s19 =	sand.u32 $0x70, s5;
	s6 =	sor.u32 s8, s6  }
0x54c: {  	s5 =	sadd.s32 $0x10, s5;
	s6 =	sor.u32 s19, s6  }
.LBB2_92:
0x54d: {  	s4 =	sadd.s32 $0x1, s4  }
0x54e: {  	[tilespmem:s6+$0x400] =	vst v0;
	s3 =	sadd.s32 $0x4, s3;
	s2 =	sadd.s32 $0x80, s2;
	p1 =	slt.u32 s4, $0x7FF  }
.Ltmp63:
0x54f: {  	(pc) =	sbr.rel @p1 .LBB2_92-.Ltmp63, $4  }
0x550: {  	s6 =	sand.u32 $0x7000, s5;
	s7 =	sand.u32 $0xC00, s2  }
0x551: {  	s8 =	sand.u32 $0x380, s3;
	s6 =	sor.u32 s7, s6  }
0x552: {  	s7 =	sand.u32 $0x70, s5;
	s6 =	sor.u32 s8, s6  }
0x553: {  	s5 =	sadd.s32 $0x10, s5;
	s6 =	sor.u32 s7, s6  }
.LBB2_93:
0x554: {  	[tilespmem:s6+$0x400] =	vst v0  }
.LBB2_94:
.Ltmp64:
0x555: {  	(pc) =	sbr.rel .LBB2_96-.Ltmp64, $2  }
0x556: {  	s2 =	sld [smem:$0x7C2];
	_ =	sdelay $0x2  }
0x557: {  	[hbm4b:s2+s20] =	stream.linear.scatter [tilespmem:s25], [sflag:$0x5], $0x8000, $0x38;
	[tilespmem:$0x1C480] =	vst v63  }
.LBB2_95:
0x558: {  	s2 =	sld [smem:$0x7C2];
	_ =	sdelay $0x1  }
0x559: {  	s19 =	sld [smem:$0x7DC]  }
0x55a: {  	[hbm4b:s2+s20] =	stream.linear.scatter [tilespmem:s16], [sflag:$0x5], $0x4000, $0x38;
	[tilespmem:$0x1C480] =	vst v63  }
0x55b: {  	_ = 	snop  }
0x55c: {  	[hbm4b:s19+s20] =	stream.linear.scatter [tilespmem:s16], [sflag:$0x5], $0x4000, $0x38;
	[tilespmem:$0x1C480] =	vst v63  }
.LBB2_96:
0x55d: {  	p1 =	slt.s32 s15, $0x1  }
.Ltmp65:
0x55e: {  	_ = 	snop;
	(pc) =	sbr.rel @p1 .LBB2_98-.Ltmp65, $4  }
0x55f: {  	_ = 	snop  }
0x560: {  	_ =	swait.ge [sflag:s30], $0x8000  }
0x561: {  	[sflag:s30] =	ssyncset.done $0x0  }
0x562: {  	[sflag:s30] =	ssyncadd.s32 $0xFFFF8000  }
0x563: {  	v4 =	vld [tilespmem:$0x2C0];
	_ =	sdelay $0x4  }
0x564: {  	v5 =	vshll.u32 v4, $0x2  }
0x565: {  	v4 =	vand.u32 $0x7, v4;
	v5 =	vand.u32 $0xFFFFFFE0, v5  }
0x566: {  	v4 =	vor.u32 v4, v5  }
0x567: {  	v5 =	vperm.xlane v4, v1;
	_ =	sdelay $0x1  }
0x568: {  	v5 =	vadd.s32 v2, v5;
	_ =	sdelay $0x1  }
0x569: {  	v4 =	vperm.xlane v4, v3;
	_ =	sdelay $0x1  }
0x56a: {  	v4 =	vadd.s32 v2, v4  }
0x56b: {  	[tilespmem:s23], [sflag:$0x3] =	stream.indirect_vreg.gather [hbm4b:s12+s20], $0x80, v5, vm0, $0xb8;
	[tilespmem:$0x1C480] =	vst v63  }
0x56c: {  	s2 =	simm.s32 $0x10C00  }
0x56d: {  	[tilespmem:s2], [sflag:$0x3] =	stream.indirect_vreg.gather [hbm4b:s18+s20], $0x80, v5, vm0, $0xb8;
	[tilespmem:$0x1C480] =	vst v63  }
0x56e: {  	s4 =	simm.s32 $0x11400  }
0x56f: {  	[tilespmem:s4], [sflag:$0x3] =	stream.indirect_vreg.gather [hbm4b:s12+s20], $0x80, v4, vm0, $0xb8;
	[tilespmem:$0x1C480] =	vst v63  }
0x570: {  	s5 =	simm.s32 $0x11C00  }
0x571: {  	[tilespmem:s5], [sflag:$0x3] =	stream.indirect_vreg.gather [hbm4b:s18+s20], $0x80, v4, vm0, $0xb8;
	[tilespmem:$0x1C480] =	vst v63  }
0x572: {  	v4 =	vld [tilespmem:$0x2D0];
	_ =	sdelay $0x4  }
0x573: {  	v5 =	vshll.u32 v4, $0x2  }
0x574: {  	v4 =	vand.u32 $0x7, v4;
	v5 =	vand.u32 $0xFFFFFFE0, v5  }
0x575: {  	v4 =	vor.u32 v4, v5  }
0x576: {  	v5 =	vperm.xlane v4, v1;
	_ =	sdelay $0x1  }
0x577: {  	v5 =	vadd.s32 v2, v5;
	_ =	sdelay $0x1  }
0x578: {  	v4 =	vperm.xlane v4, v3;
	_ =	sdelay $0x1  }
0x579: {  	s6 =	simm.s32 $0x12400;
	v4 =	vadd.s32 v2, v4  }
0x57a: {  	[tilespmem:s6], [sflag:$0x3] =	stream.indirect_vreg.gather [hbm4b:s12+s20], $0x80, v5, vm0, $0xb8;
	[tilespmem:$0x1C480] =	vst v63  }
0x57b: {  	s7 =	simm.s32 $0x12C00  }
0x57c: {  	[tilespmem:s7], [sflag:$0x3] =	stream.indirect_vreg.gather [hbm4b:s18+s20], $0x80, v5, vm0, $0xb8;
	[tilespmem:$0x1C480] =	vst v63  }
0x57d: {  	s8 =	simm.s32 $0x13400  }
0x57e: {  	[tilespmem:s8], [sflag:$0x3] =	stream.indirect_vreg.gather [hbm4b:s12+s20], $0x80, v4, vm0, $0xb8;
	[tilespmem:$0x1C480] =	vst v63  }
0x57f: {  	s19 =	simm.s32 $0x13C00  }
0x580: {  	[tilespmem:s19], [sflag:$0x3] =	stream.indirect_vreg.gather [hbm4b:s18+s20], $0x80, v4, vm0, $0xb8;
	[tilespmem:$0x1C480] =	vst v63  }
0x581: {  	v4 =	vld [tilespmem:$0x2E0];
	_ =	sdelay $0x4  }
0x582: {  	v5 =	vshll.u32 v4, $0x2  }
0x583: {  	v4 =	vand.u32 $0x7, v4;
	v5 =	vand.u32 $0xFFFFFFE0, v5  }
0x584: {  	v4 =	vor.u32 v4, v5  }
0x585: {  	v5 =	vperm.xlane v4, v1;
	_ =	sdelay $0x1  }
0x586: {  	v5 =	vadd.s32 v2, v5;
	_ =	sdelay $0x1  }
0x587: {  	v4 =	vperm.xlane v4, v3;
	_ =	sdelay $0x1  }
0x588: {  	s0 =	simm.s32 $0x14400;
	v4 =	vadd.s32 v2, v4  }
0x589: {  	[tilespmem:s0], [sflag:$0x3] =	stream.indirect_vreg.gather [hbm4b:s12+s20], $0x80, v5, vm0, $0xb8;
	[tilespmem:$0x1C480] =	vst v63  }
0x58a: {  	s3 =	simm.s32 $0x14C00  }
0x58b: {  	[tilespmem:s3], [sflag:$0x3] =	stream.indirect_vreg.gather [hbm4b:s18+s20], $0x80, v5, vm0, $0xb8;
	[tilespmem:$0x1C480] =	vst v63  }
0x58c: {  	s4 =	simm.s32 $0x15400  }
0x58d: {  	[tilespmem:s4], [sflag:$0x3] =	stream.indirect_vreg.gather [hbm4b:s12+s20], $0x80, v4, vm0, $0xb8;
	[tilespmem:$0x1C480] =	vst v63  }
0x58e: {  	s5 =	simm.s32 $0x15C00  }
0x58f: {  	[tilespmem:s5], [sflag:$0x3] =	stream.indirect_vreg.gather [hbm4b:s18+s20], $0x80, v4, vm0, $0xb8;
	[tilespmem:$0x1C480] =	vst v63  }
0x590: {  	v4 =	vld [tilespmem:$0x2F0];
	_ =	sdelay $0x4  }
0x591: {  	v5 =	vshll.u32 v4, $0x2  }
0x592: {  	v4 =	vand.u32 $0x7, v4;
	v5 =	vand.u32 $0xFFFFFFE0, v5  }
0x593: {  	v4 =	vor.u32 v4, v5  }
0x594: {  	v5 =	vperm.xlane v4, v1;
	_ =	sdelay $0x1  }
0x595: {  	v5 =	vadd.s32 v2, v5;
	_ =	sdelay $0x1  }
0x596: {  	v4 =	vperm.xlane v4, v3;
	_ =	sdelay $0x1  }
0x597: {  	s6 =	simm.s32 $0x16400;
	v4 =	vadd.s32 v2, v4  }
0x598: {  	[tilespmem:s6], [sflag:$0x3] =	stream.indirect_vreg.gather [hbm4b:s12+s20], $0x80, v5, vm0, $0xb8;
	[tilespmem:$0x1C480] =	vst v63  }
0x599: {  	s7 =	simm.s32 $0x16C00  }
0x59a: {  	[tilespmem:s7], [sflag:$0x3] =	stream.indirect_vreg.gather [hbm4b:s18+s20], $0x80, v5, vm0, $0xb8;
	[tilespmem:$0x1C480] =	vst v63  }
0x59b: {  	s8 =	simm.s32 $0x17400  }
0x59c: {  	[tilespmem:s8], [sflag:$0x3] =	stream.indirect_vreg.gather [hbm4b:s12+s20], $0x80, v4, vm0, $0xb8;
	[tilespmem:$0x1C480] =	vst v63  }
0x59d: {  	s19 =	simm.s32 $0x17C00  }
0x59e: {  	[tilespmem:s19], [sflag:$0x3] =	stream.indirect_vreg.gather [hbm4b:s18+s20], $0x80, v4, vm0, $0xb8;
	[tilespmem:$0x1C480] =	vst v63  }
.LBB2_98:
.Ltmp66:
0x59f: {  	(pc) =	sbr.rel @p0 .LBB2_104-.Ltmp66, $1  }
0x5a0: {  	_ =	sdelay $0x3  }
0x5a1: {  	p0 =	sgt.u32 s17, $0x3F  }
.Ltmp67:
0x5a2: {  	_ = 	snop;
	(pc) =	sbr.rel @p0 .LBB2_103-.Ltmp67, $4  }
0x5a3: {  	s2 =	simm.s32 $0x2  }
0x5a4: {  	_ =	swait.ge [sflag:s2], $0x8000  }
0x5a5: {  	[sflag:s2] =	ssyncset.done $0x0  }
0x5a6: {  	[sflag:s2] =	ssyncadd.s32 $0xFFFF8000  }
0x5a7: {  	s2 =	sld [smem:$0x7F7];
	_ =	sdelay $0x2  }
0x5a8: {  	s2 =	sadd.s32 s28, s2  }
0x5a9: {  	p0 =	sgt.s32 s2, $0x0  }
0x5aa: {  	s2 =	simm.s32 @!p0 $0x0  }
0x5ab: {  	s3 =	smin.u32 s2, $0x40  }
0x5ac: {  	s2 =	sshll.u32 s3, $0x5  }
0x5ad: {  	s4 =	sadd.s32 $0xFFFFFFFF, s2  }
0x5ae: {  	s4 =	sadd.s32 $0x1, s4  }
0x5af: {  	p0 =	slt.u32 s4, $0x7FF  }
.Ltmp68:
0x5b0: {  	s5 =	sshll.u32 s3, $0x9;
	s2 =	sshll.u32 s3, $0xC;
	(pc) =	sbr.rel @!p0 .LBB2_102-.Ltmp68, $4  }
0x5b1: {  	s3 =	sshll.u32 s3, $0x7;
	s6 =	sand.u32 $0x7000, s5;
	s7 =	sand.u32 $0xC00, s2  }
0x5b2: {  	s8 =	sand.u32 $0x380, s3;
	s6 =	sor.u32 s7, s6  }
0x5b3: {  	s28 =	sand.u32 $0x70, s5;
	s6 =	sor.u32 s8, s6  }
0x5b4: {  	s5 =	sadd.s32 $0x10, s5;
	s6 =	sor.u32 s28, s6  }
.LBB2_101:
0x5b5: {  	s4 =	sadd.s32 $0x1, s4  }
0x5b6: {  	[tilespmem:s6+$0x8400] =	vst v0;
	s3 =	sadd.s32 $0x4, s3;
	s2 =	sadd.s32 $0x80, s2;
	p0 =	slt.u32 s4, $0x7FF  }
.Ltmp69:
0x5b7: {  	(pc) =	sbr.rel @p0 .LBB2_101-.Ltmp69, $4  }
0x5b8: {  	s6 =	sand.u32 $0x7000, s5;
	s7 =	sand.u32 $0xC00, s2  }
0x5b9: {  	s8 =	sand.u32 $0x380, s3;
	s6 =	sor.u32 s7, s6  }
0x5ba: {  	s7 =	sand.u32 $0x70, s5;
	s6 =	sor.u32 s8, s6  }
0x5bb: {  	s5 =	sadd.s32 $0x10, s5;
	s6 =	sor.u32 s7, s6  }
.LBB2_102:
0x5bc: {  	[tilespmem:s6+$0x8400] =	vst v0  }
.LBB2_103:
.Ltmp70:
0x5bd: {  	(pc) =	sbr.rel .LBB2_105-.Ltmp70, $2  }
0x5be: {  	s2 =	sld [smem:$0x7DD];
	_ =	sdelay $0x2  }
0x5bf: {  	[hbm4b:s2+s20] =	stream.linear.scatter [tilespmem:s14], [sflag:$0x6], $0x8000, $0x38;
	[tilespmem:$0x1C480] =	vst v63  }
.LBB2_104:
0x5c0: {  	s2 =	sld [smem:$0x7DD];
	_ =	sdelay $0x1  }
0x5c1: {  	s28 =	sld [smem:$0x7E0]  }
0x5c2: {  	[hbm4b:s2+s20] =	stream.linear.scatter [tilespmem:s16], [sflag:$0x6], $0x4000, $0x38;
	[tilespmem:$0x1C480] =	vst v63  }
0x5c3: {  	_ = 	snop  }
0x5c4: {  	[hbm4b:s28+s20] =	stream.linear.scatter [tilespmem:s16], [sflag:$0x6], $0x4000, $0x38;
	[tilespmem:$0x1C480] =	vst v63  }
.LBB2_105:
0x5c5: {  	p0 =	slt.s32 s13, $0x1  }
.Ltmp71:
0x5c6: {  	_ = 	snop;
	(pc) =	sbr.rel @p0 .LBB2_107-.Ltmp71, $4  }
0x5c7: {  	_ = 	snop  }
0x5c8: {  	_ =	swait.ge [sflag:s24], $0x8000  }
0x5c9: {  	[sflag:s24] =	ssyncset.done $0x0  }
0x5ca: {  	[sflag:s24] =	ssyncadd.s32 $0xFFFF8000  }
0x5cb: {  	v4 =	vld [tilespmem:$0x300];
	_ =	sdelay $0x4  }
0x5cc: {  	v5 =	vshll.u32 v4, $0x2  }
0x5cd: {  	v4 =	vand.u32 $0x7, v4;
	v5 =	vand.u32 $0xFFFFFFE0, v5  }
0x5ce: {  	v4 =	vor.u32 v4, v5  }
0x5cf: {  	v5 =	vperm.xlane v4, v1;
	_ =	sdelay $0x1  }
0x5d0: {  	v5 =	vadd.s32 v2, v5;
	_ =	sdelay $0x1  }
0x5d1: {  	v4 =	vperm.xlane v4, v3;
	_ =	sdelay $0x1  }
0x5d2: {  	v4 =	vadd.s32 v2, v4  }
0x5d3: {  	[tilespmem:s25], [sflag:$0x1] =	stream.indirect_vreg.gather [hbm4b:s12+s20], $0x80, v5, vm0, $0xb8;
	[tilespmem:$0x1C480] =	vst v63  }
0x5d4: {  	_ = 	snop  }
0x5d5: {  	[tilespmem:s31], [sflag:$0x1] =	stream.indirect_vreg.gather [hbm4b:s18+s20], $0x80, v5, vm0, $0xb8;
	[tilespmem:$0x1C480] =	vst v63  }
0x5d6: {  	_ = 	snop  }
0x5d7: {  	[tilespmem:s21], [sflag:$0x1] =	stream.indirect_vreg.gather [hbm4b:s12+s20], $0x80, v4, vm0, $0xb8;
	[tilespmem:$0x1C480] =	vst v63  }
0x5d8: {  	_ = 	snop  }
0x5d9: {  	[tilespmem:s22], [sflag:$0x1] =	stream.indirect_vreg.gather [hbm4b:s18+s20], $0x80, v4, vm0, $0xb8;
	[tilespmem:$0x1C480] =	vst v63  }
0x5da: {  	v4 =	vld [tilespmem:$0x310];
	_ =	sdelay $0x4  }
0x5db: {  	v5 =	vshll.u32 v4, $0x2  }
0x5dc: {  	v4 =	vand.u32 $0x7, v4;
	v5 =	vand.u32 $0xFFFFFFE0, v5  }
0x5dd: {  	v4 =	vor.u32 v4, v5  }
0x5de: {  	v5 =	vperm.xlane v4, v1;
	_ =	sdelay $0x1  }
0x5df: {  	v5 =	vadd.s32 v2, v5;
	_ =	sdelay $0x1  }
0x5e0: {  	v4 =	vperm.xlane v4, v3;
	_ =	sdelay $0x1  }
0x5e1: {  	s2 =	simm.s32 $0x2400;
	v4 =	vadd.s32 v2, v4  }
0x5e2: {  	[tilespmem:s2], [sflag:$0x1] =	stream.indirect_vreg.gather [hbm4b:s12+s20], $0x80, v5, vm0, $0xb8;
	[tilespmem:$0x1C480] =	vst v63  }
0x5e3: {  	s28 =	simm.s32 $0x2C00  }
0x5e4: {  	[tilespmem:s28], [sflag:$0x1] =	stream.indirect_vreg.gather [hbm4b:s18+s20], $0x80, v5, vm0, $0xb8;
	[tilespmem:$0x1C480] =	vst v63  }
0x5e5: {  	s0 =	simm.s32 $0x3400  }
0x5e6: {  	[tilespmem:s0], [sflag:$0x1] =	stream.indirect_vreg.gather [hbm4b:s12+s20], $0x80, v4, vm0, $0xb8;
	[tilespmem:$0x1C480] =	vst v63  }
0x5e7: {  	s3 =	simm.s32 $0x3C00  }
0x5e8: {  	[tilespmem:s3], [sflag:$0x1] =	stream.indirect_vreg.gather [hbm4b:s18+s20], $0x80, v4, vm0, $0xb8;
	[tilespmem:$0x1C480] =	vst v63  }
0x5e9: {  	v4 =	vld [tilespmem:$0x320];
	_ =	sdelay $0x4  }
0x5ea: {  	v5 =	vshll.u32 v4, $0x2  }
0x5eb: {  	v4 =	vand.u32 $0x7, v4;
	v5 =	vand.u32 $0xFFFFFFE0, v5  }
0x5ec: {  	v4 =	vor.u32 v4, v5  }
0x5ed: {  	v5 =	vperm.xlane v4, v1;
	_ =	sdelay $0x1  }
0x5ee: {  	v5 =	vadd.s32 v2, v5;
	_ =	sdelay $0x1  }
0x5ef: {  	v4 =	vperm.xlane v4, v3;
	_ =	sdelay $0x1  }
0x5f0: {  	s4 =	simm.s32 $0x4400;
	v4 =	vadd.s32 v2, v4  }
0x5f1: {  	[tilespmem:s4], [sflag:$0x1] =	stream.indirect_vreg.gather [hbm4b:s12+s20], $0x80, v5, vm0, $0xb8;
	[tilespmem:$0x1C480] =	vst v63  }
0x5f2: {  	s5 =	simm.s32 $0x4C00  }
0x5f3: {  	[tilespmem:s5], [sflag:$0x1] =	stream.indirect_vreg.gather [hbm4b:s18+s20], $0x80, v5, vm0, $0xb8;
	[tilespmem:$0x1C480] =	vst v63  }
0x5f4: {  	s6 =	simm.s32 $0x5400  }
0x5f5: {  	[tilespmem:s6], [sflag:$0x1] =	stream.indirect_vreg.gather [hbm4b:s12+s20], $0x80, v4, vm0, $0xb8;
	[tilespmem:$0x1C480] =	vst v63  }
0x5f6: {  	s7 =	simm.s32 $0x5C00  }
0x5f7: {  	[tilespmem:s7], [sflag:$0x1] =	stream.indirect_vreg.gather [hbm4b:s18+s20], $0x80, v4, vm0, $0xb8;
	[tilespmem:$0x1C480] =	vst v63  }
0x5f8: {  	v4 =	vld [tilespmem:$0x330];
	_ =	sdelay $0x4  }
0x5f9: {  	v5 =	vshll.u32 v4, $0x2  }
0x5fa: {  	v4 =	vand.u32 $0x7, v4;
	v5 =	vand.u32 $0xFFFFFFE0, v5  }
0x5fb: {  	v4 =	vor.u32 v4, v5  }
0x5fc: {  	v5 =	vperm.xlane v4, v1;
	_ =	sdelay $0x1  }
0x5fd: {  	v5 =	vadd.s32 v2, v5;
	_ =	sdelay $0x1  }
0x5fe: {  	v4 =	vperm.xlane v4, v3;
	_ =	sdelay $0x1  }
0x5ff: {  	s8 =	simm.s32 $0x6400;
	v4 =	vadd.s32 v2, v4  }
0x600: {  	[tilespmem:s8], [sflag:$0x1] =	stream.indirect_vreg.gather [hbm4b:s12+s20], $0x80, v5, vm0, $0xb8;
	[tilespmem:$0x1C480] =	vst v63  }
0x601: {  	s17 =	simm.s32 $0x6C00  }
0x602: {  	[tilespmem:s17], [sflag:$0x1] =	stream.indirect_vreg.gather [hbm4b:s18+s20], $0x80, v5, vm0, $0xb8;
	[tilespmem:$0x1C480] =	vst v63  }
0x603: {  	s19 =	simm.s32 $0x7400  }
0x604: {  	[tilespmem:s19], [sflag:$0x1] =	stream.indirect_vreg.gather [hbm4b:s12+s20], $0x80, v4, vm0, $0xb8;
	[tilespmem:$0x1C480] =	vst v63  }
0x605: {  	s28 =	simm.s32 $0x7C00  }
0x606: {  	[tilespmem:s28], [sflag:$0x1] =	stream.indirect_vreg.gather [hbm4b:s18+s20], $0x80, v4, vm0, $0xb8;
	[tilespmem:$0x1C480] =	vst v63  }
.LBB2_107:
.Ltmp72:
0x607: {  	(pc) =	sbr.rel @p1 .LBB2_113-.Ltmp72, $1  }
0x608: {  	_ =	sdelay $0x3  }
0x609: {  	p1 =	sgt.u32 s15, $0x3F  }
.Ltmp73:
0x60a: {  	_ = 	snop;
	(pc) =	sbr.rel @p1 .LBB2_112-.Ltmp73, $4  }
0x60b: {  	_ = 	snop  }
0x60c: {  	_ =	swait.ge [sflag:s26], $0x8000  }
0x60d: {  	[sflag:s26] =	ssyncset.done $0x0  }
0x60e: {  	[sflag:s26] =	ssyncadd.s32 $0xFFFF8000  }
0x60f: {  	s2 =	sld [smem:$0x7F9]  }
0x610: {  	s0 =	sld [smem:$0x7B8];
	_ =	sdelay $0x2  }
0x611: {  	s2 =	sadd.s32 s0, s2  }
0x612: {  	p1 =	sgt.s32 s2, $0x0  }
0x613: {  	s2 =	simm.s32 @!p1 $0x0  }
0x614: {  	s3 =	smin.u32 s2, $0x40  }
0x615: {  	s2 =	sshll.u32 s3, $0x5  }
0x616: {  	s4 =	sadd.s32 $0xFFFFFFFF, s2  }
0x617: {  	s4 =	sadd.s32 $0x1, s4  }
0x618: {  	p1 =	slt.u32 s4, $0x7FF  }
.Ltmp74:
0x619: {  	s5 =	sshll.u32 s3, $0x9;
	s2 =	sshll.u32 s3, $0xC;
	(pc) =	sbr.rel @!p1 .LBB2_111-.Ltmp74, $4  }
0x61a: {  	s3 =	sshll.u32 s3, $0x7;
	s6 =	sand.u32 $0x7000, s5;
	s7 =	sand.u32 $0xC00, s2  }
0x61b: {  	s8 =	sand.u32 $0x380, s3;
	s6 =	sor.u32 s7, s6  }
0x61c: {  	s28 =	sand.u32 $0x70, s5;
	s6 =	sor.u32 s8, s6  }
0x61d: {  	s5 =	sadd.s32 $0x10, s5;
	s6 =	sor.u32 s28, s6  }
.LBB2_110:
0x61e: {  	s4 =	sadd.s32 $0x1, s4  }
0x61f: {  	[tilespmem:s6+$0x10400] =	vst v0;
	s3 =	sadd.s32 $0x4, s3;
	s2 =	sadd.s32 $0x80, s2;
	p1 =	slt.u32 s4, $0x7FF  }
.Ltmp75:
0x620: {  	(pc) =	sbr.rel @p1 .LBB2_110-.Ltmp75, $4  }
0x621: {  	s6 =	sand.u32 $0x7000, s5;
	s7 =	sand.u32 $0xC00, s2  }
0x622: {  	s8 =	sand.u32 $0x380, s3;
	s6 =	sor.u32 s7, s6  }
0x623: {  	s7 =	sand.u32 $0x70, s5;
	s6 =	sor.u32 s8, s6  }
0x624: {  	s5 =	sadd.s32 $0x10, s5;
	s6 =	sor.u32 s7, s6  }
.LBB2_111:
0x625: {  	[tilespmem:s6+$0x10400] =	vst v0  }
.LBB2_112:
.Ltmp76:
0x626: {  	(pc) =	sbr.rel .LBB2_114-.Ltmp76, $2  }
0x627: {  	s2 =	sld [smem:$0x7C3];
	_ =	sdelay $0x2  }
0x628: {  	[hbm4b:s2+s20] =	stream.linear.scatter [tilespmem:s23], [sflag:$0x7], $0x8000, $0x38;
	[tilespmem:$0x1C480] =	vst v63  }
.LBB2_113:
0x629: {  	s2 =	sld [smem:$0x7C3];
	_ =	sdelay $0x1  }
0x62a: {  	s28 =	sld [smem:$0x7E1]  }
0x62b: {  	[hbm4b:s2+s20] =	stream.linear.scatter [tilespmem:s16], [sflag:$0x7], $0x4000, $0x38;
	[tilespmem:$0x1C480] =	vst v63  }
0x62c: {  	_ = 	snop  }
0x62d: {  	[hbm4b:s28+s20] =	stream.linear.scatter [tilespmem:s16], [sflag:$0x7], $0x4000, $0x38;
	[tilespmem:$0x1C480] =	vst v63  }
.LBB2_114:
0x62e: {  	p1 =	slt.s32 s9, $0x1  }
.Ltmp77:
0x62f: {  	_ = 	snop;
	(pc) =	sbr.rel @p1 .LBB2_116-.Ltmp77, $4  }
0x630: {  	_ = 	snop  }
0x631: {  	_ =	swait.ge [sflag:s29], $0x8000  }
0x632: {  	[sflag:s29] =	ssyncset.done $0x0  }
0x633: {  	[sflag:s29] =	ssyncadd.s32 $0xFFFF8000  }
0x634: {  	v4 =	vld [tilespmem:$0x340];
	_ =	sdelay $0x4  }
0x635: {  	v5 =	vshll.u32 v4, $0x2  }
0x636: {  	v4 =	vand.u32 $0x7, v4;
	v5 =	vand.u32 $0xFFFFFFE0, v5  }
0x637: {  	v4 =	vor.u32 v4, v5  }
0x638: {  	v5 =	vperm.xlane v4, v1;
	_ =	sdelay $0x1  }
0x639: {  	v5 =	vadd.s32 v2, v5;
	_ =	sdelay $0x1  }
0x63a: {  	v4 =	vperm.xlane v4, v3;
	_ =	sdelay $0x1  }
0x63b: {  	v4 =	vadd.s32 v2, v4  }
0x63c: {  	[tilespmem:s14], [sflag:$0x2] =	stream.indirect_vreg.gather [hbm4b:s12+s20], $0x80, v5, vm0, $0xb8;
	[tilespmem:$0x1C480] =	vst v63  }
0x63d: {  	s2 =	simm.s32 $0x8C00  }
0x63e: {  	[tilespmem:s2], [sflag:$0x2] =	stream.indirect_vreg.gather [hbm4b:s18+s20], $0x80, v5, vm0, $0xb8;
	[tilespmem:$0x1C480] =	vst v63  }
0x63f: {  	s17 =	simm.s32 $0x9400  }
0x640: {  	[tilespmem:s17], [sflag:$0x2] =	stream.indirect_vreg.gather [hbm4b:s12+s20], $0x80, v4, vm0, $0xb8;
	[tilespmem:$0x1C480] =	vst v63  }
0x641: {  	s19 =	simm.s32 $0x9C00  }
0x642: {  	[tilespmem:s19], [sflag:$0x2] =	stream.indirect_vreg.gather [hbm4b:s18+s20], $0x80, v4, vm0, $0xb8;
	[tilespmem:$0x1C480] =	vst v63  }
0x643: {  	v4 =	vld [tilespmem:$0x350];
	_ =	sdelay $0x4  }
0x644: {  	v5 =	vshll.u32 v4, $0x2  }
0x645: {  	v4 =	vand.u32 $0x7, v4;
	v5 =	vand.u32 $0xFFFFFFE0, v5  }
0x646: {  	v4 =	vor.u32 v4, v5  }
0x647: {  	v5 =	vperm.xlane v4, v1;
	_ =	sdelay $0x1  }
0x648: {  	v5 =	vadd.s32 v2, v5;
	_ =	sdelay $0x1  }
0x649: {  	v4 =	vperm.xlane v4, v3;
	_ =	sdelay $0x1  }
0x64a: {  	s28 =	simm.s32 $0xA400;
	v4 =	vadd.s32 v2, v4  }
0x64b: {  	[tilespmem:s28], [sflag:$0x2] =	stream.indirect_vreg.gather [hbm4b:s12+s20], $0x80, v5, vm0, $0xb8;
	[tilespmem:$0x1C480] =	vst v63  }
0x64c: {  	s0 =	simm.s32 $0xAC00  }
0x64d: {  	[tilespmem:s0], [sflag:$0x2] =	stream.indirect_vreg.gather [hbm4b:s18+s20], $0x80, v5, vm0, $0xb8;
	[tilespmem:$0x1C480] =	vst v63  }
0x64e: {  	s3 =	simm.s32 $0xB400  }
0x64f: {  	[tilespmem:s3], [sflag:$0x2] =	stream.indirect_vreg.gather [hbm4b:s12+s20], $0x80, v4, vm0, $0xb8;
	[tilespmem:$0x1C480] =	vst v63  }
0x650: {  	s4 =	simm.s32 $0xBC00  }
0x651: {  	[tilespmem:s4], [sflag:$0x2] =	stream.indirect_vreg.gather [hbm4b:s18+s20], $0x80, v4, vm0, $0xb8;
	[tilespmem:$0x1C480] =	vst v63  }
0x652: {  	v4 =	vld [tilespmem:$0x360];
	_ =	sdelay $0x4  }
0x653: {  	v5 =	vshll.u32 v4, $0x2  }
0x654: {  	v4 =	vand.u32 $0x7, v4;
	v5 =	vand.u32 $0xFFFFFFE0, v5  }
0x655: {  	v4 =	vor.u32 v4, v5  }
0x656: {  	v5 =	vperm.xlane v4, v1;
	_ =	sdelay $0x1  }
0x657: {  	v5 =	vadd.s32 v2, v5;
	_ =	sdelay $0x1  }
0x658: {  	v4 =	vperm.xlane v4, v3;
	_ =	sdelay $0x1  }
0x659: {  	s5 =	simm.s32 $0xC400;
	v4 =	vadd.s32 v2, v4  }
0x65a: {  	[tilespmem:s5], [sflag:$0x2] =	stream.indirect_vreg.gather [hbm4b:s12+s20], $0x80, v5, vm0, $0xb8;
	[tilespmem:$0x1C480] =	vst v63  }
0x65b: {  	s6 =	simm.s32 $0xCC00  }
0x65c: {  	[tilespmem:s6], [sflag:$0x2] =	stream.indirect_vreg.gather [hbm4b:s18+s20], $0x80, v5, vm0, $0xb8;
	[tilespmem:$0x1C480] =	vst v63  }
0x65d: {  	s7 =	simm.s32 $0xD400  }
0x65e: {  	[tilespmem:s7], [sflag:$0x2] =	stream.indirect_vreg.gather [hbm4b:s12+s20], $0x80, v4, vm0, $0xb8;
	[tilespmem:$0x1C480] =	vst v63  }
0x65f: {  	s8 =	simm.s32 $0xDC00  }
0x660: {  	[tilespmem:s8], [sflag:$0x2] =	stream.indirect_vreg.gather [hbm4b:s18+s20], $0x80, v4, vm0, $0xb8;
	[tilespmem:$0x1C480] =	vst v63  }
0x661: {  	v4 =	vld [tilespmem:$0x370];
	_ =	sdelay $0x4  }
0x662: {  	v5 =	vshll.u32 v4, $0x2  }
0x663: {  	v4 =	vand.u32 $0x7, v4;
	v5 =	vand.u32 $0xFFFFFFE0, v5  }
0x664: {  	v4 =	vor.u32 v4, v5  }
0x665: {  	v5 =	vperm.xlane v4, v1;
	_ =	sdelay $0x1  }
0x666: {  	v5 =	vadd.s32 v2, v5;
	_ =	sdelay $0x1  }
0x667: {  	v4 =	vperm.xlane v4, v3;
	_ =	sdelay $0x1  }
0x668: {  	s15 =	simm.s32 $0xE400;
	v4 =	vadd.s32 v2, v4  }
0x669: {  	[tilespmem:s15], [sflag:$0x2] =	stream.indirect_vreg.gather [hbm4b:s12+s20], $0x80, v5, vm0, $0xb8;
	[tilespmem:$0x1C480] =	vst v63  }
0x66a: {  	s17 =	simm.s32 $0xEC00  }
0x66b: {  	[tilespmem:s17], [sflag:$0x2] =	stream.indirect_vreg.gather [hbm4b:s18+s20], $0x80, v5, vm0, $0xb8;
	[tilespmem:$0x1C480] =	vst v63  }
0x66c: {  	s19 =	simm.s32 $0xF400  }
0x66d: {  	[tilespmem:s19], [sflag:$0x2] =	stream.indirect_vreg.gather [hbm4b:s12+s20], $0x80, v4, vm0, $0xb8;
	[tilespmem:$0x1C480] =	vst v63  }
0x66e: {  	s28 =	simm.s32 $0xFC00  }
0x66f: {  	[tilespmem:s28], [sflag:$0x2] =	stream.indirect_vreg.gather [hbm4b:s18+s20], $0x80, v4, vm0, $0xb8;
	[tilespmem:$0x1C480] =	vst v63  }
.LBB2_116:
.Ltmp78:
0x670: {  	(pc) =	sbr.rel @p0 .LBB2_122-.Ltmp78, $1  }
0x671: {  	_ =	sdelay $0x3  }
0x672: {  	p0 =	sgt.u32 s13, $0x3F  }
.Ltmp79:
0x673: {  	_ = 	snop;
	(pc) =	sbr.rel @p0 .LBB2_121-.Ltmp79, $4  }
0x674: {  	s0 =	simm.s32 $0x1  }
0x675: {  	_ =	swait.ge [sflag:s0], $0x8000  }
0x676: {  	[sflag:s0] =	ssyncset.done $0x0  }
0x677: {  	[sflag:s0] =	ssyncadd.s32 $0xFFFF8000  }
0x678: {  	s2 =	sld [smem:$0x7FA]  }
0x679: {  	s0 =	sld [smem:$0x7B9];
	_ =	sdelay $0x2  }
0x67a: {  	s2 =	sadd.s32 s0, s2  }
0x67b: {  	p0 =	sgt.s32 s2, $0x0  }
0x67c: {  	s2 =	simm.s32 @!p0 $0x0  }
0x67d: {  	s3 =	smin.u32 s2, $0x40  }
0x67e: {  	s2 =	sshll.u32 s3, $0x5  }
0x67f: {  	s4 =	sadd.s32 $0xFFFFFFFF, s2  }
0x680: {  	s4 =	sadd.s32 $0x1, s4  }
0x681: {  	p0 =	slt.u32 s4, $0x7FF  }
.Ltmp80:
0x682: {  	s5 =	sshll.u32 s3, $0x9;
	s2 =	sshll.u32 s3, $0xC;
	(pc) =	sbr.rel @!p0 .LBB2_120-.Ltmp80, $4  }
0x683: {  	s3 =	sshll.u32 s3, $0x7;
	s6 =	sand.u32 $0x7000, s5;
	s7 =	sand.u32 $0xC00, s2  }
0x684: {  	s8 =	sand.u32 $0x380, s3;
	s6 =	sor.u32 s7, s6  }
0x685: {  	s28 =	sand.u32 $0x70, s5;
	s6 =	sor.u32 s8, s6  }
0x686: {  	s5 =	sadd.s32 $0x10, s5;
	s6 =	sor.u32 s28, s6  }
.LBB2_119:
0x687: {  	s4 =	sadd.s32 $0x1, s4  }
0x688: {  	[tilespmem:s6+$0x400] =	vst v0;
	s3 =	sadd.s32 $0x4, s3;
	s2 =	sadd.s32 $0x80, s2;
	p0 =	slt.u32 s4, $0x7FF  }
.Ltmp81:
0x689: {  	(pc) =	sbr.rel @p0 .LBB2_119-.Ltmp81, $4  }
0x68a: {  	s6 =	sand.u32 $0x7000, s5;
	s7 =	sand.u32 $0xC00, s2  }
0x68b: {  	s8 =	sand.u32 $0x380, s3;
	s6 =	sor.u32 s7, s6  }
0x68c: {  	s7 =	sand.u32 $0x70, s5;
	s6 =	sor.u32 s8, s6  }
0x68d: {  	s5 =	sadd.s32 $0x10, s5;
	s6 =	sor.u32 s7, s6  }
.LBB2_120:
0x68e: {  	[tilespmem:s6+$0x400] =	vst v0  }
.LBB2_121:
.Ltmp82:
0x68f: {  	(pc) =	sbr.rel .LBB2_123-.Ltmp82, $2  }
0x690: {  	s2 =	sld [smem:$0x7E6];
	_ =	sdelay $0x2  }
0x691: {  	[hbm4b:s2+s20] =	stream.linear.scatter [tilespmem:s25], [sflag:$0x5], $0x8000, $0x38;
	[tilespmem:$0x1C480] =	vst v63  }
.LBB2_122:
0x692: {  	s2 =	sld [smem:$0x7E6];
	_ =	sdelay $0x1  }
0x693: {  	s28 =	sld [smem:$0x7E5]  }
0x694: {  	[hbm4b:s2+s20] =	stream.linear.scatter [tilespmem:s16], [sflag:$0x5], $0x4000, $0x38;
	[tilespmem:$0x1C480] =	vst v63  }
0x695: {  	_ = 	snop  }
0x696: {  	[hbm4b:s28+s20] =	stream.linear.scatter [tilespmem:s16], [sflag:$0x5], $0x4000, $0x38;
	[tilespmem:$0x1C480] =	vst v63  }
.LBB2_123:
0x697: {  	p0 =	slt.s32 s11, $0x1  }
.Ltmp83:
0x698: {  	_ = 	snop;
	(pc) =	sbr.rel @p0 .LBB2_125-.Ltmp83, $4  }
0x699: {  	_ = 	snop  }
0x69a: {  	_ =	swait.ge [sflag:s30], $0x8000  }
0x69b: {  	[sflag:s30] =	ssyncset.done $0x0  }
0x69c: {  	[sflag:s30] =	ssyncadd.s32 $0xFFFF8000  }
0x69d: {  	v4 =	vld [tilespmem:$0x380];
	_ =	sdelay $0x4  }
0x69e: {  	v5 =	vshll.u32 v4, $0x2  }
0x69f: {  	v4 =	vand.u32 $0x7, v4;
	v5 =	vand.u32 $0xFFFFFFE0, v5  }
0x6a0: {  	v4 =	vor.u32 v4, v5  }
0x6a1: {  	v5 =	vperm.xlane v4, v1;
	_ =	sdelay $0x1  }
0x6a2: {  	v5 =	vadd.s32 v2, v5;
	_ =	sdelay $0x1  }
0x6a3: {  	v4 =	vperm.xlane v4, v3;
	_ =	sdelay $0x1  }
0x6a4: {  	v4 =	vadd.s32 v2, v4  }
0x6a5: {  	[tilespmem:s23], [sflag:$0x3] =	stream.indirect_vreg.gather [hbm4b:s12+s20], $0x80, v5, vm0, $0xb8;
	[tilespmem:$0x1C480] =	vst v63  }
0x6a6: {  	s2 =	simm.s32 $0x10C00  }
0x6a7: {  	[tilespmem:s2], [sflag:$0x3] =	stream.indirect_vreg.gather [hbm4b:s18+s20], $0x80, v5, vm0, $0xb8;
	[tilespmem:$0x1C480] =	vst v63  }
0x6a8: {  	s19 =	simm.s32 $0x11400  }
0x6a9: {  	[tilespmem:s19], [sflag:$0x3] =	stream.indirect_vreg.gather [hbm4b:s12+s20], $0x80, v4, vm0, $0xb8;
	[tilespmem:$0x1C480] =	vst v63  }
0x6aa: {  	s28 =	simm.s32 $0x11C00  }
0x6ab: {  	[tilespmem:s28], [sflag:$0x3] =	stream.indirect_vreg.gather [hbm4b:s18+s20], $0x80, v4, vm0, $0xb8;
	[tilespmem:$0x1C480] =	vst v63  }
0x6ac: {  	v4 =	vld [tilespmem:$0x390];
	_ =	sdelay $0x4  }
0x6ad: {  	v5 =	vshll.u32 v4, $0x2  }
0x6ae: {  	v4 =	vand.u32 $0x7, v4;
	v5 =	vand.u32 $0xFFFFFFE0, v5  }
0x6af: {  	v4 =	vor.u32 v4, v5  }
0x6b0: {  	v5 =	vperm.xlane v4, v1;
	_ =	sdelay $0x1  }
0x6b1: {  	v5 =	vadd.s32 v2, v5;
	_ =	sdelay $0x1  }
0x6b2: {  	v4 =	vperm.xlane v4, v3;
	_ =	sdelay $0x1  }
0x6b3: {  	s0 =	simm.s32 $0x12400;
	v4 =	vadd.s32 v2, v4  }
0x6b4: {  	[tilespmem:s0], [sflag:$0x3] =	stream.indirect_vreg.gather [hbm4b:s12+s20], $0x80, v5, vm0, $0xb8;
	[tilespmem:$0x1C480] =	vst v63  }
0x6b5: {  	s3 =	simm.s32 $0x12C00  }
0x6b6: {  	[tilespmem:s3], [sflag:$0x3] =	stream.indirect_vreg.gather [hbm4b:s18+s20], $0x80, v5, vm0, $0xb8;
	[tilespmem:$0x1C480] =	vst v63  }
0x6b7: {  	s4 =	simm.s32 $0x13400  }
0x6b8: {  	[tilespmem:s4], [sflag:$0x3] =	stream.indirect_vreg.gather [hbm4b:s12+s20], $0x80, v4, vm0, $0xb8;
	[tilespmem:$0x1C480] =	vst v63  }
0x6b9: {  	s5 =	simm.s32 $0x13C00  }
0x6ba: {  	[tilespmem:s5], [sflag:$0x3] =	stream.indirect_vreg.gather [hbm4b:s18+s20], $0x80, v4, vm0, $0xb8;
	[tilespmem:$0x1C480] =	vst v63  }
0x6bb: {  	v4 =	vld [tilespmem:$0x3A0];
	_ =	sdelay $0x4  }
0x6bc: {  	v5 =	vshll.u32 v4, $0x2  }
0x6bd: {  	v4 =	vand.u32 $0x7, v4;
	v5 =	vand.u32 $0xFFFFFFE0, v5  }
0x6be: {  	v4 =	vor.u32 v4, v5  }
0x6bf: {  	v5 =	vperm.xlane v4, v1;
	_ =	sdelay $0x1  }
0x6c0: {  	v5 =	vadd.s32 v2, v5;
	_ =	sdelay $0x1  }
0x6c1: {  	v4 =	vperm.xlane v4, v3;
	_ =	sdelay $0x1  }
0x6c2: {  	s6 =	simm.s32 $0x14400;
	v4 =	vadd.s32 v2, v4  }
0x6c3: {  	[tilespmem:s6], [sflag:$0x3] =	stream.indirect_vreg.gather [hbm4b:s12+s20], $0x80, v5, vm0, $0xb8;
	[tilespmem:$0x1C480] =	vst v63  }
0x6c4: {  	s7 =	simm.s32 $0x14C00  }
0x6c5: {  	[tilespmem:s7], [sflag:$0x3] =	stream.indirect_vreg.gather [hbm4b:s18+s20], $0x80, v5, vm0, $0xb8;
	[tilespmem:$0x1C480] =	vst v63  }
0x6c6: {  	s8 =	simm.s32 $0x15400  }
0x6c7: {  	[tilespmem:s8], [sflag:$0x3] =	stream.indirect_vreg.gather [hbm4b:s12+s20], $0x80, v4, vm0, $0xb8;
	[tilespmem:$0x1C480] =	vst v63  }
0x6c8: {  	s13 =	simm.s32 $0x15C00  }
0x6c9: {  	[tilespmem:s13], [sflag:$0x3] =	stream.indirect_vreg.gather [hbm4b:s18+s20], $0x80, v4, vm0, $0xb8;
	[tilespmem:$0x1C480] =	vst v63  }
0x6ca: {  	v4 =	vld [tilespmem:$0x3B0];
	_ =	sdelay $0x4  }
0x6cb: {  	v5 =	vshll.u32 v4, $0x2  }
0x6cc: {  	v4 =	vand.u32 $0x7, v4;
	v5 =	vand.u32 $0xFFFFFFE0, v5  }
0x6cd: {  	v4 =	vor.u32 v4, v5  }
0x6ce: {  	v5 =	vperm.xlane v4, v1;
	_ =	sdelay $0x1  }
0x6cf: {  	v5 =	vadd.s32 v2, v5;
	_ =	sdelay $0x1  }
0x6d0: {  	v4 =	vperm.xlane v4, v3;
	_ =	sdelay $0x1  }
0x6d1: {  	s15 =	simm.s32 $0x16400;
	v4 =	vadd.s32 v2, v4  }
0x6d2: {  	[tilespmem:s15], [sflag:$0x3] =	stream.indirect_vreg.gather [hbm4b:s12+s20], $0x80, v5, vm0, $0xb8;
	[tilespmem:$0x1C480] =	vst v63  }
0x6d3: {  	s17 =	simm.s32 $0x16C00  }
0x6d4: {  	[tilespmem:s17], [sflag:$0x3] =	stream.indirect_vreg.gather [hbm4b:s18+s20], $0x80, v5, vm0, $0xb8;
	[tilespmem:$0x1C480] =	vst v63  }
0x6d5: {  	s19 =	simm.s32 $0x17400  }
0x6d6: {  	[tilespmem:s19], [sflag:$0x3] =	stream.indirect_vreg.gather [hbm4b:s12+s20], $0x80, v4, vm0, $0xb8;
	[tilespmem:$0x1C480] =	vst v63  }
0x6d7: {  	s28 =	simm.s32 $0x17C00  }
0x6d8: {  	[tilespmem:s28], [sflag:$0x3] =	stream.indirect_vreg.gather [hbm4b:s18+s20], $0x80, v4, vm0, $0xb8;
	[tilespmem:$0x1C480] =	vst v63  }
.LBB2_125:
.Ltmp84:
0x6d9: {  	(pc) =	sbr.rel @p1 .LBB2_131-.Ltmp84, $1  }
0x6da: {  	_ =	sdelay $0x3  }
0x6db: {  	p1 =	sgt.u32 s9, $0x3F  }
.Ltmp85:
0x6dc: {  	_ = 	snop;
	(pc) =	sbr.rel @p1 .LBB2_130-.Ltmp85, $4  }
0x6dd: {  	s2 =	simm.s32 $0x2  }
0x6de: {  	_ =	swait.ge [sflag:s2], $0x8000  }
0x6df: {  	[sflag:s2] =	ssyncset.done $0x0  }
0x6e0: {  	[sflag:s2] =	ssyncadd.s32 $0xFFFF8000  }
0x6e1: {  	s2 =	sld [smem:$0x7FB]  }
0x6e2: {  	s0 =	sld [smem:$0x7BB];
	_ =	sdelay $0x2  }
0x6e3: {  	s2 =	sadd.s32 s0, s2  }
0x6e4: {  	p1 =	sgt.s32 s2, $0x0  }
0x6e5: {  	s2 =	simm.s32 @!p1 $0x0  }
0x6e6: {  	s3 =	smin.u32 s2, $0x40  }
0x6e7: {  	s2 =	sshll.u32 s3, $0x5  }
0x6e8: {  	s4 =	sadd.s32 $0xFFFFFFFF, s2  }
0x6e9: {  	s4 =	sadd.s32 $0x1, s4  }
0x6ea: {  	p1 =	slt.u32 s4, $0x7FF  }
.Ltmp86:
0x6eb: {  	s5 =	sshll.u32 s3, $0x9;
	s2 =	sshll.u32 s3, $0xC;
	(pc) =	sbr.rel @!p1 .LBB2_129-.Ltmp86, $4  }
0x6ec: {  	s3 =	sshll.u32 s3, $0x7;
	s6 =	sand.u32 $0x7000, s5;
	s7 =	sand.u32 $0xC00, s2  }
0x6ed: {  	s8 =	sand.u32 $0x380, s3;
	s6 =	sor.u32 s7, s6  }
0x6ee: {  	s28 =	sand.u32 $0x70, s5;
	s6 =	sor.u32 s8, s6  }
0x6ef: {  	s5 =	sadd.s32 $0x10, s5;
	s6 =	sor.u32 s28, s6  }
.LBB2_128:
0x6f0: {  	s4 =	sadd.s32 $0x1, s4  }
0x6f1: {  	[tilespmem:s6+$0x8400] =	vst v0;
	s3 =	sadd.s32 $0x4, s3;
	s2 =	sadd.s32 $0x80, s2;
	p1 =	slt.u32 s4, $0x7FF  }
.Ltmp87:
0x6f2: {  	(pc) =	sbr.rel @p1 .LBB2_128-.Ltmp87, $4  }
0x6f3: {  	s6 =	sand.u32 $0x7000, s5;
	s7 =	sand.u32 $0xC00, s2  }
0x6f4: {  	s8 =	sand.u32 $0x380, s3;
	s6 =	sor.u32 s7, s6  }
0x6f5: {  	s7 =	sand.u32 $0x70, s5;
	s6 =	sor.u32 s8, s6  }
0x6f6: {  	s5 =	sadd.s32 $0x10, s5;
	s6 =	sor.u32 s7, s6  }
.LBB2_129:
0x6f7: {  	[tilespmem:s6+$0x8400] =	vst v0  }
.LBB2_130:
.Ltmp88:
0x6f8: {  	(pc) =	sbr.rel .LBB2_132-.Ltmp88, $2  }
0x6f9: {  	s2 =	sld [smem:$0x7C4];
	_ =	sdelay $0x2  }
0x6fa: {  	[hbm4b:s2+s20] =	stream.linear.scatter [tilespmem:s14], [sflag:$0x6], $0x8000, $0x38;
	[tilespmem:$0x1C480] =	vst v63  }
.LBB2_131:
0x6fb: {  	s2 =	sld [smem:$0x7C4];
	_ =	sdelay $0x1  }
0x6fc: {  	s28 =	sld [smem:$0x7E4]  }
0x6fd: {  	[hbm4b:s2+s20] =	stream.linear.scatter [tilespmem:s16], [sflag:$0x6], $0x4000, $0x38;
	[tilespmem:$0x1C480] =	vst v63  }
0x6fe: {  	_ = 	snop  }
0x6ff: {  	[hbm4b:s28+s20] =	stream.linear.scatter [tilespmem:s16], [sflag:$0x6], $0x4000, $0x38;
	[tilespmem:$0x1C480] =	vst v63  }
.LBB2_132:
0x700: {  	p1 =	slt.s32 s10, $0x1  }
.Ltmp89:
0x701: {  	_ = 	snop;
	(pc) =	sbr.rel @p1 .LBB2_134-.Ltmp89, $4  }
0x702: {  	_ = 	snop  }
0x703: {  	_ =	swait.ge [sflag:s24], $0x8000  }
0x704: {  	[sflag:s24] =	ssyncset.done $0x0  }
0x705: {  	s9 =	sld [smem:$0x7BD];
	[sflag:s24] =	ssyncadd.s32 $0xFFFF8000  }
0x706: {  	v4 =	vld [tilespmem:$0x3C0];
	_ =	sdelay $0x4  }
0x707: {  	v5 =	vshll.u32 v4, $0x2  }
0x708: {  	v4 =	vand.u32 $0x7, v4;
	v5 =	vand.u32 $0xFFFFFFE0, v5  }
0x709: {  	v4 =	vor.u32 v4, v5  }
0x70a: {  	v5 =	vperm.xlane v4, v1;
	_ =	sdelay $0x1  }
0x70b: {  	v5 =	vadd.s32 v2, v5;
	_ =	sdelay $0x1  }
0x70c: {  	v4 =	vperm.xlane v4, v3;
	_ =	sdelay $0x1  }
0x70d: {  	v4 =	vadd.s32 v2, v4  }
0x70e: {  	[tilespmem:s25], [sflag:$0x1] =	stream.indirect_vreg.gather [hbm4b:s12+s20], $0x80, v5, vm0, $0xb8;
	[tilespmem:$0x1C480] =	vst v63  }
0x70f: {  	_ = 	snop  }
0x710: {  	[tilespmem:s31], [sflag:$0x1] =	stream.indirect_vreg.gather [hbm4b:s18+s20], $0x80, v5, vm0, $0xb8;
	[tilespmem:$0x1C480] =	vst v63  }
0x711: {  	_ = 	snop  }
0x712: {  	[tilespmem:s21], [sflag:$0x1] =	stream.indirect_vreg.gather [hbm4b:s12+s20], $0x80, v4, vm0, $0xb8;
	[tilespmem:$0x1C480] =	vst v63  }
0x713: {  	_ = 	snop  }
0x714: {  	[tilespmem:s22], [sflag:$0x1] =	stream.indirect_vreg.gather [hbm4b:s18+s20], $0x80, v4, vm0, $0xb8;
	[tilespmem:$0x1C480] =	vst v63  }
0x715: {  	v4 =	vld [tilespmem:$0x3D0];
	_ =	sdelay $0x4  }
0x716: {  	v5 =	vshll.u32 v4, $0x2  }
0x717: {  	v4 =	vand.u32 $0x7, v4;
	v5 =	vand.u32 $0xFFFFFFE0, v5  }
0x718: {  	v4 =	vor.u32 v4, v5  }
0x719: {  	v5 =	vperm.xlane v4, v1;
	_ =	sdelay $0x1  }
0x71a: {  	v5 =	vadd.s32 v2, v5;
	_ =	sdelay $0x1  }
0x71b: {  	v4 =	vperm.xlane v4, v3;
	_ =	sdelay $0x1  }
0x71c: {  	s2 =	simm.s32 $0x2400;
	v4 =	vadd.s32 v2, v4  }
0x71d: {  	[tilespmem:s2], [sflag:$0x1] =	stream.indirect_vreg.gather [hbm4b:s12+s20], $0x80, v5, vm0, $0xb8;
	[tilespmem:$0x1C480] =	vst v63  }
0x71e: {  	s4 =	simm.s32 $0x2C00  }
0x71f: {  	[tilespmem:s4], [sflag:$0x1] =	stream.indirect_vreg.gather [hbm4b:s18+s20], $0x80, v5, vm0, $0xb8;
	[tilespmem:$0x1C480] =	vst v63  }
0x720: {  	s5 =	simm.s32 $0x3400  }
0x721: {  	[tilespmem:s5], [sflag:$0x1] =	stream.indirect_vreg.gather [hbm4b:s12+s20], $0x80, v4, vm0, $0xb8;
	[tilespmem:$0x1C480] =	vst v63  }
0x722: {  	s6 =	simm.s32 $0x3C00  }
0x723: {  	[tilespmem:s6], [sflag:$0x1] =	stream.indirect_vreg.gather [hbm4b:s18+s20], $0x80, v4, vm0, $0xb8;
	[tilespmem:$0x1C480] =	vst v63  }
0x724: {  	v4 =	vld [tilespmem:$0x3E0];
	_ =	sdelay $0x4  }
0x725: {  	v5 =	vshll.u32 v4, $0x2  }
0x726: {  	v4 =	vand.u32 $0x7, v4;
	v5 =	vand.u32 $0xFFFFFFE0, v5  }
0x727: {  	v4 =	vor.u32 v4, v5  }
0x728: {  	v5 =	vperm.xlane v4, v1;
	_ =	sdelay $0x1  }
0x729: {  	v5 =	vadd.s32 v2, v5;
	_ =	sdelay $0x1  }
0x72a: {  	v4 =	vperm.xlane v4, v3;
	_ =	sdelay $0x1  }
0x72b: {  	s7 =	simm.s32 $0x4400;
	v4 =	vadd.s32 v2, v4  }
0x72c: {  	[tilespmem:s7], [sflag:$0x1] =	stream.indirect_vreg.gather [hbm4b:s12+s20], $0x80, v5, vm0, $0xb8;
	[tilespmem:$0x1C480] =	vst v63  }
0x72d: {  	s8 =	simm.s32 $0x4C00  }
0x72e: {  	[tilespmem:s8], [sflag:$0x1] =	stream.indirect_vreg.gather [hbm4b:s18+s20], $0x80, v5, vm0, $0xb8;
	[tilespmem:$0x1C480] =	vst v63  }
0x72f: {  	s13 =	simm.s32 $0x5400  }
0x730: {  	[tilespmem:s13], [sflag:$0x1] =	stream.indirect_vreg.gather [hbm4b:s12+s20], $0x80, v4, vm0, $0xb8;
	[tilespmem:$0x1C480] =	vst v63  }
0x731: {  	s14 =	simm.s32 $0x5C00  }
0x732: {  	[tilespmem:s14], [sflag:$0x1] =	stream.indirect_vreg.gather [hbm4b:s18+s20], $0x80, v4, vm0, $0xb8;
	[tilespmem:$0x1C480] =	vst v63  }
0x733: {  	v4 =	vld [tilespmem:$0x3F0];
	_ =	sdelay $0x4  }
0x734: {  	v5 =	vshll.u32 v4, $0x2  }
0x735: {  	v4 =	vand.u32 $0x7, v4;
	v5 =	vand.u32 $0xFFFFFFE0, v5  }
0x736: {  	v4 =	vor.u32 v4, v5  }
0x737: {  	v5 =	vperm.xlane v4, v1;
	_ =	sdelay $0x1  }
0x738: {  	v5 =	vadd.s32 v2, v5;
	_ =	sdelay $0x1  }
0x739: {  	v4 =	vperm.xlane v4, v3;
	_ =	sdelay $0x1  }
0x73a: {  	s15 =	simm.s32 $0x6400;
	v4 =	vadd.s32 v2, v4  }
0x73b: {  	[tilespmem:s15], [sflag:$0x1] =	stream.indirect_vreg.gather [hbm4b:s12+s20], $0x80, v5, vm0, $0xb8;
	[tilespmem:$0x1C480] =	vst v63  }
0x73c: {  	s17 =	simm.s32 $0x6C00  }
0x73d: {  	[tilespmem:s17], [sflag:$0x1] =	stream.indirect_vreg.gather [hbm4b:s18+s20], $0x80, v5, vm0, $0xb8;
	[tilespmem:$0x1C480] =	vst v63  }
0x73e: {  	s19 =	simm.s32 $0x7400  }
0x73f: {  	[tilespmem:s19], [sflag:$0x1] =	stream.indirect_vreg.gather [hbm4b:s12+s20], $0x80, v4, vm0, $0xb8;
	[tilespmem:$0x1C480] =	vst v63  }
0x740: {  	s28 =	simm.s32 $0x7C00  }
0x741: {  	[tilespmem:s28], [sflag:$0x1] =	stream.indirect_vreg.gather [hbm4b:s18+s20], $0x80, v4, vm0, $0xb8;
	[tilespmem:$0x1C480] =	vst v63  }
.LBB2_134:
.Ltmp90:
0x742: {  	(pc) =	sbr.rel @p0 .LBB2_140-.Ltmp90, $1  }
0x743: {  	_ =	sdelay $0x3  }
0x744: {  	p0 =	sgt.u32 s11, $0x3F  }
.Ltmp91:
0x745: {  	_ = 	snop;
	(pc) =	sbr.rel @p0 .LBB2_139-.Ltmp91, $4  }
0x746: {  	_ = 	snop  }
0x747: {  	_ =	swait.ge [sflag:s26], $0x8000  }
0x748: {  	[sflag:s26] =	ssyncset.done $0x0  }
0x749: {  	[sflag:s26] =	ssyncadd.s32 $0xFFFF8000  }
0x74a: {  	s2 =	sld [smem:$0x7FC]  }
0x74b: {  	s3 =	sld [smem:$0x7BC];
	_ =	sdelay $0x2  }
0x74c: {  	s2 =	sadd.s32 s3, s2  }
0x74d: {  	p0 =	sgt.s32 s2, $0x0  }
0x74e: {  	s2 =	simm.s32 @!p0 $0x0  }
0x74f: {  	s26 =	smin.u32 s2, $0x40  }
0x750: {  	s2 =	sshll.u32 s26, $0x5  }
0x751: {  	s4 =	sadd.s32 $0xFFFFFFFF, s2  }
0x752: {  	s4 =	sadd.s32 $0x1, s4  }
0x753: {  	p0 =	slt.u32 s4, $0x7FF  }
.Ltmp92:
0x754: {  	s5 =	sshll.u32 s26, $0x9;
	s2 =	sshll.u32 s26, $0xC;
	(pc) =	sbr.rel @!p0 .LBB2_138-.Ltmp92, $4  }
0x755: {  	s3 =	sshll.u32 s26, $0x7;
	s6 =	sand.u32 $0x7000, s5;
	s7 =	sand.u32 $0xC00, s2  }
0x756: {  	s8 =	sand.u32 $0x380, s3;
	s6 =	sor.u32 s7, s6  }
0x757: {  	s28 =	sand.u32 $0x70, s5;
	s6 =	sor.u32 s8, s6  }
0x758: {  	s5 =	sadd.s32 $0x10, s5;
	s6 =	sor.u32 s28, s6  }
.LBB2_137:
0x759: {  	s4 =	sadd.s32 $0x1, s4  }
0x75a: {  	[tilespmem:s6+$0x10400] =	vst v0;
	s3 =	sadd.s32 $0x4, s3;
	s2 =	sadd.s32 $0x80, s2;
	p0 =	slt.u32 s4, $0x7FF  }
.Ltmp93:
0x75b: {  	(pc) =	sbr.rel @p0 .LBB2_137-.Ltmp93, $4  }
0x75c: {  	s6 =	sand.u32 $0x7000, s5;
	s7 =	sand.u32 $0xC00, s2  }
0x75d: {  	s8 =	sand.u32 $0x380, s3;
	s6 =	sor.u32 s7, s6  }
0x75e: {  	s7 =	sand.u32 $0x70, s5;
	s6 =	sor.u32 s8, s6  }
0x75f: {  	s5 =	sadd.s32 $0x10, s5;
	s6 =	sor.u32 s7, s6  }
.LBB2_138:
0x760: {  	[tilespmem:s6+$0x10400] =	vst v0  }
.LBB2_139:
.Ltmp94:
0x761: {  	(pc) =	sbr.rel .LBB2_141-.Ltmp94, $2  }
0x762: {  	s2 =	sld [smem:$0x7E7];
	_ =	sdelay $0x2  }
0x763: {  	[hbm4b:s2+s20] =	stream.linear.scatter [tilespmem:s23], [sflag:$0x7], $0x8000, $0x38;
	[tilespmem:$0x1C480] =	vst v63  }
.LBB2_140:
0x764: {  	s2 =	sld [smem:$0x7E7];
	_ =	sdelay $0x1  }
0x765: {  	s28 =	sld [smem:$0x7E8]  }
0x766: {  	[hbm4b:s2+s20] =	stream.linear.scatter [tilespmem:s16], [sflag:$0x7], $0x4000, $0x38;
	[tilespmem:$0x1C480] =	vst v63  }
0x767: {  	_ = 	snop  }
0x768: {  	[hbm4b:s28+s20] =	stream.linear.scatter [tilespmem:s16], [sflag:$0x7], $0x4000, $0x38;
	[tilespmem:$0x1C480] =	vst v63  }
.LBB2_141:
.Ltmp95:
0x769: {  	(pc) =	sbr.rel @p1 .LBB2_147-.Ltmp95, $1  }
0x76a: {  	_ =	sdelay $0x3  }
0x76b: {  	p0 =	sgt.u32 s10, $0x3F  }
.Ltmp96:
0x76c: {  	_ = 	snop;
	(pc) =	sbr.rel @p0 .LBB2_146-.Ltmp96, $4  }
0x76d: {  	s0 =	simm.s32 $0x1  }
0x76e: {  	_ =	swait.ge [sflag:s0], $0x8000  }
0x76f: {  	[sflag:s0] =	ssyncset.done $0x0  }
0x770: {  	[sflag:s0] =	ssyncadd.s32 $0xFFFF8000  }
0x771: {  	s2 =	sld [smem:$0x7FD];
	_ =	sdelay $0x2  }
0x772: {  	s2 =	sadd.s32 s9, s2  }
0x773: {  	p0 =	sgt.s32 s2, $0x0  }
0x774: {  	s2 =	simm.s32 @!p0 $0x0  }
0x775: {  	s3 =	smin.u32 s2, $0x40  }
0x776: {  	s2 =	sshll.u32 s3, $0x5  }
0x777: {  	s4 =	sadd.s32 $0xFFFFFFFF, s2  }
0x778: {  	s4 =	sadd.s32 $0x1, s4  }
0x779: {  	p0 =	slt.u32 s4, $0x7FF  }
.Ltmp97:
0x77a: {  	s5 =	sshll.u32 s3, $0x9;
	s2 =	sshll.u32 s3, $0xC;
	(pc) =	sbr.rel @!p0 .LBB2_145-.Ltmp97, $4  }
0x77b: {  	s3 =	sshll.u32 s3, $0x7;
	s6 =	sand.u32 $0x7000, s5;
	s7 =	sand.u32 $0xC00, s2  }
0x77c: {  	s8 =	sand.u32 $0x380, s3;
	s6 =	sor.u32 s7, s6  }
0x77d: {  	s28 =	sand.u32 $0x70, s5;
	s6 =	sor.u32 s8, s6  }
0x77e: {  	s5 =	sadd.s32 $0x10, s5;
	s6 =	sor.u32 s28, s6  }
.LBB2_144:
0x77f: {  	s4 =	sadd.s32 $0x1, s4  }
0x780: {  	[tilespmem:s6+$0x400] =	vst v0;
	s3 =	sadd.s32 $0x4, s3;
	s2 =	sadd.s32 $0x80, s2;
	p0 =	slt.u32 s4, $0x7FF  }
.Ltmp98:
0x781: {  	(pc) =	sbr.rel @p0 .LBB2_144-.Ltmp98, $4  }
0x782: {  	s6 =	sand.u32 $0x7000, s5;
	s7 =	sand.u32 $0xC00, s2  }
0x783: {  	s8 =	sand.u32 $0x380, s3;
	s6 =	sor.u32 s7, s6  }
0x784: {  	s7 =	sand.u32 $0x70, s5;
	s6 =	sor.u32 s8, s6  }
0x785: {  	s5 =	sadd.s32 $0x10, s5;
	s6 =	sor.u32 s7, s6  }
.Ltmp99:
0x786: {  	_ = 	snop;
	(pc) =	sbr.rel .LBB2_145-.Ltmp99, $1  }
0x787: {  	_ =	sdelay $0x3  }
.LBB2_147:
0x788: {  	s2 =	sld [smem:$0x7C5]  }
.Ltmp100:
0x789: {  	_ = 	snop;
	(pc) =	sbr.rel .LBB2_148-.Ltmp100, $4  }
0x78a: {  	s28 =	sld [smem:$0x7E9]  }
0x78b: {  	[hbm4b:s2+s20] =	stream.linear.scatter [tilespmem:s16], [sflag:$0x5], $0x4000, $0x38;
	[tilespmem:$0x1C480] =	vst v63  }
0x78c: {  	_ = 	snop  }
0x78d: {  	[hbm4b:s28+s20] =	stream.linear.scatter [tilespmem:s16], [sflag:$0x5], $0x4000, $0x38;
	[tilespmem:$0x1C480] =	vst v63  }
.LBB2_149:
0x78e: {  	_ =	sfence.sel $0x180000  }
0x78f: {  	[bflag:$0x0] =	sbarrier.arrive $0xFFFF  }
0x790: {  	_ =	strace $0x90000047  }
0x791: {  	s0 =	stileid.u32;
	[bflag:$0x2] =	sbarrier.arrive $0xFFFF  }
0x792: {  	p0 =	sne.s32 s0, $0x0;
	s0 =	rddreg [dreg:$0x4]  }
0x793: {  	s0 =	sadd.s32 @!p0 $0x100000, s0  }
0x794: {  	[sflag:s0] =	ssyncadd.tile.s32 @!p0 $0x1;
	_ =	shalt  }
.Lfunc_end2:
_tile_overlayer_lowered:
.L_overlay_start_2:
0x795: {  	(tag) =	ssettag $0x2  }
0x796: {  	s0 =	rddreg [dreg:$0x0];
	s2 =	stileid.u32  }
0x797: {  	s1 =	rddreg [dreg:$0x1];
	p0 =	sne.s32 s2, $0x0  }
0x798: {  	s3 =	rddreg [dreg:$0x2];
	[bflag:$0x3] =	sbarrier.arrive $0xFFFF;
	s2 =	simm.s32 @!p0 $0x1C08  }
0x799: {  	[timem:s3], [sflag:s2] =	dma.local @!p0 [hbm:s0], s1  }
0x79a: {  	s0 =	simm.s32 @!p0 $0x8  }
0x79b: {  	_ =	swait.ge @!p0 [sflag:s0], s1  }
0x79c: {  	s1 =	ssub.s32 @!p0 $0x0, s1;
	[sflag:s0] =	ssyncset.done @!p0 $0x0  }
0x79d: {  	[sflag:s0] =	ssyncadd.s32 @!p0 s1  }
0x79e: {  	[bflag:$0x3] =	sbarrier.arrive $0xFFFF  }
0x79f: {  	_ =	shalt  }

</sc_bundles>
